<compile_context>
chip_gen: v7x
topology: tpu7x:2x2x1
jax: 0.10.2.dev20260603
libtpu: 0.0.44.dev20260713+nightly
codegen_flags: <defaults>
</compile_context>

<pallas_src>
import functools

import jax
import jax.numpy as jnp
from jax import lax
from jax.experimental import pallas as pl
from jax.experimental.pallas import tpu as pltpu
from jax.experimental.pallas import tpu_sc as plsc

B = 16384
BERT_DIM = 768
NEWS_DIM = 256
CAT_DIM = 128
QDIM = 200
QPAD = 256

NC = 2
NS = 16
NW = NC * NS
CHUNK = 64
SPLITS = (4096, 4096, 4096, 2048, 2048)



@functools.cache
def _make_sc_gather(rows):
    BPW = rows // NW
    NCH = BPW // CHUNK

    @functools.partial(
        pl.kernel,
        mesh=plsc.VectorSubcoreMesh(core_axis_name="c", subcore_axis_name="s"),
        out_type=[
            jax.ShapeDtypeStruct((rows, BERT_DIM), jnp.float32),
            jax.ShapeDtypeStruct((rows, CAT_DIM), jnp.float32),
            jax.ShapeDtypeStruct((rows, CAT_DIM), jnp.float32),
        ],
        scratch_types=[
            pltpu.VMEM((BPW,), jnp.int32),
            pltpu.VMEM((BPW,), jnp.int32),
            pltpu.VMEM((BPW,), jnp.int32),
            pltpu.VMEM((CHUNK, BERT_DIM), jnp.float32),
            pltpu.VMEM((CHUNK, BERT_DIM), jnp.float32),
            pltpu.VMEM((CHUNK, CAT_DIM), jnp.float32),
            pltpu.VMEM((CHUNK, CAT_DIM), jnp.float32),
            pltpu.SemaphoreType.DMA,
            pltpu.SemaphoreType.DMA,
            pltpu.SemaphoreType.DMA,
        ],
    )
    def _sc_gather(idx0, idx1, idx2, news_t, cat_t, auth_t,
                   out_news, out_cat, out_auth,
                   i0_v, i1_v, i2_v, nb0, nb1, sb0, sb1, sem0, sem1, semi):
        wid = lax.axis_index("s") * NC + lax.axis_index("c")
        base = wid * BPW

        hi = [pltpu.async_copy(src.at[pl.ds(base, BPW)], dst, semi)
              for src, dst in ((idx0, i0_v), (idx1, i1_v), (idx2, i2_v))]
        for h in hi:
            h.wait()

        nbufs = (nb0, nb1)
        sbufs = (sb0, sb1)
        tasks = []
        nn = ns = 0
        for table, idx_v, out, bufs in ((news_t, i0_v, out_news, nbufs),
                                        (cat_t, i1_v, out_cat, sbufs),
                                        (auth_t, i2_v, out_auth, sbufs)):
            for j in range(NCH):
                if bufs is nbufs:
                    buf = bufs[nn % 2]
                    nn += 1
                else:
                    buf = bufs[ns % 2]
                    ns += 1
                tasks.append((table, idx_v, out, buf, j))

        sems = (sem0, sem1)
        n = len(tasks)
        pend = [None] * n
        pend_w = [None] * n

        def fire(k):
            table, idx_v, _, buf, j = tasks[k]
            pend[k] = pltpu.async_copy(
                table.at[idx_v.at[pl.ds(j * CHUNK, CHUNK)]], buf, sems[k % 2])

        fire(0)
        fire(1)
        for k in range(n):
            pend[k].wait()
            _, _, out, buf, j = tasks[k]
            pend_w[k] = pltpu.async_copy(
                buf, out.at[pl.ds(base + j * CHUNK, CHUNK)], semi)
            if k + 2 < n:
                pend_w[k].wait()
                fire(k + 2)
        pend_w[n - 2].wait()
        pend_w[n - 1].wait()

    return _sc_gather



BLK = 1024


def _dense_body(news_ref, cat_ref, auth_ref, wp_ref, bp_ref, g_ref, bb_ref,
                wc_ref, bc_ref, wa_ref, ba_ref, w1_ref, b1_ref, w2_ref,
                b2_ref, out_ref):
    h = jnp.dot(news_ref[...], wp_ref[...],
                preferred_element_type=jnp.float32) + bp_ref[...]
    mu = jnp.mean(h, axis=-1, keepdims=True)
    var = jnp.mean((h - mu) ** 2, axis=-1, keepdims=True)
    hn = (h - mu) * lax.rsqrt(var + 1e-5) * g_ref[...] + bb_ref[...]
    t = hn * jax.nn.sigmoid(hn)
    c = jnp.dot(cat_ref[...], wc_ref[...],
                preferred_element_type=jnp.float32) + bc_ref[...]
    a = jnp.dot(auth_ref[...], wa_ref[...],
                preferred_element_type=jnp.float32) + ba_ref[...]

    w1 = w1_ref[...]
    b1 = b1_ref[...]
    w2 = w2_ref[...]
    ab2 = b2_ref[0, 0]

    def score(v):
        e = jnp.tanh(jnp.dot(v, w1, preferred_element_type=jnp.float32) + b1)
        return jnp.sum(e * w2, axis=-1, keepdims=True) + ab2

    at = jnp.exp(score(t))
    ac = jnp.exp(score(c))
    aa = jnp.exp(score(a))
    denom = at + ac + aa + 1e-8
    out_ref[...] = (t * at + c * ac + a * aa) / denom


def _dense(news_rows, cat_rows, auth_rows, wp, bp, g, bb, wc, bc, wa, ba,
           w1, b1, w2, b2, out_buf, blk_off):
    rows = news_rows.shape[0]
    grid = (rows // BLK,)
    row_spec = lambda d: pl.BlockSpec((BLK, d), lambda i: (i, 0))
    full = lambda s: pl.BlockSpec(s, lambda i: (0, 0))

    def body(*refs):
        _dense_body(*refs[:15], refs[-1])

    in_specs = [
        row_spec(BERT_DIM), row_spec(CAT_DIM), row_spec(CAT_DIM),
        full((BERT_DIM, NEWS_DIM)), full((1, NEWS_DIM)),
        full((1, NEWS_DIM)), full((1, NEWS_DIM)),
        full((CAT_DIM, NEWS_DIM)), full((1, NEWS_DIM)),
        full((CAT_DIM, NEWS_DIM)), full((1, NEWS_DIM)),
        full((NEWS_DIM, QPAD)), full((1, QPAD)), full((1, QPAD)),
        full((1, 1)),
    ]
    args = [news_rows, cat_rows, auth_rows, wp, bp, g, bb, wc, bc, wa, ba,
            w1, b1, w2, b2]
    aliases = {}
    if out_buf is not None:
        in_specs.append(pl.BlockSpec(memory_space=pl.ANY))
        args.append(out_buf)
        aliases = {15: 0}
    return pl.pallas_call(
        body,
        grid=grid,
        in_specs=in_specs,
        out_specs=pl.BlockSpec((BLK, NEWS_DIM), lambda i: (i + blk_off, 0)),
        out_shape=jax.ShapeDtypeStruct((B, NEWS_DIM), jnp.float32),
        input_output_aliases=aliases,
    )(*args)


def kernel(x, news_table, W_pool, b_pool, ln_g, ln_b, cat_table, W_cat,
           b_cat, auth_table, W_auth, b_auth, aW1, ab1, aW2, ab2):
    idx0 = x[:, 0]
    idx1 = x[:, 1]
    idx2 = x[:, 2]

    wp = W_pool.T
    wc = W_cat.T
    wa = W_auth.T
    w1 = jnp.zeros((NEWS_DIM, QPAD), jnp.float32).at[:, :QDIM].set(aW1.T)
    b1 = jnp.zeros((1, QPAD), jnp.float32).at[0, :QDIM].set(ab1)
    w2 = jnp.zeros((1, QPAD), jnp.float32).at[0, :QDIM].set(aW2[0])
    row = lambda v: v.reshape(1, -1)

    out = None
    lo = 0
    for rows in SPLITS:
        news_rows, cat_rows, auth_rows = _make_sc_gather(rows)(
            lax.dynamic_slice_in_dim(idx0, lo, rows),
            lax.dynamic_slice_in_dim(idx1, lo, rows),
            lax.dynamic_slice_in_dim(idx2, lo, rows),
            news_table, cat_table, auth_table)
        out = _dense(news_rows, cat_rows, auth_rows, wp, row(b_pool),
                     row(ln_g), row(ln_b), wc, row(b_cat), wa,
                     row(b_auth), w1, b1, w2, ab2.reshape(1, 1),
                     out, lo // BLK)
        lo += rows
    return out

# --- scband reference (transcript-rebuilt; emitter-appended) ---
"""Pipeline reference for scband-news-encoder-48026324304686 (READ-ONLY COPY).

The authoritative reference and input builder live on the scoring server;
editing this copy changes nothing except your own understanding.
"""

import jax, jax.numpy as jnp
import numpy as np

B = 16384
VOCAB = 100000
NCAT = 100000
NAUTH = 100000
BERT_DIM = 768
NEWS_DIM = 256
CAT_DIM = 128
QDIM = 200


def setup_inputs(seed: int = 0) -> dict:
    key = jax.random.key(seed)
    ks = jax.random.split(key, 16)
    x = jax.random.randint(ks[0], (B, 3), 0, VOCAB, dtype=jnp.int32)
    news_table = jax.random.normal(ks[1], (VOCAB, BERT_DIM), dtype=jnp.float32) * 0.02
    W_pool = jax.random.normal(ks[2], (NEWS_DIM, BERT_DIM), dtype=jnp.float32) * (1.0 / np.sqrt(BERT_DIM))
    b_pool = jnp.zeros((NEWS_DIM,), dtype=jnp.float32)
    ln_g = jnp.ones((NEWS_DIM,), dtype=jnp.float32)
    ln_b = jnp.zeros((NEWS_DIM,), dtype=jnp.float32)
    cat_table = jax.random.normal(ks[3], (NCAT + 1, CAT_DIM), dtype=jnp.float32) * 0.02
    cat_table = cat_table.at[0].set(0.0)  # padding_idx=0
    W_cat = jax.random.normal(ks[4], (NEWS_DIM, CAT_DIM), dtype=jnp.float32) * (1.0 / np.sqrt(CAT_DIM))
    b_cat = jnp.zeros((NEWS_DIM,), dtype=jnp.float32)
    auth_table = jax.random.normal(ks[5], (NAUTH + 1, CAT_DIM), dtype=jnp.float32) * 0.02
    auth_table = auth_table.at[0].set(0.0)  # padding_idx=0
    W_auth = jax.random.normal(ks[6], (NEWS_DIM, CAT_DIM), dtype=jnp.float32) * (1.0 / np.sqrt(CAT_DIM))
    b_auth = jnp.zeros((NEWS_DIM,), dtype=jnp.float32)
    aW1 = jax.random.normal(ks[7], (QDIM, NEWS_DIM), dtype=jnp.float32) * (1.0 / np.sqrt(NEWS_DIM))
    ab1 = jnp.zeros((QDIM,), dtype=jnp.float32)
    aW2 = jax.random.normal(ks[8], (1, QDIM), dtype=jnp.float32) * (1.0 / np.sqrt(QDIM))
    ab2 = jnp.zeros((1,), dtype=jnp.float32)
    return {"x": x, "news_table": news_table, "W_pool": W_pool, "b_pool": b_pool,
            "ln_g": ln_g, "ln_b": ln_b, "cat_table": cat_table, "W_cat": W_cat,
            "b_cat": b_cat, "auth_table": auth_table, "W_auth": W_auth,
            "b_auth": b_auth, "aW1": aW1, "ab1": ab1, "aW2": aW2, "ab2": ab2}


def _layernorm(h, g, b):
    mu = jnp.mean(h, axis=-1, keepdims=True)
    var = jnp.var(h, axis=-1, keepdims=True)
    return (h - mu) / jnp.sqrt(var + 1e-5) * g + b


def reference(x, news_table, W_pool, b_pool, ln_g, ln_b, cat_table, W_cat, b_cat,
              auth_table, W_auth, b_auth, aW1, ab1, aW2, ab2):
    # title branch: gather from large BERT news embedding table, then pooler
    news_idx = x[:, 0]
    emb = jnp.take(news_table, news_idx, axis=0)            # [B, 768]
    h = emb @ W_pool.T + b_pool                             # [B, news_dim]
    title_vecs = jax.nn.silu(_layernorm(h, ln_g, ln_b))     # dropout is identity in eval
    # category branch
    cat = jnp.take(cat_table, x[:, 1], axis=0)              # [B, cat_dim]
    cat_vecs = cat @ W_cat.T + b_cat                        # [B, news_dim]
    # authorid branch
    auth = jnp.take(auth_table, x[:, 2], axis=0)
    auth_vecs = auth @ W_auth.T + b_auth
    # attention pooling over the 3 views
    all_vecs = jnp.stack([title_vecs, cat_vecs, auth_vecs], axis=1)  # [B, 3, news_dim]
    e = jnp.tanh(all_vecs @ aW1.T + ab1)                    # [B, 3, qdim]
    alpha = jnp.exp(e @ aW2.T + ab2)                        # [B, 3, 1]
    alpha = alpha / (jnp.sum(alpha, axis=1, keepdims=True) + 1e-8)
    news_vecs = jnp.sum(all_vecs * alpha, axis=1)           # [B, news_dim]
    return news_vecs

if __name__ == "__main__":
    import jax
    _d = setup_inputs()
    print(jax.jit(kernel)(*tuple(_d.values())))

</pallas_src>

<mosaic_0001>
#map = affine_map<(d0, d1) -> (0)>
#map1 = affine_map<(d0, d1) -> (0, 0)>
module attributes {stable_mosaic.version = 14 : i64} {
  func.func @_sc_gather(%arg0: i32, %arg1: i32, %arg2: memref<2048xi32, #tpu.memory_space<hbm>>, %arg3: memref<2048xi32, #tpu.memory_space<hbm>>, %arg4: memref<2048xi32, #tpu.memory_space<hbm>>, %arg5: memref<100000x768xf32, #tpu.memory_space<hbm>>, %arg6: memref<100001x128xf32, #tpu.memory_space<hbm>>, %arg7: memref<100001x128xf32, #tpu.memory_space<hbm>>, %arg8: memref<2048x768xf32, #tpu.memory_space<hbm>>, %arg9: memref<2048x128xf32, #tpu.memory_space<hbm>>, %arg10: memref<2048x128xf32, #tpu.memory_space<hbm>>, %arg11: memref<64xi32, #tpu.memory_space<vmem>>, %arg12: memref<64xi32, #tpu.memory_space<vmem>>, %arg13: memref<64xi32, #tpu.memory_space<vmem>>, %arg14: memref<64x768xf32, #tpu.memory_space<vmem>>, %arg15: memref<64x768xf32, #tpu.memory_space<vmem>>, %arg16: memref<64x128xf32, #tpu.memory_space<vmem>>, %arg17: memref<64x128xf32, #tpu.memory_space<vmem>>, %arg18: memref<!tpu.dma_semaphore, #tpu.memory_space<semaphore_mem>>, %arg19: memref<!tpu.dma_semaphore, #tpu.memory_space<semaphore_mem>>, %arg20: memref<!tpu.dma_semaphore, #tpu.memory_space<semaphore_mem>>) attributes {dimension_semantics = [#tpu.dimension_semantics<core_parallel>, #tpu.dimension_semantics<subcore_parallel>], iteration_bounds = array<i64: 2, 16>, scalar_prefetch = 0 : i64, scratch_operands = 10 : i64, tpu.core_type = #tpu.core_type<sc_vector_subcore>, window_params = [{transform_indices = #map}, {transform_indices = #map}, {transform_indices = #map}, {transform_indices = #map1}, {transform_indices = #map1}, {transform_indices = #map1}, {transform_indices = #map1}, {transform_indices = #map1}, {transform_indices = #map1}]} {
    %mul3A = arith.constant 2 : i32
    %mul3A_0 = arith.muli %arg1, %mul3A : i32
    %add3A = arith.addi %mul3A_0, %arg0 : i32
    %mul3A_1 = arith.constant 64 : i32
    %mul3A_2 = arith.muli %add3A, %mul3A_1 : i32
    %dma_start3A = tpu.memref_slice %arg2[%mul3A_2] : memref<2048xi32, #tpu.memory_space<hbm>> -> memref<64xi32, #tpu.memory_space<hbm>>
    %dma_start3A_3 = tpu.memref_slice %arg2[%mul3A_2] : memref<2048xi32, #tpu.memory_space<hbm>> -> memref<64xi32, #tpu.memory_space<hbm>>
    tpu.enqueue_dma source(%dma_start3A_3 : memref<64xi32, #tpu.memory_space<hbm>>) target(%arg11 : memref<64xi32, #tpu.memory_space<vmem>>) target_semaphore(%arg20 : memref<!tpu.dma_semaphore, #tpu.memory_space<semaphore_mem>>)
    %dma_start3A_4 = tpu.memref_slice %arg3[%mul3A_2] : memref<2048xi32, #tpu.memory_space<hbm>> -> memref<64xi32, #tpu.memory_space<hbm>>
    %dma_start3A_5 = tpu.memref_slice %arg3[%mul3A_2] : memref<2048xi32, #tpu.memory_space<hbm>> -> memref<64xi32, #tpu.memory_space<hbm>>
    tpu.enqueue_dma source(%dma_start3A_5 : memref<64xi32, #tpu.memory_space<hbm>>) target(%arg12 : memref<64xi32, #tpu.memory_space<vmem>>) target_semaphore(%arg20 : memref<!tpu.dma_semaphore, #tpu.memory_space<semaphore_mem>>)
    %dma_start3A_6 = tpu.memref_slice %arg4[%mul3A_2] : memref<2048xi32, #tpu.memory_space<hbm>> -> memref<64xi32, #tpu.memory_space<hbm>>
    %dma_start3A_7 = tpu.memref_slice %arg4[%mul3A_2] : memref<2048xi32, #tpu.memory_space<hbm>> -> memref<64xi32, #tpu.memory_space<hbm>>
    tpu.enqueue_dma source(%dma_start3A_7 : memref<64xi32, #tpu.memory_space<hbm>>) target(%arg13 : memref<64xi32, #tpu.memory_space<vmem>>) target_semaphore(%arg20 : memref<!tpu.dma_semaphore, #tpu.memory_space<semaphore_mem>>)
    %dma_wait3A = tpu.memref_slice %arg2[%mul3A_2] : memref<2048xi32, #tpu.memory_space<hbm>> -> memref<64xi32, #tpu.memory_space<hbm>>
    %dma_wait3A_8 = tpu.memref_slice %arg2[%mul3A_2] : memref<2048xi32, #tpu.memory_space<hbm>> -> memref<64xi32, #tpu.memory_space<hbm>>
    tpu.wait_dma2 semaphore(%arg20 : memref<!tpu.dma_semaphore, #tpu.memory_space<semaphore_mem>>) src(%dma_wait3A_8 : memref<64xi32, #tpu.memory_space<hbm>>) dst(%arg11 : memref<64xi32, #tpu.memory_space<vmem>>)
    %dma_wait3A_9 = tpu.memref_slice %arg3[%mul3A_2] : memref<2048xi32, #tpu.memory_space<hbm>> -> memref<64xi32, #tpu.memory_space<hbm>>
    %dma_wait3A_10 = tpu.memref_slice %arg3[%mul3A_2] : memref<2048xi32, #tpu.memory_space<hbm>> -> memref<64xi32, #tpu.memory_space<hbm>>
    tpu.wait_dma2 semaphore(%arg20 : memref<!tpu.dma_semaphore, #tpu.memory_space<semaphore_mem>>) src(%dma_wait3A_10 : memref<64xi32, #tpu.memory_space<hbm>>) dst(%arg12 : memref<64xi32, #tpu.memory_space<vmem>>)
    %dma_wait3A_11 = tpu.memref_slice %arg4[%mul3A_2] : memref<2048xi32, #tpu.memory_space<hbm>> -> memref<64xi32, #tpu.memory_space<hbm>>
    %dma_wait3A_12 = tpu.memref_slice %arg4[%mul3A_2] : memref<2048xi32, #tpu.memory_space<hbm>> -> memref<64xi32, #tpu.memory_space<hbm>>
    tpu.wait_dma2 semaphore(%arg20 : memref<!tpu.dma_semaphore, #tpu.memory_space<semaphore_mem>>) src(%dma_wait3A_12 : memref<64xi32, #tpu.memory_space<hbm>>) dst(%arg13 : memref<64xi32, #tpu.memory_space<vmem>>)
    %dma_start3A_13 = arith.constant 0 : i32
    %dma_start3A_14 = tpu.memref_slice %arg11[%dma_start3A_13] : memref<64xi32, #tpu.memory_space<vmem>> -> memref<64xi32, #tpu.memory_space<vmem>>
    %dma_start3A_15 = arith.constant 0 : i32
    %dma_start3A_16 = arith.constant 0 : i32
    %dma_start3A_17 = tpu.memref_slice %arg5[%dma_start3A_15, %dma_start3A_16] : memref<100000x768xf32, #tpu.memory_space<hbm>> -> memref<100000x768xf32, #tpu.memory_space<hbm>>
    tpu.enqueue_indirect_dma source(%dma_start3A_17 : memref<100000x768xf32, #tpu.memory_space<hbm>>) target(%arg14 : memref<64x768xf32, #tpu.memory_space<vmem>>) offsets(%dma_start3A_14 : memref<64xi32, #tpu.memory_space<vmem>>) semaphore(%arg18 : memref<!tpu.dma_semaphore, #tpu.memory_space<semaphore_mem>>)
    %dma_start3A_18 = arith.constant 0 : i32
    %dma_start3A_19 = tpu.memref_slice %arg12[%dma_start3A_18] : memref<64xi32, #tpu.memory_space<vmem>> -> memref<64xi32, #tpu.memory_space<vmem>>
    %dma_start3A_20 = arith.constant 0 : i32
    %dma_start3A_21 = arith.constant 0 : i32
    %dma_start3A_22 = tpu.memref_slice %arg6[%dma_start3A_20, %dma_start3A_21] : memref<100001x128xf32, #tpu.memory_space<hbm>> -> memref<100001x128xf32, #tpu.memory_space<hbm>>
    tpu.enqueue_indirect_dma source(%dma_start3A_22 : memref<100001x128xf32, #tpu.memory_space<hbm>>) target(%arg16 : memref<64x128xf32, #tpu.memory_space<vmem>>) offsets(%dma_start3A_19 : memref<64xi32, #tpu.memory_space<vmem>>) semaphore(%arg19 : memref<!tpu.dma_semaphore, #tpu.memory_space<semaphore_mem>>)
    %dma_wait3A_23 = arith.constant 0 : i32
    %dma_wait3A_24 = tpu.memref_slice %arg11[%dma_wait3A_23] : memref<64xi32, #tpu.memory_space<vmem>> -> memref<64xi32, #tpu.memory_space<vmem>>
    %dma_wait3A_25 = arith.constant 0 : i32
    %dma_wait3A_26 = arith.constant 0 : i32
    %dma_wait3A_27 = tpu.memref_slice %arg5[%dma_wait3A_25, %dma_wait3A_26] : memref<100000x768xf32, #tpu.memory_space<hbm>> -> memref<100000x768xf32, #tpu.memory_space<hbm>>
    tpu.wait_indirect_dma semaphore(%arg18 : memref<!tpu.dma_semaphore, #tpu.memory_space<semaphore_mem>>) src(%dma_wait3A_27 : memref<100000x768xf32, #tpu.memory_space<hbm>>) dst(%arg14 : memref<64x768xf32, #tpu.memory_space<vmem>>)
    %add3A_28 = arith.constant 0 : i32
    %add3A_29 = arith.addi %mul3A_2, %add3A_28 : i32
    %dma_start3A_30 = arith.constant 0 : i32
    %dma_start3A_31 = tpu.memref_slice %arg8[%add3A_29, %dma_start3A_30] : memref<2048x768xf32, #tpu.memory_space<hbm>> -> memref<64x768xf32, #tpu.memory_space<hbm>>
    %dma_start3A_32 = arith.constant 0 : i32
    %dma_start3A_33 = tpu.memref_slice %arg8[%add3A_29, %dma_start3A_32] : memref<2048x768xf32, #tpu.memory_space<hbm>> -> memref<64x768xf32, #tpu.memory_space<hbm>>
    tpu.enqueue_dma source(%arg14 : memref<64x768xf32, #tpu.memory_space<vmem>>) target(%dma_start3A_33 : memref<64x768xf32, #tpu.memory_space<hbm>>) target_semaphore(%arg20 : memref<!tpu.dma_semaphore, #tpu.memory_space<semaphore_mem>>)
    %dma_wait3A_34 = arith.constant 0 : i32
    %dma_wait3A_35 = tpu.memref_slice %arg8[%add3A_29, %dma_wait3A_34] : memref<2048x768xf32, #tpu.memory_space<hbm>> -> memref<64x768xf32, #tpu.memory_space<hbm>>
    %dma_wait3A_36 = arith.constant 0 : i32
    %dma_wait3A_37 = tpu.memref_slice %arg8[%add3A_29, %dma_wait3A_36] : memref<2048x768xf32, #tpu.memory_space<hbm>> -> memref<64x768xf32, #tpu.memory_space<hbm>>
    tpu.wait_dma2 semaphore(%arg20 : memref<!tpu.dma_semaphore, #tpu.memory_space<semaphore_mem>>) src(%arg14 : memref<64x768xf32, #tpu.memory_space<vmem>>) dst(%dma_wait3A_37 : memref<64x768xf32, #tpu.memory_space<hbm>>)
    %dma_start3A_38 = arith.constant 0 : i32
    %dma_start3A_39 = tpu.memref_slice %arg13[%dma_start3A_38] : memref<64xi32, #tpu.memory_space<vmem>> -> memref<64xi32, #tpu.memory_space<vmem>>
    %dma_start3A_40 = arith.constant 0 : i32
    %dma_start3A_41 = arith.constant 0 : i32
    %dma_start3A_42 = tpu.memref_slice %arg7[%dma_start3A_40, %dma_start3A_41] : memref<100001x128xf32, #tpu.memory_space<hbm>> -> memref<100001x128xf32, #tpu.memory_space<hbm>>
    tpu.enqueue_indirect_dma source(%dma_start3A_42 : memref<100001x128xf32, #tpu.memory_space<hbm>>) target(%arg17 : memref<64x128xf32, #tpu.memory_space<vmem>>) offsets(%dma_start3A_39 : memref<64xi32, #tpu.memory_space<vmem>>) semaphore(%arg18 : memref<!tpu.dma_semaphore, #tpu.memory_space<semaphore_mem>>)
    %dma_wait3A_43 = arith.constant 0 : i32
    %dma_wait3A_44 = tpu.memref_slice %arg12[%dma_wait3A_43] : memref<64xi32, #tpu.memory_space<vmem>> -> memref<64xi32, #tpu.memory_space<vmem>>
    %dma_wait3A_45 = arith.constant 0 : i32
    %dma_wait3A_46 = arith.constant 0 : i32
    %dma_wait3A_47 = tpu.memref_slice %arg6[%dma_wait3A_45, %dma_wait3A_46] : memref<100001x128xf32, #tpu.memory_space<hbm>> -> memref<100001x128xf32, #tpu.memory_space<hbm>>
    tpu.wait_indirect_dma semaphore(%arg19 : memref<!tpu.dma_semaphore, #tpu.memory_space<semaphore_mem>>) src(%dma_wait3A_47 : memref<100001x128xf32, #tpu.memory_space<hbm>>) dst(%arg16 : memref<64x128xf32, #tpu.memory_space<vmem>>)
    %add3A_48 = arith.constant 0 : i32
    %add3A_49 = arith.addi %mul3A_2, %add3A_48 : i32
    %dma_start3A_50 = arith.constant 0 : i32
    %dma_start3A_51 = tpu.memref_slice %arg9[%add3A_49, %dma_start3A_50] : memref<2048x128xf32, #tpu.memory_space<hbm>> -> memref<64x128xf32, #tpu.memory_space<hbm>>
    %dma_start3A_52 = arith.constant 0 : i32
    %dma_start3A_53 = tpu.memref_slice %arg9[%add3A_49, %dma_start3A_52] : memref<2048x128xf32, #tpu.memory_space<hbm>> -> memref<64x128xf32, #tpu.memory_space<hbm>>
    tpu.enqueue_dma source(%arg16 : memref<64x128xf32, #tpu.memory_space<vmem>>) target(%dma_start3A_53 : memref<64x128xf32, #tpu.memory_space<hbm>>) target_semaphore(%arg20 : memref<!tpu.dma_semaphore, #tpu.memory_space<semaphore_mem>>)
    %dma_wait3A_54 = arith.constant 0 : i32
    %dma_wait3A_55 = tpu.memref_slice %arg13[%dma_wait3A_54] : memref<64xi32, #tpu.memory_space<vmem>> -> memref<64xi32, #tpu.memory_space<vmem>>
    %dma_wait3A_56 = arith.constant 0 : i32
    %dma_wait3A_57 = arith.constant 0 : i32
    %dma_wait3A_58 = tpu.memref_slice %arg7[%dma_wait3A_56, %dma_wait3A_57] : memref<100001x128xf32, #tpu.memory_space<hbm>> -> memref<100001x128xf32, #tpu.memory_space<hbm>>
    tpu.wait_indirect_dma semaphore(%arg18 : memref<!tpu.dma_semaphore, #tpu.memory_space<semaphore_mem>>) src(%dma_wait3A_58 : memref<100001x128xf32, #tpu.memory_space<hbm>>) dst(%arg17 : memref<64x128xf32, #tpu.memory_space<vmem>>)
    %add3A_59 = arith.constant 0 : i32
    %add3A_60 = arith.addi %mul3A_2, %add3A_59 : i32
    %dma_start3A_61 = arith.constant 0 : i32
    %dma_start3A_62 = tpu.memref_slice %arg10[%add3A_60, %dma_start3A_61] : memref<2048x128xf32, #tpu.memory_space<hbm>> -> memref<64x128xf32, #tpu.memory_space<hbm>>
    %dma_start3A_63 = arith.constant 0 : i32
    %dma_start3A_64 = tpu.memref_slice %arg10[%add3A_60, %dma_start3A_63] : memref<2048x128xf32, #tpu.memory_space<hbm>> -> memref<64x128xf32, #tpu.memory_space<hbm>>
    tpu.enqueue_dma source(%arg17 : memref<64x128xf32, #tpu.memory_space<vmem>>) target(%dma_start3A_64 : memref<64x128xf32, #tpu.memory_space<hbm>>) target_semaphore(%arg20 : memref<!tpu.dma_semaphore, #tpu.memory_space<semaphore_mem>>)
    %dma_wait3A_65 = arith.constant 0 : i32
    %dma_wait3A_66 = tpu.memref_slice %arg9[%add3A_49, %dma_wait3A_65] : memref<2048x128xf32, #tpu.memory_space<hbm>> -> memref<64x128xf32, #tpu.memory_space<hbm>>
    %dma_wait3A_67 = arith.constant 0 : i32
    %dma_wait3A_68 = tpu.memref_slice %arg9[%add3A_49, %dma_wait3A_67] : memref<2048x128xf32, #tpu.memory_space<hbm>> -> memref<64x128xf32, #tpu.memory_space<hbm>>
    tpu.wait_dma2 semaphore(%arg20 : memref<!tpu.dma_semaphore, #tpu.memory_space<semaphore_mem>>) src(%arg16 : memref<64x128xf32, #tpu.memory_space<vmem>>) dst(%dma_wait3A_68 : memref<64x128xf32, #tpu.memory_space<hbm>>)
    %dma_wait3A_69 = arith.constant 0 : i32
    %dma_wait3A_70 = tpu.memref_slice %arg10[%add3A_60, %dma_wait3A_69] : memref<2048x128xf32, #tpu.memory_space<hbm>> -> memref<64x128xf32, #tpu.memory_space<hbm>>
    %dma_wait3A_71 = arith.constant 0 : i32
    %dma_wait3A_72 = tpu.memref_slice %arg10[%add3A_60, %dma_wait3A_71] : memref<2048x128xf32, #tpu.memory_space<hbm>> -> memref<64x128xf32, #tpu.memory_space<hbm>>
    tpu.wait_dma2 semaphore(%arg20 : memref<!tpu.dma_semaphore, #tpu.memory_space<semaphore_mem>>) src(%arg17 : memref<64x128xf32, #tpu.memory_space<vmem>>) dst(%dma_wait3A_72 : memref<64x128xf32, #tpu.memory_space<hbm>>)
    return
  }
}

#map = affine_map<(d0, d1) -> (0)>
#map1 = affine_map<(d0, d1) -> (0, 0)>
module attributes {stable_mosaic.version = 14 : i64} {
  func.func @_sc_gather(%arg0: i32, %arg1: i32, %arg2: memref<4096xi32, #tpu.memory_space<hbm>>, %arg3: memref<4096xi32, #tpu.memory_space<hbm>>, %arg4: memref<4096xi32, #tpu.memory_space<hbm>>, %arg5: memref<100000x768xf32, #tpu.memory_space<hbm>>, %arg6: memref<100001x128xf32, #tpu.memory_space<hbm>>, %arg7: memref<100001x128xf32, #tpu.memory_space<hbm>>, %arg8: memref<4096x768xf32, #tpu.memory_space<hbm>>, %arg9: memref<4096x128xf32, #tpu.memory_space<hbm>>, %arg10: memref<4096x128xf32, #tpu.memory_space<hbm>>, %arg11: memref<128xi32, #tpu.memory_space<vmem>>, %arg12: memref<128xi32, #tpu.memory_space<vmem>>, %arg13: memref<128xi32, #tpu.memory_space<vmem>>, %arg14: memref<64x768xf32, #tpu.memory_space<vmem>>, %arg15: memref<64x768xf32, #tpu.memory_space<vmem>>, %arg16: memref<64x128xf32, #tpu.memory_space<vmem>>, %arg17: memref<64x128xf32, #tpu.memory_space<vmem>>, %arg18: memref<!tpu.dma_semaphore, #tpu.memory_space<semaphore_mem>>, %arg19: memref<!tpu.dma_semaphore, #tpu.memory_space<semaphore_mem>>, %arg20: memref<!tpu.dma_semaphore, #tpu.memory_space<semaphore_mem>>) attributes {dimension_semantics = [#tpu.dimension_semantics<core_parallel>, #tpu.dimension_semantics<subcore_parallel>], iteration_bounds = array<i64: 2, 16>, scalar_prefetch = 0 : i64, scratch_operands = 10 : i64, tpu.core_type = #tpu.core_type<sc_vector_subcore>, window_params = [{transform_indices = #map}, {transform_indices = #map}, {transform_indices = #map}, {transform_indices = #map1}, {transform_indices = #map1}, {transform_indices = #map1}, {transform_indices = #map1}, {transform_indices = #map1}, {transform_indices = #map1}]} {
    %mul3A = arith.constant 2 : i32
    %mul3A_0 = arith.muli %arg1, %mul3A : i32
    %add3A = arith.addi %mul3A_0, %arg0 : i32
    %mul3A_1 = arith.constant 128 : i32
    %mul3A_2 = arith.muli %add3A, %mul3A_1 : i32
    %dma_start3A = tpu.memref_slice %arg2[%mul3A_2] : memref<4096xi32, #tpu.memory_space<hbm>> -> memref<128xi32, #tpu.memory_space<hbm>>
    %dma_start3A_3 = tpu.memref_slice %arg2[%mul3A_2] : memref<4096xi32, #tpu.memory_space<hbm>> -> memref<128xi32, #tpu.memory_space<hbm>>
    tpu.enqueue_dma source(%dma_start3A_3 : memref<128xi32, #tpu.memory_space<hbm>>) target(%arg11 : memref<128xi32, #tpu.memory_space<vmem>>) target_semaphore(%arg20 : memref<!tpu.dma_semaphore, #tpu.memory_space<semaphore_mem>>)
    %dma_start3A_4 = tpu.memref_slice %arg3[%mul3A_2] : memref<4096xi32, #tpu.memory_space<hbm>> -> memref<128xi32, #tpu.memory_space<hbm>>
    %dma_start3A_5 = tpu.memref_slice %arg3[%mul3A_2] : memref<4096xi32, #tpu.memory_space<hbm>> -> memref<128xi32, #tpu.memory_space<hbm>>
    tpu.enqueue_dma source(%dma_start3A_5 : memref<128xi32, #tpu.memory_space<hbm>>) target(%arg12 : memref<128xi32, #tpu.memory_space<vmem>>) target_semaphore(%arg20 : memref<!tpu.dma_semaphore, #tpu.memory_space<semaphore_mem>>)
    %dma_start3A_6 = tpu.memref_slice %arg4[%mul3A_2] : memref<4096xi32, #tpu.memory_space<hbm>> -> memref<128xi32, #tpu.memory_space<hbm>>
    %dma_start3A_7 = tpu.memref_slice %arg4[%mul3A_2] : memref<4096xi32, #tpu.memory_space<hbm>> -> memref<128xi32, #tpu.memory_space<hbm>>
    tpu.enqueue_dma source(%dma_start3A_7 : memref<128xi32, #tpu.memory_space<hbm>>) target(%arg13 : memref<128xi32, #tpu.memory_space<vmem>>) target_semaphore(%arg20 : memref<!tpu.dma_semaphore, #tpu.memory_space<semaphore_mem>>)
    %dma_wait3A = tpu.memref_slice %arg2[%mul3A_2] : memref<4096xi32, #tpu.memory_space<hbm>> -> memref<128xi32, #tpu.memory_space<hbm>>
    %dma_wait3A_8 = tpu.memref_slice %arg2[%mul3A_2] : memref<4096xi32, #tpu.memory_space<hbm>> -> memref<128xi32, #tpu.memory_space<hbm>>
    tpu.wait_dma2 semaphore(%arg20 : memref<!tpu.dma_semaphore, #tpu.memory_space<semaphore_mem>>) src(%dma_wait3A_8 : memref<128xi32, #tpu.memory_space<hbm>>) dst(%arg11 : memref<128xi32, #tpu.memory_space<vmem>>)
    %dma_wait3A_9 = tpu.memref_slice %arg3[%mul3A_2] : memref<4096xi32, #tpu.memory_space<hbm>> -> memref<128xi32, #tpu.memory_space<hbm>>
    %dma_wait3A_10 = tpu.memref_slice %arg3[%mul3A_2] : memref<4096xi32, #tpu.memory_space<hbm>> -> memref<128xi32, #tpu.memory_space<hbm>>
    tpu.wait_dma2 semaphore(%arg20 : memref<!tpu.dma_semaphore, #tpu.memory_space<semaphore_mem>>) src(%dma_wait3A_10 : memref<128xi32, #tpu.memory_space<hbm>>) dst(%arg12 : memref<128xi32, #tpu.memory_space<vmem>>)
    %dma_wait3A_11 = tpu.memref_slice %arg4[%mul3A_2] : memref<4096xi32, #tpu.memory_space<hbm>> -> memref<128xi32, #tpu.memory_space<hbm>>
    %dma_wait3A_12 = tpu.memref_slice %arg4[%mul3A_2] : memref<4096xi32, #tpu.memory_space<hbm>> -> memref<128xi32, #tpu.memory_space<hbm>>
    tpu.wait_dma2 semaphore(%arg20 : memref<!tpu.dma_semaphore, #tpu.memory_space<semaphore_mem>>) src(%dma_wait3A_12 : memref<128xi32, #tpu.memory_space<hbm>>) dst(%arg13 : memref<128xi32, #tpu.memory_space<vmem>>)
    %dma_start3A_13 = arith.constant 0 : i32
    %dma_start3A_14 = tpu.memref_slice %arg11[%dma_start3A_13] : memref<128xi32, #tpu.memory_space<vmem>> -> memref<64xi32, #tpu.memory_space<vmem>>
    %dma_start3A_15 = arith.constant 0 : i32
    %dma_start3A_16 = arith.constant 0 : i32
    %dma_start3A_17 = tpu.memref_slice %arg5[%dma_start3A_15, %dma_start3A_16] : memref<100000x768xf32, #tpu.memory_space<hbm>> -> memref<100000x768xf32, #tpu.memory_space<hbm>>
    tpu.enqueue_indirect_dma source(%dma_start3A_17 : memref<100000x768xf32, #tpu.memory_space<hbm>>) target(%arg14 : memref<64x768xf32, #tpu.memory_space<vmem>>) offsets(%dma_start3A_14 : memref<64xi32, #tpu.memory_space<vmem>>) semaphore(%arg18 : memref<!tpu.dma_semaphore, #tpu.memory_space<semaphore_mem>>)
    %dma_start3A_18 = arith.constant 64 : i32
    %dma_start3A_19 = tpu.memref_slice %arg11[%dma_start3A_18] : memref<128xi32, #tpu.memory_space<vmem>> -> memref<64xi32, #tpu.memory_space<vmem>>
    %dma_start3A_20 = arith.constant 0 : i32
    %dma_start3A_21 = arith.constant 0 : i32
    %dma_start3A_22 = tpu.memref_slice %arg5[%dma_start3A_20, %dma_start3A_21] : memref<100000x768xf32, #tpu.memory_space<hbm>> -> memref<100000x768xf32, #tpu.memory_space<hbm>>
    tpu.enqueue_indirect_dma source(%dma_start3A_22 : memref<100000x768xf32, #tpu.memory_space<hbm>>) target(%arg15 : memref<64x768xf32, #tpu.memory_space<vmem>>) offsets(%dma_start3A_19 : memref<64xi32, #tpu.memory_space<vmem>>) semaphore(%arg19 : memref<!tpu.dma_semaphore, #tpu.memory_space<semaphore_mem>>)
    %dma_wait3A_23 = arith.constant 0 : i32
    %dma_wait3A_24 = tpu.memref_slice %arg11[%dma_wait3A_23] : memref<128xi32, #tpu.memory_space<vmem>> -> memref<64xi32, #tpu.memory_space<vmem>>
    %dma_wait3A_25 = arith.constant 0 : i32
    %dma_wait3A_26 = arith.constant 0 : i32
    %dma_wait3A_27 = tpu.memref_slice %arg5[%dma_wait3A_25, %dma_wait3A_26] : memref<100000x768xf32, #tpu.memory_space<hbm>> -> memref<100000x768xf32, #tpu.memory_space<hbm>>
    tpu.wait_indirect_dma semaphore(%arg18 : memref<!tpu.dma_semaphore, #tpu.memory_space<semaphore_mem>>) src(%dma_wait3A_27 : memref<100000x768xf32, #tpu.memory_space<hbm>>) dst(%arg14 : memref<64x768xf32, #tpu.memory_space<vmem>>)
    %add3A_28 = arith.constant 0 : i32
    %add3A_29 = arith.addi %mul3A_2, %add3A_28 : i32
    %dma_start3A_30 = arith.constant 0 : i32
    %dma_start3A_31 = tpu.memref_slice %arg8[%add3A_29, %dma_start3A_30] : memref<4096x768xf32, #tpu.memory_space<hbm>> -> memref<64x768xf32, #tpu.memory_space<hbm>>
    %dma_start3A_32 = arith.constant 0 : i32
    %dma_start3A_33 = tpu.memref_slice %arg8[%add3A_29, %dma_start3A_32] : memref<4096x768xf32, #tpu.memory_space<hbm>> -> memref<64x768xf32, #tpu.memory_space<hbm>>
    tpu.enqueue_dma source(%arg14 : memref<64x768xf32, #tpu.memory_space<vmem>>) target(%dma_start3A_33 : memref<64x768xf32, #tpu.memory_space<hbm>>) target_semaphore(%arg20 : memref<!tpu.dma_semaphore, #tpu.memory_space<semaphore_mem>>)
    %dma_wait3A_34 = arith.constant 0 : i32
    %dma_wait3A_35 = tpu.memref_slice %arg8[%add3A_29, %dma_wait3A_34] : memref<4096x768xf32, #tpu.memory_space<hbm>> -> memref<64x768xf32, #tpu.memory_space<hbm>>
    %dma_wait3A_36 = arith.constant 0 : i32
    %dma_wait3A_37 = tpu.memref_slice %arg8[%add3A_29, %dma_wait3A_36] : memref<4096x768xf32, #tpu.memory_space<hbm>> -> memref<64x768xf32, #tpu.memory_space<hbm>>
    tpu.wait_dma2 semaphore(%arg20 : memref<!tpu.dma_semaphore, #tpu.memory_space<semaphore_mem>>) src(%arg14 : memref<64x768xf32, #tpu.memory_space<vmem>>) dst(%dma_wait3A_37 : memref<64x768xf32, #tpu.memory_space<hbm>>)
    %dma_start3A_38 = arith.constant 0 : i32
    %dma_start3A_39 = tpu.memref_slice %arg12[%dma_start3A_38] : memref<128xi32, #tpu.memory_space<vmem>> -> memref<64xi32, #tpu.memory_space<vmem>>
    %dma_start3A_40 = arith.constant 0 : i32
    %dma_start3A_41 = arith.constant 0 : i32
    %dma_start3A_42 = tpu.memref_slice %arg6[%dma_start3A_40, %dma_start3A_41] : memref<100001x128xf32, #tpu.memory_space<hbm>> -> memref<100001x128xf32, #tpu.memory_space<hbm>>
    tpu.enqueue_indirect_dma source(%dma_start3A_42 : memref<100001x128xf32, #tpu.memory_space<hbm>>) target(%arg16 : memref<64x128xf32, #tpu.memory_space<vmem>>) offsets(%dma_start3A_39 : memref<64xi32, #tpu.memory_space<vmem>>) semaphore(%arg18 : memref<!tpu.dma_semaphore, #tpu.memory_space<semaphore_mem>>)
    %dma_wait3A_43 = arith.constant 64 : i32
    %dma_wait3A_44 = tpu.memref_slice %arg11[%dma_wait3A_43] : memref<128xi32, #tpu.memory_space<vmem>> -> memref<64xi32, #tpu.memory_space<vmem>>
    %dma_wait3A_45 = arith.constant 0 : i32
    %dma_wait3A_46 = arith.constant 0 : i32
    %dma_wait3A_47 = tpu.memref_slice %arg5[%dma_wait3A_45, %dma_wait3A_46] : memref<100000x768xf32, #tpu.memory_space<hbm>> -> memref<100000x768xf32, #tpu.memory_space<hbm>>
    tpu.wait_indirect_dma semaphore(%arg19 : memref<!tpu.dma_semaphore, #tpu.memory_space<semaphore_mem>>) src(%dma_wait3A_47 : memref<100000x768xf32, #tpu.memory_space<hbm>>) dst(%arg15 : memref<64x768xf32, #tpu.memory_space<vmem>>)
    %add3A_48 = arith.constant 64 : i32
    %add3A_49 = arith.addi %mul3A_2, %add3A_48 : i32
    %dma_start3A_50 = arith.constant 0 : i32
    %dma_start3A_51 = tpu.memref_slice %arg8[%add3A_49, %dma_start3A_50] : memref<4096x768xf32, #tpu.memory_space<hbm>> -> memref<64x768xf32, #tpu.memory_space<hbm>>
    %dma_start3A_52 = arith.constant 0 : i32
    %dma_start3A_53 = tpu.memref_slice %arg8[%add3A_49, %dma_start3A_52] : memref<4096x768xf32, #tpu.memory_space<hbm>> -> memref<64x768xf32, #tpu.memory_space<hbm>>
    tpu.enqueue_dma source(%arg15 : memref<64x768xf32, #tpu.memory_space<vmem>>) target(%dma_start3A_53 : memref<64x768xf32, #tpu.memory_space<hbm>>) target_semaphore(%arg20 : memref<!tpu.dma_semaphore, #tpu.memory_space<semaphore_mem>>)
    %dma_wait3A_54 = arith.constant 0 : i32
    %dma_wait3A_55 = tpu.memref_slice %arg8[%add3A_49, %dma_wait3A_54] : memref<4096x768xf32, #tpu.memory_space<hbm>> -> memref<64x768xf32, #tpu.memory_space<hbm>>
    %dma_wait3A_56 = arith.constant 0 : i32
    %dma_wait3A_57 = tpu.memref_slice %arg8[%add3A_49, %dma_wait3A_56] : memref<4096x768xf32, #tpu.memory_space<hbm>> -> memref<64x768xf32, #tpu.memory_space<hbm>>
    tpu.wait_dma2 semaphore(%arg20 : memref<!tpu.dma_semaphore, #tpu.memory_space<semaphore_mem>>) src(%arg15 : memref<64x768xf32, #tpu.memory_space<vmem>>) dst(%dma_wait3A_57 : memref<64x768xf32, #tpu.memory_space<hbm>>)
    %dma_start3A_58 = arith.constant 64 : i32
    %dma_start3A_59 = tpu.memref_slice %arg12[%dma_start3A_58] : memref<128xi32, #tpu.memory_space<vmem>> -> memref<64xi32, #tpu.memory_space<vmem>>
    %dma_start3A_60 = arith.constant 0 : i32
    %dma_start3A_61 = arith.constant 0 : i32
    %dma_start3A_62 = tpu.memref_slice %arg6[%dma_start3A_60, %dma_start3A_61] : memref<100001x128xf32, #tpu.memory_space<hbm>> -> memref<100001x128xf32, #tpu.memory_space<hbm>>
    tpu.enqueue_indirect_dma source(%dma_start3A_62 : memref<100001x128xf32, #tpu.memory_space<hbm>>) target(%arg17 : memref<64x128xf32, #tpu.memory_space<vmem>>) offsets(%dma_start3A_59 : memref<64xi32, #tpu.memory_space<vmem>>) semaphore(%arg19 : memref<!tpu.dma_semaphore, #tpu.memory_space<semaphore_mem>>)
    %dma_wait3A_63 = arith.constant 0 : i32
    %dma_wait3A_64 = tpu.memref_slice %arg12[%dma_wait3A_63] : memref<128xi32, #tpu.memory_space<vmem>> -> memref<64xi32, #tpu.memory_space<vmem>>
    %dma_wait3A_65 = arith.constant 0 : i32
    %dma_wait3A_66 = arith.constant 0 : i32
    %dma_wait3A_67 = tpu.memref_slice %arg6[%dma_wait3A_65, %dma_wait3A_66] : memref<100001x128xf32, #tpu.memory_space<hbm>> -> memref<100001x128xf32, #tpu.memory_space<hbm>>
    tpu.wait_indirect_dma semaphore(%arg18 : memref<!tpu.dma_semaphore, #tpu.memory_space<semaphore_mem>>) src(%dma_wait3A_67 : memref<100001x128xf32, #tpu.memory_space<hbm>>) dst(%arg16 : memref<64x128xf32, #tpu.memory_space<vmem>>)
    %add3A_68 = arith.constant 0 : i32
    %add3A_69 = arith.addi %mul3A_2, %add3A_68 : i32
    %dma_start3A_70 = arith.constant 0 : i32
    %dma_start3A_71 = tpu.memref_slice %arg9[%add3A_69, %dma_start3A_70] : memref<4096x128xf32, #tpu.memory_space<hbm>> -> memref<64x128xf32, #tpu.memory_space<hbm>>
    %dma_start3A_72 = arith.constant 0 : i32
    %dma_start3A_73 = tpu.memref_slice %arg9[%add3A_69, %dma_start3A_72] : memref<4096x128xf32, #tpu.memory_space<hbm>> -> memref<64x128xf32, #tpu.memory_space<hbm>>
    tpu.enqueue_dma source(%arg16 : memref<64x128xf32, #tpu.memory_space<vmem>>) target(%dma_start3A_73 : memref<64x128xf32, #tpu.memory_space<hbm>>) target_semaphore(%arg20 : memref<!tpu.dma_semaphore, #tpu.memory_space<semaphore_mem>>)
    %dma_wait3A_74 = arith.constant 0 : i32
    %dma_wait3A_75 = tpu.memref_slice %arg9[%add3A_69, %dma_wait3A_74] : memref<4096x128xf32, #tpu.memory_space<hbm>> -> memref<64x128xf32, #tpu.memory_space<hbm>>
    %dma_wait3A_76 = arith.constant 0 : i32
    %dma_wait3A_77 = tpu.memref_slice %arg9[%add3A_69, %dma_wait3A_76] : memref<4096x128xf32, #tpu.memory_space<hbm>> -> memref<64x128xf32, #tpu.memory_space<hbm>>
    tpu.wait_dma2 semaphore(%arg20 : memref<!tpu.dma_semaphore, #tpu.memory_space<semaphore_mem>>) src(%arg16 : memref<64x128xf32, #tpu.memory_space<vmem>>) dst(%dma_wait3A_77 : memref<64x128xf32, #tpu.memory_space<hbm>>)
    %dma_start3A_78 = arith.constant 0 : i32
    %dma_start3A_79 = tpu.memref_slice %arg13[%dma_start3A_78] : memref<128xi32, #tpu.memory_space<vmem>> -> memref<64xi32, #tpu.memory_space<vmem>>
    %dma_start3A_80 = arith.constant 0 : i32
    %dma_start3A_81 = arith.constant 0 : i32
    %dma_start3A_82 = tpu.memref_slice %arg7[%dma_start3A_80, %dma_start3A_81] : memref<100001x128xf32, #tpu.memory_space<hbm>> -> memref<100001x128xf32, #tpu.memory_space<hbm>>
    tpu.enqueue_indirect_dma source(%dma_start3A_82 : memref<100001x128xf32, #tpu.memory_space<hbm>>) target(%arg16 : memref<64x128xf32, #tpu.memory_space<vmem>>) offsets(%dma_start3A_79 : memref<64xi32, #tpu.memory_space<vmem>>) semaphore(%arg18 : memref<!tpu.dma_semaphore, #tpu.memory_space<semaphore_mem>>)
    %dma_wait3A_83 = arith.constant 64 : i32
    %dma_wait3A_84 = tpu.memref_slice %arg12[%dma_wait3A_83] : memref<128xi32, #tpu.memory_space<vmem>> -> memref<64xi32, #tpu.memory_space<vmem>>
    %dma_wait3A_85 = arith.constant 0 : i32
    %dma_wait3A_86 = arith.constant 0 : i32
    %dma_wait3A_87 = tpu.memref_slice %arg6[%dma_wait3A_85, %dma_wait3A_86] : memref<100001x128xf32, #tpu.memory_space<hbm>> -> memref<100001x128xf32, #tpu.memory_space<hbm>>
    tpu.wait_indirect_dma semaphore(%arg19 : memref<!tpu.dma_semaphore, #tpu.memory_space<semaphore_mem>>) src(%dma_wait3A_87 : memref<100001x128xf32, #tpu.memory_space<hbm>>) dst(%arg17 : memref<64x128xf32, #tpu.memory_space<vmem>>)
    %add3A_88 = arith.constant 64 : i32
    %add3A_89 = arith.addi %mul3A_2, %add3A_88 : i32
    %dma_start3A_90 = arith.constant 0 : i32
    %dma_start3A_91 = tpu.memref_slice %arg9[%add3A_89, %dma_start3A_90] : memref<4096x128xf32, #tpu.memory_space<hbm>> -> memref<64x128xf32, #tpu.memory_space<hbm>>
    %dma_start3A_92 = arith.constant 0 : i32
    %dma_start3A_93 = tpu.memref_slice %arg9[%add3A_89, %dma_start3A_92] : memref<4096x128xf32, #tpu.memory_space<hbm>> -> memref<64x128xf32, #tpu.memory_space<hbm>>
    tpu.enqueue_dma source(%arg17 : memref<64x128xf32, #tpu.memory_space<vmem>>) target(%dma_start3A_93 : memref<64x128xf32, #tpu.memory_space<hbm>>) target_semaphore(%arg20 : memref<!tpu.dma_semaphore, #tpu.memory_space<semaphore_mem>>)
    %dma_wait3A_94 = arith.constant 0 : i32
    %dma_wait3A_95 = tpu.memref_slice %arg9[%add3A_89, %dma_wait3A_94] : memref<4096x128xf32, #tpu.memory_space<hbm>> -> memref<64x128xf32, #tpu.memory_space<hbm>>
    %dma_wait3A_96 = arith.constant 0 : i32
    %dma_wait3A_97 = tpu.memref_slice %arg9[%add3A_89, %dma_wait3A_96] : memref<4096x128xf32, #tpu.memory_space<hbm>> -> memref<64x128xf32, #tpu.memory_space<hbm>>
    tpu.wait_dma2 semaphore(%arg20 : memref<!tpu.dma_semaphore, #tpu.memory_space<semaphore_mem>>) src(%arg17 : memref<64x128xf32, #tpu.memory_space<vmem>>) dst(%dma_wait3A_97 : memref<64x128xf32, #tpu.memory_space<hbm>>)
    %dma_start3A_98 = arith.constant 64 : i32
    %dma_start3A_99 = tpu.memref_slice %arg13[%dma_start3A_98] : memref<128xi32, #tpu.memory_space<vmem>> -> memref<64xi32, #tpu.memory_space<vmem>>
    %dma_start3A_100 = arith.constant 0 : i32
    %dma_start3A_101 = arith.constant 0 : i32
    %dma_start3A_102 = tpu.memref_slice %arg7[%dma_start3A_100, %dma_start3A_101] : memref<100001x128xf32, #tpu.memory_space<hbm>> -> memref<100001x128xf32, #tpu.memory_space<hbm>>
    tpu.enqueue_indirect_dma source(%dma_start3A_102 : memref<100001x128xf32, #tpu.memory_space<hbm>>) target(%arg17 : memref<64x128xf32, #tpu.memory_space<vmem>>) offsets(%dma_start3A_99 : memref<64xi32, #tpu.memory_space<vmem>>) semaphore(%arg19 : memref<!tpu.dma_semaphore, #tpu.memory_space<semaphore_mem>>)
    %dma_wait3A_103 = arith.constant 0 : i32
    %dma_wait3A_104 = tpu.memref_slice %arg13[%dma_wait3A_103] : memref<128xi32, #tpu.memory_space<vmem>> -> memref<64xi32, #tpu.memory_space<vmem>>
    %dma_wait3A_105 = arith.constant 0 : i32
    %dma_wait3A_106 = arith.constant 0 : i32
    %dma_wait3A_107 = tpu.memref_slice %arg7[%dma_wait3A_105, %dma_wait3A_106] : memref<100001x128xf32, #tpu.memory_space<hbm>> -> memref<100001x128xf32, #tpu.memory_space<hbm>>
    tpu.wait_indirect_dma semaphore(%arg18 : memref<!tpu.dma_semaphore, #tpu.memory_space<semaphore_mem>>) src(%dma_wait3A_107 : memref<100001x128xf32, #tpu.memory_space<hbm>>) dst(%arg16 : memref<64x128xf32, #tpu.memory_space<vmem>>)
    %add3A_108 = arith.constant 0 : i32
    %add3A_109 = arith.addi %mul3A_2, %add3A_108 : i32
    %dma_start3A_110 = arith.constant 0 : i32
    %dma_start3A_111 = tpu.memref_slice %arg10[%add3A_109, %dma_start3A_110] : memref<4096x128xf32, #tpu.memory_space<hbm>> -> memref<64x128xf32, #tpu.memory_space<hbm>>
    %dma_start3A_112 = arith.constant 0 : i32
    %dma_start3A_113 = tpu.memref_slice %arg10[%add3A_109, %dma_start3A_112] : memref<4096x128xf32, #tpu.memory_space<hbm>> -> memref<64x128xf32, #tpu.memory_space<hbm>>
    tpu.enqueue_dma source(%arg16 : memref<64x128xf32, #tpu.memory_space<vmem>>) target(%dma_start3A_113 : memref<64x128xf32, #tpu.memory_space<hbm>>) target_semaphore(%arg20 : memref<!tpu.dma_semaphore, #tpu.memory_space<semaphore_mem>>)
    %dma_wait3A_114 = arith.constant 64 : i32
    %dma_wait3A_115 = tpu.memref_slice %arg13[%dma_wait3A_114] : memref<128xi32, #tpu.memory_space<vmem>> -> memref<64xi32, #tpu.memory_space<vmem>>
    %dma_wait3A_116 = arith.constant 0 : i32
    %dma_wait3A_117 = arith.constant 0 : i32
    %dma_wait3A_118 = tpu.memref_slice %arg7[%dma_wait3A_116, %dma_wait3A_117] : memref<100001x128xf32, #tpu.memory_space<hbm>> -> memref<100001x128xf32, #tpu.memory_space<hbm>>
    tpu.wait_indirect_dma semaphore(%arg19 : memref<!tpu.dma_semaphore, #tpu.memory_space<semaphore_mem>>) src(%dma_wait3A_118 : memref<100001x128xf32, #tpu.memory_space<hbm>>) dst(%arg17 : memref<64x128xf32, #tpu.memory_space<vmem>>)
    %add3A_119 = arith.constant 64 : i32
    %add3A_120 = arith.addi %mul3A_2, %add3A_119 : i32
    %dma_start3A_121 = arith.constant 0 : i32
    %dma_start3A_122 = tpu.memref_slice %arg10[%add3A_120, %dma_start3A_121] : memref<4096x128xf32, #tpu.memory_space<hbm>> -> memref<64x128xf32, #tpu.memory_space<hbm>>
    %dma_start3A_123 = arith.constant 0 : i32
    %dma_start3A_124 = tpu.memref_slice %arg10[%add3A_120, %dma_start3A_123] : memref<4096x128xf32, #tpu.memory_space<hbm>> -> memref<64x128xf32, #tpu.memory_space<hbm>>
    tpu.enqueue_dma source(%arg17 : memref<64x128xf32, #tpu.memory_space<vmem>>) target(%dma_start3A_124 : memref<64x128xf32, #tpu.memory_space<hbm>>) target_semaphore(%arg20 : memref<!tpu.dma_semaphore, #tpu.memory_space<semaphore_mem>>)
    %dma_wait3A_125 = arith.constant 0 : i32
    %dma_wait3A_126 = tpu.memref_slice %arg10[%add3A_109, %dma_wait3A_125] : memref<4096x128xf32, #tpu.memory_space<hbm>> -> memref<64x128xf32, #tpu.memory_space<hbm>>
    %dma_wait3A_127 = arith.constant 0 : i32
    %dma_wait3A_128 = tpu.memref_slice %arg10[%add3A_109, %dma_wait3A_127] : memref<4096x128xf32, #tpu.memory_space<hbm>> -> memref<64x128xf32, #tpu.memory_space<hbm>>
    tpu.wait_dma2 semaphore(%arg20 : memref<!tpu.dma_semaphore, #tpu.memory_space<semaphore_mem>>) src(%arg16 : memref<64x128xf32, #tpu.memory_space<vmem>>) dst(%dma_wait3A_128 : memref<64x128xf32, #tpu.memory_space<hbm>>)
    %dma_wait3A_129 = arith.constant 0 : i32
    %dma_wait3A_130 = tpu.memref_slice %arg10[%add3A_120, %dma_wait3A_129] : memref<4096x128xf32, #tpu.memory_space<hbm>> -> memref<64x128xf32, #tpu.memory_space<hbm>>
    %dma_wait3A_131 = arith.constant 0 : i32
    %dma_wait3A_132 = tpu.memref_slice %arg10[%add3A_120, %dma_wait3A_131] : memref<4096x128xf32, #tpu.memory_space<hbm>> -> memref<64x128xf32, #tpu.memory_space<hbm>>
    tpu.wait_dma2 semaphore(%arg20 : memref<!tpu.dma_semaphore, #tpu.memory_space<semaphore_mem>>) src(%arg17 : memref<64x128xf32, #tpu.memory_space<vmem>>) dst(%dma_wait3A_132 : memref<64x128xf32, #tpu.memory_space<hbm>>)
    return
  }
}

#map = affine_map<(d0, d1) -> (0)>
#map1 = affine_map<(d0, d1) -> (0, 0)>
module attributes {stable_mosaic.version = 14 : i64} {
  func.func @_sc_gather(%arg0: i32, %arg1: i32, %arg2: memref<4096xi32, #tpu.memory_space<hbm>>, %arg3: memref<4096xi32, #tpu.memory_space<hbm>>, %arg4: memref<4096xi32, #tpu.memory_space<hbm>>, %arg5: memref<100000x768xf32, #tpu.memory_space<hbm>>, %arg6: memref<100001x128xf32, #tpu.memory_space<hbm>>, %arg7: memref<100001x128xf32, #tpu.memory_space<hbm>>, %arg8: memref<4096x768xf32, #tpu.memory_space<hbm>>, %arg9: memref<4096x128xf32, #tpu.memory_space<hbm>>, %arg10: memref<4096x128xf32, #tpu.memory_space<hbm>>, %arg11: memref<128xi32, #tpu.memory_space<vmem>>, %arg12: memref<128xi32, #tpu.memory_space<vmem>>, %arg13: memref<128xi32, #tpu.memory_space<vmem>>, %arg14: memref<64x768xf32, #tpu.memory_space<vmem>>, %arg15: memref<64x768xf32, #tpu.memory_space<vmem>>, %arg16: memref<64x128xf32, #tpu.memory_space<vmem>>, %arg17: memref<64x128xf32, #tpu.memory_space<vmem>>, %arg18: memref<!tpu.dma_semaphore, #tpu.memory_space<semaphore_mem>>, %arg19: memref<!tpu.dma_semaphore, #tpu.memory_space<semaphore_mem>>, %arg20: memref<!tpu.dma_semaphore, #tpu.memory_space<semaphore_mem>>) attributes {dimension_semantics = [#tpu.dimension_semantics<core_parallel>, #tpu.dimension_semantics<subcore_parallel>], iteration_bounds = array<i64: 2, 16>, scalar_prefetch = 0 : i64, scratch_operands = 10 : i64, tpu.core_type = #tpu.core_type<sc_vector_subcore>, window_params = [{transform_indices = #map}, {transform_indices = #map}, {transform_indices = #map}, {transform_indices = #map1}, {transform_indices = #map1}, {transform_indices = #map1}, {transform_indices = #map1}, {transform_indices = #map1}, {transform_indices = #map1}]} {
    %mul3A = arith.constant 2 : i32
    %mul3A_0 = arith.muli %arg1, %mul3A : i32
    %add3A = arith.addi %mul3A_0, %arg0 : i32
    %mul3A_1 = arith.constant 128 : i32
    %mul3A_2 = arith.muli %add3A, %mul3A_1 : i32
    %dma_start3A = tpu.memref_slice %arg2[%mul3A_2] : memref<4096xi32, #tpu.memory_space<hbm>> -> memref<128xi32, #tpu.memory_space<hbm>>
    %dma_start3A_3 = tpu.memref_slice %arg2[%mul3A_2] : memref<4096xi32, #tpu.memory_space<hbm>> -> memref<128xi32, #tpu.memory_space<hbm>>
    tpu.enqueue_dma source(%dma_start3A_3 : memref<128xi32, #tpu.memory_space<hbm>>) target(%arg11 : memref<128xi32, #tpu.memory_space<vmem>>) target_semaphore(%arg20 : memref<!tpu.dma_semaphore, #tpu.memory_space<semaphore_mem>>)
    %dma_start3A_4 = tpu.memref_slice %arg3[%mul3A_2] : memref<4096xi32, #tpu.memory_space<hbm>> -> memref<128xi32, #tpu.memory_space<hbm>>
    %dma_start3A_5 = tpu.memref_slice %arg3[%mul3A_2] : memref<4096xi32, #tpu.memory_space<hbm>> -> memref<128xi32, #tpu.memory_space<hbm>>
    tpu.enqueue_dma source(%dma_start3A_5 : memref<128xi32, #tpu.memory_space<hbm>>) target(%arg12 : memref<128xi32, #tpu.memory_space<vmem>>) target_semaphore(%arg20 : memref<!tpu.dma_semaphore, #tpu.memory_space<semaphore_mem>>)
    %dma_start3A_6 = tpu.memref_slice %arg4[%mul3A_2] : memref<4096xi32, #tpu.memory_space<hbm>> -> memref<128xi32, #tpu.memory_space<hbm>>
    %dma_start3A_7 = tpu.memref_slice %arg4[%mul3A_2] : memref<4096xi32, #tpu.memory_space<hbm>> -> memref<128xi32, #tpu.memory_space<hbm>>
    tpu.enqueue_dma source(%dma_start3A_7 : memref<128xi32, #tpu.memory_space<hbm>>) target(%arg13 : memref<128xi32, #tpu.memory_space<vmem>>) target_semaphore(%arg20 : memref<!tpu.dma_semaphore, #tpu.memory_space<semaphore_mem>>)
    %dma_wait3A = tpu.memref_slice %arg2[%mul3A_2] : memref<4096xi32, #tpu.memory_space<hbm>> -> memref<128xi32, #tpu.memory_space<hbm>>
    %dma_wait3A_8 = tpu.memref_slice %arg2[%mul3A_2] : memref<4096xi32, #tpu.memory_space<hbm>> -> memref<128xi32, #tpu.memory_space<hbm>>
    tpu.wait_dma2 semaphore(%arg20 : memref<!tpu.dma_semaphore, #tpu.memory_space<semaphore_mem>>) src(%dma_wait3A_8 : memref<128xi32, #tpu.memory_space<hbm>>) dst(%arg11 : memref<128xi32, #tpu.memory_space<vmem>>)
    %dma_wait3A_9 = tpu.memref_slice %arg3[%mul3A_2] : memref<4096xi32, #tpu.memory_space<hbm>> -> memref<128xi32, #tpu.memory_space<hbm>>
    %dma_wait3A_10 = tpu.memref_slice %arg3[%mul3A_2] : memref<4096xi32, #tpu.memory_space<hbm>> -> memref<128xi32, #tpu.memory_space<hbm>>
    tpu.wait_dma2 semaphore(%arg20 : memref<!tpu.dma_semaphore, #tpu.memory_space<semaphore_mem>>) src(%dma_wait3A_10 : memref<128xi32, #tpu.memory_space<hbm>>) dst(%arg12 : memref<128xi32, #tpu.memory_space<vmem>>)
    %dma_wait3A_11 = tpu.memref_slice %arg4[%mul3A_2] : memref<4096xi32, #tpu.memory_space<hbm>> -> memref<128xi32, #tpu.memory_space<hbm>>
    %dma_wait3A_12 = tpu.memref_slice %arg4[%mul3A_2] : memref<4096xi32, #tpu.memory_space<hbm>> -> memref<128xi32, #tpu.memory_space<hbm>>
    tpu.wait_dma2 semaphore(%arg20 : memref<!tpu.dma_semaphore, #tpu.memory_space<semaphore_mem>>) src(%dma_wait3A_12 : memref<128xi32, #tpu.memory_space<hbm>>) dst(%arg13 : memref<128xi32, #tpu.memory_space<vmem>>)
    %dma_start3A_13 = arith.constant 0 : i32
    %dma_start3A_14 = tpu.memref_slice %arg11[%dma_start3A_13] : memref<128xi32, #tpu.memory_space<vmem>> -> memref<64xi32, #tpu.memory_space<vmem>>
    %dma_start3A_15 = arith.constant 0 : i32
    %dma_start3A_16 = arith.constant 0 : i32
    %dma_start3A_17 = tpu.memref_slice %arg5[%dma_start3A_15, %dma_start3A_16] : memref<100000x768xf32, #tpu.memory_space<hbm>> -> memref<100000x768xf32, #tpu.memory_space<hbm>>
    tpu.enqueue_indirect_dma source(%dma_start3A_17 : memref<100000x768xf32, #tpu.memory_space<hbm>>) target(%arg14 : memref<64x768xf32, #tpu.memory_space<vmem>>) offsets(%dma_start3A_14 : memref<64xi32, #tpu.memory_space<vmem>>) semaphore(%arg18 : memref<!tpu.dma_semaphore, #tpu.memory_space<semaphore_mem>>)
    %dma_start3A_18 = arith.constant 64 : i32
    %dma_start3A_19 = tpu.memref_slice %arg11[%dma_start3A_18] : memref<128xi32, #tpu.memory_space<vmem>> -> memref<64xi32, #tpu.memory_space<vmem>>
    %dma_start3A_20 = arith.constant 0 : i32
    %dma_start3A_21 = arith.constant 0 : i32
    %dma_start3A_22 = tpu.memref_slice %arg5[%dma_start3A_20, %dma_start3A_21] : memref<100000x768xf32, #tpu.memory_space<hbm>> -> memref<100000x768xf32, #tpu.memory_space<hbm>>
    tpu.enqueue_indirect_dma source(%dma_start3A_22 : memref<100000x768xf32, #tpu.memory_space<hbm>>) target(%arg15 : memref<64x768xf32, #tpu.memory_space<vmem>>) offsets(%dma_start3A_19 : memref<64xi32, #tpu.memory_space<vmem>>) semaphore(%arg19 : memref<!tpu.dma_semaphore, #tpu.memory_space<semaphore_mem>>)
    %dma_wait3A_23 = arith.constant 0 : i32
    %dma_wait3A_24 = tpu.memref_slice %arg11[%dma_wait3A_23] : memref<128xi32, #tpu.memory_space<vmem>> -> memref<64xi32, #tpu.memory_space<vmem>>
    %dma_wait3A_25 = arith.constant 0 : i32
    %dma_wait3A_26 = arith.constant 0 : i32
    %dma_wait3A_27 = tpu.memref_slice %arg5[%dma_wait3A_25, %dma_wait3A_26] : memref<100000x768xf32, #tpu.memory_space<hbm>> -> memref<100000x768xf32, #tpu.memory_space<hbm>>
    tpu.wait_indirect_dma semaphore(%arg18 : memref<!tpu.dma_semaphore, #tpu.memory_space<semaphore_mem>>) src(%dma_wait3A_27 : memref<100000x768xf32, #tpu.memory_space<hbm>>) dst(%arg14 : memref<64x768xf32, #tpu.memory_space<vmem>>)
    %add3A_28 = arith.constant 0 : i32
    %add3A_29 = arith.addi %mul3A_2, %add3A_28 : i32
    %dma_start3A_30 = arith.constant 0 : i32
    %dma_start3A_31 = tpu.memref_slice %arg8[%add3A_29, %dma_start3A_30] : memref<4096x768xf32, #tpu.memory_space<hbm>> -> memref<64x768xf32, #tpu.memory_space<hbm>>
    %dma_start3A_32 = arith.constant 0 : i32
    %dma_start3A_33 = tpu.memref_slice %arg8[%add3A_29, %dma_start3A_32] : memref<4096x768xf32, #tpu.memory_space<hbm>> -> memref<64x768xf32, #tpu.memory_space<hbm>>
    tpu.enqueue_dma source(%arg14 : memref<64x768xf32, #tpu.memory_space<vmem>>) target(%dma_start3A_33 : memref<64x768xf32, #tpu.memory_space<hbm>>) target_semaphore(%arg20 : memref<!tpu.dma_semaphore, #tpu.memory_space<semaphore_mem>>)
    %dma_wait3A_34 = arith.constant 0 : i32
    %dma_wait3A_35 = tpu.memref_slice %arg8[%add3A_29, %dma_wait3A_34] : memref<4096x768xf32, #tpu.memory_space<hbm>> -> memref<64x768xf32, #tpu.memory_space<hbm>>
    %dma_wait3A_36 = arith.constant 0 : i32
    %dma_wait3A_37 = tpu.memref_slice %arg8[%add3A_29, %dma_wait3A_36] : memref<4096x768xf32, #tpu.memory_space<hbm>> -> memref<64x768xf32, #tpu.memory_space<hbm>>
    tpu.wait_dma2 semaphore(%arg20 : memref<!tpu.dma_semaphore, #tpu.memory_space<semaphore_mem>>) src(%arg14 : memref<64x768xf32, #tpu.memory_space<vmem>>) dst(%dma_wait3A_37 : memref<64x768xf32, #tpu.memory_space<hbm>>)
    %dma_start3A_38 = arith.constant 0 : i32
    %dma_start3A_39 = tpu.memref_slice %arg12[%dma_start3A_38] : memref<128xi32, #tpu.memory_space<vmem>> -> memref<64xi32, #tpu.memory_space<vmem>>
    %dma_start3A_40 = arith.constant 0 : i32
    %dma_start3A_41 = arith.constant 0 : i32
    %dma_start3A_42 = tpu.memref_slice %arg6[%dma_start3A_40, %dma_start3A_41] : memref<100001x128xf32, #tpu.memory_space<hbm>> -> memref<100001x128xf32, #tpu.memory_space<hbm>>
    tpu.enqueue_indirect_dma source(%dma_start3A_42 : memref<100001x128xf32, #tpu.memory_space<hbm>>) target(%arg16 : memref<64x128xf32, #tpu.memory_space<vmem>>) offsets(%dma_start3A_39 : memref<64xi32, #tpu.memory_space<vmem>>) semaphore(%arg18 : memref<!tpu.dma_semaphore, #tpu.memory_space<semaphore_mem>>)
    %dma_wait3A_43 = arith.constant 64 : i32
    %dma_wait3A_44 = tpu.memref_slice %arg11[%dma_wait3A_43] : memref<128xi32, #tpu.memory_space<vmem>> -> memref<64xi32, #tpu.memory_space<vmem>>
    %dma_wait3A_45 = arith.constant 0 : i32
    %dma_wait3A_46 = arith.constant 0 : i32
    %dma_wait3A_47 = tpu.memref_slice %arg5[%dma_wait3A_45, %dma_wait3A_46] : memref<100000x768xf32, #tpu.memory_space<hbm>> -> memref<100000x768xf32, #tpu.memory_space<hbm>>
    tpu.wait_indirect_dma semaphore(%arg19 : memref<!tpu.dma_semaphore, #tpu.memory_space<semaphore_mem>>) src(%dma_wait3A_47 : memref<100000x768xf32, #tpu.memory_space<hbm>>) dst(%arg15 : memref<64x768xf32, #tpu.memory_space<vmem>>)
    %add3A_48 = arith.constant 64 : i32
    %add3A_49 = arith.addi %mul3A_2, %add3A_48 : i32
    %dma_start3A_50 = arith.constant 0 : i32
    %dma_start3A_51 = tpu.memref_slice %arg8[%add3A_49, %dma_start3A_50] : memref<4096x768xf32, #tpu.memory_space<hbm>> -> memref<64x768xf32, #tpu.memory_space<hbm>>
    %dma_start3A_52 = arith.constant 0 : i32
    %dma_start3A_53 = tpu.memref_slice %arg8[%add3A_49, %dma_start3A_52] : memref<4096x768xf32, #tpu.memory_space<hbm>> -> memref<64x768xf32, #tpu.memory_space<hbm>>
    tpu.enqueue_dma source(%arg15 : memref<64x768xf32, #tpu.memory_space<vmem>>) target(%dma_start3A_53 : memref<64x768xf32, #tpu.memory_space<hbm>>) target_semaphore(%arg20 : memref<!tpu.dma_semaphore, #tpu.memory_space<semaphore_mem>>)
    %dma_wait3A_54 = arith.constant 0 : i32
    %dma_wait3A_55 = tpu.memref_slice %arg8[%add3A_49, %dma_wait3A_54] : memref<4096x768xf32, #tpu.memory_space<hbm>> -> memref<64x768xf32, #tpu.memory_space<hbm>>
    %dma_wait3A_56 = arith.constant 0 : i32
    %dma_wait3A_57 = tpu.memref_slice %arg8[%add3A_49, %dma_wait3A_56] : memref<4096x768xf32, #tpu.memory_space<hbm>> -> memref<64x768xf32, #tpu.memory_space<hbm>>
    tpu.wait_dma2 semaphore(%arg20 : memref<!tpu.dma_semaphore, #tpu.memory_space<semaphore_mem>>) src(%arg15 : memref<64x768xf32, #tpu.memory_space<vmem>>) dst(%dma_wait3A_57 : memref<64x768xf32, #tpu.memory_space<hbm>>)
    %dma_start3A_58 = arith.constant 64 : i32
    %dma_start3A_59 = tpu.memref_slice %arg12[%dma_start3A_58] : memref<128xi32, #tpu.memory_space<vmem>> -> memref<64xi32, #tpu.memory_space<vmem>>
    %dma_start3A_60 = arith.constant 0 : i32
    %dma_start3A_61 = arith.constant 0 : i32
    %dma_start3A_62 = tpu.memref_slice %arg6[%dma_start3A_60, %dma_start3A_61] : memref<100001x128xf32, #tpu.memory_space<hbm>> -> memref<100001x128xf32, #tpu.memory_space<hbm>>
    tpu.enqueue_indirect_dma source(%dma_start3A_62 : memref<100001x128xf32, #tpu.memory_space<hbm>>) target(%arg17 : memref<64x128xf32, #tpu.memory_space<vmem>>) offsets(%dma_start3A_59 : memref<64xi32, #tpu.memory_space<vmem>>) semaphore(%arg19 : memref<!tpu.dma_semaphore, #tpu.memory_space<semaphore_mem>>)
    %dma_wait3A_63 = arith.constant 0 : i32
    %dma_wait3A_64 = tpu.memref_slice %arg12[%dma_wait3A_63] : memref<128xi32, #tpu.memory_space<vmem>> -> memref<64xi32, #tpu.memory_space<vmem>>
    %dma_wait3A_65 = arith.constant 0 : i32
    %dma_wait3A_66 = arith.constant 0 : i32
    %dma_wait3A_67 = tpu.memref_slice %arg6[%dma_wait3A_65, %dma_wait3A_66] : memref<100001x128xf32, #tpu.memory_space<hbm>> -> memref<100001x128xf32, #tpu.memory_space<hbm>>
    tpu.wait_indirect_dma semaphore(%arg18 : memref<!tpu.dma_semaphore, #tpu.memory_space<semaphore_mem>>) src(%dma_wait3A_67 : memref<100001x128xf32, #tpu.memory_space<hbm>>) dst(%arg16 : memref<64x128xf32, #tpu.memory_space<vmem>>)
    %add3A_68 = arith.constant 0 : i32
    %add3A_69 = arith.addi %mul3A_2, %add3A_68 : i32
    %dma_start3A_70 = arith.constant 0 : i32
    %dma_start3A_71 = tpu.memref_slice %arg9[%add3A_69, %dma_start3A_70] : memref<4096x128xf32, #tpu.memory_space<hbm>> -> memref<64x128xf32, #tpu.memory_space<hbm>>
    %dma_start3A_72 = arith.constant 0 : i32
    %dma_start3A_73 = tpu.memref_slice %arg9[%add3A_69, %dma_start3A_72] : memref<4096x128xf32, #tpu.memory_space<hbm>> -> memref<64x128xf32, #tpu.memory_space<hbm>>
    tpu.enqueue_dma source(%arg16 : memref<64x128xf32, #tpu.memory_space<vmem>>) target(%dma_start3A_73 : memref<64x128xf32, #tpu.memory_space<hbm>>) target_semaphore(%arg20 : memref<!tpu.dma_semaphore, #tpu.memory_space<semaphore_mem>>)
    %dma_wait3A_74 = arith.constant 0 : i32
    %dma_wait3A_75 = tpu.memref_slice %arg9[%add3A_69, %dma_wait3A_74] : memref<4096x128xf32, #tpu.memory_space<hbm>> -> memref<64x128xf32, #tpu.memory_space<hbm>>
    %dma_wait3A_76 = arith.constant 0 : i32
    %dma_wait3A_77 = tpu.memref_slice %arg9[%add3A_69, %dma_wait3A_76] : memref<4096x128xf32, #tpu.memory_space<hbm>> -> memref<64x128xf32, #tpu.memory_space<hbm>>
    tpu.wait_dma2 semaphore(%arg20 : memref<!tpu.dma_semaphore, #tpu.memory_space<semaphore_mem>>) src(%arg16 : memref<64x128xf32, #tpu.memory_space<vmem>>) dst(%dma_wait3A_77 : memref<64x128xf32, #tpu.memory_space<hbm>>)
    %dma_start3A_78 = arith.constant 0 : i32
    %dma_start3A_79 = tpu.memref_slice %arg13[%dma_start3A_78] : memref<128xi32, #tpu.memory_space<vmem>> -> memref<64xi32, #tpu.memory_space<vmem>>
    %dma_start3A_80 = arith.constant 0 : i32
    %dma_start3A_81 = arith.constant 0 : i32
    %dma_start3A_82 = tpu.memref_slice %arg7[%dma_start3A_80, %dma_start3A_81] : memref<100001x128xf32, #tpu.memory_space<hbm>> -> memref<100001x128xf32, #tpu.memory_space<hbm>>
    tpu.enqueue_indirect_dma source(%dma_start3A_82 : memref<100001x128xf32, #tpu.memory_space<hbm>>) target(%arg16 : memref<64x128xf32, #tpu.memory_space<vmem>>) offsets(%dma_start3A_79 : memref<64xi32, #tpu.memory_space<vmem>>) semaphore(%arg18 : memref<!tpu.dma_semaphore, #tpu.memory_space<semaphore_mem>>)
    %dma_wait3A_83 = arith.constant 64 : i32
    %dma_wait3A_84 = tpu.memref_slice %arg12[%dma_wait3A_83] : memref<128xi32, #tpu.memory_space<vmem>> -> memref<64xi32, #tpu.memory_space<vmem>>
    %dma_wait3A_85 = arith.constant 0 : i32
    %dma_wait3A_86 = arith.constant 0 : i32
    %dma_wait3A_87 = tpu.memref_slice %arg6[%dma_wait3A_85, %dma_wait3A_86] : memref<100001x128xf32, #tpu.memory_space<hbm>> -> memref<100001x128xf32, #tpu.memory_space<hbm>>
    tpu.wait_indirect_dma semaphore(%arg19 : memref<!tpu.dma_semaphore, #tpu.memory_space<semaphore_mem>>) src(%dma_wait3A_87 : memref<100001x128xf32, #tpu.memory_space<hbm>>) dst(%arg17 : memref<64x128xf32, #tpu.memory_space<vmem>>)
    %add3A_88 = arith.constant 64 : i32
    %add3A_89 = arith.addi %mul3A_2, %add3A_88 : i32
    %dma_start3A_90 = arith.constant 0 : i32
    %dma_start3A_91 = tpu.memref_slice %arg9[%add3A_89, %dma_start3A_90] : memref<4096x128xf32, #tpu.memory_space<hbm>> -> memref<64x128xf32, #tpu.memory_space<hbm>>
    %dma_start3A_92 = arith.constant 0 : i32
    %dma_start3A_93 = tpu.memref_slice %arg9[%add3A_89, %dma_start3A_92] : memref<4096x128xf32, #tpu.memory_space<hbm>> -> memref<64x128xf32, #tpu.memory_space<hbm>>
    tpu.enqueue_dma source(%arg17 : memref<64x128xf32, #tpu.memory_space<vmem>>) target(%dma_start3A_93 : memref<64x128xf32, #tpu.memory_space<hbm>>) target_semaphore(%arg20 : memref<!tpu.dma_semaphore, #tpu.memory_space<semaphore_mem>>)
    %dma_wait3A_94 = arith.constant 0 : i32
    %dma_wait3A_95 = tpu.memref_slice %arg9[%add3A_89, %dma_wait3A_94] : memref<4096x128xf32, #tpu.memory_space<hbm>> -> memref<64x128xf32, #tpu.memory_space<hbm>>
    %dma_wait3A_96 = arith.constant 0 : i32
    %dma_wait3A_97 = tpu.memref_slice %arg9[%add3A_89, %dma_wait3A_96] : memref<4096x128xf32, #tpu.memory_space<hbm>> -> memref<64x128xf32, #tpu.memory_space<hbm>>
    tpu.wait_dma2 semaphore(%arg20 : memref<!tpu.dma_semaphore, #tpu.memory_space<semaphore_mem>>) src(%arg17 : memref<64x128xf32, #tpu.memory_space<vmem>>) dst(%dma_wait3A_97 : memref<64x128xf32, #tpu.memory_space<hbm>>)
    %dma_start3A_98 = arith.constant 64 : i32
    %dma_start3A_99 = tpu.memref_slice %arg13[%dma_start3A_98] : memref<128xi32, #tpu.memory_space<vmem>> -> memref<64xi32, #tpu.memory_space<vmem>>
    %dma_start3A_100 = arith.constant 0 : i32
    %dma_start3A_101 = arith.constant 0 : i32
    %dma_start3A_102 = tpu.memref_slice %arg7[%dma_start3A_100, %dma_start3A_101] : memref<100001x128xf32, #tpu.memory_space<hbm>> -> memref<100001x128xf32, #tpu.memory_space<hbm>>
    tpu.enqueue_indirect_dma source(%dma_start3A_102 : memref<100001x128xf32, #tpu.memory_space<hbm>>) target(%arg17 : memref<64x128xf32, #tpu.memory_space<vmem>>) offsets(%dma_start3A_99 : memref<64xi32, #tpu.memory_space<vmem>>) semaphore(%arg19 : memref<!tpu.dma_semaphore, #tpu.memory_space<semaphore_mem>>)
    %dma_wait3A_103 = arith.constant 0 : i32
    %dma_wait3A_104 = tpu.memref_slice %arg13[%dma_wait3A_103] : memref<128xi32, #tpu.memory_space<vmem>> -> memref<64xi32, #tpu.memory_space<vmem>>
    %dma_wait3A_105 = arith.constant 0 : i32
    %dma_wait3A_106 = arith.constant 0 : i32
    %dma_wait3A_107 = tpu.memref_slice %arg7[%dma_wait3A_105, %dma_wait3A_106] : memref<100001x128xf32, #tpu.memory_space<hbm>> -> memref<100001x128xf32, #tpu.memory_space<hbm>>
    tpu.wait_indirect_dma semaphore(%arg18 : memref<!tpu.dma_semaphore, #tpu.memory_space<semaphore_mem>>) src(%dma_wait3A_107 : memref<100001x128xf32, #tpu.memory_space<hbm>>) dst(%arg16 : memref<64x128xf32, #tpu.memory_space<vmem>>)
    %add3A_108 = arith.constant 0 : i32
    %add3A_109 = arith.addi %mul3A_2, %add3A_108 : i32
    %dma_start3A_110 = arith.constant 0 : i32
    %dma_start3A_111 = tpu.memref_slice %arg10[%add3A_109, %dma_start3A_110] : memref<4096x128xf32, #tpu.memory_space<hbm>> -> memref<64x128xf32, #tpu.memory_space<hbm>>
    %dma_start3A_112 = arith.constant 0 : i32
    %dma_start3A_113 = tpu.memref_slice %arg10[%add3A_109, %dma_start3A_112] : memref<4096x128xf32, #tpu.memory_space<hbm>> -> memref<64x128xf32, #tpu.memory_space<hbm>>
    tpu.enqueue_dma source(%arg16 : memref<64x128xf32, #tpu.memory_space<vmem>>) target(%dma_start3A_113 : memref<64x128xf32, #tpu.memory_space<hbm>>) target_semaphore(%arg20 : memref<!tpu.dma_semaphore, #tpu.memory_space<semaphore_mem>>)
    %dma_wait3A_114 = arith.constant 64 : i32
    %dma_wait3A_115 = tpu.memref_slice %arg13[%dma_wait3A_114] : memref<128xi32, #tpu.memory_space<vmem>> -> memref<64xi32, #tpu.memory_space<vmem>>
    %dma_wait3A_116 = arith.constant 0 : i32
    %dma_wait3A_117 = arith.constant 0 : i32
    %dma_wait3A_118 = tpu.memref_slice %arg7[%dma_wait3A_116, %dma_wait3A_117] : memref<100001x128xf32, #tpu.memory_space<hbm>> -> memref<100001x128xf32, #tpu.memory_space<hbm>>
    tpu.wait_indirect_dma semaphore(%arg19 : memref<!tpu.dma_semaphore, #tpu.memory_space<semaphore_mem>>) src(%dma_wait3A_118 : memref<100001x128xf32, #tpu.memory_space<hbm>>) dst(%arg17 : memref<64x128xf32, #tpu.memory_space<vmem>>)
    %add3A_119 = arith.constant 64 : i32
    %add3A_120 = arith.addi %mul3A_2, %add3A_119 : i32
    %dma_start3A_121 = arith.constant 0 : i32
    %dma_start3A_122 = tpu.memref_slice %arg10[%add3A_120, %dma_start3A_121] : memref<4096x128xf32, #tpu.memory_space<hbm>> -> memref<64x128xf32, #tpu.memory_space<hbm>>
    %dma_start3A_123 = arith.constant 0 : i32
    %dma_start3A_124 = tpu.memref_slice %arg10[%add3A_120, %dma_start3A_123] : memref<4096x128xf32, #tpu.memory_space<hbm>> -> memref<64x128xf32, #tpu.memory_space<hbm>>
    tpu.enqueue_dma source(%arg17 : memref<64x128xf32, #tpu.memory_space<vmem>>) target(%dma_start3A_124 : memref<64x128xf32, #tpu.memory_space<hbm>>) target_semaphore(%arg20 : memref<!tpu.dma_semaphore, #tpu.memory_space<semaphore_mem>>)
    %dma_wait3A_125 = arith.constant 0 : i32
    %dma_wait3A_126 = tpu.memref_slice %arg10[%add3A_109, %dma_wait3A_125] : memref<4096x128xf32, #tpu.memory_space<hbm>> -> memref<64x128xf32, #tpu.memory_space<hbm>>
    %dma_wait3A_127 = arith.constant 0 : i32
    %dma_wait3A_128 = tpu.memref_slice %arg10[%add3A_109, %dma_wait3A_127] : memref<4096x128xf32, #tpu.memory_space<hbm>> -> memref<64x128xf32, #tpu.memory_space<hbm>>
    tpu.wait_dma2 semaphore(%arg20 : memref<!tpu.dma_semaphore, #tpu.memory_space<semaphore_mem>>) src(%arg16 : memref<64x128xf32, #tpu.memory_space<vmem>>) dst(%dma_wait3A_128 : memref<64x128xf32, #tpu.memory_space<hbm>>)
    %dma_wait3A_129 = arith.constant 0 : i32
    %dma_wait3A_130 = tpu.memref_slice %arg10[%add3A_120, %dma_wait3A_129] : memref<4096x128xf32, #tpu.memory_space<hbm>> -> memref<64x128xf32, #tpu.memory_space<hbm>>
    %dma_wait3A_131 = arith.constant 0 : i32
    %dma_wait3A_132 = tpu.memref_slice %arg10[%add3A_120, %dma_wait3A_131] : memref<4096x128xf32, #tpu.memory_space<hbm>> -> memref<64x128xf32, #tpu.memory_space<hbm>>
    tpu.wait_dma2 semaphore(%arg20 : memref<!tpu.dma_semaphore, #tpu.memory_space<semaphore_mem>>) src(%arg17 : memref<64x128xf32, #tpu.memory_space<vmem>>) dst(%dma_wait3A_132 : memref<64x128xf32, #tpu.memory_space<hbm>>)
    return
  }
}

#map = affine_map<(d0, d1) -> (0)>
#map1 = affine_map<(d0, d1) -> (0, 0)>
module attributes {stable_mosaic.version = 14 : i64} {
  func.func @_sc_gather(%arg0: i32, %arg1: i32, %arg2: memref<4096xi32, #tpu.memory_space<hbm>>, %arg3: memref<4096xi32, #tpu.memory_space<hbm>>, %arg4: memref<4096xi32, #tpu.memory_space<hbm>>, %arg5: memref<100000x768xf32, #tpu.memory_space<hbm>>, %arg6: memref<100001x128xf32, #tpu.memory_space<hbm>>, %arg7: memref<100001x128xf32, #tpu.memory_space<hbm>>, %arg8: memref<4096x768xf32, #tpu.memory_space<hbm>>, %arg9: memref<4096x128xf32, #tpu.memory_space<hbm>>, %arg10: memref<4096x128xf32, #tpu.memory_space<hbm>>, %arg11: memref<128xi32, #tpu.memory_space<vmem>>, %arg12: memref<128xi32, #tpu.memory_space<vmem>>, %arg13: memref<128xi32, #tpu.memory_space<vmem>>, %arg14: memref<64x768xf32, #tpu.memory_space<vmem>>, %arg15: memref<64x768xf32, #tpu.memory_space<vmem>>, %arg16: memref<64x128xf32, #tpu.memory_space<vmem>>, %arg17: memref<64x128xf32, #tpu.memory_space<vmem>>, %arg18: memref<!tpu.dma_semaphore, #tpu.memory_space<semaphore_mem>>, %arg19: memref<!tpu.dma_semaphore, #tpu.memory_space<semaphore_mem>>, %arg20: memref<!tpu.dma_semaphore, #tpu.memory_space<semaphore_mem>>) attributes {dimension_semantics = [#tpu.dimension_semantics<core_parallel>, #tpu.dimension_semantics<subcore_parallel>], iteration_bounds = array<i64: 2, 16>, scalar_prefetch = 0 : i64, scratch_operands = 10 : i64, tpu.core_type = #tpu.core_type<sc_vector_subcore>, window_params = [{transform_indices = #map}, {transform_indices = #map}, {transform_indices = #map}, {transform_indices = #map1}, {transform_indices = #map1}, {transform_indices = #map1}, {transform_indices = #map1}, {transform_indices = #map1}, {transform_indices = #map1}]} {
    %mul3A = arith.constant 2 : i32
    %mul3A_0 = arith.muli %arg1, %mul3A : i32
    %add3A = arith.addi %mul3A_0, %arg0 : i32
    %mul3A_1 = arith.constant 128 : i32
    %mul3A_2 = arith.muli %add3A, %mul3A_1 : i32
    %dma_start3A = tpu.memref_slice %arg2[%mul3A_2] : memref<4096xi32, #tpu.memory_space<hbm>> -> memref<128xi32, #tpu.memory_space<hbm>>
    %dma_start3A_3 = tpu.memref_slice %arg2[%mul3A_2] : memref<4096xi32, #tpu.memory_space<hbm>> -> memref<128xi32, #tpu.memory_space<hbm>>
    tpu.enqueue_dma source(%dma_start3A_3 : memref<128xi32, #tpu.memory_space<hbm>>) target(%arg11 : memref<128xi32, #tpu.memory_space<vmem>>) target_semaphore(%arg20 : memref<!tpu.dma_semaphore, #tpu.memory_space<semaphore_mem>>)
    %dma_start3A_4 = tpu.memref_slice %arg3[%mul3A_2] : memref<4096xi32, #tpu.memory_space<hbm>> -> memref<128xi32, #tpu.memory_space<hbm>>
    %dma_start3A_5 = tpu.memref_slice %arg3[%mul3A_2] : memref<4096xi32, #tpu.memory_space<hbm>> -> memref<128xi32, #tpu.memory_space<hbm>>
    tpu.enqueue_dma source(%dma_start3A_5 : memref<128xi32, #tpu.memory_space<hbm>>) target(%arg12 : memref<128xi32, #tpu.memory_space<vmem>>) target_semaphore(%arg20 : memref<!tpu.dma_semaphore, #tpu.memory_space<semaphore_mem>>)
    %dma_start3A_6 = tpu.memref_slice %arg4[%mul3A_2] : memref<4096xi32, #tpu.memory_space<hbm>> -> memref<128xi32, #tpu.memory_space<hbm>>
    %dma_start3A_7 = tpu.memref_slice %arg4[%mul3A_2] : memref<4096xi32, #tpu.memory_space<hbm>> -> memref<128xi32, #tpu.memory_space<hbm>>
    tpu.enqueue_dma source(%dma_start3A_7 : memref<128xi32, #tpu.memory_space<hbm>>) target(%arg13 : memref<128xi32, #tpu.memory_space<vmem>>) target_semaphore(%arg20 : memref<!tpu.dma_semaphore, #tpu.memory_space<semaphore_mem>>)
    %dma_wait3A = tpu.memref_slice %arg2[%mul3A_2] : memref<4096xi32, #tpu.memory_space<hbm>> -> memref<128xi32, #tpu.memory_space<hbm>>
    %dma_wait3A_8 = tpu.memref_slice %arg2[%mul3A_2] : memref<4096xi32, #tpu.memory_space<hbm>> -> memref<128xi32, #tpu.memory_space<hbm>>
    tpu.wait_dma2 semaphore(%arg20 : memref<!tpu.dma_semaphore, #tpu.memory_space<semaphore_mem>>) src(%dma_wait3A_8 : memref<128xi32, #tpu.memory_space<hbm>>) dst(%arg11 : memref<128xi32, #tpu.memory_space<vmem>>)
    %dma_wait3A_9 = tpu.memref_slice %arg3[%mul3A_2] : memref<4096xi32, #tpu.memory_space<hbm>> -> memref<128xi32, #tpu.memory_space<hbm>>
    %dma_wait3A_10 = tpu.memref_slice %arg3[%mul3A_2] : memref<4096xi32, #tpu.memory_space<hbm>> -> memref<128xi32, #tpu.memory_space<hbm>>
    tpu.wait_dma2 semaphore(%arg20 : memref<!tpu.dma_semaphore, #tpu.memory_space<semaphore_mem>>) src(%dma_wait3A_10 : memref<128xi32, #tpu.memory_space<hbm>>) dst(%arg12 : memref<128xi32, #tpu.memory_space<vmem>>)
    %dma_wait3A_11 = tpu.memref_slice %arg4[%mul3A_2] : memref<4096xi32, #tpu.memory_space<hbm>> -> memref<128xi32, #tpu.memory_space<hbm>>
    %dma_wait3A_12 = tpu.memref_slice %arg4[%mul3A_2] : memref<4096xi32, #tpu.memory_space<hbm>> -> memref<128xi32, #tpu.memory_space<hbm>>
    tpu.wait_dma2 semaphore(%arg20 : memref<!tpu.dma_semaphore, #tpu.memory_space<semaphore_mem>>) src(%dma_wait3A_12 : memref<128xi32, #tpu.memory_space<hbm>>) dst(%arg13 : memref<128xi32, #tpu.memory_space<vmem>>)
    %dma_start3A_13 = arith.constant 0 : i32
    %dma_start3A_14 = tpu.memref_slice %arg11[%dma_start3A_13] : memref<128xi32, #tpu.memory_space<vmem>> -> memref<64xi32, #tpu.memory_space<vmem>>
    %dma_start3A_15 = arith.constant 0 : i32
    %dma_start3A_16 = arith.constant 0 : i32
    %dma_start3A_17 = tpu.memref_slice %arg5[%dma_start3A_15, %dma_start3A_16] : memref<100000x768xf32, #tpu.memory_space<hbm>> -> memref<100000x768xf32, #tpu.memory_space<hbm>>
    tpu.enqueue_indirect_dma source(%dma_start3A_17 : memref<100000x768xf32, #tpu.memory_space<hbm>>) target(%arg14 : memref<64x768xf32, #tpu.memory_space<vmem>>) offsets(%dma_start3A_14 : memref<64xi32, #tpu.memory_space<vmem>>) semaphore(%arg18 : memref<!tpu.dma_semaphore, #tpu.memory_space<semaphore_mem>>)
    %dma_start3A_18 = arith.constant 64 : i32
    %dma_start3A_19 = tpu.memref_slice %arg11[%dma_start3A_18] : memref<128xi32, #tpu.memory_space<vmem>> -> memref<64xi32, #tpu.memory_space<vmem>>
    %dma_start3A_20 = arith.constant 0 : i32
    %dma_start3A_21 = arith.constant 0 : i32
    %dma_start3A_22 = tpu.memref_slice %arg5[%dma_start3A_20, %dma_start3A_21] : memref<100000x768xf32, #tpu.memory_space<hbm>> -> memref<100000x768xf32, #tpu.memory_space<hbm>>
    tpu.enqueue_indirect_dma source(%dma_start3A_22 : memref<100000x768xf32, #tpu.memory_space<hbm>>) target(%arg15 : memref<64x768xf32, #tpu.memory_space<vmem>>) offsets(%dma_start3A_19 : memref<64xi32, #tpu.memory_space<vmem>>) semaphore(%arg19 : memref<!tpu.dma_semaphore, #tpu.memory_space<semaphore_mem>>)
    %dma_wait3A_23 = arith.constant 0 : i32
    %dma_wait3A_24 = tpu.memref_slice %arg11[%dma_wait3A_23] : memref<128xi32, #tpu.memory_space<vmem>> -> memref<64xi32, #tpu.memory_space<vmem>>
    %dma_wait3A_25 = arith.constant 0 : i32
    %dma_wait3A_26 = arith.constant 0 : i32
    %dma_wait3A_27 = tpu.memref_slice %arg5[%dma_wait3A_25, %dma_wait3A_26] : memref<100000x768xf32, #tpu.memory_space<hbm>> -> memref<100000x768xf32, #tpu.memory_space<hbm>>
    tpu.wait_indirect_dma semaphore(%arg18 : memref<!tpu.dma_semaphore, #tpu.memory_space<semaphore_mem>>) src(%dma_wait3A_27 : memref<100000x768xf32, #tpu.memory_space<hbm>>) dst(%arg14 : memref<64x768xf32, #tpu.memory_space<vmem>>)
    %add3A_28 = arith.constant 0 : i32
    %add3A_29 = arith.addi %mul3A_2, %add3A_28 : i32
    %dma_start3A_30 = arith.constant 0 : i32
    %dma_start3A_31 = tpu.memref_slice %arg8[%add3A_29, %dma_start3A_30] : memref<4096x768xf32, #tpu.memory_space<hbm>> -> memref<64x768xf32, #tpu.memory_space<hbm>>
    %dma_start3A_32 = arith.constant 0 : i32
    %dma_start3A_33 = tpu.memref_slice %arg8[%add3A_29, %dma_start3A_32] : memref<4096x768xf32, #tpu.memory_space<hbm>> -> memref<64x768xf32, #tpu.memory_space<hbm>>
    tpu.enqueue_dma source(%arg14 : memref<64x768xf32, #tpu.memory_space<vmem>>) target(%dma_start3A_33 : memref<64x768xf32, #tpu.memory_space<hbm>>) target_semaphore(%arg20 : memref<!tpu.dma_semaphore, #tpu.memory_space<semaphore_mem>>)
    %dma_wait3A_34 = arith.constant 0 : i32
    %dma_wait3A_35 = tpu.memref_slice %arg8[%add3A_29, %dma_wait3A_34] : memref<4096x768xf32, #tpu.memory_space<hbm>> -> memref<64x768xf32, #tpu.memory_space<hbm>>
    %dma_wait3A_36 = arith.constant 0 : i32
    %dma_wait3A_37 = tpu.memref_slice %arg8[%add3A_29, %dma_wait3A_36] : memref<4096x768xf32, #tpu.memory_space<hbm>> -> memref<64x768xf32, #tpu.memory_space<hbm>>
    tpu.wait_dma2 semaphore(%arg20 : memref<!tpu.dma_semaphore, #tpu.memory_space<semaphore_mem>>) src(%arg14 : memref<64x768xf32, #tpu.memory_space<vmem>>) dst(%dma_wait3A_37 : memref<64x768xf32, #tpu.memory_space<hbm>>)
    %dma_start3A_38 = arith.constant 0 : i32
    %dma_start3A_39 = tpu.memref_slice %arg12[%dma_start3A_38] : memref<128xi32, #tpu.memory_space<vmem>> -> memref<64xi32, #tpu.memory_space<vmem>>
    %dma_start3A_40 = arith.constant 0 : i32
    %dma_start3A_41 = arith.constant 0 : i32
    %dma_start3A_42 = tpu.memref_slice %arg6[%dma_start3A_40, %dma_start3A_41] : memref<100001x128xf32, #tpu.memory_space<hbm>> -> memref<100001x128xf32, #tpu.memory_space<hbm>>
    tpu.enqueue_indirect_dma source(%dma_start3A_42 : memref<100001x128xf32, #tpu.memory_space<hbm>>) target(%arg16 : memref<64x128xf32, #tpu.memory_space<vmem>>) offsets(%dma_start3A_39 : memref<64xi32, #tpu.memory_space<vmem>>) semaphore(%arg18 : memref<!tpu.dma_semaphore, #tpu.memory_space<semaphore_mem>>)
    %dma_wait3A_43 = arith.constant 64 : i32
    %dma_wait3A_44 = tpu.memref_slice %arg11[%dma_wait3A_43] : memref<128xi32, #tpu.memory_space<vmem>> -> memref<64xi32, #tpu.memory_space<vmem>>
    %dma_wait3A_45 = arith.constant 0 : i32
    %dma_wait3A_46 = arith.constant 0 : i32
    %dma_wait3A_47 = tpu.memref_slice %arg5[%dma_wait3A_45, %dma_wait3A_46] : memref<100000x768xf32, #tpu.memory_space<hbm>> -> memref<100000x768xf32, #tpu.memory_space<hbm>>
    tpu.wait_indirect_dma semaphore(%arg19 : memref<!tpu.dma_semaphore, #tpu.memory_space<semaphore_mem>>) src(%dma_wait3A_47 : memref<100000x768xf32, #tpu.memory_space<hbm>>) dst(%arg15 : memref<64x768xf32, #tpu.memory_space<vmem>>)
    %add3A_48 = arith.constant 64 : i32
    %add3A_49 = arith.addi %mul3A_2, %add3A_48 : i32
    %dma_start3A_50 = arith.constant 0 : i32
    %dma_start3A_51 = tpu.memref_slice %arg8[%add3A_49, %dma_start3A_50] : memref<4096x768xf32, #tpu.memory_space<hbm>> -> memref<64x768xf32, #tpu.memory_space<hbm>>
    %dma_start3A_52 = arith.constant 0 : i32
    %dma_start3A_53 = tpu.memref_slice %arg8[%add3A_49, %dma_start3A_52] : memref<4096x768xf32, #tpu.memory_space<hbm>> -> memref<64x768xf32, #tpu.memory_space<hbm>>
    tpu.enqueue_dma source(%arg15 : memref<64x768xf32, #tpu.memory_space<vmem>>) target(%dma_start3A_53 : memref<64x768xf32, #tpu.memory_space<hbm>>) target_semaphore(%arg20 : memref<!tpu.dma_semaphore, #tpu.memory_space<semaphore_mem>>)
    %dma_wait3A_54 = arith.constant 0 : i32
    %dma_wait3A_55 = tpu.memref_slice %arg8[%add3A_49, %dma_wait3A_54] : memref<4096x768xf32, #tpu.memory_space<hbm>> -> memref<64x768xf32, #tpu.memory_space<hbm>>
    %dma_wait3A_56 = arith.constant 0 : i32
    %dma_wait3A_57 = tpu.memref_slice %arg8[%add3A_49, %dma_wait3A_56] : memref<4096x768xf32, #tpu.memory_space<hbm>> -> memref<64x768xf32, #tpu.memory_space<hbm>>
    tpu.wait_dma2 semaphore(%arg20 : memref<!tpu.dma_semaphore, #tpu.memory_space<semaphore_mem>>) src(%arg15 : memref<64x768xf32, #tpu.memory_space<vmem>>) dst(%dma_wait3A_57 : memref<64x768xf32, #tpu.memory_space<hbm>>)
    %dma_start3A_58 = arith.constant 64 : i32
    %dma_start3A_59 = tpu.memref_slice %arg12[%dma_start3A_58] : memref<128xi32, #tpu.memory_space<vmem>> -> memref<64xi32, #tpu.memory_space<vmem>>
    %dma_start3A_60 = arith.constant 0 : i32
    %dma_start3A_61 = arith.constant 0 : i32
    %dma_start3A_62 = tpu.memref_slice %arg6[%dma_start3A_60, %dma_start3A_61] : memref<100001x128xf32, #tpu.memory_space<hbm>> -> memref<100001x128xf32, #tpu.memory_space<hbm>>
    tpu.enqueue_indirect_dma source(%dma_start3A_62 : memref<100001x128xf32, #tpu.memory_space<hbm>>) target(%arg17 : memref<64x128xf32, #tpu.memory_space<vmem>>) offsets(%dma_start3A_59 : memref<64xi32, #tpu.memory_space<vmem>>) semaphore(%arg19 : memref<!tpu.dma_semaphore, #tpu.memory_space<semaphore_mem>>)
    %dma_wait3A_63 = arith.constant 0 : i32
    %dma_wait3A_64 = tpu.memref_slice %arg12[%dma_wait3A_63] : memref<128xi32, #tpu.memory_space<vmem>> -> memref<64xi32, #tpu.memory_space<vmem>>
    %dma_wait3A_65 = arith.constant 0 : i32
    %dma_wait3A_66 = arith.constant 0 : i32
    %dma_wait3A_67 = tpu.memref_slice %arg6[%dma_wait3A_65, %dma_wait3A_66] : memref<100001x128xf32, #tpu.memory_space<hbm>> -> memref<100001x128xf32, #tpu.memory_space<hbm>>
    tpu.wait_indirect_dma semaphore(%arg18 : memref<!tpu.dma_semaphore, #tpu.memory_space<semaphore_mem>>) src(%dma_wait3A_67 : memref<100001x128xf32, #tpu.memory_space<hbm>>) dst(%arg16 : memref<64x128xf32, #tpu.memory_space<vmem>>)
    %add3A_68 = arith.constant 0 : i32
    %add3A_69 = arith.addi %mul3A_2, %add3A_68 : i32
    %dma_start3A_70 = arith.constant 0 : i32
    %dma_start3A_71 = tpu.memref_slice %arg9[%add3A_69, %dma_start3A_70] : memref<4096x128xf32, #tpu.memory_space<hbm>> -> memref<64x128xf32, #tpu.memory_space<hbm>>
    %dma_start3A_72 = arith.constant 0 : i32
    %dma_start3A_73 = tpu.memref_slice %arg9[%add3A_69, %dma_start3A_72] : memref<4096x128xf32, #tpu.memory_space<hbm>> -> memref<64x128xf32, #tpu.memory_space<hbm>>
    tpu.enqueue_dma source(%arg16 : memref<64x128xf32, #tpu.memory_space<vmem>>) target(%dma_start3A_73 : memref<64x128xf32, #tpu.memory_space<hbm>>) target_semaphore(%arg20 : memref<!tpu.dma_semaphore, #tpu.memory_space<semaphore_mem>>)
    %dma_wait3A_74 = arith.constant 0 : i32
    %dma_wait3A_75 = tpu.memref_slice %arg9[%add3A_69, %dma_wait3A_74] : memref<4096x128xf32, #tpu.memory_space<hbm>> -> memref<64x128xf32, #tpu.memory_space<hbm>>
    %dma_wait3A_76 = arith.constant 0 : i32
    %dma_wait3A_77 = tpu.memref_slice %arg9[%add3A_69, %dma_wait3A_76] : memref<4096x128xf32, #tpu.memory_space<hbm>> -> memref<64x128xf32, #tpu.memory_space<hbm>>
    tpu.wait_dma2 semaphore(%arg20 : memref<!tpu.dma_semaphore, #tpu.memory_space<semaphore_mem>>) src(%arg16 : memref<64x128xf32, #tpu.memory_space<vmem>>) dst(%dma_wait3A_77 : memref<64x128xf32, #tpu.memory_space<hbm>>)
    %dma_start3A_78 = arith.constant 0 : i32
    %dma_start3A_79 = tpu.memref_slice %arg13[%dma_start3A_78] : memref<128xi32, #tpu.memory_space<vmem>> -> memref<64xi32, #tpu.memory_space<vmem>>
    %dma_start3A_80 = arith.constant 0 : i32
    %dma_start3A_81 = arith.constant 0 : i32
    %dma_start3A_82 = tpu.memref_slice %arg7[%dma_start3A_80, %dma_start3A_81] : memref<100001x128xf32, #tpu.memory_space<hbm>> -> memref<100001x128xf32, #tpu.memory_space<hbm>>
    tpu.enqueue_indirect_dma source(%dma_start3A_82 : memref<100001x128xf32, #tpu.memory_space<hbm>>) target(%arg16 : memref<64x128xf32, #tpu.memory_space<vmem>>) offsets(%dma_start3A_79 : memref<64xi32, #tpu.memory_space<vmem>>) semaphore(%arg18 : memref<!tpu.dma_semaphore, #tpu.memory_space<semaphore_mem>>)
    %dma_wait3A_83 = arith.constant 64 : i32
    %dma_wait3A_84 = tpu.memref_slice %arg12[%dma_wait3A_83] : memref<128xi32, #tpu.memory_space<vmem>> -> memref<64xi32, #tpu.memory_space<vmem>>
    %dma_wait3A_85 = arith.constant 0 : i32
    %dma_wait3A_86 = arith.constant 0 : i32
    %dma_wait3A_87 = tpu.memref_slice %arg6[%dma_wait3A_85, %dma_wait3A_86] : memref<100001x128xf32, #tpu.memory_space<hbm>> -> memref<100001x128xf32, #tpu.memory_space<hbm>>
    tpu.wait_indirect_dma semaphore(%arg19 : memref<!tpu.dma_semaphore, #tpu.memory_space<semaphore_mem>>) src(%dma_wait3A_87 : memref<100001x128xf32, #tpu.memory_space<hbm>>) dst(%arg17 : memref<64x128xf32, #tpu.memory_space<vmem>>)
    %add3A_88 = arith.constant 64 : i32
    %add3A_89 = arith.addi %mul3A_2, %add3A_88 : i32
    %dma_start3A_90 = arith.constant 0 : i32
    %dma_start3A_91 = tpu.memref_slice %arg9[%add3A_89, %dma_start3A_90] : memref<4096x128xf32, #tpu.memory_space<hbm>> -> memref<64x128xf32, #tpu.memory_space<hbm>>
    %dma_start3A_92 = arith.constant 0 : i32
    %dma_start3A_93 = tpu.memref_slice %arg9[%add3A_89, %dma_start3A_92] : memref<4096x128xf32, #tpu.memory_space<hbm>> -> memref<64x128xf32, #tpu.memory_space<hbm>>
    tpu.enqueue_dma source(%arg17 : memref<64x128xf32, #tpu.memory_space<vmem>>) target(%dma_start3A_93 : memref<64x128xf32, #tpu.memory_space<hbm>>) target_semaphore(%arg20 : memref<!tpu.dma_semaphore, #tpu.memory_space<semaphore_mem>>)
    %dma_wait3A_94 = arith.constant 0 : i32
    %dma_wait3A_95 = tpu.memref_slice %arg9[%add3A_89, %dma_wait3A_94] : memref<4096x128xf32, #tpu.memory_space<hbm>> -> memref<64x128xf32, #tpu.memory_space<hbm>>
    %dma_wait3A_96 = arith.constant 0 : i32
    %dma_wait3A_97 = tpu.memref_slice %arg9[%add3A_89, %dma_wait3A_96] : memref<4096x128xf32, #tpu.memory_space<hbm>> -> memref<64x128xf32, #tpu.memory_space<hbm>>
    tpu.wait_dma2 semaphore(%arg20 : memref<!tpu.dma_semaphore, #tpu.memory_space<semaphore_mem>>) src(%arg17 : memref<64x128xf32, #tpu.memory_space<vmem>>) dst(%dma_wait3A_97 : memref<64x128xf32, #tpu.memory_space<hbm>>)
    %dma_start3A_98 = arith.constant 64 : i32
    %dma_start3A_99 = tpu.memref_slice %arg13[%dma_start3A_98] : memref<128xi32, #tpu.memory_space<vmem>> -> memref<64xi32, #tpu.memory_space<vmem>>
    %dma_start3A_100 = arith.constant 0 : i32
    %dma_start3A_101 = arith.constant 0 : i32
    %dma_start3A_102 = tpu.memref_slice %arg7[%dma_start3A_100, %dma_start3A_101] : memref<100001x128xf32, #tpu.memory_space<hbm>> -> memref<100001x128xf32, #tpu.memory_space<hbm>>
    tpu.enqueue_indirect_dma source(%dma_start3A_102 : memref<100001x128xf32, #tpu.memory_space<hbm>>) target(%arg17 : memref<64x128xf32, #tpu.memory_space<vmem>>) offsets(%dma_start3A_99 : memref<64xi32, #tpu.memory_space<vmem>>) semaphore(%arg19 : memref<!tpu.dma_semaphore, #tpu.memory_space<semaphore_mem>>)
    %dma_wait3A_103 = arith.constant 0 : i32
    %dma_wait3A_104 = tpu.memref_slice %arg13[%dma_wait3A_103] : memref<128xi32, #tpu.memory_space<vmem>> -> memref<64xi32, #tpu.memory_space<vmem>>
    %dma_wait3A_105 = arith.constant 0 : i32
    %dma_wait3A_106 = arith.constant 0 : i32
    %dma_wait3A_107 = tpu.memref_slice %arg7[%dma_wait3A_105, %dma_wait3A_106] : memref<100001x128xf32, #tpu.memory_space<hbm>> -> memref<100001x128xf32, #tpu.memory_space<hbm>>
    tpu.wait_indirect_dma semaphore(%arg18 : memref<!tpu.dma_semaphore, #tpu.memory_space<semaphore_mem>>) src(%dma_wait3A_107 : memref<100001x128xf32, #tpu.memory_space<hbm>>) dst(%arg16 : memref<64x128xf32, #tpu.memory_space<vmem>>)
    %add3A_108 = arith.constant 0 : i32
    %add3A_109 = arith.addi %mul3A_2, %add3A_108 : i32
    %dma_start3A_110 = arith.constant 0 : i32
    %dma_start3A_111 = tpu.memref_slice %arg10[%add3A_109, %dma_start3A_110] : memref<4096x128xf32, #tpu.memory_space<hbm>> -> memref<64x128xf32, #tpu.memory_space<hbm>>
    %dma_start3A_112 = arith.constant 0 : i32
    %dma_start3A_113 = tpu.memref_slice %arg10[%add3A_109, %dma_start3A_112] : memref<4096x128xf32, #tpu.memory_space<hbm>> -> memref<64x128xf32, #tpu.memory_space<hbm>>
    tpu.enqueue_dma source(%arg16 : memref<64x128xf32, #tpu.memory_space<vmem>>) target(%dma_start3A_113 : memref<64x128xf32, #tpu.memory_space<hbm>>) target_semaphore(%arg20 : memref<!tpu.dma_semaphore, #tpu.memory_space<semaphore_mem>>)
    %dma_wait3A_114 = arith.constant 64 : i32
    %dma_wait3A_115 = tpu.memref_slice %arg13[%dma_wait3A_114] : memref<128xi32, #tpu.memory_space<vmem>> -> memref<64xi32, #tpu.memory_space<vmem>>
    %dma_wait3A_116 = arith.constant 0 : i32
    %dma_wait3A_117 = arith.constant 0 : i32
    %dma_wait3A_118 = tpu.memref_slice %arg7[%dma_wait3A_116, %dma_wait3A_117] : memref<100001x128xf32, #tpu.memory_space<hbm>> -> memref<100001x128xf32, #tpu.memory_space<hbm>>
    tpu.wait_indirect_dma semaphore(%arg19 : memref<!tpu.dma_semaphore, #tpu.memory_space<semaphore_mem>>) src(%dma_wait3A_118 : memref<100001x128xf32, #tpu.memory_space<hbm>>) dst(%arg17 : memref<64x128xf32, #tpu.memory_space<vmem>>)
    %add3A_119 = arith.constant 64 : i32
    %add3A_120 = arith.addi %mul3A_2, %add3A_119 : i32
    %dma_start3A_121 = arith.constant 0 : i32
    %dma_start3A_122 = tpu.memref_slice %arg10[%add3A_120, %dma_start3A_121] : memref<4096x128xf32, #tpu.memory_space<hbm>> -> memref<64x128xf32, #tpu.memory_space<hbm>>
    %dma_start3A_123 = arith.constant 0 : i32
    %dma_start3A_124 = tpu.memref_slice %arg10[%add3A_120, %dma_start3A_123] : memref<4096x128xf32, #tpu.memory_space<hbm>> -> memref<64x128xf32, #tpu.memory_space<hbm>>
    tpu.enqueue_dma source(%arg17 : memref<64x128xf32, #tpu.memory_space<vmem>>) target(%dma_start3A_124 : memref<64x128xf32, #tpu.memory_space<hbm>>) target_semaphore(%arg20 : memref<!tpu.dma_semaphore, #tpu.memory_space<semaphore_mem>>)
    %dma_wait3A_125 = arith.constant 0 : i32
    %dma_wait3A_126 = tpu.memref_slice %arg10[%add3A_109, %dma_wait3A_125] : memref<4096x128xf32, #tpu.memory_space<hbm>> -> memref<64x128xf32, #tpu.memory_space<hbm>>
    %dma_wait3A_127 = arith.constant 0 : i32
    %dma_wait3A_128 = tpu.memref_slice %arg10[%add3A_109, %dma_wait3A_127] : memref<4096x128xf32, #tpu.memory_space<hbm>> -> memref<64x128xf32, #tpu.memory_space<hbm>>
    tpu.wait_dma2 semaphore(%arg20 : memref<!tpu.dma_semaphore, #tpu.memory_space<semaphore_mem>>) src(%arg16 : memref<64x128xf32, #tpu.memory_space<vmem>>) dst(%dma_wait3A_128 : memref<64x128xf32, #tpu.memory_space<hbm>>)
    %dma_wait3A_129 = arith.constant 0 : i32
    %dma_wait3A_130 = tpu.memref_slice %arg10[%add3A_120, %dma_wait3A_129] : memref<4096x128xf32, #tpu.memory_space<hbm>> -> memref<64x128xf32, #tpu.memory_space<hbm>>
    %dma_wait3A_131 = arith.constant 0 : i32
    %dma_wait3A_132 = tpu.memref_slice %arg10[%add3A_120, %dma_wait3A_131] : memref<4096x128xf32, #tpu.memory_space<hbm>> -> memref<64x128xf32, #tpu.memory_space<hbm>>
    tpu.wait_dma2 semaphore(%arg20 : memref<!tpu.dma_semaphore, #tpu.memory_space<semaphore_mem>>) src(%arg17 : memref<64x128xf32, #tpu.memory_space<vmem>>) dst(%dma_wait3A_132 : memref<64x128xf32, #tpu.memory_space<hbm>>)
    return
  }
}

#map = affine_map<(d0, d1) -> (0)>
#map1 = affine_map<(d0, d1) -> (0, 0)>
module attributes {stable_mosaic.version = 14 : i64} {
  func.func @_sc_gather(%arg0: i32, %arg1: i32, %arg2: memref<2048xi32, #tpu.memory_space<hbm>>, %arg3: memref<2048xi32, #tpu.memory_space<hbm>>, %arg4: memref<2048xi32, #tpu.memory_space<hbm>>, %arg5: memref<100000x768xf32, #tpu.memory_space<hbm>>, %arg6: memref<100001x128xf32, #tpu.memory_space<hbm>>, %arg7: memref<100001x128xf32, #tpu.memory_space<hbm>>, %arg8: memref<2048x768xf32, #tpu.memory_space<hbm>>, %arg9: memref<2048x128xf32, #tpu.memory_space<hbm>>, %arg10: memref<2048x128xf32, #tpu.memory_space<hbm>>, %arg11: memref<64xi32, #tpu.memory_space<vmem>>, %arg12: memref<64xi32, #tpu.memory_space<vmem>>, %arg13: memref<64xi32, #tpu.memory_space<vmem>>, %arg14: memref<64x768xf32, #tpu.memory_space<vmem>>, %arg15: memref<64x768xf32, #tpu.memory_space<vmem>>, %arg16: memref<64x128xf32, #tpu.memory_space<vmem>>, %arg17: memref<64x128xf32, #tpu.memory_space<vmem>>, %arg18: memref<!tpu.dma_semaphore, #tpu.memory_space<semaphore_mem>>, %arg19: memref<!tpu.dma_semaphore, #tpu.memory_space<semaphore_mem>>, %arg20: memref<!tpu.dma_semaphore, #tpu.memory_space<semaphore_mem>>) attributes {dimension_semantics = [#tpu.dimension_semantics<core_parallel>, #tpu.dimension_semantics<subcore_parallel>], iteration_bounds = array<i64: 2, 16>, scalar_prefetch = 0 : i64, scratch_operands = 10 : i64, tpu.core_type = #tpu.core_type<sc_vector_subcore>, window_params = [{transform_indices = #map}, {transform_indices = #map}, {transform_indices = #map}, {transform_indices = #map1}, {transform_indices = #map1}, {transform_indices = #map1}, {transform_indices = #map1}, {transform_indices = #map1}, {transform_indices = #map1}]} {
    %mul3A = arith.constant 2 : i32
    %mul3A_0 = arith.muli %arg1, %mul3A : i32
    %add3A = arith.addi %mul3A_0, %arg0 : i32
    %mul3A_1 = arith.constant 64 : i32
    %mul3A_2 = arith.muli %add3A, %mul3A_1 : i32
    %dma_start3A = tpu.memref_slice %arg2[%mul3A_2] : memref<2048xi32, #tpu.memory_space<hbm>> -> memref<64xi32, #tpu.memory_space<hbm>>
    %dma_start3A_3 = tpu.memref_slice %arg2[%mul3A_2] : memref<2048xi32, #tpu.memory_space<hbm>> -> memref<64xi32, #tpu.memory_space<hbm>>
    tpu.enqueue_dma source(%dma_start3A_3 : memref<64xi32, #tpu.memory_space<hbm>>) target(%arg11 : memref<64xi32, #tpu.memory_space<vmem>>) target_semaphore(%arg20 : memref<!tpu.dma_semaphore, #tpu.memory_space<semaphore_mem>>)
    %dma_start3A_4 = tpu.memref_slice %arg3[%mul3A_2] : memref<2048xi32, #tpu.memory_space<hbm>> -> memref<64xi32, #tpu.memory_space<hbm>>
    %dma_start3A_5 = tpu.memref_slice %arg3[%mul3A_2] : memref<2048xi32, #tpu.memory_space<hbm>> -> memref<64xi32, #tpu.memory_space<hbm>>
    tpu.enqueue_dma source(%dma_start3A_5 : memref<64xi32, #tpu.memory_space<hbm>>) target(%arg12 : memref<64xi32, #tpu.memory_space<vmem>>) target_semaphore(%arg20 : memref<!tpu.dma_semaphore, #tpu.memory_space<semaphore_mem>>)
    %dma_start3A_6 = tpu.memref_slice %arg4[%mul3A_2] : memref<2048xi32, #tpu.memory_space<hbm>> -> memref<64xi32, #tpu.memory_space<hbm>>
    %dma_start3A_7 = tpu.memref_slice %arg4[%mul3A_2] : memref<2048xi32, #tpu.memory_space<hbm>> -> memref<64xi32, #tpu.memory_space<hbm>>
    tpu.enqueue_dma source(%dma_start3A_7 : memref<64xi32, #tpu.memory_space<hbm>>) target(%arg13 : memref<64xi32, #tpu.memory_space<vmem>>) target_semaphore(%arg20 : memref<!tpu.dma_semaphore, #tpu.memory_space<semaphore_mem>>)
    %dma_wait3A = tpu.memref_slice %arg2[%mul3A_2] : memref<2048xi32, #tpu.memory_space<hbm>> -> memref<64xi32, #tpu.memory_space<hbm>>
    %dma_wait3A_8 = tpu.memref_slice %arg2[%mul3A_2] : memref<2048xi32, #tpu.memory_space<hbm>> -> memref<64xi32, #tpu.memory_space<hbm>>
    tpu.wait_dma2 semaphore(%arg20 : memref<!tpu.dma_semaphore, #tpu.memory_space<semaphore_mem>>) src(%dma_wait3A_8 : memref<64xi32, #tpu.memory_space<hbm>>) dst(%arg11 : memref<64xi32, #tpu.memory_space<vmem>>)
    %dma_wait3A_9 = tpu.memref_slice %arg3[%mul3A_2] : memref<2048xi32, #tpu.memory_space<hbm>> -> memref<64xi32, #tpu.memory_space<hbm>>
    %dma_wait3A_10 = tpu.memref_slice %arg3[%mul3A_2] : memref<2048xi32, #tpu.memory_space<hbm>> -> memref<64xi32, #tpu.memory_space<hbm>>
    tpu.wait_dma2 semaphore(%arg20 : memref<!tpu.dma_semaphore, #tpu.memory_space<semaphore_mem>>) src(%dma_wait3A_10 : memref<64xi32, #tpu.memory_space<hbm>>) dst(%arg12 : memref<64xi32, #tpu.memory_space<vmem>>)
    %dma_wait3A_11 = tpu.memref_slice %arg4[%mul3A_2] : memref<2048xi32, #tpu.memory_space<hbm>> -> memref<64xi32, #tpu.memory_space<hbm>>
    %dma_wait3A_12 = tpu.memref_slice %arg4[%mul3A_2] : memref<2048xi32, #tpu.memory_space<hbm>> -> memref<64xi32, #tpu.memory_space<hbm>>
    tpu.wait_dma2 semaphore(%arg20 : memref<!tpu.dma_semaphore, #tpu.memory_space<semaphore_mem>>) src(%dma_wait3A_12 : memref<64xi32, #tpu.memory_space<hbm>>) dst(%arg13 : memref<64xi32, #tpu.memory_space<vmem>>)
    %dma_start3A_13 = arith.constant 0 : i32
    %dma_start3A_14 = tpu.memref_slice %arg11[%dma_start3A_13] : memref<64xi32, #tpu.memory_space<vmem>> -> memref<64xi32, #tpu.memory_space<vmem>>
    %dma_start3A_15 = arith.constant 0 : i32
    %dma_start3A_16 = arith.constant 0 : i32
    %dma_start3A_17 = tpu.memref_slice %arg5[%dma_start3A_15, %dma_start3A_16] : memref<100000x768xf32, #tpu.memory_space<hbm>> -> memref<100000x768xf32, #tpu.memory_space<hbm>>
    tpu.enqueue_indirect_dma source(%dma_start3A_17 : memref<100000x768xf32, #tpu.memory_space<hbm>>) target(%arg14 : memref<64x768xf32, #tpu.memory_space<vmem>>) offsets(%dma_start3A_14 : memref<64xi32, #tpu.memory_space<vmem>>) semaphore(%arg18 : memref<!tpu.dma_semaphore, #tpu.memory_space<semaphore_mem>>)
    %dma_start3A_18 = arith.constant 0 : i32
    %dma_start3A_19 = tpu.memref_slice %arg12[%dma_start3A_18] : memref<64xi32, #tpu.memory_space<vmem>> -> memref<64xi32, #tpu.memory_space<vmem>>
    %dma_start3A_20 = arith.constant 0 : i32
    %dma_start3A_21 = arith.constant 0 : i32
    %dma_start3A_22 = tpu.memref_slice %arg6[%dma_start3A_20, %dma_start3A_21] : memref<100001x128xf32, #tpu.memory_space<hbm>> -> memref<100001x128xf32, #tpu.memory_space<hbm>>
    tpu.enqueue_indirect_dma source(%dma_start3A_22 : memref<100001x128xf32, #tpu.memory_space<hbm>>) target(%arg16 : memref<64x128xf32, #tpu.memory_space<vmem>>) offsets(%dma_start3A_19 : memref<64xi32, #tpu.memory_space<vmem>>) semaphore(%arg19 : memref<!tpu.dma_semaphore, #tpu.memory_space<semaphore_mem>>)
    %dma_wait3A_23 = arith.constant 0 : i32
    %dma_wait3A_24 = tpu.memref_slice %arg11[%dma_wait3A_23] : memref<64xi32, #tpu.memory_space<vmem>> -> memref<64xi32, #tpu.memory_space<vmem>>
    %dma_wait3A_25 = arith.constant 0 : i32
    %dma_wait3A_26 = arith.constant 0 : i32
    %dma_wait3A_27 = tpu.memref_slice %arg5[%dma_wait3A_25, %dma_wait3A_26] : memref<100000x768xf32, #tpu.memory_space<hbm>> -> memref<100000x768xf32, #tpu.memory_space<hbm>>
    tpu.wait_indirect_dma semaphore(%arg18 : memref<!tpu.dma_semaphore, #tpu.memory_space<semaphore_mem>>) src(%dma_wait3A_27 : memref<100000x768xf32, #tpu.memory_space<hbm>>) dst(%arg14 : memref<64x768xf32, #tpu.memory_space<vmem>>)
    %add3A_28 = arith.constant 0 : i32
    %add3A_29 = arith.addi %mul3A_2, %add3A_28 : i32
    %dma_start3A_30 = arith.constant 0 : i32
    %dma_start3A_31 = tpu.memref_slice %arg8[%add3A_29, %dma_start3A_30] : memref<2048x768xf32, #tpu.memory_space<hbm>> -> memref<64x768xf32, #tpu.memory_space<hbm>>
    %dma_start3A_32 = arith.constant 0 : i32
    %dma_start3A_33 = tpu.memref_slice %arg8[%add3A_29, %dma_start3A_32] : memref<2048x768xf32, #tpu.memory_space<hbm>> -> memref<64x768xf32, #tpu.memory_space<hbm>>
    tpu.enqueue_dma source(%arg14 : memref<64x768xf32, #tpu.memory_space<vmem>>) target(%dma_start3A_33 : memref<64x768xf32, #tpu.memory_space<hbm>>) target_semaphore(%arg20 : memref<!tpu.dma_semaphore, #tpu.memory_space<semaphore_mem>>)
    %dma_wait3A_34 = arith.constant 0 : i32
    %dma_wait3A_35 = tpu.memref_slice %arg8[%add3A_29, %dma_wait3A_34] : memref<2048x768xf32, #tpu.memory_space<hbm>> -> memref<64x768xf32, #tpu.memory_space<hbm>>
    %dma_wait3A_36 = arith.constant 0 : i32
    %dma_wait3A_37 = tpu.memref_slice %arg8[%add3A_29, %dma_wait3A_36] : memref<2048x768xf32, #tpu.memory_space<hbm>> -> memref<64x768xf32, #tpu.memory_space<hbm>>
    tpu.wait_dma2 semaphore(%arg20 : memref<!tpu.dma_semaphore, #tpu.memory_space<semaphore_mem>>) src(%arg14 : memref<64x768xf32, #tpu.memory_space<vmem>>) dst(%dma_wait3A_37 : memref<64x768xf32, #tpu.memory_space<hbm>>)
    %dma_start3A_38 = arith.constant 0 : i32
    %dma_start3A_39 = tpu.memref_slice %arg13[%dma_start3A_38] : memref<64xi32, #tpu.memory_space<vmem>> -> memref<64xi32, #tpu.memory_space<vmem>>
    %dma_start3A_40 = arith.constant 0 : i32
    %dma_start3A_41 = arith.constant 0 : i32
    %dma_start3A_42 = tpu.memref_slice %arg7[%dma_start3A_40, %dma_start3A_41] : memref<100001x128xf32, #tpu.memory_space<hbm>> -> memref<100001x128xf32, #tpu.memory_space<hbm>>
    tpu.enqueue_indirect_dma source(%dma_start3A_42 : memref<100001x128xf32, #tpu.memory_space<hbm>>) target(%arg17 : memref<64x128xf32, #tpu.memory_space<vmem>>) offsets(%dma_start3A_39 : memref<64xi32, #tpu.memory_space<vmem>>) semaphore(%arg18 : memref<!tpu.dma_semaphore, #tpu.memory_space<semaphore_mem>>)
    %dma_wait3A_43 = arith.constant 0 : i32
    %dma_wait3A_44 = tpu.memref_slice %arg12[%dma_wait3A_43] : memref<64xi32, #tpu.memory_space<vmem>> -> memref<64xi32, #tpu.memory_space<vmem>>
    %dma_wait3A_45 = arith.constant 0 : i32
    %dma_wait3A_46 = arith.constant 0 : i32
    %dma_wait3A_47 = tpu.memref_slice %arg6[%dma_wait3A_45, %dma_wait3A_46] : memref<100001x128xf32, #tpu.memory_space<hbm>> -> memref<100001x128xf32, #tpu.memory_space<hbm>>
    tpu.wait_indirect_dma semaphore(%arg19 : memref<!tpu.dma_semaphore, #tpu.memory_space<semaphore_mem>>) src(%dma_wait3A_47 : memref<100001x128xf32, #tpu.memory_space<hbm>>) dst(%arg16 : memref<64x128xf32, #tpu.memory_space<vmem>>)
    %add3A_48 = arith.constant 0 : i32
    %add3A_49 = arith.addi %mul3A_2, %add3A_48 : i32
    %dma_start3A_50 = arith.constant 0 : i32
    %dma_start3A_51 = tpu.memref_slice %arg9[%add3A_49, %dma_start3A_50] : memref<2048x128xf32, #tpu.memory_space<hbm>> -> memref<64x128xf32, #tpu.memory_space<hbm>>
    %dma_start3A_52 = arith.constant 0 : i32
    %dma_start3A_53 = tpu.memref_slice %arg9[%add3A_49, %dma_start3A_52] : memref<2048x128xf32, #tpu.memory_space<hbm>> -> memref<64x128xf32, #tpu.memory_space<hbm>>
    tpu.enqueue_dma source(%arg16 : memref<64x128xf32, #tpu.memory_space<vmem>>) target(%dma_start3A_53 : memref<64x128xf32, #tpu.memory_space<hbm>>) target_semaphore(%arg20 : memref<!tpu.dma_semaphore, #tpu.memory_space<semaphore_mem>>)
    %dma_wait3A_54 = arith.constant 0 : i32
    %dma_wait3A_55 = tpu.memref_slice %arg13[%dma_wait3A_54] : memref<64xi32, #tpu.memory_space<vmem>> -> memref<64xi32, #tpu.memory_space<vmem>>
    %dma_wait3A_56 = arith.constant 0 : i32
    %dma_wait3A_57 = arith.constant 0 : i32
    %dma_wait3A_58 = tpu.memref_slice %arg7[%dma_wait3A_56, %dma_wait3A_57] : memref<100001x128xf32, #tpu.memory_space<hbm>> -> memref<100001x128xf32, #tpu.memory_space<hbm>>
    tpu.wait_indirect_dma semaphore(%arg18 : memref<!tpu.dma_semaphore, #tpu.memory_space<semaphore_mem>>) src(%dma_wait3A_58 : memref<100001x128xf32, #tpu.memory_space<hbm>>) dst(%arg17 : memref<64x128xf32, #tpu.memory_space<vmem>>)
    %add3A_59 = arith.constant 0 : i32
    %add3A_60 = arith.addi %mul3A_2, %add3A_59 : i32
    %dma_start3A_61 = arith.constant 0 : i32
    %dma_start3A_62 = tpu.memref_slice %arg10[%add3A_60, %dma_start3A_61] : memref<2048x128xf32, #tpu.memory_space<hbm>> -> memref<64x128xf32, #tpu.memory_space<hbm>>
    %dma_start3A_63 = arith.constant 0 : i32
    %dma_start3A_64 = tpu.memref_slice %arg10[%add3A_60, %dma_start3A_63] : memref<2048x128xf32, #tpu.memory_space<hbm>> -> memref<64x128xf32, #tpu.memory_space<hbm>>
    tpu.enqueue_dma source(%arg17 : memref<64x128xf32, #tpu.memory_space<vmem>>) target(%dma_start3A_64 : memref<64x128xf32, #tpu.memory_space<hbm>>) target_semaphore(%arg20 : memref<!tpu.dma_semaphore, #tpu.memory_space<semaphore_mem>>)
    %dma_wait3A_65 = arith.constant 0 : i32
    %dma_wait3A_66 = tpu.memref_slice %arg9[%add3A_49, %dma_wait3A_65] : memref<2048x128xf32, #tpu.memory_space<hbm>> -> memref<64x128xf32, #tpu.memory_space<hbm>>
    %dma_wait3A_67 = arith.constant 0 : i32
    %dma_wait3A_68 = tpu.memref_slice %arg9[%add3A_49, %dma_wait3A_67] : memref<2048x128xf32, #tpu.memory_space<hbm>> -> memref<64x128xf32, #tpu.memory_space<hbm>>
    tpu.wait_dma2 semaphore(%arg20 : memref<!tpu.dma_semaphore, #tpu.memory_space<semaphore_mem>>) src(%arg16 : memref<64x128xf32, #tpu.memory_space<vmem>>) dst(%dma_wait3A_68 : memref<64x128xf32, #tpu.memory_space<hbm>>)
    %dma_wait3A_69 = arith.constant 0 : i32
    %dma_wait3A_70 = tpu.memref_slice %arg10[%add3A_60, %dma_wait3A_69] : memref<2048x128xf32, #tpu.memory_space<hbm>> -> memref<64x128xf32, #tpu.memory_space<hbm>>
    %dma_wait3A_71 = arith.constant 0 : i32
    %dma_wait3A_72 = tpu.memref_slice %arg10[%add3A_60, %dma_wait3A_71] : memref<2048x128xf32, #tpu.memory_space<hbm>> -> memref<64x128xf32, #tpu.memory_space<hbm>>
    tpu.wait_dma2 semaphore(%arg20 : memref<!tpu.dma_semaphore, #tpu.memory_space<semaphore_mem>>) src(%arg17 : memref<64x128xf32, #tpu.memory_space<vmem>>) dst(%dma_wait3A_72 : memref<64x128xf32, #tpu.memory_space<hbm>>)
    return
  }
}

module attributes {stable_mosaic.version = 14 : i64} {
  func.func @body(%arg0: i32, %arg1: memref<1024x768xf32, #tpu.memory_space<vmem>>, %arg2: memref<1024x128xf32, #tpu.memory_space<vmem>>, %arg3: memref<1024x128xf32, #tpu.memory_space<vmem>>, %arg4: memref<768x256xf32, #tpu.memory_space<vmem>>, %arg5: memref<1x256xf32, #tpu.memory_space<vmem>>, %arg6: memref<1x256xf32, #tpu.memory_space<vmem>>, %arg7: memref<1x256xf32, #tpu.memory_space<vmem>>, %arg8: memref<128x256xf32, #tpu.memory_space<vmem>>, %arg9: memref<1x256xf32, #tpu.memory_space<vmem>>, %arg10: memref<128x256xf32, #tpu.memory_space<vmem>>, %arg11: memref<1x256xf32, #tpu.memory_space<vmem>>, %arg12: memref<256x256xf32, #tpu.memory_space<vmem>>, %arg13: memref<1x256xf32, #tpu.memory_space<vmem>>, %arg14: memref<1x256xf32, #tpu.memory_space<vmem>>, %arg15: memref<1x1xf32, #tpu.memory_space<vmem>>, %arg16: memref<16384x256xf32, #tpu.memory_space<any>>, %arg17: memref<1024x256xf32, #tpu.memory_space<vmem>>) attributes {dimension_semantics = [#tpu.dimension_semantics<arbitrary>], iteration_bounds = array<i64: 4>, scalar_prefetch = 0 : i64, scratch_operands = 0 : i64, tpu.core_type = #tpu.core_type<tc>, window_params = [{transform_indices = @transform_0, window_bounds = array<i64: 1024, 768>}, {transform_indices = @transform_1, window_bounds = array<i64: 1024, 128>}, {transform_indices = @transform_2, window_bounds = array<i64: 1024, 128>}, {pipeline_mode = #tpu.pipeline_mode<synchronous>, transform_indices = @transform_3, window_bounds = array<i64: 768, 256>}, {pipeline_mode = #tpu.pipeline_mode<synchronous>, transform_indices = @transform_4, window_bounds = array<i64: 1, 256>}, {pipeline_mode = #tpu.pipeline_mode<synchronous>, transform_indices = @transform_5, window_bounds = array<i64: 1, 256>}, {pipeline_mode = #tpu.pipeline_mode<synchronous>, transform_indices = @transform_6, window_bounds = array<i64: 1, 256>}, {pipeline_mode = #tpu.pipeline_mode<synchronous>, transform_indices = @transform_7, window_bounds = array<i64: 128, 256>}, {pipeline_mode = #tpu.pipeline_mode<synchronous>, transform_indices = @transform_8, window_bounds = array<i64: 1, 256>}, {pipeline_mode = #tpu.pipeline_mode<synchronous>, transform_indices = @transform_9, window_bounds = array<i64: 128, 256>}, {pipeline_mode = #tpu.pipeline_mode<synchronous>, transform_indices = @transform_10, window_bounds = array<i64: 1, 256>}, {pipeline_mode = #tpu.pipeline_mode<synchronous>, transform_indices = @transform_11, window_bounds = array<i64: 256, 256>}, {pipeline_mode = #tpu.pipeline_mode<synchronous>, transform_indices = @transform_12, window_bounds = array<i64: 1, 256>}, {pipeline_mode = #tpu.pipeline_mode<synchronous>, transform_indices = @transform_13, window_bounds = array<i64: 1, 256>}, {pipeline_mode = #tpu.pipeline_mode<synchronous>, transform_indices = @transform_14, window_bounds = array<i64: 1, 1>}, {}, {transform_indices = @transform_16, window_bounds = array<i64: 1024, 256>}]} {
    %get3A = arith.constant 0 : index
    %get3A_0 = arith.constant 0 : index
    %get3A_1 = vector.load %arg1[%get3A, %get3A_0] : memref<1024x768xf32, #tpu.memory_space<vmem>>, vector<1024x768xf32>
    %get3A_2 = arith.constant 0 : index
    %get3A_3 = arith.constant 0 : index
    %get3A_4 = vector.load %arg4[%get3A_2, %get3A_3] : memref<768x256xf32, #tpu.memory_space<vmem>>, vector<768x256xf32>
    %dot_general3A = arith.constant dense<0.000000e+00> : vector<1024x256xf32>
    %dot_general3A_5 = tpu.matmul %get3A_1, %get3A_4, %dot_general3A {dimension_numbers = #tpu.dot_dimension_numbers<[1], [0], [0], [1], [0, 0, 1, 1], [], []>, transpose_lhs_hint = false} : vector<1024x768xf32>, vector<768x256xf32>, vector<1024x256xf32> -> vector<1024x256xf32>
    %get3A_6 = arith.constant 0 : index
    %get3A_7 = arith.constant 0 : index
    %get3A_8 = vector.load %arg5[%get3A_6, %get3A_7] : memref<1x256xf32, #tpu.memory_space<vmem>>, vector<1x256xf32>
    %add3A = vector.broadcast %get3A_8 : vector<1x256xf32> to vector<1024x256xf32>
    %add3A_9 = arith.addf %dot_general3A_5, %add3A : vector<1024x256xf32>
    %reduce_sum3A = arith.constant dense<0.000000e+00> : vector<1024xf32>
    %reduce_sum3A_10 = vector.multi_reduction <add>, %add3A_9, %reduce_sum3A [1] : vector<1024x256xf32> to vector<1024xf32>
    %broadcast_in_dim3A = vector.shape_cast %reduce_sum3A_10 : vector<1024xf32> to vector<1024x1xf32>
    %div3A = arith.constant 2.560000e+02 : f32
    %div3A_11 = vector.broadcast %div3A : f32 to vector<1024x1xf32>
    %div3A_12 = arith.divf %broadcast_in_dim3A, %div3A_11 : vector<1024x1xf32>
    %sub3A = vector.broadcast %div3A_12 : vector<1024x1xf32> to vector<1024x256xf32>
    %sub3A_13 = arith.subf %add3A_9, %sub3A : vector<1024x256xf32>
    %integer_pow3A = arith.mulf %sub3A_13, %sub3A_13 : vector<1024x256xf32>
    %reduce_sum3A_14 = arith.constant dense<0.000000e+00> : vector<1024xf32>
    %reduce_sum3A_15 = vector.multi_reduction <add>, %integer_pow3A, %reduce_sum3A_14 [1] : vector<1024x256xf32> to vector<1024xf32>
    %broadcast_in_dim3A_16 = vector.shape_cast %reduce_sum3A_15 : vector<1024xf32> to vector<1024x1xf32>
    %div3A_17 = arith.constant 2.560000e+02 : f32
    %div3A_18 = vector.broadcast %div3A_17 : f32 to vector<1024x1xf32>
    %div3A_19 = arith.divf %broadcast_in_dim3A_16, %div3A_18 : vector<1024x1xf32>
    %sub3A_20 = vector.broadcast %div3A_12 : vector<1024x1xf32> to vector<1024x256xf32>
    %sub3A_21 = arith.subf %add3A_9, %sub3A_20 : vector<1024x256xf32>
    %add3A_22 = arith.constant 9.99999974E-6 : f32
    %add3A_23 = vector.broadcast %add3A_22 : f32 to vector<1024x1xf32>
    %add3A_24 = arith.addf %div3A_19, %add3A_23 : vector<1024x1xf32>
    %rsqrt3A = math.rsqrt %add3A_24 : vector<1024x1xf32>
    %mul3A = vector.broadcast %rsqrt3A : vector<1024x1xf32> to vector<1024x256xf32>
    %mul3A_25 = arith.mulf %sub3A_21, %mul3A : vector<1024x256xf32>
    %get3A_26 = arith.constant 0 : index
    %get3A_27 = arith.constant 0 : index
    %get3A_28 = vector.load %arg6[%get3A_26, %get3A_27] : memref<1x256xf32, #tpu.memory_space<vmem>>, vector<1x256xf32>
    %mul3A_29 = vector.broadcast %get3A_28 : vector<1x256xf32> to vector<1024x256xf32>
    %mul3A_30 = arith.mulf %mul3A_25, %mul3A_29 : vector<1024x256xf32>
    %get3A_31 = arith.constant 0 : index
    %get3A_32 = arith.constant 0 : index
    %get3A_33 = vector.load %arg7[%get3A_31, %get3A_32] : memref<1x256xf32, #tpu.memory_space<vmem>>, vector<1x256xf32>
    %add3A_34 = vector.broadcast %get3A_33 : vector<1x256xf32> to vector<1024x256xf32>
    %add3A_35 = arith.addf %mul3A_30, %add3A_34 : vector<1024x256xf32>
    %logistic3A = arith.negf %add3A_35 : vector<1024x256xf32>
    %logistic3A_36 = math.exp %logistic3A : vector<1024x256xf32>
    %logistic3A_37 = arith.constant 1.000000e+00 : f32
    %logistic3A_38 = vector.broadcast %logistic3A_37 : f32 to vector<1024x256xf32>
    %logistic3A_39 = arith.addf %logistic3A_38, %logistic3A_36 : vector<1024x256xf32>
    %logistic3A_40 = arith.divf %logistic3A_38, %logistic3A_39 : vector<1024x256xf32>
    %mul3A_41 = arith.mulf %add3A_35, %logistic3A_40 : vector<1024x256xf32>
    %get3A_42 = arith.constant 0 : index
    %get3A_43 = arith.constant 0 : index
    %get3A_44 = vector.load %arg2[%get3A_42, %get3A_43] : memref<1024x128xf32, #tpu.memory_space<vmem>>, vector<1024x128xf32>
    %get3A_45 = arith.constant 0 : index
    %get3A_46 = arith.constant 0 : index
    %get3A_47 = vector.load %arg8[%get3A_45, %get3A_46] : memref<128x256xf32, #tpu.memory_space<vmem>>, vector<128x256xf32>
    %dot_general3A_48 = arith.constant dense<0.000000e+00> : vector<1024x256xf32>
    %dot_general3A_49 = tpu.matmul %get3A_44, %get3A_47, %dot_general3A_48 {dimension_numbers = #tpu.dot_dimension_numbers<[1], [0], [0], [1], [0, 0, 1, 1], [], []>, transpose_lhs_hint = false} : vector<1024x128xf32>, vector<128x256xf32>, vector<1024x256xf32> -> vector<1024x256xf32>
    %get3A_50 = arith.constant 0 : index
    %get3A_51 = arith.constant 0 : index
    %get3A_52 = vector.load %arg9[%get3A_50, %get3A_51] : memref<1x256xf32, #tpu.memory_space<vmem>>, vector<1x256xf32>
    %add3A_53 = vector.broadcast %get3A_52 : vector<1x256xf32> to vector<1024x256xf32>
    %add3A_54 = arith.addf %dot_general3A_49, %add3A_53 : vector<1024x256xf32>
    %get3A_55 = arith.constant 0 : index
    %get3A_56 = arith.constant 0 : index
    %get3A_57 = vector.load %arg3[%get3A_55, %get3A_56] : memref<1024x128xf32, #tpu.memory_space<vmem>>, vector<1024x128xf32>
    %get3A_58 = arith.constant 0 : index
    %get3A_59 = arith.constant 0 : index
    %get3A_60 = vector.load %arg10[%get3A_58, %get3A_59] : memref<128x256xf32, #tpu.memory_space<vmem>>, vector<128x256xf32>
    %dot_general3A_61 = arith.constant dense<0.000000e+00> : vector<1024x256xf32>
    %dot_general3A_62 = tpu.matmul %get3A_57, %get3A_60, %dot_general3A_61 {dimension_numbers = #tpu.dot_dimension_numbers<[1], [0], [0], [1], [0, 0, 1, 1], [], []>, transpose_lhs_hint = false} : vector<1024x128xf32>, vector<128x256xf32>, vector<1024x256xf32> -> vector<1024x256xf32>
    %get3A_63 = arith.constant 0 : index
    %get3A_64 = arith.constant 0 : index
    %get3A_65 = vector.load %arg11[%get3A_63, %get3A_64] : memref<1x256xf32, #tpu.memory_space<vmem>>, vector<1x256xf32>
    %add3A_66 = vector.broadcast %get3A_65 : vector<1x256xf32> to vector<1024x256xf32>
    %add3A_67 = arith.addf %dot_general3A_62, %add3A_66 : vector<1024x256xf32>
    %get3A_68 = arith.constant 0 : index
    %get3A_69 = arith.constant 0 : index
    %get3A_70 = vector.load %arg12[%get3A_68, %get3A_69] : memref<256x256xf32, #tpu.memory_space<vmem>>, vector<256x256xf32>
    %get3A_71 = arith.constant 0 : index
    %get3A_72 = arith.constant 0 : index
    %get3A_73 = vector.load %arg13[%get3A_71, %get3A_72] : memref<1x256xf32, #tpu.memory_space<vmem>>, vector<1x256xf32>
    %get3A_74 = arith.constant 0 : index
    %get3A_75 = arith.constant 0 : index
    %get3A_76 = vector.load %arg14[%get3A_74, %get3A_75] : memref<1x256xf32, #tpu.memory_space<vmem>>, vector<1x256xf32>
    %get3A_77 = arith.constant 0 : index
    %get3A_78 = arith.constant 0 : index
    %get3A_79 = vector.load %arg15[%get3A_77, %get3A_78] : memref<1x1xf32, #tpu.memory_space<vmem>>, vector<1x1xf32>
    %get3A_80 = vector.extract %get3A_79[0, 0] : f32 from vector<1x1xf32>
    %dot_general3A_81 = arith.constant dense<0.000000e+00> : vector<1024x256xf32>
    %dot_general3A_82 = tpu.matmul %mul3A_41, %get3A_70, %dot_general3A_81 {dimension_numbers = #tpu.dot_dimension_numbers<[1], [0], [0], [1], [0, 0, 1, 1], [], []>, transpose_lhs_hint = false} : vector<1024x256xf32>, vector<256x256xf32>, vector<1024x256xf32> -> vector<1024x256xf32>
    %add3A_83 = vector.broadcast %get3A_73 : vector<1x256xf32> to vector<1024x256xf32>
    %add3A_84 = arith.addf %dot_general3A_82, %add3A_83 : vector<1024x256xf32>
    %tanh3A = math.tanh %add3A_84 : vector<1024x256xf32>
    %mul3A_85 = vector.broadcast %get3A_76 : vector<1x256xf32> to vector<1024x256xf32>
    %mul3A_86 = arith.mulf %tanh3A, %mul3A_85 : vector<1024x256xf32>
    %reduce_sum3A_87 = arith.constant dense<0.000000e+00> : vector<1024xf32>
    %reduce_sum3A_88 = vector.multi_reduction <add>, %mul3A_86, %reduce_sum3A_87 [1] : vector<1024x256xf32> to vector<1024xf32>
    %broadcast_in_dim3A_89 = vector.shape_cast %reduce_sum3A_88 : vector<1024xf32> to vector<1024x1xf32>
    %add3A_90 = vector.broadcast %get3A_80 : f32 to vector<1024x1xf32>
    %add3A_91 = arith.addf %broadcast_in_dim3A_89, %add3A_90 : vector<1024x1xf32>
    %exp3A = math.exp %add3A_91 : vector<1024x1xf32>
    %dot_general3A_92 = arith.constant dense<0.000000e+00> : vector<1024x256xf32>
    %dot_general3A_93 = tpu.matmul %add3A_54, %get3A_70, %dot_general3A_92 {dimension_numbers = #tpu.dot_dimension_numbers<[1], [0], [0], [1], [0, 0, 1, 1], [], []>, transpose_lhs_hint = false} : vector<1024x256xf32>, vector<256x256xf32>, vector<1024x256xf32> -> vector<1024x256xf32>
    %add3A_94 = vector.broadcast %get3A_73 : vector<1x256xf32> to vector<1024x256xf32>
    %add3A_95 = arith.addf %dot_general3A_93, %add3A_94 : vector<1024x256xf32>
    %tanh3A_96 = math.tanh %add3A_95 : vector<1024x256xf32>
    %mul3A_97 = vector.broadcast %get3A_76 : vector<1x256xf32> to vector<1024x256xf32>
    %mul3A_98 = arith.mulf %tanh3A_96, %mul3A_97 : vector<1024x256xf32>
    %reduce_sum3A_99 = arith.constant dense<0.000000e+00> : vector<1024xf32>
    %reduce_sum3A_100 = vector.multi_reduction <add>, %mul3A_98, %reduce_sum3A_99 [1] : vector<1024x256xf32> to vector<1024xf32>
    %broadcast_in_dim3A_101 = vector.shape_cast %reduce_sum3A_100 : vector<1024xf32> to vector<1024x1xf32>
    %add3A_102 = vector.broadcast %get3A_80 : f32 to vector<1024x1xf32>
    %add3A_103 = arith.addf %broadcast_in_dim3A_101, %add3A_102 : vector<1024x1xf32>
    %exp3A_104 = math.exp %add3A_103 : vector<1024x1xf32>
    %dot_general3A_105 = arith.constant dense<0.000000e+00> : vector<1024x256xf32>
    %dot_general3A_106 = tpu.matmul %add3A_67, %get3A_70, %dot_general3A_105 {dimension_numbers = #tpu.dot_dimension_numbers<[1], [0], [0], [1], [0, 0, 1, 1], [], []>, transpose_lhs_hint = false} : vector<1024x256xf32>, vector<256x256xf32>, vector<1024x256xf32> -> vector<1024x256xf32>
    %add3A_107 = vector.broadcast %get3A_73 : vector<1x256xf32> to vector<1024x256xf32>
    %add3A_108 = arith.addf %dot_general3A_106, %add3A_107 : vector<1024x256xf32>
    %tanh3A_109 = math.tanh %add3A_108 : vector<1024x256xf32>
    %mul3A_110 = vector.broadcast %get3A_76 : vector<1x256xf32> to vector<1024x256xf32>
    %mul3A_111 = arith.mulf %tanh3A_109, %mul3A_110 : vector<1024x256xf32>
    %reduce_sum3A_112 = arith.constant dense<0.000000e+00> : vector<1024xf32>
    %reduce_sum3A_113 = vector.multi_reduction <add>, %mul3A_111, %reduce_sum3A_112 [1] : vector<1024x256xf32> to vector<1024xf32>
    %broadcast_in_dim3A_114 = vector.shape_cast %reduce_sum3A_113 : vector<1024xf32> to vector<1024x1xf32>
    %add3A_115 = vector.broadcast %get3A_80 : f32 to vector<1024x1xf32>
    %add3A_116 = arith.addf %broadcast_in_dim3A_114, %add3A_115 : vector<1024x1xf32>
    %exp3A_117 = math.exp %add3A_116 : vector<1024x1xf32>
    %add3A_118 = arith.addf %exp3A, %exp3A_104 : vector<1024x1xf32>
    %add3A_119 = arith.addf %add3A_118, %exp3A_117 : vector<1024x1xf32>
    %add3A_120 = arith.constant 9.99999993E-9 : f32
    %add3A_121 = vector.broadcast %add3A_120 : f32 to vector<1024x1xf32>
    %add3A_122 = arith.addf %add3A_119, %add3A_121 : vector<1024x1xf32>
    %mul3A_123 = vector.broadcast %exp3A : vector<1024x1xf32> to vector<1024x256xf32>
    %mul3A_124 = arith.mulf %mul3A_41, %mul3A_123 : vector<1024x256xf32>
    %mul3A_125 = vector.broadcast %exp3A_104 : vector<1024x1xf32> to vector<1024x256xf32>
    %mul3A_126 = arith.mulf %add3A_54, %mul3A_125 : vector<1024x256xf32>
    %add3A_127 = arith.addf %mul3A_124, %mul3A_126 : vector<1024x256xf32>
    %mul3A_128 = vector.broadcast %exp3A_117 : vector<1024x1xf32> to vector<1024x256xf32>
    %mul3A_129 = arith.mulf %add3A_67, %mul3A_128 : vector<1024x256xf32>
    %add3A_130 = arith.addf %add3A_127, %mul3A_129 : vector<1024x256xf32>
    %div3A_131 = vector.broadcast %add3A_122 : vector<1024x1xf32> to vector<1024x256xf32>
    %div3A_132 = arith.divf %add3A_130, %div3A_131 : vector<1024x256xf32>
    %swap3A = arith.constant 0 : index
    %swap3A_133 = arith.constant 0 : index
    %swap3A_134 = vector.load %arg17[%swap3A, %swap3A_133] : memref<1024x256xf32, #tpu.memory_space<vmem>>, vector<1024x256xf32>
    tpu.vector_store %arg17[%swap3A, %swap3A_133], %div3A_132 {strides = array<i32>} : memref<1024x256xf32, #tpu.memory_space<vmem>>, vector<1024x256xf32>,
    return
  }
  func.func @transform_0(%arg0: i32) -> (i32, i32) {
    %c0_i32 = arith.constant 0 : i32
    %c0_i32_0 = arith.constant 0 : i32
    return %arg0, %c0_i32 : i32, i32
  }
  func.func @transform_1(%arg0: i32) -> (i32, i32) {
    %c0_i32 = arith.constant 0 : i32
    %c0_i32_0 = arith.constant 0 : i32
    return %arg0, %c0_i32 : i32, i32
  }
  func.func @transform_2(%arg0: i32) -> (i32, i32) {
    %c0_i32 = arith.constant 0 : i32
    %c0_i32_0 = arith.constant 0 : i32
    return %arg0, %c0_i32 : i32, i32
  }
  func.func @transform_3(%arg0: i32) -> (i32, i32) {
    %c0_i32 = arith.constant 0 : i32
    %c0_i32_0 = arith.constant 0 : i32
    %c0_i32_1 = arith.constant 0 : i32
    return %c0_i32, %c0_i32_0 : i32, i32
  }
  func.func @transform_4(%arg0: i32) -> (i32, i32) {
    %c0_i32 = arith.constant 0 : i32
    %c0_i32_0 = arith.constant 0 : i32
    %c0_i32_1 = arith.constant 0 : i32
    return %c0_i32, %c0_i32_0 : i32, i32
  }
  func.func @transform_5(%arg0: i32) -> (i32, i32) {
    %c0_i32 = arith.constant 0 : i32
    %c0_i32_0 = arith.constant 0 : i32
    %c0_i32_1 = arith.constant 0 : i32
    return %c0_i32, %c0_i32_0 : i32, i32
  }
  func.func @transform_6(%arg0: i32) -> (i32, i32) {
    %c0_i32 = arith.constant 0 : i32
    %c0_i32_0 = arith.constant 0 : i32
    %c0_i32_1 = arith.constant 0 : i32
    return %c0_i32, %c0_i32_0 : i32, i32
  }
  func.func @transform_7(%arg0: i32) -> (i32, i32) {
    %c0_i32 = arith.constant 0 : i32
    %c0_i32_0 = arith.constant 0 : i32
    %c0_i32_1 = arith.constant 0 : i32
    return %c0_i32, %c0_i32_0 : i32, i32
  }
  func.func @transform_8(%arg0: i32) -> (i32, i32) {
    %c0_i32 = arith.constant 0 : i32
    %c0_i32_0 = arith.constant 0 : i32
    %c0_i32_1 = arith.constant 0 : i32
    return %c0_i32, %c0_i32_0 : i32, i32
  }
  func.func @transform_9(%arg0: i32) -> (i32, i32) {
    %c0_i32 = arith.constant 0 : i32
    %c0_i32_0 = arith.constant 0 : i32
    %c0_i32_1 = arith.constant 0 : i32
    return %c0_i32, %c0_i32_0 : i32, i32
  }
  func.func @transform_10(%arg0: i32) -> (i32, i32) {
    %c0_i32 = arith.constant 0 : i32
    %c0_i32_0 = arith.constant 0 : i32
    %c0_i32_1 = arith.constant 0 : i32
    return %c0_i32, %c0_i32_0 : i32, i32
  }
  func.func @transform_11(%arg0: i32) -> (i32, i32) {
    %c0_i32 = arith.constant 0 : i32
    %c0_i32_0 = arith.constant 0 : i32
    %c0_i32_1 = arith.constant 0 : i32
    return %c0_i32, %c0_i32_0 : i32, i32
  }
  func.func @transform_12(%arg0: i32) -> (i32, i32) {
    %c0_i32 = arith.constant 0 : i32
    %c0_i32_0 = arith.constant 0 : i32
    %c0_i32_1 = arith.constant 0 : i32
    return %c0_i32, %c0_i32_0 : i32, i32
  }
  func.func @transform_13(%arg0: i32) -> (i32, i32) {
    %c0_i32 = arith.constant 0 : i32
    %c0_i32_0 = arith.constant 0 : i32
    %c0_i32_1 = arith.constant 0 : i32
    return %c0_i32, %c0_i32_0 : i32, i32
  }
  func.func @transform_14(%arg0: i32) -> (i32, i32) {
    %c0_i32 = arith.constant 0 : i32
    %c0_i32_0 = arith.constant 0 : i32
    %c0_i32_1 = arith.constant 0 : i32
    return %c0_i32, %c0_i32_0 : i32, i32
  }
  func.func @transform_16(%arg0: i32) -> (i32, i32) {
    %add3A = arith.constant 4 : i32
    %add3A_0 = arith.addi %arg0, %add3A : i32
    %c0_i32 = arith.constant 0 : i32
    %c0_i32_1 = arith.constant 0 : i32
    return %add3A_0, %c0_i32 : i32, i32
  }
}

module attributes {stable_mosaic.version = 14 : i64} {
  func.func @body(%arg0: i32, %arg1: memref<1024x768xf32, #tpu.memory_space<vmem>>, %arg2: memref<1024x128xf32, #tpu.memory_space<vmem>>, %arg3: memref<1024x128xf32, #tpu.memory_space<vmem>>, %arg4: memref<768x256xf32, #tpu.memory_space<vmem>>, %arg5: memref<1x256xf32, #tpu.memory_space<vmem>>, %arg6: memref<1x256xf32, #tpu.memory_space<vmem>>, %arg7: memref<1x256xf32, #tpu.memory_space<vmem>>, %arg8: memref<128x256xf32, #tpu.memory_space<vmem>>, %arg9: memref<1x256xf32, #tpu.memory_space<vmem>>, %arg10: memref<128x256xf32, #tpu.memory_space<vmem>>, %arg11: memref<1x256xf32, #tpu.memory_space<vmem>>, %arg12: memref<256x256xf32, #tpu.memory_space<vmem>>, %arg13: memref<1x256xf32, #tpu.memory_space<vmem>>, %arg14: memref<1x256xf32, #tpu.memory_space<vmem>>, %arg15: memref<1x1xf32, #tpu.memory_space<vmem>>, %arg16: memref<1024x256xf32, #tpu.memory_space<vmem>>) attributes {dimension_semantics = [#tpu.dimension_semantics<arbitrary>], iteration_bounds = array<i64: 4>, scalar_prefetch = 0 : i64, scratch_operands = 0 : i64, tpu.core_type = #tpu.core_type<tc>, window_params = [{transform_indices = @transform_0, window_bounds = array<i64: 1024, 768>}, {transform_indices = @transform_1, window_bounds = array<i64: 1024, 128>}, {transform_indices = @transform_2, window_bounds = array<i64: 1024, 128>}, {pipeline_mode = #tpu.pipeline_mode<synchronous>, transform_indices = @transform_3, window_bounds = array<i64: 768, 256>}, {pipeline_mode = #tpu.pipeline_mode<synchronous>, transform_indices = @transform_4, window_bounds = array<i64: 1, 256>}, {pipeline_mode = #tpu.pipeline_mode<synchronous>, transform_indices = @transform_5, window_bounds = array<i64: 1, 256>}, {pipeline_mode = #tpu.pipeline_mode<synchronous>, transform_indices = @transform_6, window_bounds = array<i64: 1, 256>}, {pipeline_mode = #tpu.pipeline_mode<synchronous>, transform_indices = @transform_7, window_bounds = array<i64: 128, 256>}, {pipeline_mode = #tpu.pipeline_mode<synchronous>, transform_indices = @transform_8, window_bounds = array<i64: 1, 256>}, {pipeline_mode = #tpu.pipeline_mode<synchronous>, transform_indices = @transform_9, window_bounds = array<i64: 128, 256>}, {pipeline_mode = #tpu.pipeline_mode<synchronous>, transform_indices = @transform_10, window_bounds = array<i64: 1, 256>}, {pipeline_mode = #tpu.pipeline_mode<synchronous>, transform_indices = @transform_11, window_bounds = array<i64: 256, 256>}, {pipeline_mode = #tpu.pipeline_mode<synchronous>, transform_indices = @transform_12, window_bounds = array<i64: 1, 256>}, {pipeline_mode = #tpu.pipeline_mode<synchronous>, transform_indices = @transform_13, window_bounds = array<i64: 1, 256>}, {pipeline_mode = #tpu.pipeline_mode<synchronous>, transform_indices = @transform_14, window_bounds = array<i64: 1, 1>}, {transform_indices = @transform_15, window_bounds = array<i64: 1024, 256>}]} {
    %get3A = arith.constant 0 : index
    %get3A_0 = arith.constant 0 : index
    %get3A_1 = vector.load %arg1[%get3A, %get3A_0] : memref<1024x768xf32, #tpu.memory_space<vmem>>, vector<1024x768xf32>
    %get3A_2 = arith.constant 0 : index
    %get3A_3 = arith.constant 0 : index
    %get3A_4 = vector.load %arg4[%get3A_2, %get3A_3] : memref<768x256xf32, #tpu.memory_space<vmem>>, vector<768x256xf32>
    %dot_general3A = arith.constant dense<0.000000e+00> : vector<1024x256xf32>
    %dot_general3A_5 = tpu.matmul %get3A_1, %get3A_4, %dot_general3A {dimension_numbers = #tpu.dot_dimension_numbers<[1], [0], [0], [1], [0, 0, 1, 1], [], []>, transpose_lhs_hint = false} : vector<1024x768xf32>, vector<768x256xf32>, vector<1024x256xf32> -> vector<1024x256xf32>
    %get3A_6 = arith.constant 0 : index
    %get3A_7 = arith.constant 0 : index
    %get3A_8 = vector.load %arg5[%get3A_6, %get3A_7] : memref<1x256xf32, #tpu.memory_space<vmem>>, vector<1x256xf32>
    %add3A = vector.broadcast %get3A_8 : vector<1x256xf32> to vector<1024x256xf32>
    %add3A_9 = arith.addf %dot_general3A_5, %add3A : vector<1024x256xf32>
    %reduce_sum3A = arith.constant dense<0.000000e+00> : vector<1024xf32>
    %reduce_sum3A_10 = vector.multi_reduction <add>, %add3A_9, %reduce_sum3A [1] : vector<1024x256xf32> to vector<1024xf32>
    %broadcast_in_dim3A = vector.shape_cast %reduce_sum3A_10 : vector<1024xf32> to vector<1024x1xf32>
    %div3A = arith.constant 2.560000e+02 : f32
    %div3A_11 = vector.broadcast %div3A : f32 to vector<1024x1xf32>
    %div3A_12 = arith.divf %broadcast_in_dim3A, %div3A_11 : vector<1024x1xf32>
    %sub3A = vector.broadcast %div3A_12 : vector<1024x1xf32> to vector<1024x256xf32>
    %sub3A_13 = arith.subf %add3A_9, %sub3A : vector<1024x256xf32>
    %integer_pow3A = arith.mulf %sub3A_13, %sub3A_13 : vector<1024x256xf32>
    %reduce_sum3A_14 = arith.constant dense<0.000000e+00> : vector<1024xf32>
    %reduce_sum3A_15 = vector.multi_reduction <add>, %integer_pow3A, %reduce_sum3A_14 [1] : vector<1024x256xf32> to vector<1024xf32>
    %broadcast_in_dim3A_16 = vector.shape_cast %reduce_sum3A_15 : vector<1024xf32> to vector<1024x1xf32>
    %div3A_17 = arith.constant 2.560000e+02 : f32
    %div3A_18 = vector.broadcast %div3A_17 : f32 to vector<1024x1xf32>
    %div3A_19 = arith.divf %broadcast_in_dim3A_16, %div3A_18 : vector<1024x1xf32>
    %sub3A_20 = vector.broadcast %div3A_12 : vector<1024x1xf32> to vector<1024x256xf32>
    %sub3A_21 = arith.subf %add3A_9, %sub3A_20 : vector<1024x256xf32>
    %add3A_22 = arith.constant 9.99999974E-6 : f32
    %add3A_23 = vector.broadcast %add3A_22 : f32 to vector<1024x1xf32>
    %add3A_24 = arith.addf %div3A_19, %add3A_23 : vector<1024x1xf32>
    %rsqrt3A = math.rsqrt %add3A_24 : vector<1024x1xf32>
    %mul3A = vector.broadcast %rsqrt3A : vector<1024x1xf32> to vector<1024x256xf32>
    %mul3A_25 = arith.mulf %sub3A_21, %mul3A : vector<1024x256xf32>
    %get3A_26 = arith.constant 0 : index
    %get3A_27 = arith.constant 0 : index
    %get3A_28 = vector.load %arg6[%get3A_26, %get3A_27] : memref<1x256xf32, #tpu.memory_space<vmem>>, vector<1x256xf32>
    %mul3A_29 = vector.broadcast %get3A_28 : vector<1x256xf32> to vector<1024x256xf32>
    %mul3A_30 = arith.mulf %mul3A_25, %mul3A_29 : vector<1024x256xf32>
    %get3A_31 = arith.constant 0 : index
    %get3A_32 = arith.constant 0 : index
    %get3A_33 = vector.load %arg7[%get3A_31, %get3A_32] : memref<1x256xf32, #tpu.memory_space<vmem>>, vector<1x256xf32>
    %add3A_34 = vector.broadcast %get3A_33 : vector<1x256xf32> to vector<1024x256xf32>
    %add3A_35 = arith.addf %mul3A_30, %add3A_34 : vector<1024x256xf32>
    %logistic3A = arith.negf %add3A_35 : vector<1024x256xf32>
    %logistic3A_36 = math.exp %logistic3A : vector<1024x256xf32>
    %logistic3A_37 = arith.constant 1.000000e+00 : f32
    %logistic3A_38 = vector.broadcast %logistic3A_37 : f32 to vector<1024x256xf32>
    %logistic3A_39 = arith.addf %logistic3A_38, %logistic3A_36 : vector<1024x256xf32>
    %logistic3A_40 = arith.divf %logistic3A_38, %logistic3A_39 : vector<1024x256xf32>
    %mul3A_41 = arith.mulf %add3A_35, %logistic3A_40 : vector<1024x256xf32>
    %get3A_42 = arith.constant 0 : index
    %get3A_43 = arith.constant 0 : index
    %get3A_44 = vector.load %arg2[%get3A_42, %get3A_43] : memref<1024x128xf32, #tpu.memory_space<vmem>>, vector<1024x128xf32>
    %get3A_45 = arith.constant 0 : index
    %get3A_46 = arith.constant 0 : index
    %get3A_47 = vector.load %arg8[%get3A_45, %get3A_46] : memref<128x256xf32, #tpu.memory_space<vmem>>, vector<128x256xf32>
    %dot_general3A_48 = arith.constant dense<0.000000e+00> : vector<1024x256xf32>
    %dot_general3A_49 = tpu.matmul %get3A_44, %get3A_47, %dot_general3A_48 {dimension_numbers = #tpu.dot_dimension_numbers<[1], [0], [0], [1], [0, 0, 1, 1], [], []>, transpose_lhs_hint = false} : vector<1024x128xf32>, vector<128x256xf32>, vector<1024x256xf32> -> vector<1024x256xf32>
    %get3A_50 = arith.constant 0 : index
    %get3A_51 = arith.constant 0 : index
    %get3A_52 = vector.load %arg9[%get3A_50, %get3A_51] : memref<1x256xf32, #tpu.memory_space<vmem>>, vector<1x256xf32>
    %add3A_53 = vector.broadcast %get3A_52 : vector<1x256xf32> to vector<1024x256xf32>
    %add3A_54 = arith.addf %dot_general3A_49, %add3A_53 : vector<1024x256xf32>
    %get3A_55 = arith.constant 0 : index
    %get3A_56 = arith.constant 0 : index
    %get3A_57 = vector.load %arg3[%get3A_55, %get3A_56] : memref<1024x128xf32, #tpu.memory_space<vmem>>, vector<1024x128xf32>
    %get3A_58 = arith.constant 0 : index
    %get3A_59 = arith.constant 0 : index
    %get3A_60 = vector.load %arg10[%get3A_58, %get3A_59] : memref<128x256xf32, #tpu.memory_space<vmem>>, vector<128x256xf32>
    %dot_general3A_61 = arith.constant dense<0.000000e+00> : vector<1024x256xf32>
    %dot_general3A_62 = tpu.matmul %get3A_57, %get3A_60, %dot_general3A_61 {dimension_numbers = #tpu.dot_dimension_numbers<[1], [0], [0], [1], [0, 0, 1, 1], [], []>, transpose_lhs_hint = false} : vector<1024x128xf32>, vector<128x256xf32>, vector<1024x256xf32> -> vector<1024x256xf32>
    %get3A_63 = arith.constant 0 : index
    %get3A_64 = arith.constant 0 : index
    %get3A_65 = vector.load %arg11[%get3A_63, %get3A_64] : memref<1x256xf32, #tpu.memory_space<vmem>>, vector<1x256xf32>
    %add3A_66 = vector.broadcast %get3A_65 : vector<1x256xf32> to vector<1024x256xf32>
    %add3A_67 = arith.addf %dot_general3A_62, %add3A_66 : vector<1024x256xf32>
    %get3A_68 = arith.constant 0 : index
    %get3A_69 = arith.constant 0 : index
    %get3A_70 = vector.load %arg12[%get3A_68, %get3A_69] : memref<256x256xf32, #tpu.memory_space<vmem>>, vector<256x256xf32>
    %get3A_71 = arith.constant 0 : index
    %get3A_72 = arith.constant 0 : index
    %get3A_73 = vector.load %arg13[%get3A_71, %get3A_72] : memref<1x256xf32, #tpu.memory_space<vmem>>, vector<1x256xf32>
    %get3A_74 = arith.constant 0 : index
    %get3A_75 = arith.constant 0 : index
    %get3A_76 = vector.load %arg14[%get3A_74, %get3A_75] : memref<1x256xf32, #tpu.memory_space<vmem>>, vector<1x256xf32>
    %get3A_77 = arith.constant 0 : index
    %get3A_78 = arith.constant 0 : index
    %get3A_79 = vector.load %arg15[%get3A_77, %get3A_78] : memref<1x1xf32, #tpu.memory_space<vmem>>, vector<1x1xf32>
    %get3A_80 = vector.extract %get3A_79[0, 0] : f32 from vector<1x1xf32>
    %dot_general3A_81 = arith.constant dense<0.000000e+00> : vector<1024x256xf32>
    %dot_general3A_82 = tpu.matmul %mul3A_41, %get3A_70, %dot_general3A_81 {dimension_numbers = #tpu.dot_dimension_numbers<[1], [0], [0], [1], [0, 0, 1, 1], [], []>, transpose_lhs_hint = false} : vector<1024x256xf32>, vector<256x256xf32>, vector<1024x256xf32> -> vector<1024x256xf32>
    %add3A_83 = vector.broadcast %get3A_73 : vector<1x256xf32> to vector<1024x256xf32>
    %add3A_84 = arith.addf %dot_general3A_82, %add3A_83 : vector<1024x256xf32>
    %tanh3A = math.tanh %add3A_84 : vector<1024x256xf32>
    %mul3A_85 = vector.broadcast %get3A_76 : vector<1x256xf32> to vector<1024x256xf32>
    %mul3A_86 = arith.mulf %tanh3A, %mul3A_85 : vector<1024x256xf32>
    %reduce_sum3A_87 = arith.constant dense<0.000000e+00> : vector<1024xf32>
    %reduce_sum3A_88 = vector.multi_reduction <add>, %mul3A_86, %reduce_sum3A_87 [1] : vector<1024x256xf32> to vector<1024xf32>
    %broadcast_in_dim3A_89 = vector.shape_cast %reduce_sum3A_88 : vector<1024xf32> to vector<1024x1xf32>
    %add3A_90 = vector.broadcast %get3A_80 : f32 to vector<1024x1xf32>
    %add3A_91 = arith.addf %broadcast_in_dim3A_89, %add3A_90 : vector<1024x1xf32>
    %exp3A = math.exp %add3A_91 : vector<1024x1xf32>
    %dot_general3A_92 = arith.constant dense<0.000000e+00> : vector<1024x256xf32>
    %dot_general3A_93 = tpu.matmul %add3A_54, %get3A_70, %dot_general3A_92 {dimension_numbers = #tpu.dot_dimension_numbers<[1], [0], [0], [1], [0, 0, 1, 1], [], []>, transpose_lhs_hint = false} : vector<1024x256xf32>, vector<256x256xf32>, vector<1024x256xf32> -> vector<1024x256xf32>
    %add3A_94 = vector.broadcast %get3A_73 : vector<1x256xf32> to vector<1024x256xf32>
    %add3A_95 = arith.addf %dot_general3A_93, %add3A_94 : vector<1024x256xf32>
    %tanh3A_96 = math.tanh %add3A_95 : vector<1024x256xf32>
    %mul3A_97 = vector.broadcast %get3A_76 : vector<1x256xf32> to vector<1024x256xf32>
    %mul3A_98 = arith.mulf %tanh3A_96, %mul3A_97 : vector<1024x256xf32>
    %reduce_sum3A_99 = arith.constant dense<0.000000e+00> : vector<1024xf32>
    %reduce_sum3A_100 = vector.multi_reduction <add>, %mul3A_98, %reduce_sum3A_99 [1] : vector<1024x256xf32> to vector<1024xf32>
    %broadcast_in_dim3A_101 = vector.shape_cast %reduce_sum3A_100 : vector<1024xf32> to vector<1024x1xf32>
    %add3A_102 = vector.broadcast %get3A_80 : f32 to vector<1024x1xf32>
    %add3A_103 = arith.addf %broadcast_in_dim3A_101, %add3A_102 : vector<1024x1xf32>
    %exp3A_104 = math.exp %add3A_103 : vector<1024x1xf32>
    %dot_general3A_105 = arith.constant dense<0.000000e+00> : vector<1024x256xf32>
    %dot_general3A_106 = tpu.matmul %add3A_67, %get3A_70, %dot_general3A_105 {dimension_numbers = #tpu.dot_dimension_numbers<[1], [0], [0], [1], [0, 0, 1, 1], [], []>, transpose_lhs_hint = false} : vector<1024x256xf32>, vector<256x256xf32>, vector<1024x256xf32> -> vector<1024x256xf32>
    %add3A_107 = vector.broadcast %get3A_73 : vector<1x256xf32> to vector<1024x256xf32>
    %add3A_108 = arith.addf %dot_general3A_106, %add3A_107 : vector<1024x256xf32>
    %tanh3A_109 = math.tanh %add3A_108 : vector<1024x256xf32>
    %mul3A_110 = vector.broadcast %get3A_76 : vector<1x256xf32> to vector<1024x256xf32>
    %mul3A_111 = arith.mulf %tanh3A_109, %mul3A_110 : vector<1024x256xf32>
    %reduce_sum3A_112 = arith.constant dense<0.000000e+00> : vector<1024xf32>
    %reduce_sum3A_113 = vector.multi_reduction <add>, %mul3A_111, %reduce_sum3A_112 [1] : vector<1024x256xf32> to vector<1024xf32>
    %broadcast_in_dim3A_114 = vector.shape_cast %reduce_sum3A_113 : vector<1024xf32> to vector<1024x1xf32>
    %add3A_115 = vector.broadcast %get3A_80 : f32 to vector<1024x1xf32>
    %add3A_116 = arith.addf %broadcast_in_dim3A_114, %add3A_115 : vector<1024x1xf32>
    %exp3A_117 = math.exp %add3A_116 : vector<1024x1xf32>
    %add3A_118 = arith.addf %exp3A, %exp3A_104 : vector<1024x1xf32>
    %add3A_119 = arith.addf %add3A_118, %exp3A_117 : vector<1024x1xf32>
    %add3A_120 = arith.constant 9.99999993E-9 : f32
    %add3A_121 = vector.broadcast %add3A_120 : f32 to vector<1024x1xf32>
    %add3A_122 = arith.addf %add3A_119, %add3A_121 : vector<1024x1xf32>
    %mul3A_123 = vector.broadcast %exp3A : vector<1024x1xf32> to vector<1024x256xf32>
    %mul3A_124 = arith.mulf %mul3A_41, %mul3A_123 : vector<1024x256xf32>
    %mul3A_125 = vector.broadcast %exp3A_104 : vector<1024x1xf32> to vector<1024x256xf32>
    %mul3A_126 = arith.mulf %add3A_54, %mul3A_125 : vector<1024x256xf32>
    %add3A_127 = arith.addf %mul3A_124, %mul3A_126 : vector<1024x256xf32>
    %mul3A_128 = vector.broadcast %exp3A_117 : vector<1024x1xf32> to vector<1024x256xf32>
    %mul3A_129 = arith.mulf %add3A_67, %mul3A_128 : vector<1024x256xf32>
    %add3A_130 = arith.addf %add3A_127, %mul3A_129 : vector<1024x256xf32>
    %div3A_131 = vector.broadcast %add3A_122 : vector<1024x1xf32> to vector<1024x256xf32>
    %div3A_132 = arith.divf %add3A_130, %div3A_131 : vector<1024x256xf32>
    %swap3A = arith.constant 0 : index
    %swap3A_133 = arith.constant 0 : index
    %swap3A_134 = vector.load %arg16[%swap3A, %swap3A_133] : memref<1024x256xf32, #tpu.memory_space<vmem>>, vector<1024x256xf32>
    tpu.vector_store %arg16[%swap3A, %swap3A_133], %div3A_132 {strides = array<i32>} : memref<1024x256xf32, #tpu.memory_space<vmem>>, vector<1024x256xf32>,
    return
  }
  func.func @transform_0(%arg0: i32) -> (i32, i32) {
    %c0_i32 = arith.constant 0 : i32
    %c0_i32_0 = arith.constant 0 : i32
    return %arg0, %c0_i32 : i32, i32
  }
  func.func @transform_1(%arg0: i32) -> (i32, i32) {
    %c0_i32 = arith.constant 0 : i32
    %c0_i32_0 = arith.constant 0 : i32
    return %arg0, %c0_i32 : i32, i32
  }
  func.func @transform_2(%arg0: i32) -> (i32, i32) {
    %c0_i32 = arith.constant 0 : i32
    %c0_i32_0 = arith.constant 0 : i32
    return %arg0, %c0_i32 : i32, i32
  }
  func.func @transform_3(%arg0: i32) -> (i32, i32) {
    %c0_i32 = arith.constant 0 : i32
    %c0_i32_0 = arith.constant 0 : i32
    %c0_i32_1 = arith.constant 0 : i32
    return %c0_i32, %c0_i32_0 : i32, i32
  }
  func.func @transform_4(%arg0: i32) -> (i32, i32) {
    %c0_i32 = arith.constant 0 : i32
    %c0_i32_0 = arith.constant 0 : i32
    %c0_i32_1 = arith.constant 0 : i32
    return %c0_i32, %c0_i32_0 : i32, i32
  }
  func.func @transform_5(%arg0: i32) -> (i32, i32) {
    %c0_i32 = arith.constant 0 : i32
    %c0_i32_0 = arith.constant 0 : i32
    %c0_i32_1 = arith.constant 0 : i32
    return %c0_i32, %c0_i32_0 : i32, i32
  }
  func.func @transform_6(%arg0: i32) -> (i32, i32) {
    %c0_i32 = arith.constant 0 : i32
    %c0_i32_0 = arith.constant 0 : i32
    %c0_i32_1 = arith.constant 0 : i32
    return %c0_i32, %c0_i32_0 : i32, i32
  }
  func.func @transform_7(%arg0: i32) -> (i32, i32) {
    %c0_i32 = arith.constant 0 : i32
    %c0_i32_0 = arith.constant 0 : i32
    %c0_i32_1 = arith.constant 0 : i32
    return %c0_i32, %c0_i32_0 : i32, i32
  }
  func.func @transform_8(%arg0: i32) -> (i32, i32) {
    %c0_i32 = arith.constant 0 : i32
    %c0_i32_0 = arith.constant 0 : i32
    %c0_i32_1 = arith.constant 0 : i32
    return %c0_i32, %c0_i32_0 : i32, i32
  }
  func.func @transform_9(%arg0: i32) -> (i32, i32) {
    %c0_i32 = arith.constant 0 : i32
    %c0_i32_0 = arith.constant 0 : i32
    %c0_i32_1 = arith.constant 0 : i32
    return %c0_i32, %c0_i32_0 : i32, i32
  }
  func.func @transform_10(%arg0: i32) -> (i32, i32) {
    %c0_i32 = arith.constant 0 : i32
    %c0_i32_0 = arith.constant 0 : i32
    %c0_i32_1 = arith.constant 0 : i32
    return %c0_i32, %c0_i32_0 : i32, i32
  }
  func.func @transform_11(%arg0: i32) -> (i32, i32) {
    %c0_i32 = arith.constant 0 : i32
    %c0_i32_0 = arith.constant 0 : i32
    %c0_i32_1 = arith.constant 0 : i32
    return %c0_i32, %c0_i32_0 : i32, i32
  }
  func.func @transform_12(%arg0: i32) -> (i32, i32) {
    %c0_i32 = arith.constant 0 : i32
    %c0_i32_0 = arith.constant 0 : i32
    %c0_i32_1 = arith.constant 0 : i32
    return %c0_i32, %c0_i32_0 : i32, i32
  }
  func.func @transform_13(%arg0: i32) -> (i32, i32) {
    %c0_i32 = arith.constant 0 : i32
    %c0_i32_0 = arith.constant 0 : i32
    %c0_i32_1 = arith.constant 0 : i32
    return %c0_i32, %c0_i32_0 : i32, i32
  }
  func.func @transform_14(%arg0: i32) -> (i32, i32) {
    %c0_i32 = arith.constant 0 : i32
    %c0_i32_0 = arith.constant 0 : i32
    %c0_i32_1 = arith.constant 0 : i32
    return %c0_i32, %c0_i32_0 : i32, i32
  }
  func.func @transform_15(%arg0: i32) -> (i32, i32) {
    %add3A = arith.constant 0 : i32
    %add3A_0 = arith.addi %arg0, %add3A : i32
    %c0_i32 = arith.constant 0 : i32
    %c0_i32_1 = arith.constant 0 : i32
    return %add3A_0, %c0_i32 : i32, i32
  }
}

module attributes {stable_mosaic.version = 14 : i64} {
  func.func @body(%arg0: i32, %arg1: memref<1024x768xf32, #tpu.memory_space<vmem>>, %arg2: memref<1024x128xf32, #tpu.memory_space<vmem>>, %arg3: memref<1024x128xf32, #tpu.memory_space<vmem>>, %arg4: memref<768x256xf32, #tpu.memory_space<vmem>>, %arg5: memref<1x256xf32, #tpu.memory_space<vmem>>, %arg6: memref<1x256xf32, #tpu.memory_space<vmem>>, %arg7: memref<1x256xf32, #tpu.memory_space<vmem>>, %arg8: memref<128x256xf32, #tpu.memory_space<vmem>>, %arg9: memref<1x256xf32, #tpu.memory_space<vmem>>, %arg10: memref<128x256xf32, #tpu.memory_space<vmem>>, %arg11: memref<1x256xf32, #tpu.memory_space<vmem>>, %arg12: memref<256x256xf32, #tpu.memory_space<vmem>>, %arg13: memref<1x256xf32, #tpu.memory_space<vmem>>, %arg14: memref<1x256xf32, #tpu.memory_space<vmem>>, %arg15: memref<1x1xf32, #tpu.memory_space<vmem>>, %arg16: memref<16384x256xf32, #tpu.memory_space<any>>, %arg17: memref<1024x256xf32, #tpu.memory_space<vmem>>) attributes {dimension_semantics = [#tpu.dimension_semantics<arbitrary>], iteration_bounds = array<i64: 4>, scalar_prefetch = 0 : i64, scratch_operands = 0 : i64, tpu.core_type = #tpu.core_type<tc>, window_params = [{transform_indices = @transform_0, window_bounds = array<i64: 1024, 768>}, {transform_indices = @transform_1, window_bounds = array<i64: 1024, 128>}, {transform_indices = @transform_2, window_bounds = array<i64: 1024, 128>}, {pipeline_mode = #tpu.pipeline_mode<synchronous>, transform_indices = @transform_3, window_bounds = array<i64: 768, 256>}, {pipeline_mode = #tpu.pipeline_mode<synchronous>, transform_indices = @transform_4, window_bounds = array<i64: 1, 256>}, {pipeline_mode = #tpu.pipeline_mode<synchronous>, transform_indices = @transform_5, window_bounds = array<i64: 1, 256>}, {pipeline_mode = #tpu.pipeline_mode<synchronous>, transform_indices = @transform_6, window_bounds = array<i64: 1, 256>}, {pipeline_mode = #tpu.pipeline_mode<synchronous>, transform_indices = @transform_7, window_bounds = array<i64: 128, 256>}, {pipeline_mode = #tpu.pipeline_mode<synchronous>, transform_indices = @transform_8, window_bounds = array<i64: 1, 256>}, {pipeline_mode = #tpu.pipeline_mode<synchronous>, transform_indices = @transform_9, window_bounds = array<i64: 128, 256>}, {pipeline_mode = #tpu.pipeline_mode<synchronous>, transform_indices = @transform_10, window_bounds = array<i64: 1, 256>}, {pipeline_mode = #tpu.pipeline_mode<synchronous>, transform_indices = @transform_11, window_bounds = array<i64: 256, 256>}, {pipeline_mode = #tpu.pipeline_mode<synchronous>, transform_indices = @transform_12, window_bounds = array<i64: 1, 256>}, {pipeline_mode = #tpu.pipeline_mode<synchronous>, transform_indices = @transform_13, window_bounds = array<i64: 1, 256>}, {pipeline_mode = #tpu.pipeline_mode<synchronous>, transform_indices = @transform_14, window_bounds = array<i64: 1, 1>}, {}, {transform_indices = @transform_16, window_bounds = array<i64: 1024, 256>}]} {
    %get3A = arith.constant 0 : index
    %get3A_0 = arith.constant 0 : index
    %get3A_1 = vector.load %arg1[%get3A, %get3A_0] : memref<1024x768xf32, #tpu.memory_space<vmem>>, vector<1024x768xf32>
    %get3A_2 = arith.constant 0 : index
    %get3A_3 = arith.constant 0 : index
    %get3A_4 = vector.load %arg4[%get3A_2, %get3A_3] : memref<768x256xf32, #tpu.memory_space<vmem>>, vector<768x256xf32>
    %dot_general3A = arith.constant dense<0.000000e+00> : vector<1024x256xf32>
    %dot_general3A_5 = tpu.matmul %get3A_1, %get3A_4, %dot_general3A {dimension_numbers = #tpu.dot_dimension_numbers<[1], [0], [0], [1], [0, 0, 1, 1], [], []>, transpose_lhs_hint = false} : vector<1024x768xf32>, vector<768x256xf32>, vector<1024x256xf32> -> vector<1024x256xf32>
    %get3A_6 = arith.constant 0 : index
    %get3A_7 = arith.constant 0 : index
    %get3A_8 = vector.load %arg5[%get3A_6, %get3A_7] : memref<1x256xf32, #tpu.memory_space<vmem>>, vector<1x256xf32>
    %add3A = vector.broadcast %get3A_8 : vector<1x256xf32> to vector<1024x256xf32>
    %add3A_9 = arith.addf %dot_general3A_5, %add3A : vector<1024x256xf32>
    %reduce_sum3A = arith.constant dense<0.000000e+00> : vector<1024xf32>
    %reduce_sum3A_10 = vector.multi_reduction <add>, %add3A_9, %reduce_sum3A [1] : vector<1024x256xf32> to vector<1024xf32>
    %broadcast_in_dim3A = vector.shape_cast %reduce_sum3A_10 : vector<1024xf32> to vector<1024x1xf32>
    %div3A = arith.constant 2.560000e+02 : f32
    %div3A_11 = vector.broadcast %div3A : f32 to vector<1024x1xf32>
    %div3A_12 = arith.divf %broadcast_in_dim3A, %div3A_11 : vector<1024x1xf32>
    %sub3A = vector.broadcast %div3A_12 : vector<1024x1xf32> to vector<1024x256xf32>
    %sub3A_13 = arith.subf %add3A_9, %sub3A : vector<1024x256xf32>
    %integer_pow3A = arith.mulf %sub3A_13, %sub3A_13 : vector<1024x256xf32>
    %reduce_sum3A_14 = arith.constant dense<0.000000e+00> : vector<1024xf32>
    %reduce_sum3A_15 = vector.multi_reduction <add>, %integer_pow3A, %reduce_sum3A_14 [1] : vector<1024x256xf32> to vector<1024xf32>
    %broadcast_in_dim3A_16 = vector.shape_cast %reduce_sum3A_15 : vector<1024xf32> to vector<1024x1xf32>
    %div3A_17 = arith.constant 2.560000e+02 : f32
    %div3A_18 = vector.broadcast %div3A_17 : f32 to vector<1024x1xf32>
    %div3A_19 = arith.divf %broadcast_in_dim3A_16, %div3A_18 : vector<1024x1xf32>
    %sub3A_20 = vector.broadcast %div3A_12 : vector<1024x1xf32> to vector<1024x256xf32>
    %sub3A_21 = arith.subf %add3A_9, %sub3A_20 : vector<1024x256xf32>
    %add3A_22 = arith.constant 9.99999974E-6 : f32
    %add3A_23 = vector.broadcast %add3A_22 : f32 to vector<1024x1xf32>
    %add3A_24 = arith.addf %div3A_19, %add3A_23 : vector<1024x1xf32>
    %rsqrt3A = math.rsqrt %add3A_24 : vector<1024x1xf32>
    %mul3A = vector.broadcast %rsqrt3A : vector<1024x1xf32> to vector<1024x256xf32>
    %mul3A_25 = arith.mulf %sub3A_21, %mul3A : vector<1024x256xf32>
    %get3A_26 = arith.constant 0 : index
    %get3A_27 = arith.constant 0 : index
    %get3A_28 = vector.load %arg6[%get3A_26, %get3A_27] : memref<1x256xf32, #tpu.memory_space<vmem>>, vector<1x256xf32>
    %mul3A_29 = vector.broadcast %get3A_28 : vector<1x256xf32> to vector<1024x256xf32>
    %mul3A_30 = arith.mulf %mul3A_25, %mul3A_29 : vector<1024x256xf32>
    %get3A_31 = arith.constant 0 : index
    %get3A_32 = arith.constant 0 : index
    %get3A_33 = vector.load %arg7[%get3A_31, %get3A_32] : memref<1x256xf32, #tpu.memory_space<vmem>>, vector<1x256xf32>
    %add3A_34 = vector.broadcast %get3A_33 : vector<1x256xf32> to vector<1024x256xf32>
    %add3A_35 = arith.addf %mul3A_30, %add3A_34 : vector<1024x256xf32>
    %logistic3A = arith.negf %add3A_35 : vector<1024x256xf32>
    %logistic3A_36 = math.exp %logistic3A : vector<1024x256xf32>
    %logistic3A_37 = arith.constant 1.000000e+00 : f32
    %logistic3A_38 = vector.broadcast %logistic3A_37 : f32 to vector<1024x256xf32>
    %logistic3A_39 = arith.addf %logistic3A_38, %logistic3A_36 : vector<1024x256xf32>
    %logistic3A_40 = arith.divf %logistic3A_38, %logistic3A_39 : vector<1024x256xf32>
    %mul3A_41 = arith.mulf %add3A_35, %logistic3A_40 : vector<1024x256xf32>
    %get3A_42 = arith.constant 0 : index
    %get3A_43 = arith.constant 0 : index
    %get3A_44 = vector.load %arg2[%get3A_42, %get3A_43] : memref<1024x128xf32, #tpu.memory_space<vmem>>, vector<1024x128xf32>
    %get3A_45 = arith.constant 0 : index
    %get3A_46 = arith.constant 0 : index
    %get3A_47 = vector.load %arg8[%get3A_45, %get3A_46] : memref<128x256xf32, #tpu.memory_space<vmem>>, vector<128x256xf32>
    %dot_general3A_48 = arith.constant dense<0.000000e+00> : vector<1024x256xf32>
    %dot_general3A_49 = tpu.matmul %get3A_44, %get3A_47, %dot_general3A_48 {dimension_numbers = #tpu.dot_dimension_numbers<[1], [0], [0], [1], [0, 0, 1, 1], [], []>, transpose_lhs_hint = false} : vector<1024x128xf32>, vector<128x256xf32>, vector<1024x256xf32> -> vector<1024x256xf32>
    %get3A_50 = arith.constant 0 : index
    %get3A_51 = arith.constant 0 : index
    %get3A_52 = vector.load %arg9[%get3A_50, %get3A_51] : memref<1x256xf32, #tpu.memory_space<vmem>>, vector<1x256xf32>
    %add3A_53 = vector.broadcast %get3A_52 : vector<1x256xf32> to vector<1024x256xf32>
    %add3A_54 = arith.addf %dot_general3A_49, %add3A_53 : vector<1024x256xf32>
    %get3A_55 = arith.constant 0 : index
    %get3A_56 = arith.constant 0 : index
    %get3A_57 = vector.load %arg3[%get3A_55, %get3A_56] : memref<1024x128xf32, #tpu.memory_space<vmem>>, vector<1024x128xf32>
    %get3A_58 = arith.constant 0 : index
    %get3A_59 = arith.constant 0 : index
    %get3A_60 = vector.load %arg10[%get3A_58, %get3A_59] : memref<128x256xf32, #tpu.memory_space<vmem>>, vector<128x256xf32>
    %dot_general3A_61 = arith.constant dense<0.000000e+00> : vector<1024x256xf32>
    %dot_general3A_62 = tpu.matmul %get3A_57, %get3A_60, %dot_general3A_61 {dimension_numbers = #tpu.dot_dimension_numbers<[1], [0], [0], [1], [0, 0, 1, 1], [], []>, transpose_lhs_hint = false} : vector<1024x128xf32>, vector<128x256xf32>, vector<1024x256xf32> -> vector<1024x256xf32>
    %get3A_63 = arith.constant 0 : index
    %get3A_64 = arith.constant 0 : index
    %get3A_65 = vector.load %arg11[%get3A_63, %get3A_64] : memref<1x256xf32, #tpu.memory_space<vmem>>, vector<1x256xf32>
    %add3A_66 = vector.broadcast %get3A_65 : vector<1x256xf32> to vector<1024x256xf32>
    %add3A_67 = arith.addf %dot_general3A_62, %add3A_66 : vector<1024x256xf32>
    %get3A_68 = arith.constant 0 : index
    %get3A_69 = arith.constant 0 : index
    %get3A_70 = vector.load %arg12[%get3A_68, %get3A_69] : memref<256x256xf32, #tpu.memory_space<vmem>>, vector<256x256xf32>
    %get3A_71 = arith.constant 0 : index
    %get3A_72 = arith.constant 0 : index
    %get3A_73 = vector.load %arg13[%get3A_71, %get3A_72] : memref<1x256xf32, #tpu.memory_space<vmem>>, vector<1x256xf32>
    %get3A_74 = arith.constant 0 : index
    %get3A_75 = arith.constant 0 : index
    %get3A_76 = vector.load %arg14[%get3A_74, %get3A_75] : memref<1x256xf32, #tpu.memory_space<vmem>>, vector<1x256xf32>
    %get3A_77 = arith.constant 0 : index
    %get3A_78 = arith.constant 0 : index
    %get3A_79 = vector.load %arg15[%get3A_77, %get3A_78] : memref<1x1xf32, #tpu.memory_space<vmem>>, vector<1x1xf32>
    %get3A_80 = vector.extract %get3A_79[0, 0] : f32 from vector<1x1xf32>
    %dot_general3A_81 = arith.constant dense<0.000000e+00> : vector<1024x256xf32>
    %dot_general3A_82 = tpu.matmul %mul3A_41, %get3A_70, %dot_general3A_81 {dimension_numbers = #tpu.dot_dimension_numbers<[1], [0], [0], [1], [0, 0, 1, 1], [], []>, transpose_lhs_hint = false} : vector<1024x256xf32>, vector<256x256xf32>, vector<1024x256xf32> -> vector<1024x256xf32>
    %add3A_83 = vector.broadcast %get3A_73 : vector<1x256xf32> to vector<1024x256xf32>
    %add3A_84 = arith.addf %dot_general3A_82, %add3A_83 : vector<1024x256xf32>
    %tanh3A = math.tanh %add3A_84 : vector<1024x256xf32>
    %mul3A_85 = vector.broadcast %get3A_76 : vector<1x256xf32> to vector<1024x256xf32>
    %mul3A_86 = arith.mulf %tanh3A, %mul3A_85 : vector<1024x256xf32>
    %reduce_sum3A_87 = arith.constant dense<0.000000e+00> : vector<1024xf32>
    %reduce_sum3A_88 = vector.multi_reduction <add>, %mul3A_86, %reduce_sum3A_87 [1] : vector<1024x256xf32> to vector<1024xf32>
    %broadcast_in_dim3A_89 = vector.shape_cast %reduce_sum3A_88 : vector<1024xf32> to vector<1024x1xf32>
    %add3A_90 = vector.broadcast %get3A_80 : f32 to vector<1024x1xf32>
    %add3A_91 = arith.addf %broadcast_in_dim3A_89, %add3A_90 : vector<1024x1xf32>
    %exp3A = math.exp %add3A_91 : vector<1024x1xf32>
    %dot_general3A_92 = arith.constant dense<0.000000e+00> : vector<1024x256xf32>
    %dot_general3A_93 = tpu.matmul %add3A_54, %get3A_70, %dot_general3A_92 {dimension_numbers = #tpu.dot_dimension_numbers<[1], [0], [0], [1], [0, 0, 1, 1], [], []>, transpose_lhs_hint = false} : vector<1024x256xf32>, vector<256x256xf32>, vector<1024x256xf32> -> vector<1024x256xf32>
    %add3A_94 = vector.broadcast %get3A_73 : vector<1x256xf32> to vector<1024x256xf32>
    %add3A_95 = arith.addf %dot_general3A_93, %add3A_94 : vector<1024x256xf32>
    %tanh3A_96 = math.tanh %add3A_95 : vector<1024x256xf32>
    %mul3A_97 = vector.broadcast %get3A_76 : vector<1x256xf32> to vector<1024x256xf32>
    %mul3A_98 = arith.mulf %tanh3A_96, %mul3A_97 : vector<1024x256xf32>
    %reduce_sum3A_99 = arith.constant dense<0.000000e+00> : vector<1024xf32>
    %reduce_sum3A_100 = vector.multi_reduction <add>, %mul3A_98, %reduce_sum3A_99 [1] : vector<1024x256xf32> to vector<1024xf32>
    %broadcast_in_dim3A_101 = vector.shape_cast %reduce_sum3A_100 : vector<1024xf32> to vector<1024x1xf32>
    %add3A_102 = vector.broadcast %get3A_80 : f32 to vector<1024x1xf32>
    %add3A_103 = arith.addf %broadcast_in_dim3A_101, %add3A_102 : vector<1024x1xf32>
    %exp3A_104 = math.exp %add3A_103 : vector<1024x1xf32>
    %dot_general3A_105 = arith.constant dense<0.000000e+00> : vector<1024x256xf32>
    %dot_general3A_106 = tpu.matmul %add3A_67, %get3A_70, %dot_general3A_105 {dimension_numbers = #tpu.dot_dimension_numbers<[1], [0], [0], [1], [0, 0, 1, 1], [], []>, transpose_lhs_hint = false} : vector<1024x256xf32>, vector<256x256xf32>, vector<1024x256xf32> -> vector<1024x256xf32>
    %add3A_107 = vector.broadcast %get3A_73 : vector<1x256xf32> to vector<1024x256xf32>
    %add3A_108 = arith.addf %dot_general3A_106, %add3A_107 : vector<1024x256xf32>
    %tanh3A_109 = math.tanh %add3A_108 : vector<1024x256xf32>
    %mul3A_110 = vector.broadcast %get3A_76 : vector<1x256xf32> to vector<1024x256xf32>
    %mul3A_111 = arith.mulf %tanh3A_109, %mul3A_110 : vector<1024x256xf32>
    %reduce_sum3A_112 = arith.constant dense<0.000000e+00> : vector<1024xf32>
    %reduce_sum3A_113 = vector.multi_reduction <add>, %mul3A_111, %reduce_sum3A_112 [1] : vector<1024x256xf32> to vector<1024xf32>
    %broadcast_in_dim3A_114 = vector.shape_cast %reduce_sum3A_113 : vector<1024xf32> to vector<1024x1xf32>
    %add3A_115 = vector.broadcast %get3A_80 : f32 to vector<1024x1xf32>
    %add3A_116 = arith.addf %broadcast_in_dim3A_114, %add3A_115 : vector<1024x1xf32>
    %exp3A_117 = math.exp %add3A_116 : vector<1024x1xf32>
    %add3A_118 = arith.addf %exp3A, %exp3A_104 : vector<1024x1xf32>
    %add3A_119 = arith.addf %add3A_118, %exp3A_117 : vector<1024x1xf32>
    %add3A_120 = arith.constant 9.99999993E-9 : f32
    %add3A_121 = vector.broadcast %add3A_120 : f32 to vector<1024x1xf32>
    %add3A_122 = arith.addf %add3A_119, %add3A_121 : vector<1024x1xf32>
    %mul3A_123 = vector.broadcast %exp3A : vector<1024x1xf32> to vector<1024x256xf32>
    %mul3A_124 = arith.mulf %mul3A_41, %mul3A_123 : vector<1024x256xf32>
    %mul3A_125 = vector.broadcast %exp3A_104 : vector<1024x1xf32> to vector<1024x256xf32>
    %mul3A_126 = arith.mulf %add3A_54, %mul3A_125 : vector<1024x256xf32>
    %add3A_127 = arith.addf %mul3A_124, %mul3A_126 : vector<1024x256xf32>
    %mul3A_128 = vector.broadcast %exp3A_117 : vector<1024x1xf32> to vector<1024x256xf32>
    %mul3A_129 = arith.mulf %add3A_67, %mul3A_128 : vector<1024x256xf32>
    %add3A_130 = arith.addf %add3A_127, %mul3A_129 : vector<1024x256xf32>
    %div3A_131 = vector.broadcast %add3A_122 : vector<1024x1xf32> to vector<1024x256xf32>
    %div3A_132 = arith.divf %add3A_130, %div3A_131 : vector<1024x256xf32>
    %swap3A = arith.constant 0 : index
    %swap3A_133 = arith.constant 0 : index
    %swap3A_134 = vector.load %arg17[%swap3A, %swap3A_133] : memref<1024x256xf32, #tpu.memory_space<vmem>>, vector<1024x256xf32>
    tpu.vector_store %arg17[%swap3A, %swap3A_133], %div3A_132 {strides = array<i32>} : memref<1024x256xf32, #tpu.memory_space<vmem>>, vector<1024x256xf32>,
    return
  }
  func.func @transform_0(%arg0: i32) -> (i32, i32) {
    %c0_i32 = arith.constant 0 : i32
    %c0_i32_0 = arith.constant 0 : i32
    return %arg0, %c0_i32 : i32, i32
  }
  func.func @transform_1(%arg0: i32) -> (i32, i32) {
    %c0_i32 = arith.constant 0 : i32
    %c0_i32_0 = arith.constant 0 : i32
    return %arg0, %c0_i32 : i32, i32
  }
  func.func @transform_2(%arg0: i32) -> (i32, i32) {
    %c0_i32 = arith.constant 0 : i32
    %c0_i32_0 = arith.constant 0 : i32
    return %arg0, %c0_i32 : i32, i32
  }
  func.func @transform_3(%arg0: i32) -> (i32, i32) {
    %c0_i32 = arith.constant 0 : i32
    %c0_i32_0 = arith.constant 0 : i32
    %c0_i32_1 = arith.constant 0 : i32
    return %c0_i32, %c0_i32_0 : i32, i32
  }
  func.func @transform_4(%arg0: i32) -> (i32, i32) {
    %c0_i32 = arith.constant 0 : i32
    %c0_i32_0 = arith.constant 0 : i32
    %c0_i32_1 = arith.constant 0 : i32
    return %c0_i32, %c0_i32_0 : i32, i32
  }
  func.func @transform_5(%arg0: i32) -> (i32, i32) {
    %c0_i32 = arith.constant 0 : i32
    %c0_i32_0 = arith.constant 0 : i32
    %c0_i32_1 = arith.constant 0 : i32
    return %c0_i32, %c0_i32_0 : i32, i32
  }
  func.func @transform_6(%arg0: i32) -> (i32, i32) {
    %c0_i32 = arith.constant 0 : i32
    %c0_i32_0 = arith.constant 0 : i32
    %c0_i32_1 = arith.constant 0 : i32
    return %c0_i32, %c0_i32_0 : i32, i32
  }
  func.func @transform_7(%arg0: i32) -> (i32, i32) {
    %c0_i32 = arith.constant 0 : i32
    %c0_i32_0 = arith.constant 0 : i32
    %c0_i32_1 = arith.constant 0 : i32
    return %c0_i32, %c0_i32_0 : i32, i32
  }
  func.func @transform_8(%arg0: i32) -> (i32, i32) {
    %c0_i32 = arith.constant 0 : i32
    %c0_i32_0 = arith.constant 0 : i32
    %c0_i32_1 = arith.constant 0 : i32
    return %c0_i32, %c0_i32_0 : i32, i32
  }
  func.func @transform_9(%arg0: i32) -> (i32, i32) {
    %c0_i32 = arith.constant 0 : i32
    %c0_i32_0 = arith.constant 0 : i32
    %c0_i32_1 = arith.constant 0 : i32
    return %c0_i32, %c0_i32_0 : i32, i32
  }
  func.func @transform_10(%arg0: i32) -> (i32, i32) {
    %c0_i32 = arith.constant 0 : i32
    %c0_i32_0 = arith.constant 0 : i32
    %c0_i32_1 = arith.constant 0 : i32
    return %c0_i32, %c0_i32_0 : i32, i32
  }
  func.func @transform_11(%arg0: i32) -> (i32, i32) {
    %c0_i32 = arith.constant 0 : i32
    %c0_i32_0 = arith.constant 0 : i32
    %c0_i32_1 = arith.constant 0 : i32
    return %c0_i32, %c0_i32_0 : i32, i32
  }
  func.func @transform_12(%arg0: i32) -> (i32, i32) {
    %c0_i32 = arith.constant 0 : i32
    %c0_i32_0 = arith.constant 0 : i32
    %c0_i32_1 = arith.constant 0 : i32
    return %c0_i32, %c0_i32_0 : i32, i32
  }
  func.func @transform_13(%arg0: i32) -> (i32, i32) {
    %c0_i32 = arith.constant 0 : i32
    %c0_i32_0 = arith.constant 0 : i32
    %c0_i32_1 = arith.constant 0 : i32
    return %c0_i32, %c0_i32_0 : i32, i32
  }
  func.func @transform_14(%arg0: i32) -> (i32, i32) {
    %c0_i32 = arith.constant 0 : i32
    %c0_i32_0 = arith.constant 0 : i32
    %c0_i32_1 = arith.constant 0 : i32
    return %c0_i32, %c0_i32_0 : i32, i32
  }
  func.func @transform_16(%arg0: i32) -> (i32, i32) {
    %add3A = arith.constant 8 : i32
    %add3A_0 = arith.addi %arg0, %add3A : i32
    %c0_i32 = arith.constant 0 : i32
    %c0_i32_1 = arith.constant 0 : i32
    return %add3A_0, %c0_i32 : i32, i32
  }
}

module attributes {stable_mosaic.version = 14 : i64} {
  func.func @body(%arg0: i32, %arg1: memref<1024x768xf32, #tpu.memory_space<vmem>>, %arg2: memref<1024x128xf32, #tpu.memory_space<vmem>>, %arg3: memref<1024x128xf32, #tpu.memory_space<vmem>>, %arg4: memref<768x256xf32, #tpu.memory_space<vmem>>, %arg5: memref<1x256xf32, #tpu.memory_space<vmem>>, %arg6: memref<1x256xf32, #tpu.memory_space<vmem>>, %arg7: memref<1x256xf32, #tpu.memory_space<vmem>>, %arg8: memref<128x256xf32, #tpu.memory_space<vmem>>, %arg9: memref<1x256xf32, #tpu.memory_space<vmem>>, %arg10: memref<128x256xf32, #tpu.memory_space<vmem>>, %arg11: memref<1x256xf32, #tpu.memory_space<vmem>>, %arg12: memref<256x256xf32, #tpu.memory_space<vmem>>, %arg13: memref<1x256xf32, #tpu.memory_space<vmem>>, %arg14: memref<1x256xf32, #tpu.memory_space<vmem>>, %arg15: memref<1x1xf32, #tpu.memory_space<vmem>>, %arg16: memref<16384x256xf32, #tpu.memory_space<any>>, %arg17: memref<1024x256xf32, #tpu.memory_space<vmem>>) attributes {dimension_semantics = [#tpu.dimension_semantics<arbitrary>], iteration_bounds = array<i64: 2>, scalar_prefetch = 0 : i64, scratch_operands = 0 : i64, tpu.core_type = #tpu.core_type<tc>, window_params = [{transform_indices = @transform_0, window_bounds = array<i64: 1024, 768>}, {transform_indices = @transform_1, window_bounds = array<i64: 1024, 128>}, {transform_indices = @transform_2, window_bounds = array<i64: 1024, 128>}, {pipeline_mode = #tpu.pipeline_mode<synchronous>, transform_indices = @transform_3, window_bounds = array<i64: 768, 256>}, {pipeline_mode = #tpu.pipeline_mode<synchronous>, transform_indices = @transform_4, window_bounds = array<i64: 1, 256>}, {pipeline_mode = #tpu.pipeline_mode<synchronous>, transform_indices = @transform_5, window_bounds = array<i64: 1, 256>}, {pipeline_mode = #tpu.pipeline_mode<synchronous>, transform_indices = @transform_6, window_bounds = array<i64: 1, 256>}, {pipeline_mode = #tpu.pipeline_mode<synchronous>, transform_indices = @transform_7, window_bounds = array<i64: 128, 256>}, {pipeline_mode = #tpu.pipeline_mode<synchronous>, transform_indices = @transform_8, window_bounds = array<i64: 1, 256>}, {pipeline_mode = #tpu.pipeline_mode<synchronous>, transform_indices = @transform_9, window_bounds = array<i64: 128, 256>}, {pipeline_mode = #tpu.pipeline_mode<synchronous>, transform_indices = @transform_10, window_bounds = array<i64: 1, 256>}, {pipeline_mode = #tpu.pipeline_mode<synchronous>, transform_indices = @transform_11, window_bounds = array<i64: 256, 256>}, {pipeline_mode = #tpu.pipeline_mode<synchronous>, transform_indices = @transform_12, window_bounds = array<i64: 1, 256>}, {pipeline_mode = #tpu.pipeline_mode<synchronous>, transform_indices = @transform_13, window_bounds = array<i64: 1, 256>}, {pipeline_mode = #tpu.pipeline_mode<synchronous>, transform_indices = @transform_14, window_bounds = array<i64: 1, 1>}, {}, {transform_indices = @transform_16, window_bounds = array<i64: 1024, 256>}]} {
    %get3A = arith.constant 0 : index
    %get3A_0 = arith.constant 0 : index
    %get3A_1 = vector.load %arg1[%get3A, %get3A_0] : memref<1024x768xf32, #tpu.memory_space<vmem>>, vector<1024x768xf32>
    %get3A_2 = arith.constant 0 : index
    %get3A_3 = arith.constant 0 : index
    %get3A_4 = vector.load %arg4[%get3A_2, %get3A_3] : memref<768x256xf32, #tpu.memory_space<vmem>>, vector<768x256xf32>
    %dot_general3A = arith.constant dense<0.000000e+00> : vector<1024x256xf32>
    %dot_general3A_5 = tpu.matmul %get3A_1, %get3A_4, %dot_general3A {dimension_numbers = #tpu.dot_dimension_numbers<[1], [0], [0], [1], [0, 0, 1, 1], [], []>, transpose_lhs_hint = false} : vector<1024x768xf32>, vector<768x256xf32>, vector<1024x256xf32> -> vector<1024x256xf32>
    %get3A_6 = arith.constant 0 : index
    %get3A_7 = arith.constant 0 : index
    %get3A_8 = vector.load %arg5[%get3A_6, %get3A_7] : memref<1x256xf32, #tpu.memory_space<vmem>>, vector<1x256xf32>
    %add3A = vector.broadcast %get3A_8 : vector<1x256xf32> to vector<1024x256xf32>
    %add3A_9 = arith.addf %dot_general3A_5, %add3A : vector<1024x256xf32>
    %reduce_sum3A = arith.constant dense<0.000000e+00> : vector<1024xf32>
    %reduce_sum3A_10 = vector.multi_reduction <add>, %add3A_9, %reduce_sum3A [1] : vector<1024x256xf32> to vector<1024xf32>
    %broadcast_in_dim3A = vector.shape_cast %reduce_sum3A_10 : vector<1024xf32> to vector<1024x1xf32>
    %div3A = arith.constant 2.560000e+02 : f32
    %div3A_11 = vector.broadcast %div3A : f32 to vector<1024x1xf32>
    %div3A_12 = arith.divf %broadcast_in_dim3A, %div3A_11 : vector<1024x1xf32>
    %sub3A = vector.broadcast %div3A_12 : vector<1024x1xf32> to vector<1024x256xf32>
    %sub3A_13 = arith.subf %add3A_9, %sub3A : vector<1024x256xf32>
    %integer_pow3A = arith.mulf %sub3A_13, %sub3A_13 : vector<1024x256xf32>
    %reduce_sum3A_14 = arith.constant dense<0.000000e+00> : vector<1024xf32>
    %reduce_sum3A_15 = vector.multi_reduction <add>, %integer_pow3A, %reduce_sum3A_14 [1] : vector<1024x256xf32> to vector<1024xf32>
    %broadcast_in_dim3A_16 = vector.shape_cast %reduce_sum3A_15 : vector<1024xf32> to vector<1024x1xf32>
    %div3A_17 = arith.constant 2.560000e+02 : f32
    %div3A_18 = vector.broadcast %div3A_17 : f32 to vector<1024x1xf32>
    %div3A_19 = arith.divf %broadcast_in_dim3A_16, %div3A_18 : vector<1024x1xf32>
    %sub3A_20 = vector.broadcast %div3A_12 : vector<1024x1xf32> to vector<1024x256xf32>
    %sub3A_21 = arith.subf %add3A_9, %sub3A_20 : vector<1024x256xf32>
    %add3A_22 = arith.constant 9.99999974E-6 : f32
    %add3A_23 = vector.broadcast %add3A_22 : f32 to vector<1024x1xf32>
    %add3A_24 = arith.addf %div3A_19, %add3A_23 : vector<1024x1xf32>
    %rsqrt3A = math.rsqrt %add3A_24 : vector<1024x1xf32>
    %mul3A = vector.broadcast %rsqrt3A : vector<1024x1xf32> to vector<1024x256xf32>
    %mul3A_25 = arith.mulf %sub3A_21, %mul3A : vector<1024x256xf32>
    %get3A_26 = arith.constant 0 : index
    %get3A_27 = arith.constant 0 : index
    %get3A_28 = vector.load %arg6[%get3A_26, %get3A_27] : memref<1x256xf32, #tpu.memory_space<vmem>>, vector<1x256xf32>
    %mul3A_29 = vector.broadcast %get3A_28 : vector<1x256xf32> to vector<1024x256xf32>
    %mul3A_30 = arith.mulf %mul3A_25, %mul3A_29 : vector<1024x256xf32>
    %get3A_31 = arith.constant 0 : index
    %get3A_32 = arith.constant 0 : index
    %get3A_33 = vector.load %arg7[%get3A_31, %get3A_32] : memref<1x256xf32, #tpu.memory_space<vmem>>, vector<1x256xf32>
    %add3A_34 = vector.broadcast %get3A_33 : vector<1x256xf32> to vector<1024x256xf32>
    %add3A_35 = arith.addf %mul3A_30, %add3A_34 : vector<1024x256xf32>
    %logistic3A = arith.negf %add3A_35 : vector<1024x256xf32>
    %logistic3A_36 = math.exp %logistic3A : vector<1024x256xf32>
    %logistic3A_37 = arith.constant 1.000000e+00 : f32
    %logistic3A_38 = vector.broadcast %logistic3A_37 : f32 to vector<1024x256xf32>
    %logistic3A_39 = arith.addf %logistic3A_38, %logistic3A_36 : vector<1024x256xf32>
    %logistic3A_40 = arith.divf %logistic3A_38, %logistic3A_39 : vector<1024x256xf32>
    %mul3A_41 = arith.mulf %add3A_35, %logistic3A_40 : vector<1024x256xf32>
    %get3A_42 = arith.constant 0 : index
    %get3A_43 = arith.constant 0 : index
    %get3A_44 = vector.load %arg2[%get3A_42, %get3A_43] : memref<1024x128xf32, #tpu.memory_space<vmem>>, vector<1024x128xf32>
    %get3A_45 = arith.constant 0 : index
    %get3A_46 = arith.constant 0 : index
    %get3A_47 = vector.load %arg8[%get3A_45, %get3A_46] : memref<128x256xf32, #tpu.memory_space<vmem>>, vector<128x256xf32>
    %dot_general3A_48 = arith.constant dense<0.000000e+00> : vector<1024x256xf32>
    %dot_general3A_49 = tpu.matmul %get3A_44, %get3A_47, %dot_general3A_48 {dimension_numbers = #tpu.dot_dimension_numbers<[1], [0], [0], [1], [0, 0, 1, 1], [], []>, transpose_lhs_hint = false} : vector<1024x128xf32>, vector<128x256xf32>, vector<1024x256xf32> -> vector<1024x256xf32>
    %get3A_50 = arith.constant 0 : index
    %get3A_51 = arith.constant 0 : index
    %get3A_52 = vector.load %arg9[%get3A_50, %get3A_51] : memref<1x256xf32, #tpu.memory_space<vmem>>, vector<1x256xf32>
    %add3A_53 = vector.broadcast %get3A_52 : vector<1x256xf32> to vector<1024x256xf32>
    %add3A_54 = arith.addf %dot_general3A_49, %add3A_53 : vector<1024x256xf32>
    %get3A_55 = arith.constant 0 : index
    %get3A_56 = arith.constant 0 : index
    %get3A_57 = vector.load %arg3[%get3A_55, %get3A_56] : memref<1024x128xf32, #tpu.memory_space<vmem>>, vector<1024x128xf32>
    %get3A_58 = arith.constant 0 : index
    %get3A_59 = arith.constant 0 : index
    %get3A_60 = vector.load %arg10[%get3A_58, %get3A_59] : memref<128x256xf32, #tpu.memory_space<vmem>>, vector<128x256xf32>
    %dot_general3A_61 = arith.constant dense<0.000000e+00> : vector<1024x256xf32>
    %dot_general3A_62 = tpu.matmul %get3A_57, %get3A_60, %dot_general3A_61 {dimension_numbers = #tpu.dot_dimension_numbers<[1], [0], [0], [1], [0, 0, 1, 1], [], []>, transpose_lhs_hint = false} : vector<1024x128xf32>, vector<128x256xf32>, vector<1024x256xf32> -> vector<1024x256xf32>
    %get3A_63 = arith.constant 0 : index
    %get3A_64 = arith.constant 0 : index
    %get3A_65 = vector.load %arg11[%get3A_63, %get3A_64] : memref<1x256xf32, #tpu.memory_space<vmem>>, vector<1x256xf32>
    %add3A_66 = vector.broadcast %get3A_65 : vector<1x256xf32> to vector<1024x256xf32>
    %add3A_67 = arith.addf %dot_general3A_62, %add3A_66 : vector<1024x256xf32>
    %get3A_68 = arith.constant 0 : index
    %get3A_69 = arith.constant 0 : index
    %get3A_70 = vector.load %arg12[%get3A_68, %get3A_69] : memref<256x256xf32, #tpu.memory_space<vmem>>, vector<256x256xf32>
    %get3A_71 = arith.constant 0 : index
    %get3A_72 = arith.constant 0 : index
    %get3A_73 = vector.load %arg13[%get3A_71, %get3A_72] : memref<1x256xf32, #tpu.memory_space<vmem>>, vector<1x256xf32>
    %get3A_74 = arith.constant 0 : index
    %get3A_75 = arith.constant 0 : index
    %get3A_76 = vector.load %arg14[%get3A_74, %get3A_75] : memref<1x256xf32, #tpu.memory_space<vmem>>, vector<1x256xf32>
    %get3A_77 = arith.constant 0 : index
    %get3A_78 = arith.constant 0 : index
    %get3A_79 = vector.load %arg15[%get3A_77, %get3A_78] : memref<1x1xf32, #tpu.memory_space<vmem>>, vector<1x1xf32>
    %get3A_80 = vector.extract %get3A_79[0, 0] : f32 from vector<1x1xf32>
    %dot_general3A_81 = arith.constant dense<0.000000e+00> : vector<1024x256xf32>
    %dot_general3A_82 = tpu.matmul %mul3A_41, %get3A_70, %dot_general3A_81 {dimension_numbers = #tpu.dot_dimension_numbers<[1], [0], [0], [1], [0, 0, 1, 1], [], []>, transpose_lhs_hint = false} : vector<1024x256xf32>, vector<256x256xf32>, vector<1024x256xf32> -> vector<1024x256xf32>
    %add3A_83 = vector.broadcast %get3A_73 : vector<1x256xf32> to vector<1024x256xf32>
    %add3A_84 = arith.addf %dot_general3A_82, %add3A_83 : vector<1024x256xf32>
    %tanh3A = math.tanh %add3A_84 : vector<1024x256xf32>
    %mul3A_85 = vector.broadcast %get3A_76 : vector<1x256xf32> to vector<1024x256xf32>
    %mul3A_86 = arith.mulf %tanh3A, %mul3A_85 : vector<1024x256xf32>
    %reduce_sum3A_87 = arith.constant dense<0.000000e+00> : vector<1024xf32>
    %reduce_sum3A_88 = vector.multi_reduction <add>, %mul3A_86, %reduce_sum3A_87 [1] : vector<1024x256xf32> to vector<1024xf32>
    %broadcast_in_dim3A_89 = vector.shape_cast %reduce_sum3A_88 : vector<1024xf32> to vector<1024x1xf32>
    %add3A_90 = vector.broadcast %get3A_80 : f32 to vector<1024x1xf32>
    %add3A_91 = arith.addf %broadcast_in_dim3A_89, %add3A_90 : vector<1024x1xf32>
    %exp3A = math.exp %add3A_91 : vector<1024x1xf32>
    %dot_general3A_92 = arith.constant dense<0.000000e+00> : vector<1024x256xf32>
    %dot_general3A_93 = tpu.matmul %add3A_54, %get3A_70, %dot_general3A_92 {dimension_numbers = #tpu.dot_dimension_numbers<[1], [0], [0], [1], [0, 0, 1, 1], [], []>, transpose_lhs_hint = false} : vector<1024x256xf32>, vector<256x256xf32>, vector<1024x256xf32> -> vector<1024x256xf32>
    %add3A_94 = vector.broadcast %get3A_73 : vector<1x256xf32> to vector<1024x256xf32>
    %add3A_95 = arith.addf %dot_general3A_93, %add3A_94 : vector<1024x256xf32>
    %tanh3A_96 = math.tanh %add3A_95 : vector<1024x256xf32>
    %mul3A_97 = vector.broadcast %get3A_76 : vector<1x256xf32> to vector<1024x256xf32>
    %mul3A_98 = arith.mulf %tanh3A_96, %mul3A_97 : vector<1024x256xf32>
    %reduce_sum3A_99 = arith.constant dense<0.000000e+00> : vector<1024xf32>
    %reduce_sum3A_100 = vector.multi_reduction <add>, %mul3A_98, %reduce_sum3A_99 [1] : vector<1024x256xf32> to vector<1024xf32>
    %broadcast_in_dim3A_101 = vector.shape_cast %reduce_sum3A_100 : vector<1024xf32> to vector<1024x1xf32>
    %add3A_102 = vector.broadcast %get3A_80 : f32 to vector<1024x1xf32>
    %add3A_103 = arith.addf %broadcast_in_dim3A_101, %add3A_102 : vector<1024x1xf32>
    %exp3A_104 = math.exp %add3A_103 : vector<1024x1xf32>
    %dot_general3A_105 = arith.constant dense<0.000000e+00> : vector<1024x256xf32>
    %dot_general3A_106 = tpu.matmul %add3A_67, %get3A_70, %dot_general3A_105 {dimension_numbers = #tpu.dot_dimension_numbers<[1], [0], [0], [1], [0, 0, 1, 1], [], []>, transpose_lhs_hint = false} : vector<1024x256xf32>, vector<256x256xf32>, vector<1024x256xf32> -> vector<1024x256xf32>
    %add3A_107 = vector.broadcast %get3A_73 : vector<1x256xf32> to vector<1024x256xf32>
    %add3A_108 = arith.addf %dot_general3A_106, %add3A_107 : vector<1024x256xf32>
    %tanh3A_109 = math.tanh %add3A_108 : vector<1024x256xf32>
    %mul3A_110 = vector.broadcast %get3A_76 : vector<1x256xf32> to vector<1024x256xf32>
    %mul3A_111 = arith.mulf %tanh3A_109, %mul3A_110 : vector<1024x256xf32>
    %reduce_sum3A_112 = arith.constant dense<0.000000e+00> : vector<1024xf32>
    %reduce_sum3A_113 = vector.multi_reduction <add>, %mul3A_111, %reduce_sum3A_112 [1] : vector<1024x256xf32> to vector<1024xf32>
    %broadcast_in_dim3A_114 = vector.shape_cast %reduce_sum3A_113 : vector<1024xf32> to vector<1024x1xf32>
    %add3A_115 = vector.broadcast %get3A_80 : f32 to vector<1024x1xf32>
    %add3A_116 = arith.addf %broadcast_in_dim3A_114, %add3A_115 : vector<1024x1xf32>
    %exp3A_117 = math.exp %add3A_116 : vector<1024x1xf32>
    %add3A_118 = arith.addf %exp3A, %exp3A_104 : vector<1024x1xf32>
    %add3A_119 = arith.addf %add3A_118, %exp3A_117 : vector<1024x1xf32>
    %add3A_120 = arith.constant 9.99999993E-9 : f32
    %add3A_121 = vector.broadcast %add3A_120 : f32 to vector<1024x1xf32>
    %add3A_122 = arith.addf %add3A_119, %add3A_121 : vector<1024x1xf32>
    %mul3A_123 = vector.broadcast %exp3A : vector<1024x1xf32> to vector<1024x256xf32>
    %mul3A_124 = arith.mulf %mul3A_41, %mul3A_123 : vector<1024x256xf32>
    %mul3A_125 = vector.broadcast %exp3A_104 : vector<1024x1xf32> to vector<1024x256xf32>
    %mul3A_126 = arith.mulf %add3A_54, %mul3A_125 : vector<1024x256xf32>
    %add3A_127 = arith.addf %mul3A_124, %mul3A_126 : vector<1024x256xf32>
    %mul3A_128 = vector.broadcast %exp3A_117 : vector<1024x1xf32> to vector<1024x256xf32>
    %mul3A_129 = arith.mulf %add3A_67, %mul3A_128 : vector<1024x256xf32>
    %add3A_130 = arith.addf %add3A_127, %mul3A_129 : vector<1024x256xf32>
    %div3A_131 = vector.broadcast %add3A_122 : vector<1024x1xf32> to vector<1024x256xf32>
    %div3A_132 = arith.divf %add3A_130, %div3A_131 : vector<1024x256xf32>
    %swap3A = arith.constant 0 : index
    %swap3A_133 = arith.constant 0 : index
    %swap3A_134 = vector.load %arg17[%swap3A, %swap3A_133] : memref<1024x256xf32, #tpu.memory_space<vmem>>, vector<1024x256xf32>
    tpu.vector_store %arg17[%swap3A, %swap3A_133], %div3A_132 {strides = array<i32>} : memref<1024x256xf32, #tpu.memory_space<vmem>>, vector<1024x256xf32>,
    return
  }
  func.func @transform_0(%arg0: i32) -> (i32, i32) {
    %c0_i32 = arith.constant 0 : i32
    %c0_i32_0 = arith.constant 0 : i32
    return %arg0, %c0_i32 : i32, i32
  }
  func.func @transform_1(%arg0: i32) -> (i32, i32) {
    %c0_i32 = arith.constant 0 : i32
    %c0_i32_0 = arith.constant 0 : i32
    return %arg0, %c0_i32 : i32, i32
  }
  func.func @transform_2(%arg0: i32) -> (i32, i32) {
    %c0_i32 = arith.constant 0 : i32
    %c0_i32_0 = arith.constant 0 : i32
    return %arg0, %c0_i32 : i32, i32
  }
  func.func @transform_3(%arg0: i32) -> (i32, i32) {
    %c0_i32 = arith.constant 0 : i32
    %c0_i32_0 = arith.constant 0 : i32
    %c0_i32_1 = arith.constant 0 : i32
    return %c0_i32, %c0_i32_0 : i32, i32
  }
  func.func @transform_4(%arg0: i32) -> (i32, i32) {
    %c0_i32 = arith.constant 0 : i32
    %c0_i32_0 = arith.constant 0 : i32
    %c0_i32_1 = arith.constant 0 : i32
    return %c0_i32, %c0_i32_0 : i32, i32
  }
  func.func @transform_5(%arg0: i32) -> (i32, i32) {
    %c0_i32 = arith.constant 0 : i32
    %c0_i32_0 = arith.constant 0 : i32
    %c0_i32_1 = arith.constant 0 : i32
    return %c0_i32, %c0_i32_0 : i32, i32
  }
  func.func @transform_6(%arg0: i32) -> (i32, i32) {
    %c0_i32 = arith.constant 0 : i32
    %c0_i32_0 = arith.constant 0 : i32
    %c0_i32_1 = arith.constant 0 : i32
    return %c0_i32, %c0_i32_0 : i32, i32
  }
  func.func @transform_7(%arg0: i32) -> (i32, i32) {
    %c0_i32 = arith.constant 0 : i32
    %c0_i32_0 = arith.constant 0 : i32
    %c0_i32_1 = arith.constant 0 : i32
    return %c0_i32, %c0_i32_0 : i32, i32
  }
  func.func @transform_8(%arg0: i32) -> (i32, i32) {
    %c0_i32 = arith.constant 0 : i32
    %c0_i32_0 = arith.constant 0 : i32
    %c0_i32_1 = arith.constant 0 : i32
    return %c0_i32, %c0_i32_0 : i32, i32
  }
  func.func @transform_9(%arg0: i32) -> (i32, i32) {
    %c0_i32 = arith.constant 0 : i32
    %c0_i32_0 = arith.constant 0 : i32
    %c0_i32_1 = arith.constant 0 : i32
    return %c0_i32, %c0_i32_0 : i32, i32
  }
  func.func @transform_10(%arg0: i32) -> (i32, i32) {
    %c0_i32 = arith.constant 0 : i32
    %c0_i32_0 = arith.constant 0 : i32
    %c0_i32_1 = arith.constant 0 : i32
    return %c0_i32, %c0_i32_0 : i32, i32
  }
  func.func @transform_11(%arg0: i32) -> (i32, i32) {
    %c0_i32 = arith.constant 0 : i32
    %c0_i32_0 = arith.constant 0 : i32
    %c0_i32_1 = arith.constant 0 : i32
    return %c0_i32, %c0_i32_0 : i32, i32
  }
  func.func @transform_12(%arg0: i32) -> (i32, i32) {
    %c0_i32 = arith.constant 0 : i32
    %c0_i32_0 = arith.constant 0 : i32
    %c0_i32_1 = arith.constant 0 : i32
    return %c0_i32, %c0_i32_0 : i32, i32
  }
  func.func @transform_13(%arg0: i32) -> (i32, i32) {
    %c0_i32 = arith.constant 0 : i32
    %c0_i32_0 = arith.constant 0 : i32
    %c0_i32_1 = arith.constant 0 : i32
    return %c0_i32, %c0_i32_0 : i32, i32
  }
  func.func @transform_14(%arg0: i32) -> (i32, i32) {
    %c0_i32 = arith.constant 0 : i32
    %c0_i32_0 = arith.constant 0 : i32
    %c0_i32_1 = arith.constant 0 : i32
    return %c0_i32, %c0_i32_0 : i32, i32
  }
  func.func @transform_16(%arg0: i32) -> (i32, i32) {
    %add3A = arith.constant 12 : i32
    %add3A_0 = arith.addi %arg0, %add3A : i32
    %c0_i32 = arith.constant 0 : i32
    %c0_i32_1 = arith.constant 0 : i32
    return %add3A_0, %c0_i32 : i32, i32
  }
}

module attributes {stable_mosaic.version = 14 : i64} {
  func.func @body(%arg0: i32, %arg1: memref<1024x768xf32, #tpu.memory_space<vmem>>, %arg2: memref<1024x128xf32, #tpu.memory_space<vmem>>, %arg3: memref<1024x128xf32, #tpu.memory_space<vmem>>, %arg4: memref<768x256xf32, #tpu.memory_space<vmem>>, %arg5: memref<1x256xf32, #tpu.memory_space<vmem>>, %arg6: memref<1x256xf32, #tpu.memory_space<vmem>>, %arg7: memref<1x256xf32, #tpu.memory_space<vmem>>, %arg8: memref<128x256xf32, #tpu.memory_space<vmem>>, %arg9: memref<1x256xf32, #tpu.memory_space<vmem>>, %arg10: memref<128x256xf32, #tpu.memory_space<vmem>>, %arg11: memref<1x256xf32, #tpu.memory_space<vmem>>, %arg12: memref<256x256xf32, #tpu.memory_space<vmem>>, %arg13: memref<1x256xf32, #tpu.memory_space<vmem>>, %arg14: memref<1x256xf32, #tpu.memory_space<vmem>>, %arg15: memref<1x1xf32, #tpu.memory_space<vmem>>, %arg16: memref<16384x256xf32, #tpu.memory_space<any>>, %arg17: memref<1024x256xf32, #tpu.memory_space<vmem>>) attributes {dimension_semantics = [#tpu.dimension_semantics<arbitrary>], iteration_bounds = array<i64: 2>, scalar_prefetch = 0 : i64, scratch_operands = 0 : i64, tpu.core_type = #tpu.core_type<tc>, window_params = [{transform_indices = @transform_0, window_bounds = array<i64: 1024, 768>}, {transform_indices = @transform_1, window_bounds = array<i64: 1024, 128>}, {transform_indices = @transform_2, window_bounds = array<i64: 1024, 128>}, {pipeline_mode = #tpu.pipeline_mode<synchronous>, transform_indices = @transform_3, window_bounds = array<i64: 768, 256>}, {pipeline_mode = #tpu.pipeline_mode<synchronous>, transform_indices = @transform_4, window_bounds = array<i64: 1, 256>}, {pipeline_mode = #tpu.pipeline_mode<synchronous>, transform_indices = @transform_5, window_bounds = array<i64: 1, 256>}, {pipeline_mode = #tpu.pipeline_mode<synchronous>, transform_indices = @transform_6, window_bounds = array<i64: 1, 256>}, {pipeline_mode = #tpu.pipeline_mode<synchronous>, transform_indices = @transform_7, window_bounds = array<i64: 128, 256>}, {pipeline_mode = #tpu.pipeline_mode<synchronous>, transform_indices = @transform_8, window_bounds = array<i64: 1, 256>}, {pipeline_mode = #tpu.pipeline_mode<synchronous>, transform_indices = @transform_9, window_bounds = array<i64: 128, 256>}, {pipeline_mode = #tpu.pipeline_mode<synchronous>, transform_indices = @transform_10, window_bounds = array<i64: 1, 256>}, {pipeline_mode = #tpu.pipeline_mode<synchronous>, transform_indices = @transform_11, window_bounds = array<i64: 256, 256>}, {pipeline_mode = #tpu.pipeline_mode<synchronous>, transform_indices = @transform_12, window_bounds = array<i64: 1, 256>}, {pipeline_mode = #tpu.pipeline_mode<synchronous>, transform_indices = @transform_13, window_bounds = array<i64: 1, 256>}, {pipeline_mode = #tpu.pipeline_mode<synchronous>, transform_indices = @transform_14, window_bounds = array<i64: 1, 1>}, {}, {transform_indices = @transform_16, window_bounds = array<i64: 1024, 256>}]} {
    %get3A = arith.constant 0 : index
    %get3A_0 = arith.constant 0 : index
    %get3A_1 = vector.load %arg1[%get3A, %get3A_0] : memref<1024x768xf32, #tpu.memory_space<vmem>>, vector<1024x768xf32>
    %get3A_2 = arith.constant 0 : index
    %get3A_3 = arith.constant 0 : index
    %get3A_4 = vector.load %arg4[%get3A_2, %get3A_3] : memref<768x256xf32, #tpu.memory_space<vmem>>, vector<768x256xf32>
    %dot_general3A = arith.constant dense<0.000000e+00> : vector<1024x256xf32>
    %dot_general3A_5 = tpu.matmul %get3A_1, %get3A_4, %dot_general3A {dimension_numbers = #tpu.dot_dimension_numbers<[1], [0], [0], [1], [0, 0, 1, 1], [], []>, transpose_lhs_hint = false} : vector<1024x768xf32>, vector<768x256xf32>, vector<1024x256xf32> -> vector<1024x256xf32>
    %get3A_6 = arith.constant 0 : index
    %get3A_7 = arith.constant 0 : index
    %get3A_8 = vector.load %arg5[%get3A_6, %get3A_7] : memref<1x256xf32, #tpu.memory_space<vmem>>, vector<1x256xf32>
    %add3A = vector.broadcast %get3A_8 : vector<1x256xf32> to vector<1024x256xf32>
    %add3A_9 = arith.addf %dot_general3A_5, %add3A : vector<1024x256xf32>
    %reduce_sum3A = arith.constant dense<0.000000e+00> : vector<1024xf32>
    %reduce_sum3A_10 = vector.multi_reduction <add>, %add3A_9, %reduce_sum3A [1] : vector<1024x256xf32> to vector<1024xf32>
    %broadcast_in_dim3A = vector.shape_cast %reduce_sum3A_10 : vector<1024xf32> to vector<1024x1xf32>
    %div3A = arith.constant 2.560000e+02 : f32
    %div3A_11 = vector.broadcast %div3A : f32 to vector<1024x1xf32>
    %div3A_12 = arith.divf %broadcast_in_dim3A, %div3A_11 : vector<1024x1xf32>
    %sub3A = vector.broadcast %div3A_12 : vector<1024x1xf32> to vector<1024x256xf32>
    %sub3A_13 = arith.subf %add3A_9, %sub3A : vector<1024x256xf32>
    %integer_pow3A = arith.mulf %sub3A_13, %sub3A_13 : vector<1024x256xf32>
    %reduce_sum3A_14 = arith.constant dense<0.000000e+00> : vector<1024xf32>
    %reduce_sum3A_15 = vector.multi_reduction <add>, %integer_pow3A, %reduce_sum3A_14 [1] : vector<1024x256xf32> to vector<1024xf32>
    %broadcast_in_dim3A_16 = vector.shape_cast %reduce_sum3A_15 : vector<1024xf32> to vector<1024x1xf32>
    %div3A_17 = arith.constant 2.560000e+02 : f32
    %div3A_18 = vector.broadcast %div3A_17 : f32 to vector<1024x1xf32>
    %div3A_19 = arith.divf %broadcast_in_dim3A_16, %div3A_18 : vector<1024x1xf32>
    %sub3A_20 = vector.broadcast %div3A_12 : vector<1024x1xf32> to vector<1024x256xf32>
    %sub3A_21 = arith.subf %add3A_9, %sub3A_20 : vector<1024x256xf32>
    %add3A_22 = arith.constant 9.99999974E-6 : f32
    %add3A_23 = vector.broadcast %add3A_22 : f32 to vector<1024x1xf32>
    %add3A_24 = arith.addf %div3A_19, %add3A_23 : vector<1024x1xf32>
    %rsqrt3A = math.rsqrt %add3A_24 : vector<1024x1xf32>
    %mul3A = vector.broadcast %rsqrt3A : vector<1024x1xf32> to vector<1024x256xf32>
    %mul3A_25 = arith.mulf %sub3A_21, %mul3A : vector<1024x256xf32>
    %get3A_26 = arith.constant 0 : index
    %get3A_27 = arith.constant 0 : index
    %get3A_28 = vector.load %arg6[%get3A_26, %get3A_27] : memref<1x256xf32, #tpu.memory_space<vmem>>, vector<1x256xf32>
    %mul3A_29 = vector.broadcast %get3A_28 : vector<1x256xf32> to vector<1024x256xf32>
    %mul3A_30 = arith.mulf %mul3A_25, %mul3A_29 : vector<1024x256xf32>
    %get3A_31 = arith.constant 0 : index
    %get3A_32 = arith.constant 0 : index
    %get3A_33 = vector.load %arg7[%get3A_31, %get3A_32] : memref<1x256xf32, #tpu.memory_space<vmem>>, vector<1x256xf32>
    %add3A_34 = vector.broadcast %get3A_33 : vector<1x256xf32> to vector<1024x256xf32>
    %add3A_35 = arith.addf %mul3A_30, %add3A_34 : vector<1024x256xf32>
    %logistic3A = arith.negf %add3A_35 : vector<1024x256xf32>
    %logistic3A_36 = math.exp %logistic3A : vector<1024x256xf32>
    %logistic3A_37 = arith.constant 1.000000e+00 : f32
    %logistic3A_38 = vector.broadcast %logistic3A_37 : f32 to vector<1024x256xf32>
    %logistic3A_39 = arith.addf %logistic3A_38, %logistic3A_36 : vector<1024x256xf32>
    %logistic3A_40 = arith.divf %logistic3A_38, %logistic3A_39 : vector<1024x256xf32>
    %mul3A_41 = arith.mulf %add3A_35, %logistic3A_40 : vector<1024x256xf32>
    %get3A_42 = arith.constant 0 : index
    %get3A_43 = arith.constant 0 : index
    %get3A_44 = vector.load %arg2[%get3A_42, %get3A_43] : memref<1024x128xf32, #tpu.memory_space<vmem>>, vector<1024x128xf32>
    %get3A_45 = arith.constant 0 : index
    %get3A_46 = arith.constant 0 : index
    %get3A_47 = vector.load %arg8[%get3A_45, %get3A_46] : memref<128x256xf32, #tpu.memory_space<vmem>>, vector<128x256xf32>
    %dot_general3A_48 = arith.constant dense<0.000000e+00> : vector<1024x256xf32>
    %dot_general3A_49 = tpu.matmul %get3A_44, %get3A_47, %dot_general3A_48 {dimension_numbers = #tpu.dot_dimension_numbers<[1], [0], [0], [1], [0, 0, 1, 1], [], []>, transpose_lhs_hint = false} : vector<1024x128xf32>, vector<128x256xf32>, vector<1024x256xf32> -> vector<1024x256xf32>
    %get3A_50 = arith.constant 0 : index
    %get3A_51 = arith.constant 0 : index
    %get3A_52 = vector.load %arg9[%get3A_50, %get3A_51] : memref<1x256xf32, #tpu.memory_space<vmem>>, vector<1x256xf32>
    %add3A_53 = vector.broadcast %get3A_52 : vector<1x256xf32> to vector<1024x256xf32>
    %add3A_54 = arith.addf %dot_general3A_49, %add3A_53 : vector<1024x256xf32>
    %get3A_55 = arith.constant 0 : index
    %get3A_56 = arith.constant 0 : index
    %get3A_57 = vector.load %arg3[%get3A_55, %get3A_56] : memref<1024x128xf32, #tpu.memory_space<vmem>>, vector<1024x128xf32>
    %get3A_58 = arith.constant 0 : index
    %get3A_59 = arith.constant 0 : index
    %get3A_60 = vector.load %arg10[%get3A_58, %get3A_59] : memref<128x256xf32, #tpu.memory_space<vmem>>, vector<128x256xf32>
    %dot_general3A_61 = arith.constant dense<0.000000e+00> : vector<1024x256xf32>
    %dot_general3A_62 = tpu.matmul %get3A_57, %get3A_60, %dot_general3A_61 {dimension_numbers = #tpu.dot_dimension_numbers<[1], [0], [0], [1], [0, 0, 1, 1], [], []>, transpose_lhs_hint = false} : vector<1024x128xf32>, vector<128x256xf32>, vector<1024x256xf32> -> vector<1024x256xf32>
    %get3A_63 = arith.constant 0 : index
    %get3A_64 = arith.constant 0 : index
    %get3A_65 = vector.load %arg11[%get3A_63, %get3A_64] : memref<1x256xf32, #tpu.memory_space<vmem>>, vector<1x256xf32>
    %add3A_66 = vector.broadcast %get3A_65 : vector<1x256xf32> to vector<1024x256xf32>
    %add3A_67 = arith.addf %dot_general3A_62, %add3A_66 : vector<1024x256xf32>
    %get3A_68 = arith.constant 0 : index
    %get3A_69 = arith.constant 0 : index
    %get3A_70 = vector.load %arg12[%get3A_68, %get3A_69] : memref<256x256xf32, #tpu.memory_space<vmem>>, vector<256x256xf32>
    %get3A_71 = arith.constant 0 : index
    %get3A_72 = arith.constant 0 : index
    %get3A_73 = vector.load %arg13[%get3A_71, %get3A_72] : memref<1x256xf32, #tpu.memory_space<vmem>>, vector<1x256xf32>
    %get3A_74 = arith.constant 0 : index
    %get3A_75 = arith.constant 0 : index
    %get3A_76 = vector.load %arg14[%get3A_74, %get3A_75] : memref<1x256xf32, #tpu.memory_space<vmem>>, vector<1x256xf32>
    %get3A_77 = arith.constant 0 : index
    %get3A_78 = arith.constant 0 : index
    %get3A_79 = vector.load %arg15[%get3A_77, %get3A_78] : memref<1x1xf32, #tpu.memory_space<vmem>>, vector<1x1xf32>
    %get3A_80 = vector.extract %get3A_79[0, 0] : f32 from vector<1x1xf32>
    %dot_general3A_81 = arith.constant dense<0.000000e+00> : vector<1024x256xf32>
    %dot_general3A_82 = tpu.matmul %mul3A_41, %get3A_70, %dot_general3A_81 {dimension_numbers = #tpu.dot_dimension_numbers<[1], [0], [0], [1], [0, 0, 1, 1], [], []>, transpose_lhs_hint = false} : vector<1024x256xf32>, vector<256x256xf32>, vector<1024x256xf32> -> vector<1024x256xf32>
    %add3A_83 = vector.broadcast %get3A_73 : vector<1x256xf32> to vector<1024x256xf32>
    %add3A_84 = arith.addf %dot_general3A_82, %add3A_83 : vector<1024x256xf32>
    %tanh3A = math.tanh %add3A_84 : vector<1024x256xf32>
    %mul3A_85 = vector.broadcast %get3A_76 : vector<1x256xf32> to vector<1024x256xf32>
    %mul3A_86 = arith.mulf %tanh3A, %mul3A_85 : vector<1024x256xf32>
    %reduce_sum3A_87 = arith.constant dense<0.000000e+00> : vector<1024xf32>
    %reduce_sum3A_88 = vector.multi_reduction <add>, %mul3A_86, %reduce_sum3A_87 [1] : vector<1024x256xf32> to vector<1024xf32>
    %broadcast_in_dim3A_89 = vector.shape_cast %reduce_sum3A_88 : vector<1024xf32> to vector<1024x1xf32>
    %add3A_90 = vector.broadcast %get3A_80 : f32 to vector<1024x1xf32>
    %add3A_91 = arith.addf %broadcast_in_dim3A_89, %add3A_90 : vector<1024x1xf32>
    %exp3A = math.exp %add3A_91 : vector<1024x1xf32>
    %dot_general3A_92 = arith.constant dense<0.000000e+00> : vector<1024x256xf32>
    %dot_general3A_93 = tpu.matmul %add3A_54, %get3A_70, %dot_general3A_92 {dimension_numbers = #tpu.dot_dimension_numbers<[1], [0], [0], [1], [0, 0, 1, 1], [], []>, transpose_lhs_hint = false} : vector<1024x256xf32>, vector<256x256xf32>, vector<1024x256xf32> -> vector<1024x256xf32>
    %add3A_94 = vector.broadcast %get3A_73 : vector<1x256xf32> to vector<1024x256xf32>
    %add3A_95 = arith.addf %dot_general3A_93, %add3A_94 : vector<1024x256xf32>
    %tanh3A_96 = math.tanh %add3A_95 : vector<1024x256xf32>
    %mul3A_97 = vector.broadcast %get3A_76 : vector<1x256xf32> to vector<1024x256xf32>
    %mul3A_98 = arith.mulf %tanh3A_96, %mul3A_97 : vector<1024x256xf32>
    %reduce_sum3A_99 = arith.constant dense<0.000000e+00> : vector<1024xf32>
    %reduce_sum3A_100 = vector.multi_reduction <add>, %mul3A_98, %reduce_sum3A_99 [1] : vector<1024x256xf32> to vector<1024xf32>
    %broadcast_in_dim3A_101 = vector.shape_cast %reduce_sum3A_100 : vector<1024xf32> to vector<1024x1xf32>
    %add3A_102 = vector.broadcast %get3A_80 : f32 to vector<1024x1xf32>
    %add3A_103 = arith.addf %broadcast_in_dim3A_101, %add3A_102 : vector<1024x1xf32>
    %exp3A_104 = math.exp %add3A_103 : vector<1024x1xf32>
    %dot_general3A_105 = arith.constant dense<0.000000e+00> : vector<1024x256xf32>
    %dot_general3A_106 = tpu.matmul %add3A_67, %get3A_70, %dot_general3A_105 {dimension_numbers = #tpu.dot_dimension_numbers<[1], [0], [0], [1], [0, 0, 1, 1], [], []>, transpose_lhs_hint = false} : vector<1024x256xf32>, vector<256x256xf32>, vector<1024x256xf32> -> vector<1024x256xf32>
    %add3A_107 = vector.broadcast %get3A_73 : vector<1x256xf32> to vector<1024x256xf32>
    %add3A_108 = arith.addf %dot_general3A_106, %add3A_107 : vector<1024x256xf32>
    %tanh3A_109 = math.tanh %add3A_108 : vector<1024x256xf32>
    %mul3A_110 = vector.broadcast %get3A_76 : vector<1x256xf32> to vector<1024x256xf32>
    %mul3A_111 = arith.mulf %tanh3A_109, %mul3A_110 : vector<1024x256xf32>
    %reduce_sum3A_112 = arith.constant dense<0.000000e+00> : vector<1024xf32>
    %reduce_sum3A_113 = vector.multi_reduction <add>, %mul3A_111, %reduce_sum3A_112 [1] : vector<1024x256xf32> to vector<1024xf32>
    %broadcast_in_dim3A_114 = vector.shape_cast %reduce_sum3A_113 : vector<1024xf32> to vector<1024x1xf32>
    %add3A_115 = vector.broadcast %get3A_80 : f32 to vector<1024x1xf32>
    %add3A_116 = arith.addf %broadcast_in_dim3A_114, %add3A_115 : vector<1024x1xf32>
    %exp3A_117 = math.exp %add3A_116 : vector<1024x1xf32>
    %add3A_118 = arith.addf %exp3A, %exp3A_104 : vector<1024x1xf32>
    %add3A_119 = arith.addf %add3A_118, %exp3A_117 : vector<1024x1xf32>
    %add3A_120 = arith.constant 9.99999993E-9 : f32
    %add3A_121 = vector.broadcast %add3A_120 : f32 to vector<1024x1xf32>
    %add3A_122 = arith.addf %add3A_119, %add3A_121 : vector<1024x1xf32>
    %mul3A_123 = vector.broadcast %exp3A : vector<1024x1xf32> to vector<1024x256xf32>
    %mul3A_124 = arith.mulf %mul3A_41, %mul3A_123 : vector<1024x256xf32>
    %mul3A_125 = vector.broadcast %exp3A_104 : vector<1024x1xf32> to vector<1024x256xf32>
    %mul3A_126 = arith.mulf %add3A_54, %mul3A_125 : vector<1024x256xf32>
    %add3A_127 = arith.addf %mul3A_124, %mul3A_126 : vector<1024x256xf32>
    %mul3A_128 = vector.broadcast %exp3A_117 : vector<1024x1xf32> to vector<1024x256xf32>
    %mul3A_129 = arith.mulf %add3A_67, %mul3A_128 : vector<1024x256xf32>
    %add3A_130 = arith.addf %add3A_127, %mul3A_129 : vector<1024x256xf32>
    %div3A_131 = vector.broadcast %add3A_122 : vector<1024x1xf32> to vector<1024x256xf32>
    %div3A_132 = arith.divf %add3A_130, %div3A_131 : vector<1024x256xf32>
    %swap3A = arith.constant 0 : index
    %swap3A_133 = arith.constant 0 : index
    %swap3A_134 = vector.load %arg17[%swap3A, %swap3A_133] : memref<1024x256xf32, #tpu.memory_space<vmem>>, vector<1024x256xf32>
    tpu.vector_store %arg17[%swap3A, %swap3A_133], %div3A_132 {strides = array<i32>} : memref<1024x256xf32, #tpu.memory_space<vmem>>, vector<1024x256xf32>,
    return
  }
  func.func @transform_0(%arg0: i32) -> (i32, i32) {
    %c0_i32 = arith.constant 0 : i32
    %c0_i32_0 = arith.constant 0 : i32
    return %arg0, %c0_i32 : i32, i32
  }
  func.func @transform_1(%arg0: i32) -> (i32, i32) {
    %c0_i32 = arith.constant 0 : i32
    %c0_i32_0 = arith.constant 0 : i32
    return %arg0, %c0_i32 : i32, i32
  }
  func.func @transform_2(%arg0: i32) -> (i32, i32) {
    %c0_i32 = arith.constant 0 : i32
    %c0_i32_0 = arith.constant 0 : i32
    return %arg0, %c0_i32 : i32, i32
  }
  func.func @transform_3(%arg0: i32) -> (i32, i32) {
    %c0_i32 = arith.constant 0 : i32
    %c0_i32_0 = arith.constant 0 : i32
    %c0_i32_1 = arith.constant 0 : i32
    return %c0_i32, %c0_i32_0 : i32, i32
  }
  func.func @transform_4(%arg0: i32) -> (i32, i32) {
    %c0_i32 = arith.constant 0 : i32
    %c0_i32_0 = arith.constant 0 : i32
    %c0_i32_1 = arith.constant 0 : i32
    return %c0_i32, %c0_i32_0 : i32, i32
  }
  func.func @transform_5(%arg0: i32) -> (i32, i32) {
    %c0_i32 = arith.constant 0 : i32
    %c0_i32_0 = arith.constant 0 : i32
    %c0_i32_1 = arith.constant 0 : i32
    return %c0_i32, %c0_i32_0 : i32, i32
  }
  func.func @transform_6(%arg0: i32) -> (i32, i32) {
    %c0_i32 = arith.constant 0 : i32
    %c0_i32_0 = arith.constant 0 : i32
    %c0_i32_1 = arith.constant 0 : i32
    return %c0_i32, %c0_i32_0 : i32, i32
  }
  func.func @transform_7(%arg0: i32) -> (i32, i32) {
    %c0_i32 = arith.constant 0 : i32
    %c0_i32_0 = arith.constant 0 : i32
    %c0_i32_1 = arith.constant 0 : i32
    return %c0_i32, %c0_i32_0 : i32, i32
  }
  func.func @transform_8(%arg0: i32) -> (i32, i32) {
    %c0_i32 = arith.constant 0 : i32
    %c0_i32_0 = arith.constant 0 : i32
    %c0_i32_1 = arith.constant 0 : i32
    return %c0_i32, %c0_i32_0 : i32, i32
  }
  func.func @transform_9(%arg0: i32) -> (i32, i32) {
    %c0_i32 = arith.constant 0 : i32
    %c0_i32_0 = arith.constant 0 : i32
    %c0_i32_1 = arith.constant 0 : i32
    return %c0_i32, %c0_i32_0 : i32, i32
  }
  func.func @transform_10(%arg0: i32) -> (i32, i32) {
    %c0_i32 = arith.constant 0 : i32
    %c0_i32_0 = arith.constant 0 : i32
    %c0_i32_1 = arith.constant 0 : i32
    return %c0_i32, %c0_i32_0 : i32, i32
  }
  func.func @transform_11(%arg0: i32) -> (i32, i32) {
    %c0_i32 = arith.constant 0 : i32
    %c0_i32_0 = arith.constant 0 : i32
    %c0_i32_1 = arith.constant 0 : i32
    return %c0_i32, %c0_i32_0 : i32, i32
  }
  func.func @transform_12(%arg0: i32) -> (i32, i32) {
    %c0_i32 = arith.constant 0 : i32
    %c0_i32_0 = arith.constant 0 : i32
    %c0_i32_1 = arith.constant 0 : i32
    return %c0_i32, %c0_i32_0 : i32, i32
  }
  func.func @transform_13(%arg0: i32) -> (i32, i32) {
    %c0_i32 = arith.constant 0 : i32
    %c0_i32_0 = arith.constant 0 : i32
    %c0_i32_1 = arith.constant 0 : i32
    return %c0_i32, %c0_i32_0 : i32, i32
  }
  func.func @transform_14(%arg0: i32) -> (i32, i32) {
    %c0_i32 = arith.constant 0 : i32
    %c0_i32_0 = arith.constant 0 : i32
    %c0_i32_1 = arith.constant 0 : i32
    return %c0_i32, %c0_i32_0 : i32, i32
  }
  func.func @transform_16(%arg0: i32) -> (i32, i32) {
    %add3A = arith.constant 14 : i32
    %add3A_0 = arith.addi %arg0, %add3A : i32
    %c0_i32 = arith.constant 0 : i32
    %c0_i32_1 = arith.constant 0 : i32
    return %add3A_0, %c0_i32 : i32, i32
  }
}

</mosaic_0001>

<sc_bundles>
// kernel: kernel.12.cloned.1.call-start
scs
__scs_entry_jumppad:
0x0: {  	(pc) =	sbr.rel $0x88, $3  }
0x1: {  	(tag) =	ssettag $0x0;
	lr =	simm.s32 $0x1  }
0x2: {  	[smem:$0x3F91] =	sst lr;
	_ =	strace $0xD0000000  }
0x3: {  	_ = 	snop  }
0x4: {  	_ = 	snop  }
0x5: {  	_ = 	snop  }
0x6: {  	_ = 	snop  }
0x7: {  	_ = 	snop  }
__scs_overlays_trampoline_lowered:
0x8: {  	[smem:$0x3FA0] =	sst s0  }
0x9: {  	[smem:$0x3FA1] =	sst s1  }
0xa: {  	[smem:$0x3FA2] =	sst s2  }
0xb: {  	[smem:$0x3FA3] =	sst s3  }
0xc: {  	[smem:$0x3FA4] =	sst s4  }
0xd: {  	[smem:$0x3FA5] =	sst s5  }
0xe: {  	[smem:$0x3FA6] =	sst s6  }
0xf: {  	[smem:$0x3FA7] =	sst s7  }
0x10: {  	[smem:$0x3FA8] =	sst s8  }
0x11: {  	[smem:$0x3FA9] =	sst s9;
	s0 =	simm.s32 @!p0 $0x0  }
0x12: {  	s1 =	sld [smem:$0x3F8F];
	s0 =	simm.s32 @p0 $0x1  }
0x13: {  	[smem:$0x3FAA] =	sst s0;
	s0 =	simm.s32 @!p1 $0x0  }
0x14: {  	s2 =	sld [smem:$0x3F8E];
	s0 =	simm.s32 @p1 $0x1  }
0x15: {  	[smem:$0x3FAB] =	sst s0;
	s0 =	simm.s32 @!p2 $0x0  }
0x16: {  	s3 =	sld [smem:$0x3FDB];
	s0 =	simm.s32 @p2 $0x1  }
0x17: {  	s4 =	simm.s32 $0x1BF5;
	[smem:$0x3FAD] =	sst s0  }
0x18: {  	s0 =	sld [smem:$0x3F90];
	_ =	swait.ge [sflag:s4], $0x0  }
0x19: {  	s7 =	sld [smem:$0x3F91]  }
0x1a: {  	s8 =	sadd.s32 $0xFFFFE003, lr  }
0x1b: {  	s9 =	sadd.s32 $0xFFFFFEF7, lr;
	s5 =	simm.s32 $0xFFFFFFFF;
	p2 =	slt.u32 s8, $0xFFFFF086  }
0x1c: {  	p1 =	slt.u32 s9, $0xF7A;
	s5 =	simm.s32 @!p2 $0x0  }
0x1d: {  	s5 =	simm.s32 @p1 $0x1;
	p0 =	seq.s32 s7, s2  }
0x1e: {  	s7 =	smul.u32 @!p0 $0xF7A, s2;
	p2 =	seq.s32 @!p0 s5, $0x0  }
0x1f: {  	s9 =	smul.u32 $0xF7A, s1;
	s8 =	simm.s32 @!p0 $0x1BF5;
	p2 =	por !p2, p0  }
0x20: {  	[sflag:s8] =	ssyncset.s32 @!p0 $0xFFFFF086;
	s6 =	sadd.s32 @!p0 s3, s7;
	s7 =	simm.s32 @!p0 $0x108  }
0x21: {  	s3 =	sadd.s32 s3, s9;
	s6 =	sadd.s32 @!p0 $0x88, s6;
	s7 =	simm.s32 @p2 $0x1082  }
0x22: {  	[simem:s7], [sflag:s8] =	dma.local @!p0 [hbm:s6], $0xF7A  }
0x23: {  	s9 =	sor.u32 $0xD0000000, s2;
	s6 =	simm.s32 $0x108;
	_ =	swait.ge @!p0 [sflag:s8], $0x0  }
0x24: {  	s3 =	sadd.s32 $0x88, s3;
	s6 =	simm.s32 @!p1 $0x1082;
	[sflag:s4] =	ssyncset.s32 $0xFFFFF086  }
0x25: {  	[simem:s6], [sflag:s4] =	dma.local [hbm:s3], $0xF7A  }
0x26: {  	[smem:$0x3F91] =	sst s1;
	(tag) =	ssettag s2;
	_ =	strace s9  }
0x27: {  	s1 =	sld [smem:$0x3FA1]  }
0x28: {  	s2 =	sld [smem:$0x3FA2]  }
0x29: {  	s4 =	sld [smem:$0x3FA4]  }
0x2a: {  	p0 =	seq.s32 s5, $0x0;
	s5 =	sld [smem:$0x3FA5]  }
0x2b: {  	s6 =	sld [smem:$0x3FA6]  }
0x2c: {  	s7 =	sld [smem:$0x3FA7]  }
0x2d: {  	s3 =	simm.s32 $0x108;
	s8 =	sld [smem:$0x3FA8]  }
0x2e: {  	s3 =	simm.s32 @!p0 $0x1082;
	s9 =	sld [smem:$0x3FA9]  }
0x2f: {  	lr =	sadd.s32 s0, s3;
	s0 =	sld [smem:$0x3FA0]  }
0x30: {  	s3 =	sld [smem:$0x3FA3]  }
0x31: {  	[smem:$0x3FAC] =	sst s10  }
0x32: {  	s10 =	sld [smem:$0x3FAA];
	_ =	sdelay $0x3  }
0x33: {  	p0 =	seq.s32 s10, $0x1;
	s10 =	sld [smem:$0x3FAC];
	_ =	sdelay $0x3  }
0x34: {  	[smem:$0x3FAC] =	sst s10  }
0x35: {  	s10 =	sld [smem:$0x3FAB];
	_ =	sdelay $0x3  }
0x36: {  	p1 =	seq.s32 s10, $0x1;
	s10 =	sld [smem:$0x3FAC];
	_ =	sdelay $0x3  }
0x37: {  	[smem:$0x3FAC] =	sst s10  }
0x38: {  	s10 =	sld [smem:$0x3FAD]  }
0x39: {  	_ = 	snop;
	(pc) =	sbr.ind lr, $3  }
0x3a: {  	_ = 	snop  }
0x3b: {  	_ = 	snop  }
0x3c: {  	p2 =	seq.s32 s10, $0x1;
	s10 =	sld [smem:$0x3FAC]  }
0x3d: {  	_ =	shalt  }
0x3e: {  	_ =	shalt  }
0x3f: {  	_ =	shalt  }
0x40: {  	_ =	shalt  }
0x41: {  	_ =	shalt  }
0x42: {  	_ =	shalt  }
0x43: {  	_ =	shalt  }
0x44: {  	_ =	shalt  }
0x45: {  	_ =	shalt  }
0x46: {  	_ =	shalt  }
0x47: {  	_ =	shalt  }
0x48: {  	_ =	shalt  }
0x49: {  	_ =	shalt  }
0x4a: {  	_ =	shalt  }
0x4b: {  	_ =	shalt  }
0x4c: {  	_ =	shalt  }
0x4d: {  	_ =	shalt  }
0x4e: {  	_ =	shalt  }
0x4f: {  	_ =	shalt  }
0x50: {  	_ =	shalt  }
0x51: {  	_ =	shalt  }
0x52: {  	_ =	shalt  }
0x53: {  	_ =	shalt  }
0x54: {  	_ =	shalt  }
0x55: {  	_ =	shalt  }
0x56: {  	_ =	shalt  }
0x57: {  	_ =	shalt  }
0x58: {  	_ =	shalt  }
0x59: {  	_ =	shalt  }
0x5a: {  	_ =	shalt  }
0x5b: {  	_ =	shalt  }
0x5c: {  	_ =	shalt  }
0x5d: {  	_ =	shalt  }
0x5e: {  	_ =	shalt  }
0x5f: {  	_ =	shalt  }
0x60: {  	_ =	shalt  }
0x61: {  	_ =	shalt  }
0x62: {  	_ =	shalt  }
0x63: {  	_ =	shalt  }
0x64: {  	_ =	shalt  }
0x65: {  	_ =	shalt  }
0x66: {  	_ =	shalt  }
0x67: {  	_ =	shalt  }
0x68: {  	_ =	shalt  }
0x69: {  	_ =	shalt  }
0x6a: {  	_ =	shalt  }
0x6b: {  	_ =	shalt  }
0x6c: {  	_ =	shalt  }
0x6d: {  	_ =	shalt  }
0x6e: {  	_ =	shalt  }
0x6f: {  	_ =	shalt  }
0x70: {  	_ =	shalt  }
0x71: {  	_ =	shalt  }
0x72: {  	_ =	shalt  }
0x73: {  	_ =	shalt  }
0x74: {  	_ =	shalt  }
0x75: {  	_ =	shalt  }
0x76: {  	_ =	shalt  }
0x77: {  	_ =	shalt  }
0x78: {  	_ =	shalt  }
0x79: {  	_ =	shalt  }
0x7a: {  	_ =	shalt  }
0x7b: {  	_ =	shalt  }
0x7c: {  	_ =	shalt  }
0x7d: {  	_ =	shalt  }
0x7e: {  	_ =	shalt  }
0x7f: {  	_ =	shalt  }
0x80: {  	_ =	shalt  }
0x81: {  	_ =	shalt  }
0x82: {  	_ =	shalt  }
0x83: {  	_ =	shalt  }
0x84: {  	_ =	shalt  }
0x85: {  	_ =	shalt  }
0x86: {  	_ =	shalt  }
0x87: {  	_ =	shalt  }
.Lfunc_end0:
.L_simem_size_0:
called_computation_lowered:
.L_overlay_start_0:
0x88: {  	s2 =	sld [smem:$0x3FD9]  }
0x89: {  	s3 =	sld [smem:$0x3FFE];
	_ =	sdelay $0x1  }
0x8a: {  	s1 =	srdreg.scid  }
0x8b: {  	s0 =	sand.u32 $0x1, s1  }
0x8c: {  	s17 =	sshll.u32 s0, $0xA;
	s2 =	sadd.s32 s3, s2  }
0x8d: {  	s2 =	sadd.s32 s2, s17  }
0x8e: {  	[smem:$0x3FB8] =	sst s2  }
0x8f: {  	_ = 	snop  }
0x90: {  	s2 =	sld [smem:$0x3FC8]  }
0x91: {  	s18 =	sld [smem:$0x3FC3]  }
0x92: {  	s4 =	sld [smem:$0x3FC0]  }
0x93: {  	s5 =	sld [smem:$0x3FD0];
	(tm) =	ssettm $0x1  }
0x94: {  	s6 =	sld [smem:$0x3FFB];
	_ =	sdelay $0x3  }
0x95: {  	_ =	strace s6  }
0x96: {  	s6 =	sld [smem:$0x3FFC];
	_ =	sdelay $0x3  }
0x97: {  	_ =	strace s6  }
0x98: {  	s6 =	sld [smem:$0x3FFD];
	_ =	sdelay $0x3  }
0x99: {  	_ =	strace s6  }
0x9a: {  	_ =	strace $0x8FFFFFFF  }
0x9b: {  	s19 =	sld [smem:$0x3FDB];
	_ =	sdelay $0x1  }
0x9c: {  	s7 =	simm.s32 $_scs_section_size  }
0x9d: {  	s8 =	simm.s32 $_size__tile_overlayer_lowered;
	s9 =	simm.s32 $_tile_overlayer_lowered  }
0x9e: {  	s22 =	simm.s32 $0x1BFF;
	s21 =	sshll.u32 s9, $0x1;
	s6 =	sadd.s32 s7, s19  }
0x9f: {  	s10 =	simm.s32 $0x0;
	s20 =	sshll.u32 s8, $0x1;
	s8 =	sadd.s32 s21, s6  }
0xa0: {  	[timem:s10], [sflag:s22] =	dma.local [hbm:s8], s20  }
0xa1: {  	_ =	swait.ge [sflag:s22], s20  }
0xa2: {  	s7 =	ssub.s32 $0x0, s20;
	[sflag:s22] =	ssyncset.done $0x0  }
0xa3: {  	[sflag:s22] =	ssyncadd.s32 s7;
	_ =	sdelay $0x1  }
0xa4: {  	s23 =	simm.s32 $0x1B8B  }
0xa5: {  	_ =	swait.ge [sflag:s23], $0x1  }
0xa6: {  	[sflag:s23] =	ssyncset.done $0x0  }
0xa7: {  	s25 =	simm.s32 $0x1B8E;
	s24 =	sld [smem:$0x3FFE];
	[sflag:s23] =	ssyncadd.s32 $0xFFFFFFFF  }
0xa8: {  	s26 =	simm.s32 $execute0_lowered;
	[smem:$0x3FD2] =	sst s25  }
0xa9: {  	s8 =	sshll.u32 s26, $0x1;
	_ =	strace $0x80000046;
	[dreg:$0x1] =	wrdreg $0xFFFFFFFF  }
0xaa: {  	s28 =	simm.s32 $_size_execute0_lowered;
	s6 =	sadd.s32 s6, s8;
	[dreg:$0x0] =	wrdreg $0x0  }
0xab: {  	s8 =	sshll.u32 s28, $0x1;
	[dreg:$0x2] =	wrdreg s6  }
0xac: {  	[dreg:$0x3] =	wrdreg s8  }
0xad: {  	[dreg:$0x4] =	wrdreg $0xC0  }
0xae: {  	_ =	task [dreg:s10], $0x5FFFF  }
0xaf: {  	[dreg:$0x1] =	wrdreg $0xFFFFFFFF  }
0xb0: {  	[dreg:$0x0] =	wrdreg $0x60  }
0xb1: {  	[dreg:$0x2] =	wrdreg s24  }
0xb2: {  	[dreg:$0x3] =	wrdreg s2  }
0xb3: {  	[dreg:$0x4] =	wrdreg s18  }
0xb4: {  	[dreg:$0x5] =	wrdreg s4  }
0xb5: {  	[dreg:$0x6] =	wrdreg s5  }
0xb6: {  	[dreg:$0x7] =	wrdreg $0x9  }
0xb7: {  	_ =	task.clear_ibuf [dreg:s10], $0x8FFFF;
	_ =	strace $0x90000046  }
0xb8: {  	s29 =	simm.s32 $0x9;
	_ =	strace $0x80000048  }
0xb9: {  	_ =	swait.ge [sflag:s29], $0x1  }
0xba: {  	[sflag:s29] =	ssyncadd.s32 $0xFFFFFFFF  }
0xbb: {  	_ =	strace $0x90000048  }
0xbc: {  	_ =	sfence  }
0xbd: {  	s30 =	sld [smem:$0x0];
	_ =	sdelay $0x2  }
0xbe: {  	s31 =	sshll.u32 s1, $0xD;
	s1 =	sshrl.u32 s1, $0x2  }
0xbf: {  	s3 =	sand.u32 $0x4000, s31;
	s1 =	sadd.s32 s1, s30  }
0xc0: {  	s0 =	sor.u32 s3, s0;
	s1 =	sshll.u32 s1, $0x11  }
0xc1: {  	s0 =	sor.u32 s1, s0  }
0xc2: {  	s0 =	sadd.s32 $0x8F2B, s0  }
0xc3: {  	[sflag:s0] =	ssyncadd.remote.s32 $0x1  }
0xc4: {  	_ =	sfence.sel $0xFFFF  }
0xc5: {  	[dreg:$0x0] =	wrdreg $0xFFFFFFFF;
	(pc) =	sbr.abs _section_cstart, $3  }
0xc6: {  	[dreg:$0x1] =	wrdreg $0xFFFFFFFF  }
0xc7: {  	_ =	task.clear_ibuf [dreg:s10], $0x2FFFF;
	_ =	strace $0x9FFFFFFF  }
0xc8: {  	(tm) =	ssettm $0x7FFFFFFF  }
0xc9: {  	_ =	shalt  }
tec
execute0_lowered:
.L_overlay_start_1:
0x0: {  	(tag) =	ssettag $0x1  }
0x1: {  	s6 =	rddreg [dreg:$0x0]  }
0x2: {  	s1 =	rddreg [dreg:$0x1];
	s3 =	srdreg.scid  }
0x3: {  	s2 =	rddreg [dreg:$0x2];
	s0 =	stileid.u32;
	s3 =	sand.u32 $0x1, s3  }
0x4: {  	s4 =	rddreg [dreg:$0x3];
	s5 =	sshll.u32 s0, $0x8;
	s7 =	sshll.u32 s3, $0x7  }
0x5: {  	s8 =	rddreg [dreg:$0x4];
	s7 =	sor.u32 s7, s5;
	s5 =	simm.s32 $0x0  }
0x6: {  	s14 =	simm.s32 $0x1980;
	[smem:$0x7FF] =	sst s5  }
0x7: {  	s15 =	simm.s32 $0x2180;
	_ =	strace $0x80000047;
	[dreg:$0x11] =	wrdreg s14  }
0x8: {  	s16 =	simm.s32 $0x2980;
	[dreg:$0x12] =	wrdreg s15  }
0x9: {  	s17 =	simm.s32 $0x3180;
	[dreg:$0x13] =	wrdreg s16  }
0xa: {  	s18 =	simm.s32 $0x3980;
	[dreg:$0x14] =	wrdreg s17  }
0xb: {  	s19 =	simm.s32 $0x4180;
	[dreg:$0x15] =	wrdreg s18  }
0xc: {  	s20 =	simm.s32 $0x4980;
	[dreg:$0x16] =	wrdreg s19  }
0xd: {  	s21 =	simm.s32 $0x5180;
	[dreg:$0x17] =	wrdreg s20  }
0xe: {  	s22 =	simm.s32 $0x5980;
	[dreg:$0x18] =	wrdreg s21  }
0xf: {  	s23 =	simm.s32 $0x6180;
	[dreg:$0x19] =	wrdreg s22  }
0x10: {  	s24 =	simm.s32 $0x6980;
	[dreg:$0x1a] =	wrdreg s23  }
0x11: {  	[dreg:$0x1b] =	wrdreg s24;
	s14 =	simm.s32 $0xC980  }
0x12: {  	s28 =	simm.s32 $0x18180;
	s15 =	simm.s32 $0xD180;
	[smem:$0x7F2] =	sst s14  }
0x13: {  	s29 =	simm.s32 $0x2;
	s16 =	simm.s32 $0xD980;
	[smem:$0x7F3] =	sst s15  }
0x14: {  	s30 =	simm.s32 $0xC0;
	s17 =	simm.s32 $0xE180;
	[smem:$0x7F4] =	sst s16  }
0x15: {  	s31 =	simm.s32 $0x1A180;
	s19 =	simm.s32 $0xE980;
	[smem:$0x7F5] =	sst s17  }
0x16: {  	s13 =	sadd.s32 $0x7200, s6;
	s20 =	simm.s32 $0xF180;
	[smem:$0x7F6] =	sst s19  }
0x17: {  	s3 =	ssub.s32 $0x2, s3;
	s21 =	simm.s32 $0xF980;
	[smem:$0x7F7] =	sst s20  }
0x18: {  	s9 =	sshrl.u32 s7, $0x3;
	s22 =	simm.s32 $0x10180;
	[smem:$0x7F8] =	sst s21  }
0x19: {  	s7 =	sshll.u32 s7, $0x4;
	s23 =	simm.s32 $0x10980;
	[smem:$0x7F9] =	sst s22  }
0x1a: {  	s10 =	sadd.s32 s9, s6;
	s24 =	simm.s32 $0x11180;
	[smem:$0x7FA] =	sst s23  }
0x1b: {  	s12 =	smul.u32 $0x300, s9;
	s11 =	sadd.s32 $0x7000, s10;
	[smem:$0x7FB] =	sst s24  }
0x1c: {  	s9 =	sor.u32 $0x8, s9;
	s25 =	sadd.s32 $0x6E00, s10;
	[dreg:$0x6] =	wrdreg s11  }
0x1d: {  	s6 =	sadd.s32 $0x17200, s6;
	s10 =	sadd.s32 $0x6C00, s10;
	[dreg:$0x7] =	wrdreg s25  }
0x1e: {  	s26 =	smul.u32 $0x300, s9;
	[dreg:$0x8] =	wrdreg s10;
	s0 =	sadd.s32 s8, s12  }
0x1f: {  	s9 =	sshll.u32 s9, $0x7;
	s10 =	sadd.s32 s13, s7;
	[dreg:$0x9] =	wrdreg s0  }
0x20: {  	s18 =	sshrl.u32 s3, $0x1;
	s11 =	sadd.s32 s13, s9;
	[dreg:$0xb] =	wrdreg s10  }
0x21: {  	s3 =	ssub.s32 s3, s18;
	s7 =	sadd.s32 s6, s7;
	[dreg:$0xc] =	wrdreg s11  }
0x22: {  	s15 =	simm.s32 $0x13180;
	s6 =	sadd.s32 s6, s9;
	[dreg:$0xd] =	wrdreg s7  }
0x23: {  	s16 =	simm.s32 $0x13980;
	s12 =	simm.s32 $0x980;
	[dreg:$0xe] =	wrdreg s6  }
0x24: {  	s17 =	simm.s32 $0x14180;
	s13 =	simm.s32 $0x1180;
	[dreg:$0xf] =	wrdreg s12  }
0x25: {  	s18 =	simm.s32 $0x14980;
	s25 =	simm.s32 $0x7180;
	[dreg:$0x10] =	wrdreg s13  }
0x26: {  	s19 =	simm.s32 $0x15180;
	s9 =	simm.s32 $0x9980;
	[dreg:$0x1c] =	wrdreg s25  }
0x27: {  	s20 =	simm.s32 $0x15980;
	s8 =	sadd.s32 s8, s26;
	[smem:$0x7ED] =	sst s9  }
0x28: {  	s21 =	simm.s32 $0x16180;
	s26 =	simm.s32 $0x7980;
	[dreg:$0xa] =	wrdreg s8  }
0x29: {  	s22 =	simm.s32 $0x16980;
	s0 =	simm.s32 $0x8180;
	[dreg:$0x1d] =	wrdreg s26  }
0x2a: {  	s23 =	simm.s32 $0x17180;
	s7 =	simm.s32 $0x8980;
	[dreg:$0x1e] =	wrdreg s0  }
0x2b: {  	s24 =	simm.s32 $0x17980;
	s10 =	simm.s32 $0xA180;
	[dreg:$0x1f] =	wrdreg s7  }
0x2c: {  	s11 =	simm.s32 $0xA980;
	s12 =	simm.s32 $0xB180;
	[smem:$0x7EE] =	sst s10  }
0x2d: {  	s13 =	simm.s32 $0xB980;
	s6 =	sadd.s32 $0x100, s1;
	[smem:$0x7EF] =	sst s11  }
0x2e: {  	s9 =	simm.s32 $0x80;
	s25 =	simm.s32 $0x11980;
	[smem:$0x7F0] =	sst s12  }
0x2f: {  	s8 =	simm.s32 $0x9180;
	[smem:$0x7F1] =	sst s13;
	s7 =	sadd.s32 $0x200, s1  }
0x30: {  	s10 =	simm.s32 $0x100;
	s11 =	simm.s32 $0x3;
	[smem:$0x7FC] =	sst s25  }
0x31: {  	v2 =	vlaneseq.u32;
	s26 =	simm.s32 $0x12180;
	s12 =	simm.s32 $0x180;
	s13 =	simm.s32 $0xC180  }
0x32: {  	vm0 =	vmmov $0xffff;
	v1 =	vshrl.u32 v2, $0x3;
	s25 =	simm.s32 $0x1;
	[smem:$0x7EC] =	sst s8;
	s8 =	smax.u32 s3, $0x1  }
0x33: {  	v0 =	vand.u32 $0x7, v2;
	v2 =	vor.u32 $0x8, v2;
	v1 =	vmul.u32 $0x8, v1;
	[smem:$0x7FD] =	sst s26;
	s26 =	simm.s32 $0x40;
	s3 =	simm.s32 $0x140  }
.LBB2_1:
0x34: {  	s0 =	rddreg [dreg:$0x6]  }
0x35: {  	[tilespmem:s5], [sflag:$0x3] =	stream.linear.gather [hbm4b:s0+s5], $0x80, $0x38;
	[tilespmem:$0x1C180] =	vst v63  }
0x36: {  	s14 =	rddreg [dreg:$0x7]  }
0x37: {  	[tilespmem:s9], [sflag:$0x3] =	stream.linear.gather [hbm4b:s14+s5], $0x80, $0x38;
	[tilespmem:$0x1C180] =	vst v63  }
0x38: {  	s0 =	rddreg [dreg:$0x8]  }
0x39: {  	[tilespmem:s10], [sflag:$0x3] =	stream.linear.gather [hbm4b:s0+s5], $0x80, $0x38;
	[tilespmem:$0x1C180] =	vst v63  }
0x3a: {  	_ =	swait.ge [sflag:s11], $0x80  }
0x3b: {  	[sflag:s11] =	ssyncset.done $0x0  }
0x3c: {  	[sflag:s11] =	ssyncadd.s32 $0xFFFFFF80  }
0x3d: {  	_ =	swait.ge [sflag:s11], $0x80  }
0x3e: {  	[sflag:s11] =	ssyncset.done $0x0  }
0x3f: {  	[sflag:s11] =	ssyncadd.s32 $0xFFFFFF80  }
0x40: {  	_ =	swait.ge [sflag:s11], $0x80  }
0x41: {  	[sflag:s11] =	ssyncset.done $0x0  }
0x42: {  	[sflag:s11] =	ssyncadd.s32 $0xFFFFFF80  }
0x43: {  	v3 =	vld [tilespmem:$0x0];
	_ =	sdelay $0x4  }
0x44: {  	v4 =	vshrl.u32 v3, $0x3  }
0x45: {  	v4 =	vmul.u32 $0x30, v4  }
0x46: {  	v3 =	vand.u32 $0x7, v3  }
0x47: {  	v3 =	vor.u32 v3, v4  }
0x48: {  	v4 =	vperm.xlane v3, v0;
	_ =	sdelay $0x1  }
0x49: {  	v4 =	vadd.s32 v1, v4;
	_ =	sdelay $0x3  }
0x4a: {  	v3 =	vperm.xlane v3, v2  }
0x4b: {  	[tilespmem:s12], [sflag:$0x1] =	stream.indirect_vreg.gather [hbm4b:s1+s5], $0x80, v4, vm0, $0xb8;
	[tilespmem:$0x1C180] =	vst v63  }
0x4c: {  	s0 =	rddreg [dreg:$0xf];
	v3 =	vadd.s32 v1, v3  }
0x4d: {  	[tilespmem:s0], [sflag:$0x1] =	stream.indirect_vreg.gather [hbm4b:s6+s5], $0x80, v4, vm0, $0xb8;
	[tilespmem:$0x1C180] =	vst v63  }
0x4e: {  	s14 =	rddreg [dreg:$0x10]  }
0x4f: {  	[tilespmem:s14], [sflag:$0x1] =	stream.indirect_vreg.gather [hbm4b:s7+s5], $0x80, v4, vm0, $0xb8;
	[tilespmem:$0x1C180] =	vst v63  }
0x50: {  	s0 =	rddreg [dreg:$0x11]  }
0x51: {  	[tilespmem:s0], [sflag:$0x1] =	stream.indirect_vreg.gather [hbm4b:s1+s5], $0x80, v3, vm0, $0xb8;
	[tilespmem:$0x1C180] =	vst v63  }
0x52: {  	s14 =	rddreg [dreg:$0x12]  }
0x53: {  	[tilespmem:s14], [sflag:$0x1] =	stream.indirect_vreg.gather [hbm4b:s6+s5], $0x80, v3, vm0, $0xb8;
	[tilespmem:$0x1C180] =	vst v63  }
0x54: {  	s0 =	rddreg [dreg:$0x13]  }
0x55: {  	[tilespmem:s0], [sflag:$0x1] =	stream.indirect_vreg.gather [hbm4b:s7+s5], $0x80, v3, vm0, $0xb8;
	[tilespmem:$0x1C180] =	vst v63  }
0x56: {  	v3 =	vld [tilespmem:$0x10];
	_ =	sdelay $0x4  }
0x57: {  	v57 =	vshrl.u32 v3, $0x3  }
0x58: {  	v4 =	vmul.u32 $0x30, v57  }
0x59: {  	v3 =	vand.u32 $0x7, v3  }
0x5a: {  	v3 =	vor.u32 v3, v4  }
0x5b: {  	v4 =	vperm.xlane v3, v0;
	_ =	sdelay $0x1  }
0x5c: {  	v4 =	vadd.s32 v1, v4;
	_ =	sdelay $0x3  }
0x5d: {  	s0 =	rddreg [dreg:$0x14];
	v3 =	vperm.xlane v3, v2  }
0x5e: {  	[tilespmem:s0], [sflag:$0x1] =	stream.indirect_vreg.gather [hbm4b:s1+s5], $0x80, v4, vm0, $0xb8;
	[tilespmem:$0x1C180] =	vst v63  }
0x5f: {  	s14 =	rddreg [dreg:$0x15];
	v3 =	vadd.s32 v1, v3  }
0x60: {  	[tilespmem:s14], [sflag:$0x1] =	stream.indirect_vreg.gather [hbm4b:s6+s5], $0x80, v4, vm0, $0xb8;
	[tilespmem:$0x1C180] =	vst v63  }
0x61: {  	s0 =	rddreg [dreg:$0x16]  }
0x62: {  	[tilespmem:s0], [sflag:$0x1] =	stream.indirect_vreg.gather [hbm4b:s7+s5], $0x80, v4, vm0, $0xb8;
	[tilespmem:$0x1C180] =	vst v63  }
0x63: {  	s14 =	rddreg [dreg:$0x17]  }
0x64: {  	[tilespmem:s14], [sflag:$0x1] =	stream.indirect_vreg.gather [hbm4b:s1+s5], $0x80, v3, vm0, $0xb8;
	[tilespmem:$0x1C180] =	vst v63  }
0x65: {  	s0 =	rddreg [dreg:$0x18]  }
0x66: {  	[tilespmem:s0], [sflag:$0x1] =	stream.indirect_vreg.gather [hbm4b:s6+s5], $0x80, v3, vm0, $0xb8;
	[tilespmem:$0x1C180] =	vst v63  }
0x67: {  	s14 =	rddreg [dreg:$0x19]  }
0x68: {  	[tilespmem:s14], [sflag:$0x1] =	stream.indirect_vreg.gather [hbm4b:s7+s5], $0x80, v3, vm0, $0xb8;
	[tilespmem:$0x1C180] =	vst v63  }
0x69: {  	v3 =	vld [tilespmem:$0x20];
	_ =	sdelay $0x4  }
0x6a: {  	v58 =	vshrl.u32 v3, $0x3  }
0x6b: {  	v4 =	vmul.u32 $0x30, v58  }
0x6c: {  	v3 =	vand.u32 $0x7, v3  }
0x6d: {  	v3 =	vor.u32 v3, v4  }
0x6e: {  	v4 =	vperm.xlane v3, v0;
	_ =	sdelay $0x1  }
0x6f: {  	v4 =	vadd.s32 v1, v4;
	_ =	sdelay $0x3  }
0x70: {  	s0 =	rddreg [dreg:$0x1a];
	v3 =	vperm.xlane v3, v2  }
0x71: {  	[tilespmem:s0], [sflag:$0x1] =	stream.indirect_vreg.gather [hbm4b:s1+s5], $0x80, v4, vm0, $0xb8;
	[tilespmem:$0x1C180] =	vst v63  }
0x72: {  	s14 =	rddreg [dreg:$0x1b];
	v3 =	vadd.s32 v1, v3  }
0x73: {  	[tilespmem:s14], [sflag:$0x1] =	stream.indirect_vreg.gather [hbm4b:s6+s5], $0x80, v4, vm0, $0xb8;
	[tilespmem:$0x1C180] =	vst v63  }
0x74: {  	s0 =	rddreg [dreg:$0x1c]  }
0x75: {  	[tilespmem:s0], [sflag:$0x1] =	stream.indirect_vreg.gather [hbm4b:s7+s5], $0x80, v4, vm0, $0xb8;
	[tilespmem:$0x1C180] =	vst v63  }
0x76: {  	s14 =	rddreg [dreg:$0x1d]  }
0x77: {  	[tilespmem:s14], [sflag:$0x1] =	stream.indirect_vreg.gather [hbm4b:s1+s5], $0x80, v3, vm0, $0xb8;
	[tilespmem:$0x1C180] =	vst v63  }
0x78: {  	s0 =	rddreg [dreg:$0x1e]  }
0x79: {  	[tilespmem:s0], [sflag:$0x1] =	stream.indirect_vreg.gather [hbm4b:s6+s5], $0x80, v3, vm0, $0xb8;
	[tilespmem:$0x1C180] =	vst v63  }
0x7a: {  	s14 =	rddreg [dreg:$0x1f]  }
0x7b: {  	[tilespmem:s14], [sflag:$0x1] =	stream.indirect_vreg.gather [hbm4b:s7+s5], $0x80, v3, vm0, $0xb8;
	[tilespmem:$0x1C180] =	vst v63  }
0x7c: {  	v3 =	vld [tilespmem:$0x30];
	_ =	sdelay $0x4  }
0x7d: {  	v59 =	vshrl.u32 v3, $0x3  }
0x7e: {  	v4 =	vmul.u32 $0x30, v59  }
0x7f: {  	v3 =	vand.u32 $0x7, v3  }
0x80: {  	v3 =	vor.u32 v3, v4  }
0x81: {  	v4 =	vperm.xlane v3, v0;
	_ =	sdelay $0x1  }
0x82: {  	v4 =	vadd.s32 v1, v4;
	_ =	sdelay $0x1  }
0x83: {  	s0 =	sld [smem:$0x7EC];
	_ =	sdelay $0x1  }
0x84: {  	s14 =	sld [smem:$0x7ED];
	v3 =	vperm.xlane v3, v2  }
0x85: {  	[tilespmem:s0], [sflag:$0x1] =	stream.indirect_vreg.gather [hbm4b:s1+s5], $0x80, v4, vm0, $0xb8;
	[tilespmem:$0x1C180] =	vst v63  }
0x86: {  	v3 =	vadd.s32 v1, v3;
	s0 =	sld [smem:$0x7EE]  }
0x87: {  	[tilespmem:s14], [sflag:$0x1] =	stream.indirect_vreg.gather [hbm4b:s6+s5], $0x80, v4, vm0, $0xb8;
	[tilespmem:$0x1C180] =	vst v63  }
0x88: {  	s14 =	sld [smem:$0x7EF]  }
0x89: {  	[tilespmem:s0], [sflag:$0x1] =	stream.indirect_vreg.gather [hbm4b:s7+s5], $0x80, v4, vm0, $0xb8;
	[tilespmem:$0x1C180] =	vst v63  }
0x8a: {  	s0 =	sld [smem:$0x7F0]  }
0x8b: {  	[tilespmem:s14], [sflag:$0x1] =	stream.indirect_vreg.gather [hbm4b:s1+s5], $0x80, v3, vm0, $0xb8;
	[tilespmem:$0x1C180] =	vst v63  }
0x8c: {  	s14 =	sld [smem:$0x7F1]  }
0x8d: {  	[tilespmem:s0], [sflag:$0x1] =	stream.indirect_vreg.gather [hbm4b:s6+s5], $0x80, v3, vm0, $0xb8;
	[tilespmem:$0x1C180] =	vst v63  }
0x8e: {  	_ = 	snop  }
0x8f: {  	[tilespmem:s14], [sflag:$0x1] =	stream.indirect_vreg.gather [hbm4b:s7+s5], $0x80, v3, vm0, $0xb8;
	[tilespmem:$0x1C180] =	vst v63  }
0x90: {  	v3 =	vld [tilespmem:$0x40];
	_ =	sdelay $0x4  }
0x91: {  	v60 =	vshrl.u32 v3, $0x3  }
0x92: {  	v4 =	vmul.u32 $0x30, v60  }
0x93: {  	v3 =	vand.u32 $0x7, v3  }
0x94: {  	v3 =	vor.u32 v3, v4  }
0x95: {  	v4 =	vperm.xlane v3, v0;
	_ =	sdelay $0x1  }
0x96: {  	v4 =	vadd.s32 v1, v4;
	_ =	sdelay $0x3  }
0x97: {  	s0 =	sld [smem:$0x7F2];
	v3 =	vperm.xlane v3, v2  }
0x98: {  	[tilespmem:s13], [sflag:$0x2] =	stream.indirect_vreg.gather [hbm4b:s1+s5], $0x80, v4, vm0, $0xb8;
	[tilespmem:$0x1C180] =	vst v63  }
0x99: {  	s14 =	sld [smem:$0x7F3];
	v3 =	vadd.s32 v1, v3  }
0x9a: {  	[tilespmem:s0], [sflag:$0x2] =	stream.indirect_vreg.gather [hbm4b:s6+s5], $0x80, v4, vm0, $0xb8;
	[tilespmem:$0x1C180] =	vst v63  }
0x9b: {  	s0 =	sld [smem:$0x7F4]  }
0x9c: {  	[tilespmem:s14], [sflag:$0x2] =	stream.indirect_vreg.gather [hbm4b:s7+s5], $0x80, v4, vm0, $0xb8;
	[tilespmem:$0x1C180] =	vst v63  }
0x9d: {  	s14 =	sld [smem:$0x7F5]  }
0x9e: {  	[tilespmem:s0], [sflag:$0x2] =	stream.indirect_vreg.gather [hbm4b:s1+s5], $0x80, v3, vm0, $0xb8;
	[tilespmem:$0x1C180] =	vst v63  }
0x9f: {  	s0 =	sld [smem:$0x7F6]  }
0xa0: {  	[tilespmem:s14], [sflag:$0x2] =	stream.indirect_vreg.gather [hbm4b:s6+s5], $0x80, v3, vm0, $0xb8;
	[tilespmem:$0x1C180] =	vst v63  }
0xa1: {  	_ = 	snop  }
0xa2: {  	[tilespmem:s0], [sflag:$0x2] =	stream.indirect_vreg.gather [hbm4b:s7+s5], $0x80, v3, vm0, $0xb8;
	[tilespmem:$0x1C180] =	vst v63  }
0xa3: {  	v3 =	vld [tilespmem:$0x50];
	_ =	sdelay $0x4  }
0xa4: {  	v61 =	vshrl.u32 v3, $0x3  }
0xa5: {  	v4 =	vmul.u32 $0x30, v61  }
0xa6: {  	v3 =	vand.u32 $0x7, v3  }
0xa7: {  	v3 =	vor.u32 v3, v4  }
0xa8: {  	v4 =	vperm.xlane v3, v0;
	_ =	sdelay $0x1  }
0xa9: {  	v4 =	vadd.s32 v1, v4;
	_ =	sdelay $0x1  }
0xaa: {  	s0 =	sld [smem:$0x7F7];
	_ =	sdelay $0x1  }
0xab: {  	s14 =	sld [smem:$0x7F8];
	v3 =	vperm.xlane v3, v2  }
0xac: {  	[tilespmem:s0], [sflag:$0x2] =	stream.indirect_vreg.gather [hbm4b:s1+s5], $0x80, v4, vm0, $0xb8;
	[tilespmem:$0x1C180] =	vst v63  }
0xad: {  	v3 =	vadd.s32 v1, v3;
	s0 =	sld [smem:$0x7F9]  }
0xae: {  	[tilespmem:s14], [sflag:$0x2] =	stream.indirect_vreg.gather [hbm4b:s6+s5], $0x80, v4, vm0, $0xb8;
	[tilespmem:$0x1C180] =	vst v63  }
0xaf: {  	s14 =	sld [smem:$0x7FA]  }
0xb0: {  	[tilespmem:s0], [sflag:$0x2] =	stream.indirect_vreg.gather [hbm4b:s7+s5], $0x80, v4, vm0, $0xb8;
	[tilespmem:$0x1C180] =	vst v63  }
0xb1: {  	s0 =	sld [smem:$0x7FB]  }
0xb2: {  	[tilespmem:s14], [sflag:$0x2] =	stream.indirect_vreg.gather [hbm4b:s1+s5], $0x80, v3, vm0, $0xb8;
	[tilespmem:$0x1C180] =	vst v63  }
0xb3: {  	s14 =	sld [smem:$0x7FC]  }
0xb4: {  	[tilespmem:s0], [sflag:$0x2] =	stream.indirect_vreg.gather [hbm4b:s6+s5], $0x80, v3, vm0, $0xb8;
	[tilespmem:$0x1C180] =	vst v63  }
0xb5: {  	_ = 	snop  }
0xb6: {  	[tilespmem:s14], [sflag:$0x2] =	stream.indirect_vreg.gather [hbm4b:s7+s5], $0x80, v3, vm0, $0xb8;
	[tilespmem:$0x1C180] =	vst v63  }
0xb7: {  	v3 =	vld [tilespmem:$0x60];
	_ =	sdelay $0x4  }
0xb8: {  	v62 =	vshrl.u32 v3, $0x3  }
0xb9: {  	v4 =	vmul.u32 $0x30, v62  }
0xba: {  	v3 =	vand.u32 $0x7, v3  }
0xbb: {  	v3 =	vor.u32 v3, v4  }
0xbc: {  	v4 =	vperm.xlane v3, v0;
	_ =	sdelay $0x1  }
0xbd: {  	v4 =	vadd.s32 v1, v4;
	_ =	sdelay $0x1  }
0xbe: {  	s14 =	sld [smem:$0x7FD];
	_ =	sdelay $0x1  }
0xbf: {  	v3 =	vperm.xlane v3, v2  }
0xc0: {  	[tilespmem:s14], [sflag:$0x2] =	stream.indirect_vreg.gather [hbm4b:s1+s5], $0x80, v4, vm0, $0xb8;
	[tilespmem:$0x1C180] =	vst v63  }
0xc1: {  	v3 =	vadd.s32 v1, v3;
	s14 =	simm.s32 $0x12980  }
0xc2: {  	[tilespmem:s14], [sflag:$0x2] =	stream.indirect_vreg.gather [hbm4b:s6+s5], $0x80, v4, vm0, $0xb8;
	[tilespmem:$0x1C180] =	vst v63  }
0xc3: {  	_ = 	snop  }
0xc4: {  	[tilespmem:s15], [sflag:$0x2] =	stream.indirect_vreg.gather [hbm4b:s7+s5], $0x80, v4, vm0, $0xb8;
	[tilespmem:$0x1C180] =	vst v63  }
0xc5: {  	_ = 	snop  }
0xc6: {  	[tilespmem:s16], [sflag:$0x2] =	stream.indirect_vreg.gather [hbm4b:s1+s5], $0x80, v3, vm0, $0xb8;
	[tilespmem:$0x1C180] =	vst v63  }
0xc7: {  	_ = 	snop  }
0xc8: {  	[tilespmem:s17], [sflag:$0x2] =	stream.indirect_vreg.gather [hbm4b:s6+s5], $0x80, v3, vm0, $0xb8;
	[tilespmem:$0x1C180] =	vst v63  }
0xc9: {  	_ = 	snop  }
0xca: {  	[tilespmem:s18], [sflag:$0x2] =	stream.indirect_vreg.gather [hbm4b:s7+s5], $0x80, v3, vm0, $0xb8;
	[tilespmem:$0x1C180] =	vst v63  }
0xcb: {  	v3 =	vld [tilespmem:$0x70];
	_ =	sdelay $0x4  }
0xcc: {  	v63 =	vshrl.u32 v3, $0x3  }
0xcd: {  	v4 =	vmul.u32 $0x30, v63  }
0xce: {  	v3 =	vand.u32 $0x7, v3  }
0xcf: {  	v3 =	vor.u32 v3, v4  }
0xd0: {  	v4 =	vperm.xlane v3, v0;
	_ =	sdelay $0x1  }
0xd1: {  	v4 =	vadd.s32 v1, v4;
	_ =	sdelay $0x3  }
0xd2: {  	v3 =	vperm.xlane v3, v2  }
0xd3: {  	[tilespmem:s19], [sflag:$0x2] =	stream.indirect_vreg.gather [hbm4b:s1+s5], $0x80, v4, vm0, $0xb8;
	[tilespmem:$0x1C180] =	vst v63  }
0xd4: {  	v3 =	vadd.s32 v1, v3  }
0xd5: {  	[tilespmem:s20], [sflag:$0x2] =	stream.indirect_vreg.gather [hbm4b:s6+s5], $0x80, v4, vm0, $0xb8;
	[tilespmem:$0x1C180] =	vst v63  }
0xd6: {  	_ = 	snop  }
0xd7: {  	[tilespmem:s21], [sflag:$0x2] =	stream.indirect_vreg.gather [hbm4b:s7+s5], $0x80, v4, vm0, $0xb8;
	[tilespmem:$0x1C180] =	vst v63  }
0xd8: {  	_ = 	snop  }
0xd9: {  	[tilespmem:s22], [sflag:$0x2] =	stream.indirect_vreg.gather [hbm4b:s1+s5], $0x80, v3, vm0, $0xb8;
	[tilespmem:$0x1C180] =	vst v63  }
0xda: {  	_ = 	snop  }
0xdb: {  	[tilespmem:s23], [sflag:$0x2] =	stream.indirect_vreg.gather [hbm4b:s6+s5], $0x80, v3, vm0, $0xb8;
	[tilespmem:$0x1C180] =	vst v63  }
0xdc: {  	_ = 	snop  }
0xdd: {  	[tilespmem:s24], [sflag:$0x2] =	stream.indirect_vreg.gather [hbm4b:s7+s5], $0x80, v3, vm0, $0xb8;
	[tilespmem:$0x1C180] =	vst v63  }
0xde: {  	_ =	swait.ge [sflag:s25], $0xC000  }
0xdf: {  	[sflag:s25] =	ssyncset.done $0x0  }
0xe0: {  	s14 =	rddreg [dreg:$0x9];
	[sflag:s25] =	ssyncadd.s32 $0xFFFF4000  }
0xe1: {  	[hbm4b:s14+s5] =	stream.linear.scatter [tilespmem:s12], [sflag:$0x3], $0xC000, $0x38;
	[tilespmem:$0x1C180] =	vst v63  }
0xe2: {  	_ =	swait.ge [sflag:s11], $0xC000  }
0xe3: {  	[sflag:s11] =	ssyncset.done $0x0  }
0xe4: {  	[sflag:s11] =	ssyncadd.s32 $0xFFFF4000  }
0xe5: {  	[tilespmem:s28], [sflag:$0x1] =	stream.indirect.gather [hbm4b:s2+s26], $0x80, s9, s26, $0xb8;
	[tilespmem:$0x1C180] =	vst v63  }
0xe6: {  	_ =	swait.ge [sflag:s29], $0xC000  }
0xe7: {  	[sflag:s29] =	ssyncset.done $0x0  }
0xe8: {  	s14 =	rddreg [dreg:$0xa];
	[sflag:s29] =	ssyncadd.s32 $0xFFFF4000  }
0xe9: {  	[hbm4b:s14+s5] =	stream.linear.scatter [tilespmem:s13], [sflag:$0x3], $0xC000, $0x38;
	[tilespmem:$0x1C180] =	vst v63  }
0xea: {  	_ =	swait.ge [sflag:s11], $0xC000  }
0xeb: {  	[sflag:s11] =	ssyncset.done $0x0  }
0xec: {  	[sflag:s11] =	ssyncadd.s32 $0xFFFF4000  }
0xed: {  	[tilespmem:s31], [sflag:$0x2] =	stream.indirect.gather [hbm4b:s2+s26], $0x80, s30, s26, $0xb8;
	[tilespmem:$0x1C180] =	vst v63  }
0xee: {  	_ =	swait.ge [sflag:s25], $0x2000  }
0xef: {  	[sflag:s25] =	ssyncset.done $0x0  }
0xf0: {  	s14 =	rddreg [dreg:$0xb];
	[sflag:s25] =	ssyncadd.s32 $0xFFFFE000  }
0xf1: {  	[hbm4b:s14+s5] =	stream.linear.scatter [tilespmem:s28], [sflag:$0x3], $0x2000, $0x38;
	[tilespmem:$0x1C180] =	vst v63  }
0xf2: {  	_ =	swait.ge [sflag:s11], $0x2000  }
0xf3: {  	[sflag:s11] =	ssyncset.done $0x0  }
0xf4: {  	[sflag:s11] =	ssyncadd.s32 $0xFFFFE000  }
0xf5: {  	[tilespmem:s28], [sflag:$0x1] =	stream.indirect.gather [hbm4b:s4+s26], $0x80, s10, s26, $0xb8;
	[tilespmem:$0x1C180] =	vst v63  }
0xf6: {  	_ =	swait.ge [sflag:s29], $0x2000  }
0xf7: {  	[sflag:s29] =	ssyncset.done $0x0  }
0xf8: {  	s14 =	rddreg [dreg:$0xc];
	[sflag:s29] =	ssyncadd.s32 $0xFFFFE000  }
0xf9: {  	[hbm4b:s14+s5] =	stream.linear.scatter [tilespmem:s31], [sflag:$0x3], $0x2000, $0x38;
	[tilespmem:$0x1C180] =	vst v63  }
0xfa: {  	_ =	swait.ge [sflag:s11], $0x2000  }
0xfb: {  	[sflag:s11] =	ssyncset.done $0x0  }
0xfc: {  	[sflag:s11] =	ssyncadd.s32 $0xFFFFE000  }
0xfd: {  	[tilespmem:s31], [sflag:$0x2] =	stream.indirect.gather [hbm4b:s4+s26], $0x80, s3, s26, $0xb8;
	[tilespmem:$0x1C180] =	vst v63  }
0xfe: {  	_ =	swait.ge [sflag:s25], $0x2000  }
0xff: {  	[sflag:s25] =	ssyncset.done $0x0  }
0x100: {  	s14 =	rddreg [dreg:$0xd];
	[sflag:s25] =	ssyncadd.s32 $0xFFFFE000  }
0x101: {  	[hbm4b:s14+s5] =	stream.linear.scatter [tilespmem:s28], [sflag:$0x3], $0x2000, $0x38;
	[tilespmem:$0x1C180] =	vst v63  }
0x102: {  	_ =	swait.ge [sflag:s29], $0x2000  }
0x103: {  	[sflag:s29] =	ssyncset.done $0x0  }
0x104: {  	s14 =	rddreg [dreg:$0xe];
	[sflag:s29] =	ssyncadd.s32 $0xFFFFE000  }
0x105: {  	[hbm4b:s14+s5] =	stream.linear.scatter [tilespmem:s31], [sflag:$0x3], $0x2000, $0x38;
	[tilespmem:$0x1C180] =	vst v63  }
0x106: {  	p0 =	sne.s32 s8, $0x1;
	_ =	swait.ge [sflag:s11], $0x2000  }
.Ltmp0:
0x107: {  	[sflag:s11] =	ssyncset.done $0x0;
	(pc) =	sbr.rel @p0 .LBB2_1-.Ltmp0, $4  }
0x108: {  	[sflag:s11] =	ssyncadd.s32 $0xFFFFE000  }
0x109: {  	_ =	swait.ge [sflag:s11], $0x2000  }
0x10a: {  	[sflag:s11] =	ssyncset.done $0x0  }
0x10b: {  	s8 =	sadd.s32 $0xFFFFFFFF, s8;
	[sflag:s11] =	ssyncadd.s32 $0xFFFFE000  }
0x10c: {  	_ =	sfence.sel $0x180000  }
0x10d: {  	[bflag:$0x0] =	sbarrier.arrive $0xFFFF  }
0x10e: {  	_ =	strace $0x90000047  }
0x10f: {  	s0 =	stileid.u32;
	[bflag:$0x2] =	sbarrier.arrive $0xFFFF  }
0x110: {  	p0 =	sne.s32 s0, $0x0;
	s0 =	rddreg [dreg:$0x5]  }
0x111: {  	s0 =	sadd.s32 @!p0 $0x100000, s0  }
0x112: {  	[sflag:s0] =	ssyncadd.tile.s32 @!p0 $0x1;
	_ =	shalt  }
.Lfunc_end2:
_tile_overlayer_lowered:
.L_overlay_start_2:
0x113: {  	(tag) =	ssettag $0x2  }
0x114: {  	s0 =	rddreg [dreg:$0x0];
	s2 =	stileid.u32  }
0x115: {  	s1 =	rddreg [dreg:$0x1];
	p0 =	sne.s32 s2, $0x0  }
0x116: {  	s3 =	rddreg [dreg:$0x2];
	[bflag:$0x3] =	sbarrier.arrive $0xFFFF;
	s2 =	simm.s32 @!p0 $0x1C04  }
0x117: {  	[timem:s3], [sflag:s2] =	dma.local @!p0 [hbm:s0], s1  }
0x118: {  	s0 =	simm.s32 @!p0 $0x4  }
0x119: {  	_ =	swait.ge @!p0 [sflag:s0], s1  }
0x11a: {  	s1 =	ssub.s32 @!p0 $0x0, s1;
	[sflag:s0] =	ssyncset.done @!p0 $0x0  }
0x11b: {  	[sflag:s0] =	ssyncadd.s32 @!p0 s1  }
0x11c: {  	[bflag:$0x3] =	sbarrier.arrive $0xFFFF  }
0x11d: {  	_ =	shalt  }

// kernel: kernel.15.cloned.1.call-start
scs
__scs_entry_jumppad:
0x0: {  	(pc) =	sbr.rel $0x88, $3  }
0x1: {  	(tag) =	ssettag $0x0;
	lr =	simm.s32 $0x1  }
0x2: {  	[smem:$0x3F91] =	sst lr;
	_ =	strace $0xD0000000  }
0x3: {  	_ = 	snop  }
0x4: {  	_ = 	snop  }
0x5: {  	_ = 	snop  }
0x6: {  	_ = 	snop  }
0x7: {  	_ = 	snop  }
__scs_overlays_trampoline_lowered:
0x8: {  	[smem:$0x3FA0] =	sst s0  }
0x9: {  	[smem:$0x3FA1] =	sst s1  }
0xa: {  	[smem:$0x3FA2] =	sst s2  }
0xb: {  	[smem:$0x3FA3] =	sst s3  }
0xc: {  	[smem:$0x3FA4] =	sst s4  }
0xd: {  	[smem:$0x3FA5] =	sst s5  }
0xe: {  	[smem:$0x3FA6] =	sst s6  }
0xf: {  	[smem:$0x3FA7] =	sst s7  }
0x10: {  	[smem:$0x3FA8] =	sst s8  }
0x11: {  	[smem:$0x3FA9] =	sst s9;
	s0 =	simm.s32 @!p0 $0x0  }
0x12: {  	s1 =	sld [smem:$0x3F8F];
	s0 =	simm.s32 @p0 $0x1  }
0x13: {  	[smem:$0x3FAA] =	sst s0;
	s0 =	simm.s32 @!p1 $0x0  }
0x14: {  	s2 =	sld [smem:$0x3F8E];
	s0 =	simm.s32 @p1 $0x1  }
0x15: {  	[smem:$0x3FAB] =	sst s0;
	s0 =	simm.s32 @!p2 $0x0  }
0x16: {  	s3 =	sld [smem:$0x3FDB];
	s0 =	simm.s32 @p2 $0x1  }
0x17: {  	s4 =	simm.s32 $0x1BF5;
	[smem:$0x3FAD] =	sst s0  }
0x18: {  	s0 =	sld [smem:$0x3F90];
	_ =	swait.ge [sflag:s4], $0x0  }
0x19: {  	s7 =	sld [smem:$0x3F91]  }
0x1a: {  	s8 =	sadd.s32 $0xFFFFE003, lr  }
0x1b: {  	s9 =	sadd.s32 $0xFFFFFEF7, lr;
	s5 =	simm.s32 $0xFFFFFFFF;
	p2 =	slt.u32 s8, $0xFFFFF086  }
0x1c: {  	p1 =	slt.u32 s9, $0xF7A;
	s5 =	simm.s32 @!p2 $0x0  }
0x1d: {  	s5 =	simm.s32 @p1 $0x1;
	p0 =	seq.s32 s7, s2  }
0x1e: {  	s7 =	smul.u32 @!p0 $0xF7A, s2;
	p2 =	seq.s32 @!p0 s5, $0x0  }
0x1f: {  	s9 =	smul.u32 $0xF7A, s1;
	s8 =	simm.s32 @!p0 $0x1BF5;
	p2 =	por !p2, p0  }
0x20: {  	[sflag:s8] =	ssyncset.s32 @!p0 $0xFFFFF086;
	s6 =	sadd.s32 @!p0 s3, s7;
	s7 =	simm.s32 @!p0 $0x108  }
0x21: {  	s3 =	sadd.s32 s3, s9;
	s6 =	sadd.s32 @!p0 $0x88, s6;
	s7 =	simm.s32 @p2 $0x1082  }
0x22: {  	[simem:s7], [sflag:s8] =	dma.local @!p0 [hbm:s6], $0xF7A  }
0x23: {  	s9 =	sor.u32 $0xD0000000, s2;
	s6 =	simm.s32 $0x108;
	_ =	swait.ge @!p0 [sflag:s8], $0x0  }
0x24: {  	s3 =	sadd.s32 $0x88, s3;
	s6 =	simm.s32 @!p1 $0x1082;
	[sflag:s4] =	ssyncset.s32 $0xFFFFF086  }
0x25: {  	[simem:s6], [sflag:s4] =	dma.local [hbm:s3], $0xF7A  }
0x26: {  	[smem:$0x3F91] =	sst s1;
	(tag) =	ssettag s2;
	_ =	strace s9  }
0x27: {  	s1 =	sld [smem:$0x3FA1]  }
0x28: {  	s2 =	sld [smem:$0x3FA2]  }
0x29: {  	s4 =	sld [smem:$0x3FA4]  }
0x2a: {  	p0 =	seq.s32 s5, $0x0;
	s5 =	sld [smem:$0x3FA5]  }
0x2b: {  	s6 =	sld [smem:$0x3FA6]  }
0x2c: {  	s7 =	sld [smem:$0x3FA7]  }
0x2d: {  	s3 =	simm.s32 $0x108;
	s8 =	sld [smem:$0x3FA8]  }
0x2e: {  	s3 =	simm.s32 @!p0 $0x1082;
	s9 =	sld [smem:$0x3FA9]  }
0x2f: {  	lr =	sadd.s32 s0, s3;
	s0 =	sld [smem:$0x3FA0]  }
0x30: {  	s3 =	sld [smem:$0x3FA3]  }
0x31: {  	[smem:$0x3FAC] =	sst s10  }
0x32: {  	s10 =	sld [smem:$0x3FAA];
	_ =	sdelay $0x3  }
0x33: {  	p0 =	seq.s32 s10, $0x1;
	s10 =	sld [smem:$0x3FAC];
	_ =	sdelay $0x3  }
0x34: {  	[smem:$0x3FAC] =	sst s10  }
0x35: {  	s10 =	sld [smem:$0x3FAB];
	_ =	sdelay $0x3  }
0x36: {  	p1 =	seq.s32 s10, $0x1;
	s10 =	sld [smem:$0x3FAC];
	_ =	sdelay $0x3  }
0x37: {  	[smem:$0x3FAC] =	sst s10  }
0x38: {  	s10 =	sld [smem:$0x3FAD]  }
0x39: {  	_ = 	snop;
	(pc) =	sbr.ind lr, $3  }
0x3a: {  	_ = 	snop  }
0x3b: {  	_ = 	snop  }
0x3c: {  	p2 =	seq.s32 s10, $0x1;
	s10 =	sld [smem:$0x3FAC]  }
0x3d: {  	_ =	shalt  }
0x3e: {  	_ =	shalt  }
0x3f: {  	_ =	shalt  }
0x40: {  	_ =	shalt  }
0x41: {  	_ =	shalt  }
0x42: {  	_ =	shalt  }
0x43: {  	_ =	shalt  }
0x44: {  	_ =	shalt  }
0x45: {  	_ =	shalt  }
0x46: {  	_ =	shalt  }
0x47: {  	_ =	shalt  }
0x48: {  	_ =	shalt  }
0x49: {  	_ =	shalt  }
0x4a: {  	_ =	shalt  }
0x4b: {  	_ =	shalt  }
0x4c: {  	_ =	shalt  }
0x4d: {  	_ =	shalt  }
0x4e: {  	_ =	shalt  }
0x4f: {  	_ =	shalt  }
0x50: {  	_ =	shalt  }
0x51: {  	_ =	shalt  }
0x52: {  	_ =	shalt  }
0x53: {  	_ =	shalt  }
0x54: {  	_ =	shalt  }
0x55: {  	_ =	shalt  }
0x56: {  	_ =	shalt  }
0x57: {  	_ =	shalt  }
0x58: {  	_ =	shalt  }
0x59: {  	_ =	shalt  }
0x5a: {  	_ =	shalt  }
0x5b: {  	_ =	shalt  }
0x5c: {  	_ =	shalt  }
0x5d: {  	_ =	shalt  }
0x5e: {  	_ =	shalt  }
0x5f: {  	_ =	shalt  }
0x60: {  	_ =	shalt  }
0x61: {  	_ =	shalt  }
0x62: {  	_ =	shalt  }
0x63: {  	_ =	shalt  }
0x64: {  	_ =	shalt  }
0x65: {  	_ =	shalt  }
0x66: {  	_ =	shalt  }
0x67: {  	_ =	shalt  }
0x68: {  	_ =	shalt  }
0x69: {  	_ =	shalt  }
0x6a: {  	_ =	shalt  }
0x6b: {  	_ =	shalt  }
0x6c: {  	_ =	shalt  }
0x6d: {  	_ =	shalt  }
0x6e: {  	_ =	shalt  }
0x6f: {  	_ =	shalt  }
0x70: {  	_ =	shalt  }
0x71: {  	_ =	shalt  }
0x72: {  	_ =	shalt  }
0x73: {  	_ =	shalt  }
0x74: {  	_ =	shalt  }
0x75: {  	_ =	shalt  }
0x76: {  	_ =	shalt  }
0x77: {  	_ =	shalt  }
0x78: {  	_ =	shalt  }
0x79: {  	_ =	shalt  }
0x7a: {  	_ =	shalt  }
0x7b: {  	_ =	shalt  }
0x7c: {  	_ =	shalt  }
0x7d: {  	_ =	shalt  }
0x7e: {  	_ =	shalt  }
0x7f: {  	_ =	shalt  }
0x80: {  	_ =	shalt  }
0x81: {  	_ =	shalt  }
0x82: {  	_ =	shalt  }
0x83: {  	_ =	shalt  }
0x84: {  	_ =	shalt  }
0x85: {  	_ =	shalt  }
0x86: {  	_ =	shalt  }
0x87: {  	_ =	shalt  }
.Lfunc_end0:
.L_simem_size_0:
called_computation.1_lowered:
.L_overlay_start_0:
0x88: {  	s2 =	sld [smem:$0x3FD9]  }
0x89: {  	s3 =	sld [smem:$0x3FFE];
	_ =	sdelay $0x1  }
0x8a: {  	s1 =	srdreg.scid  }
0x8b: {  	s0 =	sand.u32 $0x1, s1  }
0x8c: {  	s17 =	sshll.u32 s0, $0xA;
	s2 =	sadd.s32 s3, s2  }
0x8d: {  	s2 =	sadd.s32 s2, s17  }
0x8e: {  	[smem:$0x3FB8] =	sst s2  }
0x8f: {  	_ = 	snop  }
0x90: {  	s18 =	sld [smem:$0x3FC8]  }
0x91: {  	s4 =	sld [smem:$0x3FC3]  }
0x92: {  	s5 =	sld [smem:$0x3FC0];
	(tm) =	ssettm $0x1  }
0x93: {  	s19 =	sld [smem:$0x3FFB];
	_ =	sdelay $0x3  }
0x94: {  	_ =	strace s19  }
0x95: {  	s2 =	sld [smem:$0x3FFC];
	_ =	sdelay $0x3  }
0x96: {  	_ =	strace s2  }
0x97: {  	s2 =	sld [smem:$0x3FFD];
	_ =	sdelay $0x3  }
0x98: {  	_ =	strace s2  }
0x99: {  	_ =	strace $0x8FFFFFFF  }
0x9a: {  	s20 =	sld [smem:$0x3FDB];
	_ =	sdelay $0x1  }
0x9b: {  	s6 =	simm.s32 $_scs_section_size  }
0x9c: {  	s7 =	simm.s32 $_size__tile_overlayer_lowered;
	s8 =	simm.s32 $_tile_overlayer_lowered  }
0x9d: {  	s9 =	simm.s32 $0x1BFF;
	s21 =	sshll.u32 s8, $0x1;
	s6 =	sadd.s32 s6, s20  }
0x9e: {  	s22 =	simm.s32 $0x0;
	s7 =	sshll.u32 s7, $0x1;
	s8 =	sadd.s32 s21, s6  }
0x9f: {  	[timem:s22], [sflag:s9] =	dma.local [hbm:s8], s7  }
0xa0: {  	_ =	swait.ge [sflag:s9], s7  }
0xa1: {  	s7 =	ssub.s32 $0x0, s7;
	[sflag:s9] =	ssyncset.done $0x0  }
0xa2: {  	[sflag:s9] =	ssyncadd.s32 s7;
	_ =	sdelay $0x1  }
0xa3: {  	s23 =	simm.s32 $0x1B8B  }
0xa4: {  	_ =	swait.ge [sflag:s23], $0x1  }
0xa5: {  	[sflag:s23] =	ssyncset.done $0x0  }
0xa6: {  	[sflag:s23] =	ssyncadd.s32 $0xFFFFFFFF  }
0xa7: {  	s7 =	sld [smem:$0x0]  }
0xa8: {  	s8 =	sand.u32 $0xFFFFFFFE, s1  }
0xa9: {  	p0 =	sne.s32 s1, s8  }
0xaa: {  	s8 =	sshll.u32 @p0 s8, $0xE  }
0xab: {  	s8 =	sadd.s32 @p0 $0x11B8D, s8;
	s9 =	sshll.u32 @p0 s7, $0x11  }
0xac: {  	s8 =	sor.u32 @p0 s9, s8  }
0xad: {  	[sflag:s8] =	ssyncadd.remote.s32 @p0 $0x1;
	_ =	sdelay $0x1  }
0xae: {  	s8 =	simm.s32 @p0 $0x1B8D  }
0xaf: {  	_ =	swait.eq @p0 [sflag:s8], $0x1  }
0xb0: {  	[sflag:s8] =	ssyncadd.s32 @p0 $0xFFFFFFFF  }
0xb1: {  	s9 =	sshll.u32 @!p0 s1, $0xE  }
0xb2: {  	s9 =	sor.u32 @!p0 $0x4000, s9;
	s8 =	simm.s32 @!p0 $0x1B8D  }
0xb3: {  	s7 =	sshll.u32 @!p0 s7, $0x11;
	s9 =	sadd.s32 @!p0 $0x11B8D, s9;
	_ =	swait.eq @!p0 [sflag:s8], $0x1  }
0xb4: {  	s7 =	sor.u32 @!p0 s7, s9;
	[sflag:s8] =	ssyncadd.s32 @!p0 $0xFFFFFFFF  }
0xb5: {  	s25 =	simm.s32 $0x1B8E;
	s24 =	sld [smem:$0x3FFE];
	[sflag:s7] =	ssyncadd.remote.s32 @!p0 $0x1  }
0xb6: {  	s26 =	simm.s32 $execute0_lowered;
	[smem:$0x3FD2] =	sst s25  }
0xb7: {  	s8 =	sshll.u32 s26, $0x1;
	_ =	strace $0x80000049;
	[dreg:$0x1] =	wrdreg $0xFFFFFFFF  }
0xb8: {  	s28 =	simm.s32 $_size_execute0_lowered;
	s6 =	sadd.s32 s6, s8;
	[dreg:$0x0] =	wrdreg $0x0  }
0xb9: {  	s8 =	sshll.u32 s28, $0x1;
	[dreg:$0x2] =	wrdreg s6  }
0xba: {  	[dreg:$0x3] =	wrdreg s8  }
0xbb: {  	[dreg:$0x4] =	wrdreg $0xC0  }
0xbc: {  	_ =	task [dreg:s22], $0x5FFFF  }
0xbd: {  	[dreg:$0x1] =	wrdreg $0xFFFFFFFF  }
0xbe: {  	[dreg:$0x0] =	wrdreg $0x60  }
0xbf: {  	[dreg:$0x2] =	wrdreg s24  }
0xc0: {  	[dreg:$0x3] =	wrdreg s18  }
0xc1: {  	[dreg:$0x4] =	wrdreg s4  }
0xc2: {  	[dreg:$0x5] =	wrdreg s5  }
0xc3: {  	[dreg:$0x6] =	wrdreg $0xA  }
0xc4: {  	_ =	task.clear_ibuf [dreg:s22], $0x7FFFF;
	_ =	strace $0x90000049  }
0xc5: {  	s29 =	simm.s32 $0xA;
	_ =	strace $0x8000004B  }
0xc6: {  	_ =	swait.ge [sflag:s29], $0x1  }
0xc7: {  	[sflag:s29] =	ssyncadd.s32 $0xFFFFFFFF  }
0xc8: {  	_ =	strace $0x9000004B  }
0xc9: {  	_ =	sfence  }
0xca: {  	s30 =	sld [smem:$0x0];
	_ =	sdelay $0x2  }
0xcb: {  	s31 =	sshll.u32 s1, $0xD;
	s1 =	sshrl.u32 s1, $0x2  }
0xcc: {  	s4 =	sand.u32 $0x4000, s31;
	s1 =	sadd.s32 s1, s30  }
0xcd: {  	s0 =	sor.u32 s4, s0;
	s1 =	sshll.u32 s1, $0x11  }
0xce: {  	s0 =	sor.u32 s1, s0  }
0xcf: {  	s0 =	sadd.s32 $0x8F2B, s0  }
0xd0: {  	[sflag:s0] =	ssyncadd.remote.s32 $0x1  }
0xd1: {  	_ =	sfence.sel $0xFFFF  }
0xd2: {  	[dreg:$0x0] =	wrdreg $0xFFFFFFFF;
	(pc) =	sbr.abs _section_cstart, $3  }
0xd3: {  	[dreg:$0x1] =	wrdreg $0xFFFFFFFF  }
0xd4: {  	_ =	task.clear_ibuf [dreg:s22], $0x2FFFF;
	_ =	strace $0x9FFFFFFF  }
0xd5: {  	(tm) =	ssettm $0x7FFFFFFF  }
tec
execute0_lowered:
.L_overlay_start_1:
0x0: {  	(tag) =	ssettag $0x1  }
0x1: {  	s6 =	rddreg [dreg:$0x0];
	s2 =	srdreg.scid  }
0x2: {  	s1 =	rddreg [dreg:$0x1];
	s0 =	stileid.u32;
	s2 =	sand.u32 $0x1, s2  }
0x3: {  	s3 =	rddreg [dreg:$0x2];
	s5 =	sshll.u32 s0, $0x8;
	s7 =	sshll.u32 s2, $0x7  }
0x4: {  	s4 =	rddreg [dreg:$0x3];
	s7 =	sor.u32 s7, s5;
	s5 =	simm.s32 $0x0  }
0x5: {  	s14 =	simm.s32 $0x1980;
	[smem:$0x7FF] =	sst s5  }
0x6: {  	s15 =	simm.s32 $0x2180;
	_ =	strace $0x8000004A;
	[dreg:$0x10] =	wrdreg s14  }
0x7: {  	s16 =	simm.s32 $0x2980;
	[dreg:$0x11] =	wrdreg s15  }
0x8: {  	s17 =	simm.s32 $0x3180;
	[dreg:$0x12] =	wrdreg s16  }
0x9: {  	s18 =	simm.s32 $0x3980;
	[dreg:$0x13] =	wrdreg s17  }
0xa: {  	s19 =	simm.s32 $0x4180;
	[dreg:$0x14] =	wrdreg s18  }
0xb: {  	s20 =	simm.s32 $0x4980;
	[dreg:$0x15] =	wrdreg s19  }
0xc: {  	s21 =	simm.s32 $0x5180;
	[dreg:$0x16] =	wrdreg s20  }
0xd: {  	s22 =	simm.s32 $0x5980;
	s23 =	simm.s32 $0x6180;
	[dreg:$0x17] =	wrdreg s21  }
0xe: {  	s28 =	simm.s32 $0x18180;
	s29 =	simm.s32 $0x2;
	[dreg:$0x18] =	wrdreg s22  }
0xf: {  	s30 =	simm.s32 $0xC0;
	[dreg:$0x19] =	wrdreg s23;
	s14 =	simm.s32 $0xC980  }
0x10: {  	s31 =	simm.s32 $0x1A180;
	s15 =	simm.s32 $0xD180;
	[smem:$0x7F2] =	sst s14  }
0x11: {  	s11 =	sadd.s32 $0x29600, s6;
	s16 =	simm.s32 $0xD980;
	[smem:$0x7F3] =	sst s15  }
0x12: {  	s13 =	sadd.s32 $0x89600, s6;
	s17 =	simm.s32 $0xE180;
	[smem:$0x7F4] =	sst s16  }
0x13: {  	s2 =	ssub.s32 $0x2, s2;
	s19 =	simm.s32 $0xE980;
	[smem:$0x7F5] =	sst s17  }
0x14: {  	s8 =	sshrl.u32 s7, $0x3;
	s20 =	simm.s32 $0xF180;
	[smem:$0x7F6] =	sst s19  }
0x15: {  	s7 =	sshll.u32 s7, $0x4;
	s21 =	simm.s32 $0xF980;
	[smem:$0x7F7] =	sst s20  }
0x16: {  	s9 =	sadd.s32 s8, s6;
	s22 =	simm.s32 $0x10180;
	[smem:$0x7F8] =	sst s21  }
0x17: {  	s12 =	smul.u32 $0x300, s8;
	s23 =	simm.s32 $0x10980;
	[smem:$0x7F9] =	sst s22  }
0x18: {  	s8 =	sor.u32 $0x8, s8;
	s10 =	sadd.s32 $0x28A00, s9;
	[smem:$0x7FA] =	sst s23  }
0x19: {  	s6 =	sadd.s32 $0x99600, s6;
	s24 =	sadd.s32 $0x29000, s9;
	[dreg:$0x5] =	wrdreg s10  }
0x1a: {  	s18 =	sshrl.u32 s2, $0x1;
	s9 =	sadd.s32 $0x28E00, s9;
	[dreg:$0x6] =	wrdreg s24  }
0x1b: {  	s25 =	smul.u32 $0x300, s8;
	[dreg:$0x7] =	wrdreg s9;
	s26 =	sadd.s32 s11, s12  }
0x1c: {  	s8 =	sshll.u32 s8, $0x7;
	s10 =	sadd.s32 s13, s7;
	[dreg:$0x8] =	wrdreg s26  }
0x1d: {  	s2 =	ssub.s32 s2, s18;
	s7 =	sadd.s32 s6, s7;
	[dreg:$0xa] =	wrdreg s10  }
0x1e: {  	s15 =	simm.s32 $0x13180;
	s6 =	sadd.s32 s6, s8;
	[dreg:$0xc] =	wrdreg s7  }
0x1f: {  	s16 =	simm.s32 $0x13980;
	s12 =	simm.s32 $0x980;
	[dreg:$0xd] =	wrdreg s6  }
0x20: {  	s17 =	simm.s32 $0x14180;
	s24 =	simm.s32 $0x6980;
	[dreg:$0xe] =	wrdreg s12  }
0x21: {  	s18 =	simm.s32 $0x14980;
	s9 =	simm.s32 $0x9980;
	[dreg:$0x1a] =	wrdreg s24  }
0x22: {  	s19 =	simm.s32 $0x15180;
	s0 =	sadd.s32 s11, s25;
	[smem:$0x7ED] =	sst s9  }
0x23: {  	s20 =	simm.s32 $0x15980;
	s11 =	sadd.s32 s13, s8;
	[dreg:$0x9] =	wrdreg s0  }
0x24: {  	s21 =	simm.s32 $0x16180;
	s13 =	simm.s32 $0x1180;
	[dreg:$0xb] =	wrdreg s11  }
0x25: {  	s22 =	simm.s32 $0x16980;
	s25 =	simm.s32 $0x7180;
	[dreg:$0xf] =	wrdreg s13  }
0x26: {  	s23 =	simm.s32 $0x17180;
	s26 =	simm.s32 $0x7980;
	[dreg:$0x1b] =	wrdreg s25  }
0x27: {  	s7 =	simm.s32 $0x8980;
	s8 =	simm.s32 $0x9180;
	[dreg:$0x1c] =	wrdreg s26  }
0x28: {  	s10 =	simm.s32 $0xA180;
	s12 =	simm.s32 $0xB180;
	[dreg:$0x1e] =	wrdreg s7  }
0x29: {  	s6 =	sadd.s32 $0x100, s1;
	s9 =	simm.s32 $0x80;
	[dreg:$0x1f] =	wrdreg s8  }
0x2a: {  	s24 =	simm.s32 $0x11180;
	s0 =	simm.s32 $0x8180;
	[smem:$0x7EE] =	sst s10  }
0x2b: {  	s11 =	simm.s32 $0xA980;
	[smem:$0x7F0] =	sst s12;
	s13 =	simm.s32 $0xB980  }
0x2c: {  	s7 =	sadd.s32 $0x200, s1;
	s8 =	smax.u32 s2, $0x1;
	[smem:$0x7FB] =	sst s24  }
0x2d: {  	s10 =	simm.s32 $0x100;
	s25 =	simm.s32 $0x11980;
	[dreg:$0x1d] =	wrdreg s0  }
0x2e: {  	s26 =	simm.s32 $0x12180;
	s12 =	simm.s32 $0x180;
	[smem:$0x7EF] =	sst s11  }
0x2f: {  	v2 =	vlaneseq.u32;
	s24 =	simm.s32 $0x17980;
	s2 =	simm.s32 $0x140;
	[smem:$0x7F1] =	sst s13  }
0x30: {  	vm0 =	vmmov $0xffff;
	v1 =	vshrl.u32 v2, $0x3;
	s11 =	simm.s32 $0x3;
	[smem:$0x7FC] =	sst s25;
	s13 =	simm.s32 $0xC180  }
0x31: {  	v0 =	vand.u32 $0x7, v2;
	v2 =	vor.u32 $0x8, v2;
	v1 =	vmul.u32 $0x8, v1;
	[smem:$0x7FD] =	sst s26;
	s25 =	simm.s32 $0x1;
	s26 =	simm.s32 $0x40  }
.LBB2_1:
0x32: {  	s0 =	rddreg [dreg:$0x5]  }
0x33: {  	[tilespmem:s5], [sflag:$0x3] =	stream.linear.gather [hbm4b:s0+s5], $0x80, $0x38;
	[tilespmem:$0x1C180] =	vst v63  }
0x34: {  	s14 =	rddreg [dreg:$0x6]  }
0x35: {  	[tilespmem:s9], [sflag:$0x3] =	stream.linear.gather [hbm4b:s14+s5], $0x80, $0x38;
	[tilespmem:$0x1C180] =	vst v63  }
0x36: {  	s0 =	rddreg [dreg:$0x7]  }
0x37: {  	[tilespmem:s10], [sflag:$0x3] =	stream.linear.gather [hbm4b:s0+s5], $0x80, $0x38;
	[tilespmem:$0x1C180] =	vst v63  }
0x38: {  	_ =	swait.ge [sflag:s11], $0x80  }
0x39: {  	[sflag:s11] =	ssyncset.done $0x0  }
0x3a: {  	[sflag:s11] =	ssyncadd.s32 $0xFFFFFF80  }
0x3b: {  	_ =	swait.ge [sflag:s11], $0x80  }
0x3c: {  	[sflag:s11] =	ssyncset.done $0x0  }
0x3d: {  	[sflag:s11] =	ssyncadd.s32 $0xFFFFFF80  }
0x3e: {  	_ =	swait.ge [sflag:s11], $0x80  }
0x3f: {  	[sflag:s11] =	ssyncset.done $0x0  }
0x40: {  	[sflag:s11] =	ssyncadd.s32 $0xFFFFFF80  }
0x41: {  	v3 =	vld [tilespmem:$0x0];
	_ =	sdelay $0x4  }
0x42: {  	v4 =	vshrl.u32 v3, $0x3  }
0x43: {  	v4 =	vmul.u32 $0x30, v4  }
0x44: {  	v3 =	vand.u32 $0x7, v3  }
0x45: {  	v3 =	vor.u32 v3, v4  }
0x46: {  	v4 =	vperm.xlane v3, v0;
	_ =	sdelay $0x1  }
0x47: {  	v4 =	vadd.s32 v1, v4;
	_ =	sdelay $0x3  }
0x48: {  	v3 =	vperm.xlane v3, v2  }
0x49: {  	[tilespmem:s12], [sflag:$0x1] =	stream.indirect_vreg.gather [hbm4b:s1+s5], $0x80, v4, vm0, $0xb8;
	[tilespmem:$0x1C180] =	vst v63  }
0x4a: {  	s0 =	rddreg [dreg:$0xe];
	v3 =	vadd.s32 v1, v3  }
0x4b: {  	[tilespmem:s0], [sflag:$0x1] =	stream.indirect_vreg.gather [hbm4b:s6+s5], $0x80, v4, vm0, $0xb8;
	[tilespmem:$0x1C180] =	vst v63  }
0x4c: {  	s14 =	rddreg [dreg:$0xf]  }
0x4d: {  	[tilespmem:s14], [sflag:$0x1] =	stream.indirect_vreg.gather [hbm4b:s7+s5], $0x80, v4, vm0, $0xb8;
	[tilespmem:$0x1C180] =	vst v63  }
0x4e: {  	s0 =	rddreg [dreg:$0x10]  }
0x4f: {  	[tilespmem:s0], [sflag:$0x1] =	stream.indirect_vreg.gather [hbm4b:s1+s5], $0x80, v3, vm0, $0xb8;
	[tilespmem:$0x1C180] =	vst v63  }
0x50: {  	s14 =	rddreg [dreg:$0x11]  }
0x51: {  	[tilespmem:s14], [sflag:$0x1] =	stream.indirect_vreg.gather [hbm4b:s6+s5], $0x80, v3, vm0, $0xb8;
	[tilespmem:$0x1C180] =	vst v63  }
0x52: {  	s0 =	rddreg [dreg:$0x12]  }
0x53: {  	[tilespmem:s0], [sflag:$0x1] =	stream.indirect_vreg.gather [hbm4b:s7+s5], $0x80, v3, vm0, $0xb8;
	[tilespmem:$0x1C180] =	vst v63  }
0x54: {  	v3 =	vld [tilespmem:$0x10];
	_ =	sdelay $0x4  }
0x55: {  	v57 =	vshrl.u32 v3, $0x3  }
0x56: {  	v4 =	vmul.u32 $0x30, v57  }
0x57: {  	v3 =	vand.u32 $0x7, v3  }
0x58: {  	v3 =	vor.u32 v3, v4  }
0x59: {  	v4 =	vperm.xlane v3, v0;
	_ =	sdelay $0x1  }
0x5a: {  	v4 =	vadd.s32 v1, v4;
	_ =	sdelay $0x3  }
0x5b: {  	s0 =	rddreg [dreg:$0x13];
	v3 =	vperm.xlane v3, v2  }
0x5c: {  	[tilespmem:s0], [sflag:$0x1] =	stream.indirect_vreg.gather [hbm4b:s1+s5], $0x80, v4, vm0, $0xb8;
	[tilespmem:$0x1C180] =	vst v63  }
0x5d: {  	s14 =	rddreg [dreg:$0x14];
	v3 =	vadd.s32 v1, v3  }
0x5e: {  	[tilespmem:s14], [sflag:$0x1] =	stream.indirect_vreg.gather [hbm4b:s6+s5], $0x80, v4, vm0, $0xb8;
	[tilespmem:$0x1C180] =	vst v63  }
0x5f: {  	s0 =	rddreg [dreg:$0x15]  }
0x60: {  	[tilespmem:s0], [sflag:$0x1] =	stream.indirect_vreg.gather [hbm4b:s7+s5], $0x80, v4, vm0, $0xb8;
	[tilespmem:$0x1C180] =	vst v63  }
0x61: {  	s14 =	rddreg [dreg:$0x16]  }
0x62: {  	[tilespmem:s14], [sflag:$0x1] =	stream.indirect_vreg.gather [hbm4b:s1+s5], $0x80, v3, vm0, $0xb8;
	[tilespmem:$0x1C180] =	vst v63  }
0x63: {  	s0 =	rddreg [dreg:$0x17]  }
0x64: {  	[tilespmem:s0], [sflag:$0x1] =	stream.indirect_vreg.gather [hbm4b:s6+s5], $0x80, v3, vm0, $0xb8;
	[tilespmem:$0x1C180] =	vst v63  }
0x65: {  	s14 =	rddreg [dreg:$0x18]  }
0x66: {  	[tilespmem:s14], [sflag:$0x1] =	stream.indirect_vreg.gather [hbm4b:s7+s5], $0x80, v3, vm0, $0xb8;
	[tilespmem:$0x1C180] =	vst v63  }
0x67: {  	v3 =	vld [tilespmem:$0x20];
	_ =	sdelay $0x4  }
0x68: {  	v58 =	vshrl.u32 v3, $0x3  }
0x69: {  	v4 =	vmul.u32 $0x30, v58  }
0x6a: {  	v3 =	vand.u32 $0x7, v3  }
0x6b: {  	v3 =	vor.u32 v3, v4  }
0x6c: {  	v4 =	vperm.xlane v3, v0;
	_ =	sdelay $0x1  }
0x6d: {  	v4 =	vadd.s32 v1, v4;
	_ =	sdelay $0x3  }
0x6e: {  	s0 =	rddreg [dreg:$0x19];
	v3 =	vperm.xlane v3, v2  }
0x6f: {  	[tilespmem:s0], [sflag:$0x1] =	stream.indirect_vreg.gather [hbm4b:s1+s5], $0x80, v4, vm0, $0xb8;
	[tilespmem:$0x1C180] =	vst v63  }
0x70: {  	s14 =	rddreg [dreg:$0x1a];
	v3 =	vadd.s32 v1, v3  }
0x71: {  	[tilespmem:s14], [sflag:$0x1] =	stream.indirect_vreg.gather [hbm4b:s6+s5], $0x80, v4, vm0, $0xb8;
	[tilespmem:$0x1C180] =	vst v63  }
0x72: {  	s0 =	rddreg [dreg:$0x1b]  }
0x73: {  	[tilespmem:s0], [sflag:$0x1] =	stream.indirect_vreg.gather [hbm4b:s7+s5], $0x80, v4, vm0, $0xb8;
	[tilespmem:$0x1C180] =	vst v63  }
0x74: {  	s14 =	rddreg [dreg:$0x1c]  }
0x75: {  	[tilespmem:s14], [sflag:$0x1] =	stream.indirect_vreg.gather [hbm4b:s1+s5], $0x80, v3, vm0, $0xb8;
	[tilespmem:$0x1C180] =	vst v63  }
0x76: {  	s0 =	rddreg [dreg:$0x1d]  }
0x77: {  	[tilespmem:s0], [sflag:$0x1] =	stream.indirect_vreg.gather [hbm4b:s6+s5], $0x80, v3, vm0, $0xb8;
	[tilespmem:$0x1C180] =	vst v63  }
0x78: {  	s14 =	rddreg [dreg:$0x1e]  }
0x79: {  	[tilespmem:s14], [sflag:$0x1] =	stream.indirect_vreg.gather [hbm4b:s7+s5], $0x80, v3, vm0, $0xb8;
	[tilespmem:$0x1C180] =	vst v63  }
0x7a: {  	v3 =	vld [tilespmem:$0x30];
	_ =	sdelay $0x4  }
0x7b: {  	v59 =	vshrl.u32 v3, $0x3  }
0x7c: {  	v4 =	vmul.u32 $0x30, v59  }
0x7d: {  	v3 =	vand.u32 $0x7, v3  }
0x7e: {  	v3 =	vor.u32 v3, v4  }
0x7f: {  	v4 =	vperm.xlane v3, v0;
	_ =	sdelay $0x1  }
0x80: {  	v4 =	vadd.s32 v1, v4;
	_ =	sdelay $0x2  }
0x81: {  	s0 =	rddreg [dreg:$0x1f]  }
0x82: {  	s14 =	sld [smem:$0x7ED];
	v3 =	vperm.xlane v3, v2  }
0x83: {  	[tilespmem:s0], [sflag:$0x1] =	stream.indirect_vreg.gather [hbm4b:s1+s5], $0x80, v4, vm0, $0xb8;
	[tilespmem:$0x1C180] =	vst v63  }
0x84: {  	v3 =	vadd.s32 v1, v3;
	s0 =	sld [smem:$0x7EE]  }
0x85: {  	[tilespmem:s14], [sflag:$0x1] =	stream.indirect_vreg.gather [hbm4b:s6+s5], $0x80, v4, vm0, $0xb8;
	[tilespmem:$0x1C180] =	vst v63  }
0x86: {  	s14 =	sld [smem:$0x7EF]  }
0x87: {  	[tilespmem:s0], [sflag:$0x1] =	stream.indirect_vreg.gather [hbm4b:s7+s5], $0x80, v4, vm0, $0xb8;
	[tilespmem:$0x1C180] =	vst v63  }
0x88: {  	s0 =	sld [smem:$0x7F0]  }
0x89: {  	[tilespmem:s14], [sflag:$0x1] =	stream.indirect_vreg.gather [hbm4b:s1+s5], $0x80, v3, vm0, $0xb8;
	[tilespmem:$0x1C180] =	vst v63  }
0x8a: {  	s14 =	sld [smem:$0x7F1]  }
0x8b: {  	[tilespmem:s0], [sflag:$0x1] =	stream.indirect_vreg.gather [hbm4b:s6+s5], $0x80, v3, vm0, $0xb8;
	[tilespmem:$0x1C180] =	vst v63  }
0x8c: {  	_ = 	snop  }
0x8d: {  	[tilespmem:s14], [sflag:$0x1] =	stream.indirect_vreg.gather [hbm4b:s7+s5], $0x80, v3, vm0, $0xb8;
	[tilespmem:$0x1C180] =	vst v63  }
0x8e: {  	v3 =	vld [tilespmem:$0x40];
	_ =	sdelay $0x4  }
0x8f: {  	v60 =	vshrl.u32 v3, $0x3  }
0x90: {  	v4 =	vmul.u32 $0x30, v60  }
0x91: {  	v3 =	vand.u32 $0x7, v3  }
0x92: {  	v3 =	vor.u32 v3, v4  }
0x93: {  	v4 =	vperm.xlane v3, v0;
	_ =	sdelay $0x1  }
0x94: {  	v4 =	vadd.s32 v1, v4;
	_ =	sdelay $0x3  }
0x95: {  	s0 =	sld [smem:$0x7F2];
	v3 =	vperm.xlane v3, v2  }
0x96: {  	[tilespmem:s13], [sflag:$0x2] =	stream.indirect_vreg.gather [hbm4b:s1+s5], $0x80, v4, vm0, $0xb8;
	[tilespmem:$0x1C180] =	vst v63  }
0x97: {  	s14 =	sld [smem:$0x7F3];
	v3 =	vadd.s32 v1, v3  }
0x98: {  	[tilespmem:s0], [sflag:$0x2] =	stream.indirect_vreg.gather [hbm4b:s6+s5], $0x80, v4, vm0, $0xb8;
	[tilespmem:$0x1C180] =	vst v63  }
0x99: {  	s0 =	sld [smem:$0x7F4]  }
0x9a: {  	[tilespmem:s14], [sflag:$0x2] =	stream.indirect_vreg.gather [hbm4b:s7+s5], $0x80, v4, vm0, $0xb8;
	[tilespmem:$0x1C180] =	vst v63  }
0x9b: {  	s14 =	sld [smem:$0x7F5]  }
0x9c: {  	[tilespmem:s0], [sflag:$0x2] =	stream.indirect_vreg.gather [hbm4b:s1+s5], $0x80, v3, vm0, $0xb8;
	[tilespmem:$0x1C180] =	vst v63  }
0x9d: {  	s0 =	sld [smem:$0x7F6]  }
0x9e: {  	[tilespmem:s14], [sflag:$0x2] =	stream.indirect_vreg.gather [hbm4b:s6+s5], $0x80, v3, vm0, $0xb8;
	[tilespmem:$0x1C180] =	vst v63  }
0x9f: {  	_ = 	snop  }
0xa0: {  	[tilespmem:s0], [sflag:$0x2] =	stream.indirect_vreg.gather [hbm4b:s7+s5], $0x80, v3, vm0, $0xb8;
	[tilespmem:$0x1C180] =	vst v63  }
0xa1: {  	v3 =	vld [tilespmem:$0x50];
	_ =	sdelay $0x4  }
0xa2: {  	v61 =	vshrl.u32 v3, $0x3  }
0xa3: {  	v4 =	vmul.u32 $0x30, v61  }
0xa4: {  	v3 =	vand.u32 $0x7, v3  }
0xa5: {  	v3 =	vor.u32 v3, v4  }
0xa6: {  	v4 =	vperm.xlane v3, v0;
	_ =	sdelay $0x1  }
0xa7: {  	v4 =	vadd.s32 v1, v4;
	_ =	sdelay $0x1  }
0xa8: {  	s0 =	sld [smem:$0x7F7];
	_ =	sdelay $0x1  }
0xa9: {  	s14 =	sld [smem:$0x7F8];
	v3 =	vperm.xlane v3, v2  }
0xaa: {  	[tilespmem:s0], [sflag:$0x2] =	stream.indirect_vreg.gather [hbm4b:s1+s5], $0x80, v4, vm0, $0xb8;
	[tilespmem:$0x1C180] =	vst v63  }
0xab: {  	v3 =	vadd.s32 v1, v3;
	s0 =	sld [smem:$0x7F9]  }
0xac: {  	[tilespmem:s14], [sflag:$0x2] =	stream.indirect_vreg.gather [hbm4b:s6+s5], $0x80, v4, vm0, $0xb8;
	[tilespmem:$0x1C180] =	vst v63  }
0xad: {  	s14 =	sld [smem:$0x7FA]  }
0xae: {  	[tilespmem:s0], [sflag:$0x2] =	stream.indirect_vreg.gather [hbm4b:s7+s5], $0x80, v4, vm0, $0xb8;
	[tilespmem:$0x1C180] =	vst v63  }
0xaf: {  	s0 =	sld [smem:$0x7FB]  }
0xb0: {  	[tilespmem:s14], [sflag:$0x2] =	stream.indirect_vreg.gather [hbm4b:s1+s5], $0x80, v3, vm0, $0xb8;
	[tilespmem:$0x1C180] =	vst v63  }
0xb1: {  	s14 =	sld [smem:$0x7FC]  }
0xb2: {  	[tilespmem:s0], [sflag:$0x2] =	stream.indirect_vreg.gather [hbm4b:s6+s5], $0x80, v3, vm0, $0xb8;
	[tilespmem:$0x1C180] =	vst v63  }
0xb3: {  	_ = 	snop  }
0xb4: {  	[tilespmem:s14], [sflag:$0x2] =	stream.indirect_vreg.gather [hbm4b:s7+s5], $0x80, v3, vm0, $0xb8;
	[tilespmem:$0x1C180] =	vst v63  }
0xb5: {  	v3 =	vld [tilespmem:$0x60];
	_ =	sdelay $0x4  }
0xb6: {  	v62 =	vshrl.u32 v3, $0x3  }
0xb7: {  	v4 =	vmul.u32 $0x30, v62  }
0xb8: {  	v3 =	vand.u32 $0x7, v3  }
0xb9: {  	v3 =	vor.u32 v3, v4  }
0xba: {  	v4 =	vperm.xlane v3, v0;
	_ =	sdelay $0x1  }
0xbb: {  	v4 =	vadd.s32 v1, v4;
	_ =	sdelay $0x1  }
0xbc: {  	s14 =	sld [smem:$0x7FD];
	_ =	sdelay $0x1  }
0xbd: {  	v3 =	vperm.xlane v3, v2  }
0xbe: {  	[tilespmem:s14], [sflag:$0x2] =	stream.indirect_vreg.gather [hbm4b:s1+s5], $0x80, v4, vm0, $0xb8;
	[tilespmem:$0x1C180] =	vst v63  }
0xbf: {  	v3 =	vadd.s32 v1, v3;
	s14 =	simm.s32 $0x12980  }
0xc0: {  	[tilespmem:s14], [sflag:$0x2] =	stream.indirect_vreg.gather [hbm4b:s6+s5], $0x80, v4, vm0, $0xb8;
	[tilespmem:$0x1C180] =	vst v63  }
0xc1: {  	_ = 	snop  }
0xc2: {  	[tilespmem:s15], [sflag:$0x2] =	stream.indirect_vreg.gather [hbm4b:s7+s5], $0x80, v4, vm0, $0xb8;
	[tilespmem:$0x1C180] =	vst v63  }
0xc3: {  	_ = 	snop  }
0xc4: {  	[tilespmem:s16], [sflag:$0x2] =	stream.indirect_vreg.gather [hbm4b:s1+s5], $0x80, v3, vm0, $0xb8;
	[tilespmem:$0x1C180] =	vst v63  }
0xc5: {  	_ = 	snop  }
0xc6: {  	[tilespmem:s17], [sflag:$0x2] =	stream.indirect_vreg.gather [hbm4b:s6+s5], $0x80, v3, vm0, $0xb8;
	[tilespmem:$0x1C180] =	vst v63  }
0xc7: {  	_ = 	snop  }
0xc8: {  	[tilespmem:s18], [sflag:$0x2] =	stream.indirect_vreg.gather [hbm4b:s7+s5], $0x80, v3, vm0, $0xb8;
	[tilespmem:$0x1C180] =	vst v63  }
0xc9: {  	v3 =	vld [tilespmem:$0x70];
	_ =	sdelay $0x4  }
0xca: {  	v63 =	vshrl.u32 v3, $0x3  }
0xcb: {  	v4 =	vmul.u32 $0x30, v63  }
0xcc: {  	v3 =	vand.u32 $0x7, v3  }
0xcd: {  	v3 =	vor.u32 v3, v4  }
0xce: {  	v4 =	vperm.xlane v3, v0;
	_ =	sdelay $0x1  }
0xcf: {  	v4 =	vadd.s32 v1, v4;
	_ =	sdelay $0x3  }
0xd0: {  	v3 =	vperm.xlane v3, v2  }
0xd1: {  	[tilespmem:s19], [sflag:$0x2] =	stream.indirect_vreg.gather [hbm4b:s1+s5], $0x80, v4, vm0, $0xb8;
	[tilespmem:$0x1C180] =	vst v63  }
0xd2: {  	v3 =	vadd.s32 v1, v3  }
0xd3: {  	[tilespmem:s20], [sflag:$0x2] =	stream.indirect_vreg.gather [hbm4b:s6+s5], $0x80, v4, vm0, $0xb8;
	[tilespmem:$0x1C180] =	vst v63  }
0xd4: {  	_ = 	snop  }
0xd5: {  	[tilespmem:s21], [sflag:$0x2] =	stream.indirect_vreg.gather [hbm4b:s7+s5], $0x80, v4, vm0, $0xb8;
	[tilespmem:$0x1C180] =	vst v63  }
0xd6: {  	_ = 	snop  }
0xd7: {  	[tilespmem:s22], [sflag:$0x2] =	stream.indirect_vreg.gather [hbm4b:s1+s5], $0x80, v3, vm0, $0xb8;
	[tilespmem:$0x1C180] =	vst v63  }
0xd8: {  	_ = 	snop  }
0xd9: {  	[tilespmem:s23], [sflag:$0x2] =	stream.indirect_vreg.gather [hbm4b:s6+s5], $0x80, v3, vm0, $0xb8;
	[tilespmem:$0x1C180] =	vst v63  }
0xda: {  	_ = 	snop  }
0xdb: {  	[tilespmem:s24], [sflag:$0x2] =	stream.indirect_vreg.gather [hbm4b:s7+s5], $0x80, v3, vm0, $0xb8;
	[tilespmem:$0x1C180] =	vst v63  }
0xdc: {  	_ =	swait.ge [sflag:s25], $0xC000  }
0xdd: {  	[sflag:s25] =	ssyncset.done $0x0  }
0xde: {  	s14 =	rddreg [dreg:$0x8];
	[sflag:s25] =	ssyncadd.s32 $0xFFFF4000  }
0xdf: {  	[hbm4b:s14+s5] =	stream.linear.scatter [tilespmem:s12], [sflag:$0x3], $0xC000, $0x38;
	[tilespmem:$0x1C180] =	vst v63  }
0xe0: {  	_ =	swait.ge [sflag:s11], $0xC000  }
0xe1: {  	[sflag:s11] =	ssyncset.done $0x0  }
0xe2: {  	[sflag:s11] =	ssyncadd.s32 $0xFFFF4000  }
0xe3: {  	[tilespmem:s28], [sflag:$0x1] =	stream.indirect.gather [hbm4b:s3+s26], $0x80, s9, s26, $0xb8;
	[tilespmem:$0x1C180] =	vst v63  }
0xe4: {  	_ =	swait.ge [sflag:s29], $0xC000  }
0xe5: {  	[sflag:s29] =	ssyncset.done $0x0  }
0xe6: {  	s14 =	rddreg [dreg:$0x9];
	[sflag:s29] =	ssyncadd.s32 $0xFFFF4000  }
0xe7: {  	[hbm4b:s14+s5] =	stream.linear.scatter [tilespmem:s13], [sflag:$0x3], $0xC000, $0x38;
	[tilespmem:$0x1C180] =	vst v63  }
0xe8: {  	_ =	swait.ge [sflag:s11], $0xC000  }
0xe9: {  	[sflag:s11] =	ssyncset.done $0x0  }
0xea: {  	[sflag:s11] =	ssyncadd.s32 $0xFFFF4000  }
0xeb: {  	[tilespmem:s31], [sflag:$0x2] =	stream.indirect.gather [hbm4b:s3+s26], $0x80, s30, s26, $0xb8;
	[tilespmem:$0x1C180] =	vst v63  }
0xec: {  	_ =	swait.ge [sflag:s25], $0x2000  }
0xed: {  	[sflag:s25] =	ssyncset.done $0x0  }
0xee: {  	s14 =	rddreg [dreg:$0xa];
	[sflag:s25] =	ssyncadd.s32 $0xFFFFE000  }
0xef: {  	[hbm4b:s14+s5] =	stream.linear.scatter [tilespmem:s28], [sflag:$0x3], $0x2000, $0x38;
	[tilespmem:$0x1C180] =	vst v63  }
0xf0: {  	_ =	swait.ge [sflag:s11], $0x2000  }
0xf1: {  	[sflag:s11] =	ssyncset.done $0x0  }
0xf2: {  	[sflag:s11] =	ssyncadd.s32 $0xFFFFE000  }
0xf3: {  	[tilespmem:s28], [sflag:$0x1] =	stream.indirect.gather [hbm4b:s4+s26], $0x80, s10, s26, $0xb8;
	[tilespmem:$0x1C180] =	vst v63  }
0xf4: {  	_ =	swait.ge [sflag:s29], $0x2000  }
0xf5: {  	[sflag:s29] =	ssyncset.done $0x0  }
0xf6: {  	s14 =	rddreg [dreg:$0xb];
	[sflag:s29] =	ssyncadd.s32 $0xFFFFE000  }
0xf7: {  	[hbm4b:s14+s5] =	stream.linear.scatter [tilespmem:s31], [sflag:$0x3], $0x2000, $0x38;
	[tilespmem:$0x1C180] =	vst v63  }
0xf8: {  	_ =	swait.ge [sflag:s11], $0x2000  }
0xf9: {  	[sflag:s11] =	ssyncset.done $0x0  }
0xfa: {  	[sflag:s11] =	ssyncadd.s32 $0xFFFFE000  }
0xfb: {  	[tilespmem:s31], [sflag:$0x2] =	stream.indirect.gather [hbm4b:s4+s26], $0x80, s2, s26, $0xb8;
	[tilespmem:$0x1C180] =	vst v63  }
0xfc: {  	_ =	swait.ge [sflag:s25], $0x2000  }
0xfd: {  	[sflag:s25] =	ssyncset.done $0x0  }
0xfe: {  	s14 =	rddreg [dreg:$0xc];
	[sflag:s25] =	ssyncadd.s32 $0xFFFFE000  }
0xff: {  	[hbm4b:s14+s5] =	stream.linear.scatter [tilespmem:s28], [sflag:$0x3], $0x2000, $0x38;
	[tilespmem:$0x1C180] =	vst v63  }
0x100: {  	_ =	swait.ge [sflag:s29], $0x2000  }
0x101: {  	[sflag:s29] =	ssyncset.done $0x0  }
0x102: {  	s14 =	rddreg [dreg:$0xd];
	[sflag:s29] =	ssyncadd.s32 $0xFFFFE000  }
0x103: {  	[hbm4b:s14+s5] =	stream.linear.scatter [tilespmem:s31], [sflag:$0x3], $0x2000, $0x38;
	[tilespmem:$0x1C180] =	vst v63  }
0x104: {  	p0 =	sne.s32 s8, $0x1;
	_ =	swait.ge [sflag:s11], $0x2000  }
.Ltmp0:
0x105: {  	[sflag:s11] =	ssyncset.done $0x0;
	(pc) =	sbr.rel @p0 .LBB2_1-.Ltmp0, $4  }
0x106: {  	[sflag:s11] =	ssyncadd.s32 $0xFFFFE000  }
0x107: {  	_ =	swait.ge [sflag:s11], $0x2000  }
0x108: {  	[sflag:s11] =	ssyncset.done $0x0  }
0x109: {  	s8 =	sadd.s32 $0xFFFFFFFF, s8;
	[sflag:s11] =	ssyncadd.s32 $0xFFFFE000  }
0x10a: {  	_ =	sfence.sel $0x180000  }
0x10b: {  	[bflag:$0x0] =	sbarrier.arrive $0xFFFF  }
0x10c: {  	_ =	strace $0x9000004A  }
0x10d: {  	s0 =	stileid.u32;
	[bflag:$0x2] =	sbarrier.arrive $0xFFFF  }
0x10e: {  	p0 =	sne.s32 s0, $0x0;
	s0 =	rddreg [dreg:$0x4]  }
0x10f: {  	s0 =	sadd.s32 @!p0 $0x100000, s0  }
0x110: {  	[sflag:s0] =	ssyncadd.tile.s32 @!p0 $0x1;
	_ =	shalt  }
.Lfunc_end2:
_tile_overlayer_lowered:
.L_overlay_start_2:
0x111: {  	(tag) =	ssettag $0x2  }
0x112: {  	s0 =	rddreg [dreg:$0x0];
	s2 =	stileid.u32  }
0x113: {  	s1 =	rddreg [dreg:$0x1];
	p0 =	sne.s32 s2, $0x0  }
0x114: {  	s3 =	rddreg [dreg:$0x2];
	[bflag:$0x3] =	sbarrier.arrive $0xFFFF;
	s2 =	simm.s32 @!p0 $0x1C04  }
0x115: {  	[timem:s3], [sflag:s2] =	dma.local @!p0 [hbm:s0], s1  }
0x116: {  	s0 =	simm.s32 @!p0 $0x4  }
0x117: {  	_ =	swait.ge @!p0 [sflag:s0], s1  }
0x118: {  	s1 =	ssub.s32 @!p0 $0x0, s1;
	[sflag:s0] =	ssyncset.done @!p0 $0x0  }
0x119: {  	[sflag:s0] =	ssyncadd.s32 @!p0 s1  }
0x11a: {  	[bflag:$0x3] =	sbarrier.arrive $0xFFFF  }
0x11b: {  	_ =	shalt  }

// kernel: kernel.18.cloned.1.call-start
scs
__scs_entry_jumppad:
0x0: {  	(pc) =	sbr.rel $0x88, $3  }
0x1: {  	(tag) =	ssettag $0x0;
	lr =	simm.s32 $0x1  }
0x2: {  	[smem:$0x3F91] =	sst lr;
	_ =	strace $0xD0000000  }
0x3: {  	_ = 	snop  }
0x4: {  	_ = 	snop  }
0x5: {  	_ = 	snop  }
0x6: {  	_ = 	snop  }
0x7: {  	_ = 	snop  }
__scs_overlays_trampoline_lowered:
0x8: {  	[smem:$0x3FA0] =	sst s0  }
0x9: {  	[smem:$0x3FA1] =	sst s1  }
0xa: {  	[smem:$0x3FA2] =	sst s2  }
0xb: {  	[smem:$0x3FA3] =	sst s3  }
0xc: {  	[smem:$0x3FA4] =	sst s4  }
0xd: {  	[smem:$0x3FA5] =	sst s5  }
0xe: {  	[smem:$0x3FA6] =	sst s6  }
0xf: {  	[smem:$0x3FA7] =	sst s7  }
0x10: {  	[smem:$0x3FA8] =	sst s8  }
0x11: {  	[smem:$0x3FA9] =	sst s9;
	s0 =	simm.s32 @!p0 $0x0  }
0x12: {  	s1 =	sld [smem:$0x3F8F];
	s0 =	simm.s32 @p0 $0x1  }
0x13: {  	[smem:$0x3FAA] =	sst s0;
	s0 =	simm.s32 @!p1 $0x0  }
0x14: {  	s2 =	sld [smem:$0x3F8E];
	s0 =	simm.s32 @p1 $0x1  }
0x15: {  	[smem:$0x3FAB] =	sst s0;
	s0 =	simm.s32 @!p2 $0x0  }
0x16: {  	s3 =	sld [smem:$0x3FDB];
	s0 =	simm.s32 @p2 $0x1  }
0x17: {  	s4 =	simm.s32 $0x1BF5;
	[smem:$0x3FAD] =	sst s0  }
0x18: {  	s0 =	sld [smem:$0x3F90];
	_ =	swait.ge [sflag:s4], $0x0  }
0x19: {  	s7 =	sld [smem:$0x3F91]  }
0x1a: {  	s8 =	sadd.s32 $0xFFFFE003, lr  }
0x1b: {  	s9 =	sadd.s32 $0xFFFFFEF7, lr;
	s5 =	simm.s32 $0xFFFFFFFF;
	p2 =	slt.u32 s8, $0xFFFFF086  }
0x1c: {  	p1 =	slt.u32 s9, $0xF7A;
	s5 =	simm.s32 @!p2 $0x0  }
0x1d: {  	s5 =	simm.s32 @p1 $0x1;
	p0 =	seq.s32 s7, s2  }
0x1e: {  	s7 =	smul.u32 @!p0 $0xF7A, s2;
	p2 =	seq.s32 @!p0 s5, $0x0  }
0x1f: {  	s9 =	smul.u32 $0xF7A, s1;
	s8 =	simm.s32 @!p0 $0x1BF5;
	p2 =	por !p2, p0  }
0x20: {  	[sflag:s8] =	ssyncset.s32 @!p0 $0xFFFFF086;
	s6 =	sadd.s32 @!p0 s3, s7;
	s7 =	simm.s32 @!p0 $0x108  }
0x21: {  	s3 =	sadd.s32 s3, s9;
	s6 =	sadd.s32 @!p0 $0x88, s6;
	s7 =	simm.s32 @p2 $0x1082  }
0x22: {  	[simem:s7], [sflag:s8] =	dma.local @!p0 [hbm:s6], $0xF7A  }
0x23: {  	s9 =	sor.u32 $0xD0000000, s2;
	s6 =	simm.s32 $0x108;
	_ =	swait.ge @!p0 [sflag:s8], $0x0  }
0x24: {  	s3 =	sadd.s32 $0x88, s3;
	s6 =	simm.s32 @!p1 $0x1082;
	[sflag:s4] =	ssyncset.s32 $0xFFFFF086  }
0x25: {  	[simem:s6], [sflag:s4] =	dma.local [hbm:s3], $0xF7A  }
0x26: {  	[smem:$0x3F91] =	sst s1;
	(tag) =	ssettag s2;
	_ =	strace s9  }
0x27: {  	s1 =	sld [smem:$0x3FA1]  }
0x28: {  	s2 =	sld [smem:$0x3FA2]  }
0x29: {  	s4 =	sld [smem:$0x3FA4]  }
0x2a: {  	p0 =	seq.s32 s5, $0x0;
	s5 =	sld [smem:$0x3FA5]  }
0x2b: {  	s6 =	sld [smem:$0x3FA6]  }
0x2c: {  	s7 =	sld [smem:$0x3FA7]  }
0x2d: {  	s3 =	simm.s32 $0x108;
	s8 =	sld [smem:$0x3FA8]  }
0x2e: {  	s3 =	simm.s32 @!p0 $0x1082;
	s9 =	sld [smem:$0x3FA9]  }
0x2f: {  	lr =	sadd.s32 s0, s3;
	s0 =	sld [smem:$0x3FA0]  }
0x30: {  	s3 =	sld [smem:$0x3FA3]  }
0x31: {  	[smem:$0x3FAC] =	sst s10  }
0x32: {  	s10 =	sld [smem:$0x3FAA];
	_ =	sdelay $0x3  }
0x33: {  	p0 =	seq.s32 s10, $0x1;
	s10 =	sld [smem:$0x3FAC];
	_ =	sdelay $0x3  }
0x34: {  	[smem:$0x3FAC] =	sst s10  }
0x35: {  	s10 =	sld [smem:$0x3FAB];
	_ =	sdelay $0x3  }
0x36: {  	p1 =	seq.s32 s10, $0x1;
	s10 =	sld [smem:$0x3FAC];
	_ =	sdelay $0x3  }
0x37: {  	[smem:$0x3FAC] =	sst s10  }
0x38: {  	s10 =	sld [smem:$0x3FAD]  }
0x39: {  	_ = 	snop;
	(pc) =	sbr.ind lr, $3  }
0x3a: {  	_ = 	snop  }
0x3b: {  	_ = 	snop  }
0x3c: {  	p2 =	seq.s32 s10, $0x1;
	s10 =	sld [smem:$0x3FAC]  }
0x3d: {  	_ =	shalt  }
0x3e: {  	_ =	shalt  }
0x3f: {  	_ =	shalt  }
0x40: {  	_ =	shalt  }
0x41: {  	_ =	shalt  }
0x42: {  	_ =	shalt  }
0x43: {  	_ =	shalt  }
0x44: {  	_ =	shalt  }
0x45: {  	_ =	shalt  }
0x46: {  	_ =	shalt  }
0x47: {  	_ =	shalt  }
0x48: {  	_ =	shalt  }
0x49: {  	_ =	shalt  }
0x4a: {  	_ =	shalt  }
0x4b: {  	_ =	shalt  }
0x4c: {  	_ =	shalt  }
0x4d: {  	_ =	shalt  }
0x4e: {  	_ =	shalt  }
0x4f: {  	_ =	shalt  }
0x50: {  	_ =	shalt  }
0x51: {  	_ =	shalt  }
0x52: {  	_ =	shalt  }
0x53: {  	_ =	shalt  }
0x54: {  	_ =	shalt  }
0x55: {  	_ =	shalt  }
0x56: {  	_ =	shalt  }
0x57: {  	_ =	shalt  }
0x58: {  	_ =	shalt  }
0x59: {  	_ =	shalt  }
0x5a: {  	_ =	shalt  }
0x5b: {  	_ =	shalt  }
0x5c: {  	_ =	shalt  }
0x5d: {  	_ =	shalt  }
0x5e: {  	_ =	shalt  }
0x5f: {  	_ =	shalt  }
0x60: {  	_ =	shalt  }
0x61: {  	_ =	shalt  }
0x62: {  	_ =	shalt  }
0x63: {  	_ =	shalt  }
0x64: {  	_ =	shalt  }
0x65: {  	_ =	shalt  }
0x66: {  	_ =	shalt  }
0x67: {  	_ =	shalt  }
0x68: {  	_ =	shalt  }
0x69: {  	_ =	shalt  }
0x6a: {  	_ =	shalt  }
0x6b: {  	_ =	shalt  }
0x6c: {  	_ =	shalt  }
0x6d: {  	_ =	shalt  }
0x6e: {  	_ =	shalt  }
0x6f: {  	_ =	shalt  }
0x70: {  	_ =	shalt  }
0x71: {  	_ =	shalt  }
0x72: {  	_ =	shalt  }
0x73: {  	_ =	shalt  }
0x74: {  	_ =	shalt  }
0x75: {  	_ =	shalt  }
0x76: {  	_ =	shalt  }
0x77: {  	_ =	shalt  }
0x78: {  	_ =	shalt  }
0x79: {  	_ =	shalt  }
0x7a: {  	_ =	shalt  }
0x7b: {  	_ =	shalt  }
0x7c: {  	_ =	shalt  }
0x7d: {  	_ =	shalt  }
0x7e: {  	_ =	shalt  }
0x7f: {  	_ =	shalt  }
0x80: {  	_ =	shalt  }
0x81: {  	_ =	shalt  }
0x82: {  	_ =	shalt  }
0x83: {  	_ =	shalt  }
0x84: {  	_ =	shalt  }
0x85: {  	_ =	shalt  }
0x86: {  	_ =	shalt  }
0x87: {  	_ =	shalt  }
.Lfunc_end0:
.L_simem_size_0:
called_computation.2_lowered:
.L_overlay_start_0:
0x88: {  	s2 =	sld [smem:$0x3FD9]  }
0x89: {  	s3 =	sld [smem:$0x3FFE];
	_ =	sdelay $0x1  }
0x8a: {  	s1 =	srdreg.scid  }
0x8b: {  	s0 =	sand.u32 $0x1, s1  }
0x8c: {  	s17 =	sshll.u32 s0, $0xA;
	s2 =	sadd.s32 s3, s2  }
0x8d: {  	s2 =	sadd.s32 s2, s17  }
0x8e: {  	[smem:$0x3FB8] =	sst s2  }
0x8f: {  	_ = 	snop  }
0x90: {  	s18 =	sld [smem:$0x3FC8]  }
0x91: {  	s4 =	sld [smem:$0x3FC3]  }
0x92: {  	s5 =	sld [smem:$0x3FC0];
	(tm) =	ssettm $0x1  }
0x93: {  	s19 =	sld [smem:$0x3FFB];
	_ =	sdelay $0x3  }
0x94: {  	_ =	strace s19  }
0x95: {  	s2 =	sld [smem:$0x3FFC];
	_ =	sdelay $0x3  }
0x96: {  	_ =	strace s2  }
0x97: {  	s2 =	sld [smem:$0x3FFD];
	_ =	sdelay $0x3  }
0x98: {  	_ =	strace s2  }
0x99: {  	_ =	strace $0x8FFFFFFF  }
0x9a: {  	s20 =	sld [smem:$0x3FDB];
	_ =	sdelay $0x1  }
0x9b: {  	s6 =	simm.s32 $_scs_section_size  }
0x9c: {  	s7 =	simm.s32 $_size__tile_overlayer_lowered;
	s8 =	simm.s32 $_tile_overlayer_lowered  }
0x9d: {  	s9 =	simm.s32 $0x1BFF;
	s21 =	sshll.u32 s8, $0x1;
	s6 =	sadd.s32 s6, s20  }
0x9e: {  	s22 =	simm.s32 $0x0;
	s7 =	sshll.u32 s7, $0x1;
	s8 =	sadd.s32 s21, s6  }
0x9f: {  	[timem:s22], [sflag:s9] =	dma.local [hbm:s8], s7  }
0xa0: {  	_ =	swait.ge [sflag:s9], s7  }
0xa1: {  	s7 =	ssub.s32 $0x0, s7;
	[sflag:s9] =	ssyncset.done $0x0  }
0xa2: {  	[sflag:s9] =	ssyncadd.s32 s7;
	_ =	sdelay $0x1  }
0xa3: {  	s23 =	simm.s32 $0x1B8B  }
0xa4: {  	_ =	swait.ge [sflag:s23], $0x1  }
0xa5: {  	[sflag:s23] =	ssyncset.done $0x0  }
0xa6: {  	[sflag:s23] =	ssyncadd.s32 $0xFFFFFFFF  }
0xa7: {  	s7 =	sld [smem:$0x0]  }
0xa8: {  	s8 =	sand.u32 $0xFFFFFFFE, s1  }
0xa9: {  	p0 =	sne.s32 s1, s8  }
0xaa: {  	s8 =	sshll.u32 @p0 s8, $0xE  }
0xab: {  	s8 =	sadd.s32 @p0 $0x11B8D, s8;
	s9 =	sshll.u32 @p0 s7, $0x11  }
0xac: {  	s8 =	sor.u32 @p0 s9, s8  }
0xad: {  	[sflag:s8] =	ssyncadd.remote.s32 @p0 $0x1;
	_ =	sdelay $0x1  }
0xae: {  	s8 =	simm.s32 @p0 $0x1B8D  }
0xaf: {  	_ =	swait.eq @p0 [sflag:s8], $0x1  }
0xb0: {  	[sflag:s8] =	ssyncadd.s32 @p0 $0xFFFFFFFF  }
0xb1: {  	s9 =	sshll.u32 @!p0 s1, $0xE  }
0xb2: {  	s9 =	sor.u32 @!p0 $0x4000, s9;
	s8 =	simm.s32 @!p0 $0x1B8D  }
0xb3: {  	s7 =	sshll.u32 @!p0 s7, $0x11;
	s9 =	sadd.s32 @!p0 $0x11B8D, s9;
	_ =	swait.eq @!p0 [sflag:s8], $0x1  }
0xb4: {  	s7 =	sor.u32 @!p0 s7, s9;
	[sflag:s8] =	ssyncadd.s32 @!p0 $0xFFFFFFFF  }
0xb5: {  	s25 =	simm.s32 $0x1B8E;
	s24 =	sld [smem:$0x3FFE];
	[sflag:s7] =	ssyncadd.remote.s32 @!p0 $0x1  }
0xb6: {  	s26 =	simm.s32 $execute0_lowered;
	[smem:$0x3FD2] =	sst s25  }
0xb7: {  	s8 =	sshll.u32 s26, $0x1;
	_ =	strace $0x8000004C;
	[dreg:$0x1] =	wrdreg $0xFFFFFFFF  }
0xb8: {  	s28 =	simm.s32 $_size_execute0_lowered;
	s6 =	sadd.s32 s6, s8;
	[dreg:$0x0] =	wrdreg $0x0  }
0xb9: {  	s8 =	sshll.u32 s28, $0x1;
	[dreg:$0x2] =	wrdreg s6  }
0xba: {  	[dreg:$0x3] =	wrdreg s8  }
0xbb: {  	[dreg:$0x4] =	wrdreg $0xC0  }
0xbc: {  	_ =	task [dreg:s22], $0x5FFFF  }
0xbd: {  	[dreg:$0x1] =	wrdreg $0xFFFFFFFF  }
0xbe: {  	[dreg:$0x0] =	wrdreg $0x60  }
0xbf: {  	[dreg:$0x2] =	wrdreg s24  }
0xc0: {  	[dreg:$0x3] =	wrdreg s18  }
0xc1: {  	[dreg:$0x4] =	wrdreg s4  }
0xc2: {  	[dreg:$0x5] =	wrdreg s5  }
0xc3: {  	[dreg:$0x6] =	wrdreg $0xB  }
0xc4: {  	_ =	task.clear_ibuf [dreg:s22], $0x7FFFF;
	_ =	strace $0x9000004C  }
0xc5: {  	s29 =	simm.s32 $0xB;
	_ =	strace $0x8000004E  }
0xc6: {  	_ =	swait.ge [sflag:s29], $0x1  }
0xc7: {  	[sflag:s29] =	ssyncadd.s32 $0xFFFFFFFF  }
0xc8: {  	_ =	strace $0x9000004E  }
0xc9: {  	_ =	sfence  }
0xca: {  	s30 =	sld [smem:$0x0];
	_ =	sdelay $0x2  }
0xcb: {  	s31 =	sshll.u32 s1, $0xD;
	s1 =	sshrl.u32 s1, $0x2  }
0xcc: {  	s4 =	sand.u32 $0x4000, s31;
	s1 =	sadd.s32 s1, s30  }
0xcd: {  	s0 =	sor.u32 s4, s0;
	s1 =	sshll.u32 s1, $0x11  }
0xce: {  	s0 =	sor.u32 s1, s0  }
0xcf: {  	s0 =	sadd.s32 $0x8F2B, s0  }
0xd0: {  	[sflag:s0] =	ssyncadd.remote.s32 $0x1  }
0xd1: {  	_ =	sfence.sel $0xFFFF  }
0xd2: {  	[dreg:$0x0] =	wrdreg $0xFFFFFFFF;
	(pc) =	sbr.abs _section_cstart, $3  }
0xd3: {  	[dreg:$0x1] =	wrdreg $0xFFFFFFFF  }
0xd4: {  	_ =	task.clear_ibuf [dreg:s22], $0x2FFFF;
	_ =	strace $0x9FFFFFFF  }
0xd5: {  	(tm) =	ssettm $0x7FFFFFFF  }
tec
execute0_lowered:
.L_overlay_start_1:
0x0: {  	(tag) =	ssettag $0x1  }
0x1: {  	s6 =	rddreg [dreg:$0x0];
	s2 =	srdreg.scid  }
0x2: {  	s1 =	rddreg [dreg:$0x1];
	s0 =	stileid.u32;
	s2 =	sand.u32 $0x1, s2  }
0x3: {  	s3 =	rddreg [dreg:$0x2];
	s5 =	sshll.u32 s0, $0x8;
	s7 =	sshll.u32 s2, $0x7  }
0x4: {  	s4 =	rddreg [dreg:$0x3];
	s7 =	sor.u32 s7, s5;
	s5 =	simm.s32 $0x0  }
0x5: {  	s14 =	simm.s32 $0x1980;
	[smem:$0x7FF] =	sst s5  }
0x6: {  	s15 =	simm.s32 $0x2180;
	_ =	strace $0x8000004D;
	[dreg:$0x10] =	wrdreg s14  }
0x7: {  	s16 =	simm.s32 $0x2980;
	[dreg:$0x11] =	wrdreg s15  }
0x8: {  	s17 =	simm.s32 $0x3180;
	[dreg:$0x12] =	wrdreg s16  }
0x9: {  	s18 =	simm.s32 $0x3980;
	[dreg:$0x13] =	wrdreg s17  }
0xa: {  	s19 =	simm.s32 $0x4180;
	[dreg:$0x14] =	wrdreg s18  }
0xb: {  	s20 =	simm.s32 $0x4980;
	[dreg:$0x15] =	wrdreg s19  }
0xc: {  	s21 =	simm.s32 $0x5180;
	[dreg:$0x16] =	wrdreg s20  }
0xd: {  	s22 =	simm.s32 $0x5980;
	s23 =	simm.s32 $0x6180;
	[dreg:$0x17] =	wrdreg s21  }
0xe: {  	s28 =	simm.s32 $0x18180;
	s29 =	simm.s32 $0x2;
	[dreg:$0x18] =	wrdreg s22  }
0xf: {  	s30 =	simm.s32 $0xC0;
	[dreg:$0x19] =	wrdreg s23;
	s14 =	simm.s32 $0xC980  }
0x10: {  	s31 =	simm.s32 $0x1A180;
	s15 =	simm.s32 $0xD180;
	[smem:$0x7F2] =	sst s14  }
0x11: {  	s11 =	sadd.s32 $0xA9600, s6;
	s16 =	simm.s32 $0xD980;
	[smem:$0x7F3] =	sst s15  }
0x12: {  	s13 =	sadd.s32 $0x109600, s6;
	s17 =	simm.s32 $0xE180;
	[smem:$0x7F4] =	sst s16  }
0x13: {  	s2 =	ssub.s32 $0x2, s2;
	s19 =	simm.s32 $0xE980;
	[smem:$0x7F5] =	sst s17  }
0x14: {  	s8 =	sshrl.u32 s7, $0x3;
	s20 =	simm.s32 $0xF180;
	[smem:$0x7F6] =	sst s19  }
0x15: {  	s7 =	sshll.u32 s7, $0x4;
	s21 =	simm.s32 $0xF980;
	[smem:$0x7F7] =	sst s20  }
0x16: {  	s9 =	sadd.s32 s8, s6;
	s22 =	simm.s32 $0x10180;
	[smem:$0x7F8] =	sst s21  }
0x17: {  	s12 =	smul.u32 $0x300, s8;
	s23 =	simm.s32 $0x10980;
	[smem:$0x7F9] =	sst s22  }
0x18: {  	s8 =	sor.u32 $0x8, s8;
	s10 =	sadd.s32 $0x28C00, s9;
	[smem:$0x7FA] =	sst s23  }
0x19: {  	s6 =	sadd.s32 $0x119600, s6;
	s24 =	sadd.s32 $0x29400, s9;
	[dreg:$0x5] =	wrdreg s10  }
0x1a: {  	s18 =	sshrl.u32 s2, $0x1;
	s9 =	sadd.s32 $0x29200, s9;
	[dreg:$0x6] =	wrdreg s24  }
0x1b: {  	s25 =	smul.u32 $0x300, s8;
	[dreg:$0x7] =	wrdreg s9;
	s26 =	sadd.s32 s11, s12  }
0x1c: {  	s8 =	sshll.u32 s8, $0x7;
	s10 =	sadd.s32 s13, s7;
	[dreg:$0x8] =	wrdreg s26  }
0x1d: {  	s2 =	ssub.s32 s2, s18;
	s7 =	sadd.s32 s6, s7;
	[dreg:$0xa] =	wrdreg s10  }
0x1e: {  	s15 =	simm.s32 $0x13180;
	s6 =	sadd.s32 s6, s8;
	[dreg:$0xc] =	wrdreg s7  }
0x1f: {  	s16 =	simm.s32 $0x13980;
	s12 =	simm.s32 $0x980;
	[dreg:$0xd] =	wrdreg s6  }
0x20: {  	s17 =	simm.s32 $0x14180;
	s24 =	simm.s32 $0x6980;
	[dreg:$0xe] =	wrdreg s12  }
0x21: {  	s18 =	simm.s32 $0x14980;
	s9 =	simm.s32 $0x9980;
	[dreg:$0x1a] =	wrdreg s24  }
0x22: {  	s19 =	simm.s32 $0x15180;
	s0 =	sadd.s32 s11, s25;
	[smem:$0x7ED] =	sst s9  }
0x23: {  	s20 =	simm.s32 $0x15980;
	s11 =	sadd.s32 s13, s8;
	[dreg:$0x9] =	wrdreg s0  }
0x24: {  	s21 =	simm.s32 $0x16180;
	s13 =	simm.s32 $0x1180;
	[dreg:$0xb] =	wrdreg s11  }
0x25: {  	s22 =	simm.s32 $0x16980;
	s25 =	simm.s32 $0x7180;
	[dreg:$0xf] =	wrdreg s13  }
0x26: {  	s23 =	simm.s32 $0x17180;
	s26 =	simm.s32 $0x7980;
	[dreg:$0x1b] =	wrdreg s25  }
0x27: {  	s7 =	simm.s32 $0x8980;
	s8 =	simm.s32 $0x9180;
	[dreg:$0x1c] =	wrdreg s26  }
0x28: {  	s10 =	simm.s32 $0xA180;
	s12 =	simm.s32 $0xB180;
	[dreg:$0x1e] =	wrdreg s7  }
0x29: {  	s6 =	sadd.s32 $0x100, s1;
	s9 =	simm.s32 $0x80;
	[dreg:$0x1f] =	wrdreg s8  }
0x2a: {  	s24 =	simm.s32 $0x11180;
	s0 =	simm.s32 $0x8180;
	[smem:$0x7EE] =	sst s10  }
0x2b: {  	s11 =	simm.s32 $0xA980;
	[smem:$0x7F0] =	sst s12;
	s13 =	simm.s32 $0xB980  }
0x2c: {  	s7 =	sadd.s32 $0x200, s1;
	s8 =	smax.u32 s2, $0x1;
	[smem:$0x7FB] =	sst s24  }
0x2d: {  	s10 =	simm.s32 $0x100;
	s25 =	simm.s32 $0x11980;
	[dreg:$0x1d] =	wrdreg s0  }
0x2e: {  	s26 =	simm.s32 $0x12180;
	s12 =	simm.s32 $0x180;
	[smem:$0x7EF] =	sst s11  }
0x2f: {  	v2 =	vlaneseq.u32;
	s24 =	simm.s32 $0x17980;
	s2 =	simm.s32 $0x140;
	[smem:$0x7F1] =	sst s13  }
0x30: {  	vm0 =	vmmov $0xffff;
	v1 =	vshrl.u32 v2, $0x3;
	s11 =	simm.s32 $0x3;
	[smem:$0x7FC] =	sst s25;
	s13 =	simm.s32 $0xC180  }
0x31: {  	v0 =	vand.u32 $0x7, v2;
	v2 =	vor.u32 $0x8, v2;
	v1 =	vmul.u32 $0x8, v1;
	[smem:$0x7FD] =	sst s26;
	s25 =	simm.s32 $0x1;
	s26 =	simm.s32 $0x40  }
.LBB2_1:
0x32: {  	s0 =	rddreg [dreg:$0x5]  }
0x33: {  	[tilespmem:s5], [sflag:$0x3] =	stream.linear.gather [hbm4b:s0+s5], $0x80, $0x38;
	[tilespmem:$0x1C180] =	vst v63  }
0x34: {  	s14 =	rddreg [dreg:$0x6]  }
0x35: {  	[tilespmem:s9], [sflag:$0x3] =	stream.linear.gather [hbm4b:s14+s5], $0x80, $0x38;
	[tilespmem:$0x1C180] =	vst v63  }
0x36: {  	s0 =	rddreg [dreg:$0x7]  }
0x37: {  	[tilespmem:s10], [sflag:$0x3] =	stream.linear.gather [hbm4b:s0+s5], $0x80, $0x38;
	[tilespmem:$0x1C180] =	vst v63  }
0x38: {  	_ =	swait.ge [sflag:s11], $0x80  }
0x39: {  	[sflag:s11] =	ssyncset.done $0x0  }
0x3a: {  	[sflag:s11] =	ssyncadd.s32 $0xFFFFFF80  }
0x3b: {  	_ =	swait.ge [sflag:s11], $0x80  }
0x3c: {  	[sflag:s11] =	ssyncset.done $0x0  }
0x3d: {  	[sflag:s11] =	ssyncadd.s32 $0xFFFFFF80  }
0x3e: {  	_ =	swait.ge [sflag:s11], $0x80  }
0x3f: {  	[sflag:s11] =	ssyncset.done $0x0  }
0x40: {  	[sflag:s11] =	ssyncadd.s32 $0xFFFFFF80  }
0x41: {  	v3 =	vld [tilespmem:$0x0];
	_ =	sdelay $0x4  }
0x42: {  	v4 =	vshrl.u32 v3, $0x3  }
0x43: {  	v4 =	vmul.u32 $0x30, v4  }
0x44: {  	v3 =	vand.u32 $0x7, v3  }
0x45: {  	v3 =	vor.u32 v3, v4  }
0x46: {  	v4 =	vperm.xlane v3, v0;
	_ =	sdelay $0x1  }
0x47: {  	v4 =	vadd.s32 v1, v4;
	_ =	sdelay $0x3  }
0x48: {  	v3 =	vperm.xlane v3, v2  }
0x49: {  	[tilespmem:s12], [sflag:$0x1] =	stream.indirect_vreg.gather [hbm4b:s1+s5], $0x80, v4, vm0, $0xb8;
	[tilespmem:$0x1C180] =	vst v63  }
0x4a: {  	s0 =	rddreg [dreg:$0xe];
	v3 =	vadd.s32 v1, v3  }
0x4b: {  	[tilespmem:s0], [sflag:$0x1] =	stream.indirect_vreg.gather [hbm4b:s6+s5], $0x80, v4, vm0, $0xb8;
	[tilespmem:$0x1C180] =	vst v63  }
0x4c: {  	s14 =	rddreg [dreg:$0xf]  }
0x4d: {  	[tilespmem:s14], [sflag:$0x1] =	stream.indirect_vreg.gather [hbm4b:s7+s5], $0x80, v4, vm0, $0xb8;
	[tilespmem:$0x1C180] =	vst v63  }
0x4e: {  	s0 =	rddreg [dreg:$0x10]  }
0x4f: {  	[tilespmem:s0], [sflag:$0x1] =	stream.indirect_vreg.gather [hbm4b:s1+s5], $0x80, v3, vm0, $0xb8;
	[tilespmem:$0x1C180] =	vst v63  }
0x50: {  	s14 =	rddreg [dreg:$0x11]  }
0x51: {  	[tilespmem:s14], [sflag:$0x1] =	stream.indirect_vreg.gather [hbm4b:s6+s5], $0x80, v3, vm0, $0xb8;
	[tilespmem:$0x1C180] =	vst v63  }
0x52: {  	s0 =	rddreg [dreg:$0x12]  }
0x53: {  	[tilespmem:s0], [sflag:$0x1] =	stream.indirect_vreg.gather [hbm4b:s7+s5], $0x80, v3, vm0, $0xb8;
	[tilespmem:$0x1C180] =	vst v63  }
0x54: {  	v3 =	vld [tilespmem:$0x10];
	_ =	sdelay $0x4  }
0x55: {  	v57 =	vshrl.u32 v3, $0x3  }
0x56: {  	v4 =	vmul.u32 $0x30, v57  }
0x57: {  	v3 =	vand.u32 $0x7, v3  }
0x58: {  	v3 =	vor.u32 v3, v4  }
0x59: {  	v4 =	vperm.xlane v3, v0;
	_ =	sdelay $0x1  }
0x5a: {  	v4 =	vadd.s32 v1, v4;
	_ =	sdelay $0x3  }
0x5b: {  	s0 =	rddreg [dreg:$0x13];
	v3 =	vperm.xlane v3, v2  }
0x5c: {  	[tilespmem:s0], [sflag:$0x1] =	stream.indirect_vreg.gather [hbm4b:s1+s5], $0x80, v4, vm0, $0xb8;
	[tilespmem:$0x1C180] =	vst v63  }
0x5d: {  	s14 =	rddreg [dreg:$0x14];
	v3 =	vadd.s32 v1, v3  }
0x5e: {  	[tilespmem:s14], [sflag:$0x1] =	stream.indirect_vreg.gather [hbm4b:s6+s5], $0x80, v4, vm0, $0xb8;
	[tilespmem:$0x1C180] =	vst v63  }
0x5f: {  	s0 =	rddreg [dreg:$0x15]  }
0x60: {  	[tilespmem:s0], [sflag:$0x1] =	stream.indirect_vreg.gather [hbm4b:s7+s5], $0x80, v4, vm0, $0xb8;
	[tilespmem:$0x1C180] =	vst v63  }
0x61: {  	s14 =	rddreg [dreg:$0x16]  }
0x62: {  	[tilespmem:s14], [sflag:$0x1] =	stream.indirect_vreg.gather [hbm4b:s1+s5], $0x80, v3, vm0, $0xb8;
	[tilespmem:$0x1C180] =	vst v63  }
0x63: {  	s0 =	rddreg [dreg:$0x17]  }
0x64: {  	[tilespmem:s0], [sflag:$0x1] =	stream.indirect_vreg.gather [hbm4b:s6+s5], $0x80, v3, vm0, $0xb8;
	[tilespmem:$0x1C180] =	vst v63  }
0x65: {  	s14 =	rddreg [dreg:$0x18]  }
0x66: {  	[tilespmem:s14], [sflag:$0x1] =	stream.indirect_vreg.gather [hbm4b:s7+s5], $0x80, v3, vm0, $0xb8;
	[tilespmem:$0x1C180] =	vst v63  }
0x67: {  	v3 =	vld [tilespmem:$0x20];
	_ =	sdelay $0x4  }
0x68: {  	v58 =	vshrl.u32 v3, $0x3  }
0x69: {  	v4 =	vmul.u32 $0x30, v58  }
0x6a: {  	v3 =	vand.u32 $0x7, v3  }
0x6b: {  	v3 =	vor.u32 v3, v4  }
0x6c: {  	v4 =	vperm.xlane v3, v0;
	_ =	sdelay $0x1  }
0x6d: {  	v4 =	vadd.s32 v1, v4;
	_ =	sdelay $0x3  }
0x6e: {  	s0 =	rddreg [dreg:$0x19];
	v3 =	vperm.xlane v3, v2  }
0x6f: {  	[tilespmem:s0], [sflag:$0x1] =	stream.indirect_vreg.gather [hbm4b:s1+s5], $0x80, v4, vm0, $0xb8;
	[tilespmem:$0x1C180] =	vst v63  }
0x70: {  	s14 =	rddreg [dreg:$0x1a];
	v3 =	vadd.s32 v1, v3  }
0x71: {  	[tilespmem:s14], [sflag:$0x1] =	stream.indirect_vreg.gather [hbm4b:s6+s5], $0x80, v4, vm0, $0xb8;
	[tilespmem:$0x1C180] =	vst v63  }
0x72: {  	s0 =	rddreg [dreg:$0x1b]  }
0x73: {  	[tilespmem:s0], [sflag:$0x1] =	stream.indirect_vreg.gather [hbm4b:s7+s5], $0x80, v4, vm0, $0xb8;
	[tilespmem:$0x1C180] =	vst v63  }
0x74: {  	s14 =	rddreg [dreg:$0x1c]  }
0x75: {  	[tilespmem:s14], [sflag:$0x1] =	stream.indirect_vreg.gather [hbm4b:s1+s5], $0x80, v3, vm0, $0xb8;
	[tilespmem:$0x1C180] =	vst v63  }
0x76: {  	s0 =	rddreg [dreg:$0x1d]  }
0x77: {  	[tilespmem:s0], [sflag:$0x1] =	stream.indirect_vreg.gather [hbm4b:s6+s5], $0x80, v3, vm0, $0xb8;
	[tilespmem:$0x1C180] =	vst v63  }
0x78: {  	s14 =	rddreg [dreg:$0x1e]  }
0x79: {  	[tilespmem:s14], [sflag:$0x1] =	stream.indirect_vreg.gather [hbm4b:s7+s5], $0x80, v3, vm0, $0xb8;
	[tilespmem:$0x1C180] =	vst v63  }
0x7a: {  	v3 =	vld [tilespmem:$0x30];
	_ =	sdelay $0x4  }
0x7b: {  	v59 =	vshrl.u32 v3, $0x3  }
0x7c: {  	v4 =	vmul.u32 $0x30, v59  }
0x7d: {  	v3 =	vand.u32 $0x7, v3  }
0x7e: {  	v3 =	vor.u32 v3, v4  }
0x7f: {  	v4 =	vperm.xlane v3, v0;
	_ =	sdelay $0x1  }
0x80: {  	v4 =	vadd.s32 v1, v4;
	_ =	sdelay $0x2  }
0x81: {  	s0 =	rddreg [dreg:$0x1f]  }
0x82: {  	s14 =	sld [smem:$0x7ED];
	v3 =	vperm.xlane v3, v2  }
0x83: {  	[tilespmem:s0], [sflag:$0x1] =	stream.indirect_vreg.gather [hbm4b:s1+s5], $0x80, v4, vm0, $0xb8;
	[tilespmem:$0x1C180] =	vst v63  }
0x84: {  	v3 =	vadd.s32 v1, v3;
	s0 =	sld [smem:$0x7EE]  }
0x85: {  	[tilespmem:s14], [sflag:$0x1] =	stream.indirect_vreg.gather [hbm4b:s6+s5], $0x80, v4, vm0, $0xb8;
	[tilespmem:$0x1C180] =	vst v63  }
0x86: {  	s14 =	sld [smem:$0x7EF]  }
0x87: {  	[tilespmem:s0], [sflag:$0x1] =	stream.indirect_vreg.gather [hbm4b:s7+s5], $0x80, v4, vm0, $0xb8;
	[tilespmem:$0x1C180] =	vst v63  }
0x88: {  	s0 =	sld [smem:$0x7F0]  }
0x89: {  	[tilespmem:s14], [sflag:$0x1] =	stream.indirect_vreg.gather [hbm4b:s1+s5], $0x80, v3, vm0, $0xb8;
	[tilespmem:$0x1C180] =	vst v63  }
0x8a: {  	s14 =	sld [smem:$0x7F1]  }
0x8b: {  	[tilespmem:s0], [sflag:$0x1] =	stream.indirect_vreg.gather [hbm4b:s6+s5], $0x80, v3, vm0, $0xb8;
	[tilespmem:$0x1C180] =	vst v63  }
0x8c: {  	_ = 	snop  }
0x8d: {  	[tilespmem:s14], [sflag:$0x1] =	stream.indirect_vreg.gather [hbm4b:s7+s5], $0x80, v3, vm0, $0xb8;
	[tilespmem:$0x1C180] =	vst v63  }
0x8e: {  	v3 =	vld [tilespmem:$0x40];
	_ =	sdelay $0x4  }
0x8f: {  	v60 =	vshrl.u32 v3, $0x3  }
0x90: {  	v4 =	vmul.u32 $0x30, v60  }
0x91: {  	v3 =	vand.u32 $0x7, v3  }
0x92: {  	v3 =	vor.u32 v3, v4  }
0x93: {  	v4 =	vperm.xlane v3, v0;
	_ =	sdelay $0x1  }
0x94: {  	v4 =	vadd.s32 v1, v4;
	_ =	sdelay $0x3  }
0x95: {  	s0 =	sld [smem:$0x7F2];
	v3 =	vperm.xlane v3, v2  }
0x96: {  	[tilespmem:s13], [sflag:$0x2] =	stream.indirect_vreg.gather [hbm4b:s1+s5], $0x80, v4, vm0, $0xb8;
	[tilespmem:$0x1C180] =	vst v63  }
0x97: {  	s14 =	sld [smem:$0x7F3];
	v3 =	vadd.s32 v1, v3  }
0x98: {  	[tilespmem:s0], [sflag:$0x2] =	stream.indirect_vreg.gather [hbm4b:s6+s5], $0x80, v4, vm0, $0xb8;
	[tilespmem:$0x1C180] =	vst v63  }
0x99: {  	s0 =	sld [smem:$0x7F4]  }
0x9a: {  	[tilespmem:s14], [sflag:$0x2] =	stream.indirect_vreg.gather [hbm4b:s7+s5], $0x80, v4, vm0, $0xb8;
	[tilespmem:$0x1C180] =	vst v63  }
0x9b: {  	s14 =	sld [smem:$0x7F5]  }
0x9c: {  	[tilespmem:s0], [sflag:$0x2] =	stream.indirect_vreg.gather [hbm4b:s1+s5], $0x80, v3, vm0, $0xb8;
	[tilespmem:$0x1C180] =	vst v63  }
0x9d: {  	s0 =	sld [smem:$0x7F6]  }
0x9e: {  	[tilespmem:s14], [sflag:$0x2] =	stream.indirect_vreg.gather [hbm4b:s6+s5], $0x80, v3, vm0, $0xb8;
	[tilespmem:$0x1C180] =	vst v63  }
0x9f: {  	_ = 	snop  }
0xa0: {  	[tilespmem:s0], [sflag:$0x2] =	stream.indirect_vreg.gather [hbm4b:s7+s5], $0x80, v3, vm0, $0xb8;
	[tilespmem:$0x1C180] =	vst v63  }
0xa1: {  	v3 =	vld [tilespmem:$0x50];
	_ =	sdelay $0x4  }
0xa2: {  	v61 =	vshrl.u32 v3, $0x3  }
0xa3: {  	v4 =	vmul.u32 $0x30, v61  }
0xa4: {  	v3 =	vand.u32 $0x7, v3  }
0xa5: {  	v3 =	vor.u32 v3, v4  }
0xa6: {  	v4 =	vperm.xlane v3, v0;
	_ =	sdelay $0x1  }
0xa7: {  	v4 =	vadd.s32 v1, v4;
	_ =	sdelay $0x1  }
0xa8: {  	s0 =	sld [smem:$0x7F7];
	_ =	sdelay $0x1  }
0xa9: {  	s14 =	sld [smem:$0x7F8];
	v3 =	vperm.xlane v3, v2  }
0xaa: {  	[tilespmem:s0], [sflag:$0x2] =	stream.indirect_vreg.gather [hbm4b:s1+s5], $0x80, v4, vm0, $0xb8;
	[tilespmem:$0x1C180] =	vst v63  }
0xab: {  	v3 =	vadd.s32 v1, v3;
	s0 =	sld [smem:$0x7F9]  }
0xac: {  	[tilespmem:s14], [sflag:$0x2] =	stream.indirect_vreg.gather [hbm4b:s6+s5], $0x80, v4, vm0, $0xb8;
	[tilespmem:$0x1C180] =	vst v63  }
0xad: {  	s14 =	sld [smem:$0x7FA]  }
0xae: {  	[tilespmem:s0], [sflag:$0x2] =	stream.indirect_vreg.gather [hbm4b:s7+s5], $0x80, v4, vm0, $0xb8;
	[tilespmem:$0x1C180] =	vst v63  }
0xaf: {  	s0 =	sld [smem:$0x7FB]  }
0xb0: {  	[tilespmem:s14], [sflag:$0x2] =	stream.indirect_vreg.gather [hbm4b:s1+s5], $0x80, v3, vm0, $0xb8;
	[tilespmem:$0x1C180] =	vst v63  }
0xb1: {  	s14 =	sld [smem:$0x7FC]  }
0xb2: {  	[tilespmem:s0], [sflag:$0x2] =	stream.indirect_vreg.gather [hbm4b:s6+s5], $0x80, v3, vm0, $0xb8;
	[tilespmem:$0x1C180] =	vst v63  }
0xb3: {  	_ = 	snop  }
0xb4: {  	[tilespmem:s14], [sflag:$0x2] =	stream.indirect_vreg.gather [hbm4b:s7+s5], $0x80, v3, vm0, $0xb8;
	[tilespmem:$0x1C180] =	vst v63  }
0xb5: {  	v3 =	vld [tilespmem:$0x60];
	_ =	sdelay $0x4  }
0xb6: {  	v62 =	vshrl.u32 v3, $0x3  }
0xb7: {  	v4 =	vmul.u32 $0x30, v62  }
0xb8: {  	v3 =	vand.u32 $0x7, v3  }
0xb9: {  	v3 =	vor.u32 v3, v4  }
0xba: {  	v4 =	vperm.xlane v3, v0;
	_ =	sdelay $0x1  }
0xbb: {  	v4 =	vadd.s32 v1, v4;
	_ =	sdelay $0x1  }
0xbc: {  	s14 =	sld [smem:$0x7FD];
	_ =	sdelay $0x1  }
0xbd: {  	v3 =	vperm.xlane v3, v2  }
0xbe: {  	[tilespmem:s14], [sflag:$0x2] =	stream.indirect_vreg.gather [hbm4b:s1+s5], $0x80, v4, vm0, $0xb8;
	[tilespmem:$0x1C180] =	vst v63  }
0xbf: {  	v3 =	vadd.s32 v1, v3;
	s14 =	simm.s32 $0x12980  }
0xc0: {  	[tilespmem:s14], [sflag:$0x2] =	stream.indirect_vreg.gather [hbm4b:s6+s5], $0x80, v4, vm0, $0xb8;
	[tilespmem:$0x1C180] =	vst v63  }
0xc1: {  	_ = 	snop  }
0xc2: {  	[tilespmem:s15], [sflag:$0x2] =	stream.indirect_vreg.gather [hbm4b:s7+s5], $0x80, v4, vm0, $0xb8;
	[tilespmem:$0x1C180] =	vst v63  }
0xc3: {  	_ = 	snop  }
0xc4: {  	[tilespmem:s16], [sflag:$0x2] =	stream.indirect_vreg.gather [hbm4b:s1+s5], $0x80, v3, vm0, $0xb8;
	[tilespmem:$0x1C180] =	vst v63  }
0xc5: {  	_ = 	snop  }
0xc6: {  	[tilespmem:s17], [sflag:$0x2] =	stream.indirect_vreg.gather [hbm4b:s6+s5], $0x80, v3, vm0, $0xb8;
	[tilespmem:$0x1C180] =	vst v63  }
0xc7: {  	_ = 	snop  }
0xc8: {  	[tilespmem:s18], [sflag:$0x2] =	stream.indirect_vreg.gather [hbm4b:s7+s5], $0x80, v3, vm0, $0xb8;
	[tilespmem:$0x1C180] =	vst v63  }
0xc9: {  	v3 =	vld [tilespmem:$0x70];
	_ =	sdelay $0x4  }
0xca: {  	v63 =	vshrl.u32 v3, $0x3  }
0xcb: {  	v4 =	vmul.u32 $0x30, v63  }
0xcc: {  	v3 =	vand.u32 $0x7, v3  }
0xcd: {  	v3 =	vor.u32 v3, v4  }
0xce: {  	v4 =	vperm.xlane v3, v0;
	_ =	sdelay $0x1  }
0xcf: {  	v4 =	vadd.s32 v1, v4;
	_ =	sdelay $0x3  }
0xd0: {  	v3 =	vperm.xlane v3, v2  }
0xd1: {  	[tilespmem:s19], [sflag:$0x2] =	stream.indirect_vreg.gather [hbm4b:s1+s5], $0x80, v4, vm0, $0xb8;
	[tilespmem:$0x1C180] =	vst v63  }
0xd2: {  	v3 =	vadd.s32 v1, v3  }
0xd3: {  	[tilespmem:s20], [sflag:$0x2] =	stream.indirect_vreg.gather [hbm4b:s6+s5], $0x80, v4, vm0, $0xb8;
	[tilespmem:$0x1C180] =	vst v63  }
0xd4: {  	_ = 	snop  }
0xd5: {  	[tilespmem:s21], [sflag:$0x2] =	stream.indirect_vreg.gather [hbm4b:s7+s5], $0x80, v4, vm0, $0xb8;
	[tilespmem:$0x1C180] =	vst v63  }
0xd6: {  	_ = 	snop  }
0xd7: {  	[tilespmem:s22], [sflag:$0x2] =	stream.indirect_vreg.gather [hbm4b:s1+s5], $0x80, v3, vm0, $0xb8;
	[tilespmem:$0x1C180] =	vst v63  }
0xd8: {  	_ = 	snop  }
0xd9: {  	[tilespmem:s23], [sflag:$0x2] =	stream.indirect_vreg.gather [hbm4b:s6+s5], $0x80, v3, vm0, $0xb8;
	[tilespmem:$0x1C180] =	vst v63  }
0xda: {  	_ = 	snop  }
0xdb: {  	[tilespmem:s24], [sflag:$0x2] =	stream.indirect_vreg.gather [hbm4b:s7+s5], $0x80, v3, vm0, $0xb8;
	[tilespmem:$0x1C180] =	vst v63  }
0xdc: {  	_ =	swait.ge [sflag:s25], $0xC000  }
0xdd: {  	[sflag:s25] =	ssyncset.done $0x0  }
0xde: {  	s14 =	rddreg [dreg:$0x8];
	[sflag:s25] =	ssyncadd.s32 $0xFFFF4000  }
0xdf: {  	[hbm4b:s14+s5] =	stream.linear.scatter [tilespmem:s12], [sflag:$0x3], $0xC000, $0x38;
	[tilespmem:$0x1C180] =	vst v63  }
0xe0: {  	_ =	swait.ge [sflag:s11], $0xC000  }
0xe1: {  	[sflag:s11] =	ssyncset.done $0x0  }
0xe2: {  	[sflag:s11] =	ssyncadd.s32 $0xFFFF4000  }
0xe3: {  	[tilespmem:s28], [sflag:$0x1] =	stream.indirect.gather [hbm4b:s3+s26], $0x80, s9, s26, $0xb8;
	[tilespmem:$0x1C180] =	vst v63  }
0xe4: {  	_ =	swait.ge [sflag:s29], $0xC000  }
0xe5: {  	[sflag:s29] =	ssyncset.done $0x0  }
0xe6: {  	s14 =	rddreg [dreg:$0x9];
	[sflag:s29] =	ssyncadd.s32 $0xFFFF4000  }
0xe7: {  	[hbm4b:s14+s5] =	stream.linear.scatter [tilespmem:s13], [sflag:$0x3], $0xC000, $0x38;
	[tilespmem:$0x1C180] =	vst v63  }
0xe8: {  	_ =	swait.ge [sflag:s11], $0xC000  }
0xe9: {  	[sflag:s11] =	ssyncset.done $0x0  }
0xea: {  	[sflag:s11] =	ssyncadd.s32 $0xFFFF4000  }
0xeb: {  	[tilespmem:s31], [sflag:$0x2] =	stream.indirect.gather [hbm4b:s3+s26], $0x80, s30, s26, $0xb8;
	[tilespmem:$0x1C180] =	vst v63  }
0xec: {  	_ =	swait.ge [sflag:s25], $0x2000  }
0xed: {  	[sflag:s25] =	ssyncset.done $0x0  }
0xee: {  	s14 =	rddreg [dreg:$0xa];
	[sflag:s25] =	ssyncadd.s32 $0xFFFFE000  }
0xef: {  	[hbm4b:s14+s5] =	stream.linear.scatter [tilespmem:s28], [sflag:$0x3], $0x2000, $0x38;
	[tilespmem:$0x1C180] =	vst v63  }
0xf0: {  	_ =	swait.ge [sflag:s11], $0x2000  }
0xf1: {  	[sflag:s11] =	ssyncset.done $0x0  }
0xf2: {  	[sflag:s11] =	ssyncadd.s32 $0xFFFFE000  }
0xf3: {  	[tilespmem:s28], [sflag:$0x1] =	stream.indirect.gather [hbm4b:s4+s26], $0x80, s10, s26, $0xb8;
	[tilespmem:$0x1C180] =	vst v63  }
0xf4: {  	_ =	swait.ge [sflag:s29], $0x2000  }
0xf5: {  	[sflag:s29] =	ssyncset.done $0x0  }
0xf6: {  	s14 =	rddreg [dreg:$0xb];
	[sflag:s29] =	ssyncadd.s32 $0xFFFFE000  }
0xf7: {  	[hbm4b:s14+s5] =	stream.linear.scatter [tilespmem:s31], [sflag:$0x3], $0x2000, $0x38;
	[tilespmem:$0x1C180] =	vst v63  }
0xf8: {  	_ =	swait.ge [sflag:s11], $0x2000  }
0xf9: {  	[sflag:s11] =	ssyncset.done $0x0  }
0xfa: {  	[sflag:s11] =	ssyncadd.s32 $0xFFFFE000  }
0xfb: {  	[tilespmem:s31], [sflag:$0x2] =	stream.indirect.gather [hbm4b:s4+s26], $0x80, s2, s26, $0xb8;
	[tilespmem:$0x1C180] =	vst v63  }
0xfc: {  	_ =	swait.ge [sflag:s25], $0x2000  }
0xfd: {  	[sflag:s25] =	ssyncset.done $0x0  }
0xfe: {  	s14 =	rddreg [dreg:$0xc];
	[sflag:s25] =	ssyncadd.s32 $0xFFFFE000  }
0xff: {  	[hbm4b:s14+s5] =	stream.linear.scatter [tilespmem:s28], [sflag:$0x3], $0x2000, $0x38;
	[tilespmem:$0x1C180] =	vst v63  }
0x100: {  	_ =	swait.ge [sflag:s29], $0x2000  }
0x101: {  	[sflag:s29] =	ssyncset.done $0x0  }
0x102: {  	s14 =	rddreg [dreg:$0xd];
	[sflag:s29] =	ssyncadd.s32 $0xFFFFE000  }
0x103: {  	[hbm4b:s14+s5] =	stream.linear.scatter [tilespmem:s31], [sflag:$0x3], $0x2000, $0x38;
	[tilespmem:$0x1C180] =	vst v63  }
0x104: {  	p0 =	sne.s32 s8, $0x1;
	_ =	swait.ge [sflag:s11], $0x2000  }
.Ltmp0:
0x105: {  	[sflag:s11] =	ssyncset.done $0x0;
	(pc) =	sbr.rel @p0 .LBB2_1-.Ltmp0, $4  }
0x106: {  	[sflag:s11] =	ssyncadd.s32 $0xFFFFE000  }
0x107: {  	_ =	swait.ge [sflag:s11], $0x2000  }
0x108: {  	[sflag:s11] =	ssyncset.done $0x0  }
0x109: {  	s8 =	sadd.s32 $0xFFFFFFFF, s8;
	[sflag:s11] =	ssyncadd.s32 $0xFFFFE000  }
0x10a: {  	_ =	sfence.sel $0x180000  }
0x10b: {  	[bflag:$0x0] =	sbarrier.arrive $0xFFFF  }
0x10c: {  	_ =	strace $0x9000004D  }
0x10d: {  	s0 =	stileid.u32;
	[bflag:$0x2] =	sbarrier.arrive $0xFFFF  }
0x10e: {  	p0 =	sne.s32 s0, $0x0;
	s0 =	rddreg [dreg:$0x4]  }
0x10f: {  	s0 =	sadd.s32 @!p0 $0x100000, s0  }
0x110: {  	[sflag:s0] =	ssyncadd.tile.s32 @!p0 $0x1;
	_ =	shalt  }
.Lfunc_end2:
_tile_overlayer_lowered:
.L_overlay_start_2:
0x111: {  	(tag) =	ssettag $0x2  }
0x112: {  	s0 =	rddreg [dreg:$0x0];
	s2 =	stileid.u32  }
0x113: {  	s1 =	rddreg [dreg:$0x1];
	p0 =	sne.s32 s2, $0x0  }
0x114: {  	s3 =	rddreg [dreg:$0x2];
	[bflag:$0x3] =	sbarrier.arrive $0xFFFF;
	s2 =	simm.s32 @!p0 $0x1C04  }
0x115: {  	[timem:s3], [sflag:s2] =	dma.local @!p0 [hbm:s0], s1  }
0x116: {  	s0 =	simm.s32 @!p0 $0x4  }
0x117: {  	_ =	swait.ge @!p0 [sflag:s0], s1  }
0x118: {  	s1 =	ssub.s32 @!p0 $0x0, s1;
	[sflag:s0] =	ssyncset.done @!p0 $0x0  }
0x119: {  	[sflag:s0] =	ssyncadd.s32 @!p0 s1  }
0x11a: {  	[bflag:$0x3] =	sbarrier.arrive $0xFFFF  }
0x11b: {  	_ =	shalt  }

// kernel: kernel.21.cloned.1.call-start
scs
__scs_entry_jumppad:
0x0: {  	(pc) =	sbr.rel $0x88, $3  }
0x1: {  	(tag) =	ssettag $0x0;
	lr =	simm.s32 $0x1  }
0x2: {  	[smem:$0x3F91] =	sst lr;
	_ =	strace $0xD0000000  }
0x3: {  	_ = 	snop  }
0x4: {  	_ = 	snop  }
0x5: {  	_ = 	snop  }
0x6: {  	_ = 	snop  }
0x7: {  	_ = 	snop  }
__scs_overlays_trampoline_lowered:
0x8: {  	[smem:$0x3FA0] =	sst s0  }
0x9: {  	[smem:$0x3FA1] =	sst s1  }
0xa: {  	[smem:$0x3FA2] =	sst s2  }
0xb: {  	[smem:$0x3FA3] =	sst s3  }
0xc: {  	[smem:$0x3FA4] =	sst s4  }
0xd: {  	[smem:$0x3FA5] =	sst s5  }
0xe: {  	[smem:$0x3FA6] =	sst s6  }
0xf: {  	[smem:$0x3FA7] =	sst s7  }
0x10: {  	[smem:$0x3FA8] =	sst s8  }
0x11: {  	[smem:$0x3FA9] =	sst s9;
	s0 =	simm.s32 @!p0 $0x0  }
0x12: {  	s1 =	sld [smem:$0x3F8F];
	s0 =	simm.s32 @p0 $0x1  }
0x13: {  	[smem:$0x3FAA] =	sst s0;
	s0 =	simm.s32 @!p1 $0x0  }
0x14: {  	s2 =	sld [smem:$0x3F8E];
	s0 =	simm.s32 @p1 $0x1  }
0x15: {  	[smem:$0x3FAB] =	sst s0;
	s0 =	simm.s32 @!p2 $0x0  }
0x16: {  	s3 =	sld [smem:$0x3FDB];
	s0 =	simm.s32 @p2 $0x1  }
0x17: {  	s4 =	simm.s32 $0x1BF5;
	[smem:$0x3FAD] =	sst s0  }
0x18: {  	s0 =	sld [smem:$0x3F90];
	_ =	swait.ge [sflag:s4], $0x0  }
0x19: {  	s7 =	sld [smem:$0x3F91]  }
0x1a: {  	s8 =	sadd.s32 $0xFFFFE003, lr  }
0x1b: {  	s9 =	sadd.s32 $0xFFFFFEF7, lr;
	s5 =	simm.s32 $0xFFFFFFFF;
	p2 =	slt.u32 s8, $0xFFFFF086  }
0x1c: {  	p1 =	slt.u32 s9, $0xF7A;
	s5 =	simm.s32 @!p2 $0x0  }
0x1d: {  	s5 =	simm.s32 @p1 $0x1;
	p0 =	seq.s32 s7, s2  }
0x1e: {  	s7 =	smul.u32 @!p0 $0xF7A, s2;
	p2 =	seq.s32 @!p0 s5, $0x0  }
0x1f: {  	s9 =	smul.u32 $0xF7A, s1;
	s8 =	simm.s32 @!p0 $0x1BF5;
	p2 =	por !p2, p0  }
0x20: {  	[sflag:s8] =	ssyncset.s32 @!p0 $0xFFFFF086;
	s6 =	sadd.s32 @!p0 s3, s7;
	s7 =	simm.s32 @!p0 $0x108  }
0x21: {  	s3 =	sadd.s32 s3, s9;
	s6 =	sadd.s32 @!p0 $0x88, s6;
	s7 =	simm.s32 @p2 $0x1082  }
0x22: {  	[simem:s7], [sflag:s8] =	dma.local @!p0 [hbm:s6], $0xF7A  }
0x23: {  	s9 =	sor.u32 $0xD0000000, s2;
	s6 =	simm.s32 $0x108;
	_ =	swait.ge @!p0 [sflag:s8], $0x0  }
0x24: {  	s3 =	sadd.s32 $0x88, s3;
	s6 =	simm.s32 @!p1 $0x1082;
	[sflag:s4] =	ssyncset.s32 $0xFFFFF086  }
0x25: {  	[simem:s6], [sflag:s4] =	dma.local [hbm:s3], $0xF7A  }
0x26: {  	[smem:$0x3F91] =	sst s1;
	(tag) =	ssettag s2;
	_ =	strace s9  }
0x27: {  	s1 =	sld [smem:$0x3FA1]  }
0x28: {  	s2 =	sld [smem:$0x3FA2]  }
0x29: {  	s4 =	sld [smem:$0x3FA4]  }
0x2a: {  	p0 =	seq.s32 s5, $0x0;
	s5 =	sld [smem:$0x3FA5]  }
0x2b: {  	s6 =	sld [smem:$0x3FA6]  }
0x2c: {  	s7 =	sld [smem:$0x3FA7]  }
0x2d: {  	s3 =	simm.s32 $0x108;
	s8 =	sld [smem:$0x3FA8]  }
0x2e: {  	s3 =	simm.s32 @!p0 $0x1082;
	s9 =	sld [smem:$0x3FA9]  }
0x2f: {  	lr =	sadd.s32 s0, s3;
	s0 =	sld [smem:$0x3FA0]  }
0x30: {  	s3 =	sld [smem:$0x3FA3]  }
0x31: {  	[smem:$0x3FAC] =	sst s10  }
0x32: {  	s10 =	sld [smem:$0x3FAA];
	_ =	sdelay $0x3  }
0x33: {  	p0 =	seq.s32 s10, $0x1;
	s10 =	sld [smem:$0x3FAC];
	_ =	sdelay $0x3  }
0x34: {  	[smem:$0x3FAC] =	sst s10  }
0x35: {  	s10 =	sld [smem:$0x3FAB];
	_ =	sdelay $0x3  }
0x36: {  	p1 =	seq.s32 s10, $0x1;
	s10 =	sld [smem:$0x3FAC];
	_ =	sdelay $0x3  }
0x37: {  	[smem:$0x3FAC] =	sst s10  }
0x38: {  	s10 =	sld [smem:$0x3FAD]  }
0x39: {  	_ = 	snop;
	(pc) =	sbr.ind lr, $3  }
0x3a: {  	_ = 	snop  }
0x3b: {  	_ = 	snop  }
0x3c: {  	p2 =	seq.s32 s10, $0x1;
	s10 =	sld [smem:$0x3FAC]  }
0x3d: {  	_ =	shalt  }
0x3e: {  	_ =	shalt  }
0x3f: {  	_ =	shalt  }
0x40: {  	_ =	shalt  }
0x41: {  	_ =	shalt  }
0x42: {  	_ =	shalt  }
0x43: {  	_ =	shalt  }
0x44: {  	_ =	shalt  }
0x45: {  	_ =	shalt  }
0x46: {  	_ =	shalt  }
0x47: {  	_ =	shalt  }
0x48: {  	_ =	shalt  }
0x49: {  	_ =	shalt  }
0x4a: {  	_ =	shalt  }
0x4b: {  	_ =	shalt  }
0x4c: {  	_ =	shalt  }
0x4d: {  	_ =	shalt  }
0x4e: {  	_ =	shalt  }
0x4f: {  	_ =	shalt  }
0x50: {  	_ =	shalt  }
0x51: {  	_ =	shalt  }
0x52: {  	_ =	shalt  }
0x53: {  	_ =	shalt  }
0x54: {  	_ =	shalt  }
0x55: {  	_ =	shalt  }
0x56: {  	_ =	shalt  }
0x57: {  	_ =	shalt  }
0x58: {  	_ =	shalt  }
0x59: {  	_ =	shalt  }
0x5a: {  	_ =	shalt  }
0x5b: {  	_ =	shalt  }
0x5c: {  	_ =	shalt  }
0x5d: {  	_ =	shalt  }
0x5e: {  	_ =	shalt  }
0x5f: {  	_ =	shalt  }
0x60: {  	_ =	shalt  }
0x61: {  	_ =	shalt  }
0x62: {  	_ =	shalt  }
0x63: {  	_ =	shalt  }
0x64: {  	_ =	shalt  }
0x65: {  	_ =	shalt  }
0x66: {  	_ =	shalt  }
0x67: {  	_ =	shalt  }
0x68: {  	_ =	shalt  }
0x69: {  	_ =	shalt  }
0x6a: {  	_ =	shalt  }
0x6b: {  	_ =	shalt  }
0x6c: {  	_ =	shalt  }
0x6d: {  	_ =	shalt  }
0x6e: {  	_ =	shalt  }
0x6f: {  	_ =	shalt  }
0x70: {  	_ =	shalt  }
0x71: {  	_ =	shalt  }
0x72: {  	_ =	shalt  }
0x73: {  	_ =	shalt  }
0x74: {  	_ =	shalt  }
0x75: {  	_ =	shalt  }
0x76: {  	_ =	shalt  }
0x77: {  	_ =	shalt  }
0x78: {  	_ =	shalt  }
0x79: {  	_ =	shalt  }
0x7a: {  	_ =	shalt  }
0x7b: {  	_ =	shalt  }
0x7c: {  	_ =	shalt  }
0x7d: {  	_ =	shalt  }
0x7e: {  	_ =	shalt  }
0x7f: {  	_ =	shalt  }
0x80: {  	_ =	shalt  }
0x81: {  	_ =	shalt  }
0x82: {  	_ =	shalt  }
0x83: {  	_ =	shalt  }
0x84: {  	_ =	shalt  }
0x85: {  	_ =	shalt  }
0x86: {  	_ =	shalt  }
0x87: {  	_ =	shalt  }
.Lfunc_end0:
.L_simem_size_0:
called_computation.3_lowered:
.L_overlay_start_0:
0x88: {  	s2 =	sld [smem:$0x3FD9]  }
0x89: {  	s3 =	sld [smem:$0x3FFE];
	_ =	sdelay $0x1  }
0x8a: {  	s1 =	srdreg.scid  }
0x8b: {  	s0 =	sand.u32 $0x1, s1  }
0x8c: {  	s17 =	sshll.u32 s0, $0xA;
	s2 =	sadd.s32 s3, s2  }
0x8d: {  	s2 =	sadd.s32 s2, s17  }
0x8e: {  	[smem:$0x3FB8] =	sst s2  }
0x8f: {  	_ = 	snop  }
0x90: {  	s18 =	sld [smem:$0x3FC8]  }
0x91: {  	s4 =	sld [smem:$0x3FC3]  }
0x92: {  	s5 =	sld [smem:$0x3FC0];
	(tm) =	ssettm $0x1  }
0x93: {  	s19 =	sld [smem:$0x3FFB];
	_ =	sdelay $0x3  }
0x94: {  	_ =	strace s19  }
0x95: {  	s2 =	sld [smem:$0x3FFC];
	_ =	sdelay $0x3  }
0x96: {  	_ =	strace s2  }
0x97: {  	s2 =	sld [smem:$0x3FFD];
	_ =	sdelay $0x3  }
0x98: {  	_ =	strace s2  }
0x99: {  	_ =	strace $0x8FFFFFFF  }
0x9a: {  	s20 =	sld [smem:$0x3FDB];
	_ =	sdelay $0x1  }
0x9b: {  	s6 =	simm.s32 $_scs_section_size  }
0x9c: {  	s7 =	simm.s32 $_size__tile_overlayer_lowered;
	s8 =	simm.s32 $_tile_overlayer_lowered  }
0x9d: {  	s9 =	simm.s32 $0x1BFF;
	s21 =	sshll.u32 s8, $0x1;
	s6 =	sadd.s32 s6, s20  }
0x9e: {  	s22 =	simm.s32 $0x0;
	s7 =	sshll.u32 s7, $0x1;
	s8 =	sadd.s32 s21, s6  }
0x9f: {  	[timem:s22], [sflag:s9] =	dma.local [hbm:s8], s7  }
0xa0: {  	_ =	swait.ge [sflag:s9], s7  }
0xa1: {  	s7 =	ssub.s32 $0x0, s7;
	[sflag:s9] =	ssyncset.done $0x0  }
0xa2: {  	[sflag:s9] =	ssyncadd.s32 s7;
	_ =	sdelay $0x1  }
0xa3: {  	s23 =	simm.s32 $0x1B8B  }
0xa4: {  	_ =	swait.ge [sflag:s23], $0x1  }
0xa5: {  	[sflag:s23] =	ssyncset.done $0x0  }
0xa6: {  	[sflag:s23] =	ssyncadd.s32 $0xFFFFFFFF  }
0xa7: {  	s7 =	sld [smem:$0x0]  }
0xa8: {  	s8 =	sand.u32 $0xFFFFFFFE, s1  }
0xa9: {  	p0 =	sne.s32 s1, s8  }
0xaa: {  	s8 =	sshll.u32 @p0 s8, $0xE  }
0xab: {  	s8 =	sadd.s32 @p0 $0x11B8D, s8;
	s9 =	sshll.u32 @p0 s7, $0x11  }
0xac: {  	s8 =	sor.u32 @p0 s9, s8  }
0xad: {  	[sflag:s8] =	ssyncadd.remote.s32 @p0 $0x1;
	_ =	sdelay $0x1  }
0xae: {  	s8 =	simm.s32 @p0 $0x1B8D  }
0xaf: {  	_ =	swait.eq @p0 [sflag:s8], $0x1  }
0xb0: {  	[sflag:s8] =	ssyncadd.s32 @p0 $0xFFFFFFFF  }
0xb1: {  	s9 =	sshll.u32 @!p0 s1, $0xE  }
0xb2: {  	s9 =	sor.u32 @!p0 $0x4000, s9;
	s8 =	simm.s32 @!p0 $0x1B8D  }
0xb3: {  	s7 =	sshll.u32 @!p0 s7, $0x11;
	s9 =	sadd.s32 @!p0 $0x11B8D, s9;
	_ =	swait.eq @!p0 [sflag:s8], $0x1  }
0xb4: {  	s7 =	sor.u32 @!p0 s7, s9;
	[sflag:s8] =	ssyncadd.s32 @!p0 $0xFFFFFFFF  }
0xb5: {  	s25 =	simm.s32 $0x1B8E;
	s24 =	sld [smem:$0x3FFE];
	[sflag:s7] =	ssyncadd.remote.s32 @!p0 $0x1  }
0xb6: {  	s26 =	simm.s32 $execute0_lowered;
	[smem:$0x3FD2] =	sst s25  }
0xb7: {  	s8 =	sshll.u32 s26, $0x1;
	_ =	strace $0x8000004F;
	[dreg:$0x1] =	wrdreg $0xFFFFFFFF  }
0xb8: {  	s28 =	simm.s32 $_size_execute0_lowered;
	s6 =	sadd.s32 s6, s8;
	[dreg:$0x0] =	wrdreg $0x0  }
0xb9: {  	s8 =	sshll.u32 s28, $0x1;
	[dreg:$0x2] =	wrdreg s6  }
0xba: {  	[dreg:$0x3] =	wrdreg s8  }
0xbb: {  	[dreg:$0x4] =	wrdreg $0xC0  }
0xbc: {  	_ =	task [dreg:s22], $0x5FFFF  }
0xbd: {  	[dreg:$0x1] =	wrdreg $0xFFFFFFFF  }
0xbe: {  	[dreg:$0x0] =	wrdreg $0x60  }
0xbf: {  	[dreg:$0x2] =	wrdreg s24  }
0xc0: {  	[dreg:$0x3] =	wrdreg s18  }
0xc1: {  	[dreg:$0x4] =	wrdreg s4  }
0xc2: {  	[dreg:$0x5] =	wrdreg s5  }
0xc3: {  	[dreg:$0x6] =	wrdreg $0xC  }
0xc4: {  	_ =	task.clear_ibuf [dreg:s22], $0x7FFFF;
	_ =	strace $0x9000004F  }
0xc5: {  	s29 =	simm.s32 $0xC;
	_ =	strace $0x80000051  }
0xc6: {  	_ =	swait.ge [sflag:s29], $0x1  }
0xc7: {  	[sflag:s29] =	ssyncadd.s32 $0xFFFFFFFF  }
0xc8: {  	_ =	strace $0x90000051  }
0xc9: {  	_ =	sfence  }
0xca: {  	s30 =	sld [smem:$0x0];
	_ =	sdelay $0x2  }
0xcb: {  	s31 =	sshll.u32 s1, $0xD;
	s1 =	sshrl.u32 s1, $0x2  }
0xcc: {  	s4 =	sand.u32 $0x4000, s31;
	s1 =	sadd.s32 s1, s30  }
0xcd: {  	s0 =	sor.u32 s4, s0;
	s1 =	sshll.u32 s1, $0x11  }
0xce: {  	s0 =	sor.u32 s1, s0  }
0xcf: {  	s0 =	sadd.s32 $0x8F2B, s0  }
0xd0: {  	[sflag:s0] =	ssyncadd.remote.s32 $0x1  }
0xd1: {  	_ =	sfence.sel $0xFFFF  }
0xd2: {  	[dreg:$0x0] =	wrdreg $0xFFFFFFFF;
	(pc) =	sbr.abs _section_cstart, $3  }
0xd3: {  	[dreg:$0x1] =	wrdreg $0xFFFFFFFF  }
0xd4: {  	_ =	task.clear_ibuf [dreg:s22], $0x2FFFF;
	_ =	strace $0x9FFFFFFF  }
0xd5: {  	(tm) =	ssettm $0x7FFFFFFF  }
tec
execute0_lowered:
.L_overlay_start_1:
0x0: {  	(tag) =	ssettag $0x1  }
0x1: {  	s2 =	rddreg [dreg:$0x0]  }
0x2: {  	s1 =	rddreg [dreg:$0x1]  }
0x3: {  	s0 =	rddreg [dreg:$0x2]  }
0x4: {  	s3 =	srdreg.scid;
	s13 =	stileid.u32  }
0x5: {  	s14 =	rddreg [dreg:$0x3];
	s19 =	simm.s32 $0x980;
	s21 =	simm.s32 $0x1180  }
0x6: {  	s22 =	simm.s32 $0x1980;
	s23 =	simm.s32 $0x2180;
	s24 =	simm.s32 $0x2980  }
0x7: {  	s25 =	simm.s32 $0x3180;
	s26 =	simm.s32 $0x3980;
	[dreg:$0x5] =	wrdreg s0  }
0x8: {  	s4 =	sand.u32 $0x1, s3;
	[dreg:$0x6] =	wrdreg s14;
	s3 =	simm.s32 $0x0  }
0x9: {  	s9 =	simm.s32 $0x3;
	s10 =	simm.s32 $0x180;
	[smem:$0x7FF] =	sst s3  }
0xa: {  	s12 =	simm.s32 $0x4980;
	_ =	strace $0x80000050;
	[dreg:$0xd] =	wrdreg s19  }
0xb: {  	s28 =	simm.s32 $0x40;
	s29 =	simm.s32 $0xC180;
	[dreg:$0xe] =	wrdreg s21  }
0xc: {  	s30 =	simm.s32 $0x1;
	s31 =	simm.s32 $0xE180;
	[dreg:$0xf] =	wrdreg s22  }
0xd: {  	s5 =	sshll.u32 s13, $0x7;
	s13 =	simm.s32 $0x5180;
	[dreg:$0x10] =	wrdreg s23  }
0xe: {  	s14 =	simm.s32 $0x5980;
	s6 =	sshll.u32 s4, $0x6;
	[dreg:$0x11] =	wrdreg s24  }
0xf: {  	s4 =	ssub.s32 $0x2, s4;
	s5 =	sor.u32 s6, s5;
	[dreg:$0x12] =	wrdreg s25  }
0x10: {  	s18 =	sshrl.u32 s4, $0x1;
	[dreg:$0x13] =	wrdreg s26;
	s19 =	simm.s32 $0x8180  }
0x11: {  	s21 =	simm.s32 $0x9180;
	s22 =	simm.s32 $0x9980;
	s23 =	simm.s32 $0xA180  }
0x12: {  	s24 =	simm.s32 $0xA980;
	s25 =	simm.s32 $0xB180;
	s6 =	sshrl.u32 s5, $0x3  }
0x13: {  	s26 =	simm.s32 $0xB980;
	s5 =	sshll.u32 s5, $0x4;
	s7 =	sadd.s32 s6, s2  }
0x14: {  	s20 =	ssub.s32 s4, s18;
	s4 =	sadd.s32 $0x100, s1;
	s8 =	sadd.s32 $0x129600, s7  }
0x15: {  	s6 =	smul.u32 $0x300, s6;
	s15 =	sadd.s32 $0x27400, s7;
	[dreg:$0x7] =	wrdreg s8  }
0x16: {  	s18 =	simm.s32 $0x7980;
	s7 =	sadd.s32 $0x27200, s7;
	[dreg:$0x8] =	wrdreg s15  }
0x17: {  	s6 =	sadd.s32 s6, s2;
	s2 =	sadd.s32 s5, s2;
	[dreg:$0x9] =	wrdreg s7  }
0x18: {  	s5 =	sadd.s32 $0x200, s1;
	s7 =	simm.s32 $0x80;
	s16 =	sadd.s32 $0x129A00, s6  }
0x19: {  	s8 =	simm.s32 $0x100;
	s17 =	sadd.s32 $0x159A00, s2;
	[dreg:$0xa] =	wrdreg s16  }
0x1a: {  	v2 =	vlaneseq.u32;
	s15 =	simm.s32 $0x6180;
	s2 =	sadd.s32 $0x161A00, s2;
	[dreg:$0xb] =	wrdreg s17  }
0x1b: {  	vm0 =	vmmov $0xffff;
	v1 =	vshrl.u32 v2, $0x3;
	s6 =	smax.u32 s20, $0x1;
	s20 =	simm.s32 $0x8980;
	[dreg:$0xc] =	wrdreg s2  }
0x1c: {  	v0 =	vand.u32 $0x7, v2;
	v2 =	vor.u32 $0x8, v2;
	v1 =	vmul.u32 $0x8, v1;
	s16 =	simm.s32 $0x6980;
	s17 =	simm.s32 $0x7180;
	s2 =	simm.s32 $0x2  }
.LBB2_1:
0x1d: {  	s0 =	rddreg [dreg:$0x7]  }
0x1e: {  	[tilespmem:s3], [sflag:$0x3] =	stream.linear.gather [hbm4b:s0+s3], $0x40, $0x38;
	[tilespmem:$0x10180] =	vst v63  }
0x1f: {  	s11 =	rddreg [dreg:$0x8]  }
0x20: {  	[tilespmem:s7], [sflag:$0x3] =	stream.linear.gather [hbm4b:s11+s3], $0x40, $0x38;
	[tilespmem:$0x10180] =	vst v63  }
0x21: {  	s0 =	rddreg [dreg:$0x9]  }
0x22: {  	[tilespmem:s8], [sflag:$0x3] =	stream.linear.gather [hbm4b:s0+s3], $0x40, $0x38;
	[tilespmem:$0x10180] =	vst v63  }
0x23: {  	_ =	swait.ge [sflag:s9], $0x40  }
0x24: {  	[sflag:s9] =	ssyncset.done $0x0  }
0x25: {  	[sflag:s9] =	ssyncadd.s32 $0xFFFFFFC0  }
0x26: {  	_ =	swait.ge [sflag:s9], $0x40  }
0x27: {  	[sflag:s9] =	ssyncset.done $0x0  }
0x28: {  	[sflag:s9] =	ssyncadd.s32 $0xFFFFFFC0  }
0x29: {  	_ =	swait.ge [sflag:s9], $0x40  }
0x2a: {  	[sflag:s9] =	ssyncset.done $0x0  }
0x2b: {  	[sflag:s9] =	ssyncadd.s32 $0xFFFFFFC0  }
0x2c: {  	v3 =	vld [tilespmem:$0x0];
	_ =	sdelay $0x4  }
0x2d: {  	v4 =	vshrl.u32 v3, $0x3  }
0x2e: {  	v4 =	vmul.u32 $0x30, v4  }
0x2f: {  	v3 =	vand.u32 $0x7, v3  }
0x30: {  	v3 =	vor.u32 v3, v4  }
0x31: {  	v4 =	vperm.xlane v3, v0;
	_ =	sdelay $0x1  }
0x32: {  	v4 =	vadd.s32 v1, v4;
	_ =	sdelay $0x3  }
0x33: {  	v3 =	vperm.xlane v3, v2  }
0x34: {  	[tilespmem:s10], [sflag:$0x1] =	stream.indirect_vreg.gather [hbm4b:s1+s3], $0x80, v4, vm0, $0xb8;
	[tilespmem:$0x10180] =	vst v63  }
0x35: {  	s0 =	rddreg [dreg:$0xd];
	v3 =	vadd.s32 v1, v3  }
0x36: {  	[tilespmem:s0], [sflag:$0x1] =	stream.indirect_vreg.gather [hbm4b:s4+s3], $0x80, v4, vm0, $0xb8;
	[tilespmem:$0x10180] =	vst v63  }
0x37: {  	s11 =	rddreg [dreg:$0xe]  }
0x38: {  	[tilespmem:s11], [sflag:$0x1] =	stream.indirect_vreg.gather [hbm4b:s5+s3], $0x80, v4, vm0, $0xb8;
	[tilespmem:$0x10180] =	vst v63  }
0x39: {  	s0 =	rddreg [dreg:$0xf]  }
0x3a: {  	[tilespmem:s0], [sflag:$0x1] =	stream.indirect_vreg.gather [hbm4b:s1+s3], $0x80, v3, vm0, $0xb8;
	[tilespmem:$0x10180] =	vst v63  }
0x3b: {  	s11 =	rddreg [dreg:$0x10]  }
0x3c: {  	[tilespmem:s11], [sflag:$0x1] =	stream.indirect_vreg.gather [hbm4b:s4+s3], $0x80, v3, vm0, $0xb8;
	[tilespmem:$0x10180] =	vst v63  }
0x3d: {  	s0 =	rddreg [dreg:$0x11]  }
0x3e: {  	[tilespmem:s0], [sflag:$0x1] =	stream.indirect_vreg.gather [hbm4b:s5+s3], $0x80, v3, vm0, $0xb8;
	[tilespmem:$0x10180] =	vst v63  }
0x3f: {  	v3 =	vld [tilespmem:$0x10];
	_ =	sdelay $0x4  }
0x40: {  	v61 =	vshrl.u32 v3, $0x3  }
0x41: {  	v4 =	vmul.u32 $0x30, v61  }
0x42: {  	v3 =	vand.u32 $0x7, v3  }
0x43: {  	v3 =	vor.u32 v3, v4  }
0x44: {  	v4 =	vperm.xlane v3, v0;
	_ =	sdelay $0x1  }
0x45: {  	v4 =	vadd.s32 v1, v4;
	_ =	sdelay $0x3  }
0x46: {  	s0 =	rddreg [dreg:$0x12];
	v3 =	vperm.xlane v3, v2  }
0x47: {  	[tilespmem:s0], [sflag:$0x1] =	stream.indirect_vreg.gather [hbm4b:s1+s3], $0x80, v4, vm0, $0xb8;
	[tilespmem:$0x10180] =	vst v63  }
0x48: {  	s11 =	rddreg [dreg:$0x13];
	v3 =	vadd.s32 v1, v3  }
0x49: {  	[tilespmem:s11], [sflag:$0x1] =	stream.indirect_vreg.gather [hbm4b:s4+s3], $0x80, v4, vm0, $0xb8;
	[tilespmem:$0x10180] =	vst v63  }
0x4a: {  	s11 =	simm.s32 $0x4180  }
0x4b: {  	[tilespmem:s11], [sflag:$0x1] =	stream.indirect_vreg.gather [hbm4b:s5+s3], $0x80, v4, vm0, $0xb8;
	[tilespmem:$0x10180] =	vst v63  }
0x4c: {  	_ = 	snop  }
0x4d: {  	[tilespmem:s12], [sflag:$0x1] =	stream.indirect_vreg.gather [hbm4b:s1+s3], $0x80, v3, vm0, $0xb8;
	[tilespmem:$0x10180] =	vst v63  }
0x4e: {  	_ = 	snop  }
0x4f: {  	[tilespmem:s13], [sflag:$0x1] =	stream.indirect_vreg.gather [hbm4b:s4+s3], $0x80, v3, vm0, $0xb8;
	[tilespmem:$0x10180] =	vst v63  }
0x50: {  	_ = 	snop  }
0x51: {  	[tilespmem:s14], [sflag:$0x1] =	stream.indirect_vreg.gather [hbm4b:s5+s3], $0x80, v3, vm0, $0xb8;
	[tilespmem:$0x10180] =	vst v63  }
0x52: {  	v3 =	vld [tilespmem:$0x20];
	_ =	sdelay $0x4  }
0x53: {  	v62 =	vshrl.u32 v3, $0x3  }
0x54: {  	v4 =	vmul.u32 $0x30, v62  }
0x55: {  	v3 =	vand.u32 $0x7, v3  }
0x56: {  	v3 =	vor.u32 v3, v4  }
0x57: {  	v4 =	vperm.xlane v3, v0;
	_ =	sdelay $0x1  }
0x58: {  	v4 =	vadd.s32 v1, v4;
	_ =	sdelay $0x3  }
0x59: {  	v3 =	vperm.xlane v3, v2  }
0x5a: {  	[tilespmem:s15], [sflag:$0x1] =	stream.indirect_vreg.gather [hbm4b:s1+s3], $0x80, v4, vm0, $0xb8;
	[tilespmem:$0x10180] =	vst v63  }
0x5b: {  	v3 =	vadd.s32 v1, v3  }
0x5c: {  	[tilespmem:s16], [sflag:$0x1] =	stream.indirect_vreg.gather [hbm4b:s4+s3], $0x80, v4, vm0, $0xb8;
	[tilespmem:$0x10180] =	vst v63  }
0x5d: {  	_ = 	snop  }
0x5e: {  	[tilespmem:s17], [sflag:$0x1] =	stream.indirect_vreg.gather [hbm4b:s5+s3], $0x80, v4, vm0, $0xb8;
	[tilespmem:$0x10180] =	vst v63  }
0x5f: {  	_ = 	snop  }
0x60: {  	[tilespmem:s18], [sflag:$0x1] =	stream.indirect_vreg.gather [hbm4b:s1+s3], $0x80, v3, vm0, $0xb8;
	[tilespmem:$0x10180] =	vst v63  }
0x61: {  	_ = 	snop  }
0x62: {  	[tilespmem:s19], [sflag:$0x1] =	stream.indirect_vreg.gather [hbm4b:s4+s3], $0x80, v3, vm0, $0xb8;
	[tilespmem:$0x10180] =	vst v63  }
0x63: {  	_ = 	snop  }
0x64: {  	[tilespmem:s20], [sflag:$0x1] =	stream.indirect_vreg.gather [hbm4b:s5+s3], $0x80, v3, vm0, $0xb8;
	[tilespmem:$0x10180] =	vst v63  }
0x65: {  	v3 =	vld [tilespmem:$0x30];
	_ =	sdelay $0x4  }
0x66: {  	v63 =	vshrl.u32 v3, $0x3  }
0x67: {  	v4 =	vmul.u32 $0x30, v63  }
0x68: {  	v3 =	vand.u32 $0x7, v3  }
0x69: {  	v3 =	vor.u32 v3, v4  }
0x6a: {  	v4 =	vperm.xlane v3, v0;
	_ =	sdelay $0x1  }
0x6b: {  	v4 =	vadd.s32 v1, v4;
	_ =	sdelay $0x3  }
0x6c: {  	v3 =	vperm.xlane v3, v2  }
0x6d: {  	[tilespmem:s21], [sflag:$0x1] =	stream.indirect_vreg.gather [hbm4b:s1+s3], $0x80, v4, vm0, $0xb8;
	[tilespmem:$0x10180] =	vst v63  }
0x6e: {  	v3 =	vadd.s32 v1, v3  }
0x6f: {  	[tilespmem:s22], [sflag:$0x1] =	stream.indirect_vreg.gather [hbm4b:s4+s3], $0x80, v4, vm0, $0xb8;
	[tilespmem:$0x10180] =	vst v63  }
0x70: {  	_ = 	snop  }
0x71: {  	[tilespmem:s23], [sflag:$0x1] =	stream.indirect_vreg.gather [hbm4b:s5+s3], $0x80, v4, vm0, $0xb8;
	[tilespmem:$0x10180] =	vst v63  }
0x72: {  	_ = 	snop  }
0x73: {  	[tilespmem:s24], [sflag:$0x1] =	stream.indirect_vreg.gather [hbm4b:s1+s3], $0x80, v3, vm0, $0xb8;
	[tilespmem:$0x10180] =	vst v63  }
0x74: {  	_ = 	snop  }
0x75: {  	[tilespmem:s25], [sflag:$0x1] =	stream.indirect_vreg.gather [hbm4b:s4+s3], $0x80, v3, vm0, $0xb8;
	[tilespmem:$0x10180] =	vst v63  }
0x76: {  	_ = 	snop  }
0x77: {  	[tilespmem:s26], [sflag:$0x1] =	stream.indirect_vreg.gather [hbm4b:s5+s3], $0x80, v3, vm0, $0xb8;
	[tilespmem:$0x10180] =	vst v63  }
0x78: {  	s11 =	rddreg [dreg:$0x5]  }
0x79: {  	[tilespmem:s29], [sflag:$0x2] =	stream.indirect.gather [hbm4b:s11+s28], $0x80, s7, s28, $0xb8;
	[tilespmem:$0x10180] =	vst v63  }
0x7a: {  	_ =	swait.ge [sflag:s30], $0xC000  }
0x7b: {  	[sflag:s30] =	ssyncset.done $0x0  }
0x7c: {  	s11 =	rddreg [dreg:$0xa];
	[sflag:s30] =	ssyncadd.s32 $0xFFFF4000  }
0x7d: {  	[hbm4b:s11+s3] =	stream.linear.scatter [tilespmem:s10], [sflag:$0x3], $0xC000, $0x38;
	[tilespmem:$0x10180] =	vst v63  }
0x7e: {  	_ =	swait.ge [sflag:s9], $0xC000  }
0x7f: {  	[sflag:s9] =	ssyncset.done $0x0  }
0x80: {  	s11 =	rddreg [dreg:$0x6];
	[sflag:s9] =	ssyncadd.s32 $0xFFFF4000  }
0x81: {  	[tilespmem:s31], [sflag:$0x1] =	stream.indirect.gather [hbm4b:s11+s28], $0x80, s8, s28, $0xb8;
	[tilespmem:$0x10180] =	vst v63  }
0x82: {  	_ =	swait.ge [sflag:s2], $0x2000  }
0x83: {  	[sflag:s2] =	ssyncset.done $0x0  }
0x84: {  	s11 =	rddreg [dreg:$0xb];
	[sflag:s2] =	ssyncadd.s32 $0xFFFFE000  }
0x85: {  	[hbm4b:s11+s3] =	stream.linear.scatter [tilespmem:s29], [sflag:$0x3], $0x2000, $0x38;
	[tilespmem:$0x10180] =	vst v63  }
0x86: {  	_ =	swait.ge [sflag:s30], $0x2000  }
0x87: {  	[sflag:s30] =	ssyncset.done $0x0  }
0x88: {  	s11 =	rddreg [dreg:$0xc];
	[sflag:s30] =	ssyncadd.s32 $0xFFFFE000  }
0x89: {  	[hbm4b:s11+s3] =	stream.linear.scatter [tilespmem:s31], [sflag:$0x3], $0x2000, $0x38;
	[tilespmem:$0x10180] =	vst v63  }
0x8a: {  	p0 =	sne.s32 s6, $0x1;
	_ =	swait.ge [sflag:s9], $0x2000  }
.Ltmp0:
0x8b: {  	[sflag:s9] =	ssyncset.done $0x0;
	(pc) =	sbr.rel @p0 .LBB2_1-.Ltmp0, $4  }
0x8c: {  	[sflag:s9] =	ssyncadd.s32 $0xFFFFE000  }
0x8d: {  	_ =	swait.ge [sflag:s9], $0x2000  }
0x8e: {  	[sflag:s9] =	ssyncset.done $0x0  }
0x8f: {  	s6 =	sadd.s32 $0xFFFFFFFF, s6;
	[sflag:s9] =	ssyncadd.s32 $0xFFFFE000  }
0x90: {  	_ =	sfence.sel $0x180000  }
0x91: {  	[bflag:$0x0] =	sbarrier.arrive $0xFFFF  }
0x92: {  	_ =	strace $0x90000050  }
0x93: {  	s0 =	stileid.u32;
	[bflag:$0x2] =	sbarrier.arrive $0xFFFF  }
0x94: {  	p0 =	sne.s32 s0, $0x0;
	s0 =	rddreg [dreg:$0x4]  }
0x95: {  	s0 =	sadd.s32 @!p0 $0x100000, s0  }
0x96: {  	[sflag:s0] =	ssyncadd.tile.s32 @!p0 $0x1;
	_ =	shalt  }
.Lfunc_end2:
_tile_overlayer_lowered:
.L_overlay_start_2:
0x97: {  	(tag) =	ssettag $0x2  }
0x98: {  	s0 =	rddreg [dreg:$0x0];
	s2 =	stileid.u32  }
0x99: {  	s1 =	rddreg [dreg:$0x1];
	p0 =	sne.s32 s2, $0x0  }
0x9a: {  	s3 =	rddreg [dreg:$0x2];
	[bflag:$0x3] =	sbarrier.arrive $0xFFFF;
	s2 =	simm.s32 @!p0 $0x1C04  }
0x9b: {  	[timem:s3], [sflag:s2] =	dma.local @!p0 [hbm:s0], s1  }
0x9c: {  	s0 =	simm.s32 @!p0 $0x4  }
0x9d: {  	_ =	swait.ge @!p0 [sflag:s0], s1  }
0x9e: {  	s1 =	ssub.s32 @!p0 $0x0, s1;
	[sflag:s0] =	ssyncset.done @!p0 $0x0  }
0x9f: {  	[sflag:s0] =	ssyncadd.s32 @!p0 s1  }
0xa0: {  	[bflag:$0x3] =	sbarrier.arrive $0xFFFF  }
0xa1: {  	_ =	shalt  }

// kernel: kernel.24.cloned.1.call-start
scs
__scs_entry_jumppad:
0x0: {  	(pc) =	sbr.rel $0x88, $3  }
0x1: {  	(tag) =	ssettag $0x0;
	lr =	simm.s32 $0x1  }
0x2: {  	[smem:$0x3F91] =	sst lr;
	_ =	strace $0xD0000000  }
0x3: {  	_ = 	snop  }
0x4: {  	_ = 	snop  }
0x5: {  	_ = 	snop  }
0x6: {  	_ = 	snop  }
0x7: {  	_ = 	snop  }
__scs_overlays_trampoline_lowered:
0x8: {  	[smem:$0x3FA0] =	sst s0  }
0x9: {  	[smem:$0x3FA1] =	sst s1  }
0xa: {  	[smem:$0x3FA2] =	sst s2  }
0xb: {  	[smem:$0x3FA3] =	sst s3  }
0xc: {  	[smem:$0x3FA4] =	sst s4  }
0xd: {  	[smem:$0x3FA5] =	sst s5  }
0xe: {  	[smem:$0x3FA6] =	sst s6  }
0xf: {  	[smem:$0x3FA7] =	sst s7  }
0x10: {  	[smem:$0x3FA8] =	sst s8  }
0x11: {  	[smem:$0x3FA9] =	sst s9;
	s0 =	simm.s32 @!p0 $0x0  }
0x12: {  	s1 =	sld [smem:$0x3F8F];
	s0 =	simm.s32 @p0 $0x1  }
0x13: {  	[smem:$0x3FAA] =	sst s0;
	s0 =	simm.s32 @!p1 $0x0  }
0x14: {  	s2 =	sld [smem:$0x3F8E];
	s0 =	simm.s32 @p1 $0x1  }
0x15: {  	[smem:$0x3FAB] =	sst s0;
	s0 =	simm.s32 @!p2 $0x0  }
0x16: {  	s3 =	sld [smem:$0x3FDB];
	s0 =	simm.s32 @p2 $0x1  }
0x17: {  	s4 =	simm.s32 $0x1BF5;
	[smem:$0x3FAD] =	sst s0  }
0x18: {  	s0 =	sld [smem:$0x3F90];
	_ =	swait.ge [sflag:s4], $0x0  }
0x19: {  	s7 =	sld [smem:$0x3F91]  }
0x1a: {  	s8 =	sadd.s32 $0xFFFFE003, lr  }
0x1b: {  	s9 =	sadd.s32 $0xFFFFFEF7, lr;
	s5 =	simm.s32 $0xFFFFFFFF;
	p2 =	slt.u32 s8, $0xFFFFF086  }
0x1c: {  	p1 =	slt.u32 s9, $0xF7A;
	s5 =	simm.s32 @!p2 $0x0  }
0x1d: {  	s5 =	simm.s32 @p1 $0x1;
	p0 =	seq.s32 s7, s2  }
0x1e: {  	s7 =	smul.u32 @!p0 $0xF7A, s2;
	p2 =	seq.s32 @!p0 s5, $0x0  }
0x1f: {  	s9 =	smul.u32 $0xF7A, s1;
	s8 =	simm.s32 @!p0 $0x1BF5;
	p2 =	por !p2, p0  }
0x20: {  	[sflag:s8] =	ssyncset.s32 @!p0 $0xFFFFF086;
	s6 =	sadd.s32 @!p0 s3, s7;
	s7 =	simm.s32 @!p0 $0x108  }
0x21: {  	s3 =	sadd.s32 s3, s9;
	s6 =	sadd.s32 @!p0 $0x88, s6;
	s7 =	simm.s32 @p2 $0x1082  }
0x22: {  	[simem:s7], [sflag:s8] =	dma.local @!p0 [hbm:s6], $0xF7A  }
0x23: {  	s9 =	sor.u32 $0xD0000000, s2;
	s6 =	simm.s32 $0x108;
	_ =	swait.ge @!p0 [sflag:s8], $0x0  }
0x24: {  	s3 =	sadd.s32 $0x88, s3;
	s6 =	simm.s32 @!p1 $0x1082;
	[sflag:s4] =	ssyncset.s32 $0xFFFFF086  }
0x25: {  	[simem:s6], [sflag:s4] =	dma.local [hbm:s3], $0xF7A  }
0x26: {  	[smem:$0x3F91] =	sst s1;
	(tag) =	ssettag s2;
	_ =	strace s9  }
0x27: {  	s1 =	sld [smem:$0x3FA1]  }
0x28: {  	s2 =	sld [smem:$0x3FA2]  }
0x29: {  	s4 =	sld [smem:$0x3FA4]  }
0x2a: {  	p0 =	seq.s32 s5, $0x0;
	s5 =	sld [smem:$0x3FA5]  }
0x2b: {  	s6 =	sld [smem:$0x3FA6]  }
0x2c: {  	s7 =	sld [smem:$0x3FA7]  }
0x2d: {  	s3 =	simm.s32 $0x108;
	s8 =	sld [smem:$0x3FA8]  }
0x2e: {  	s3 =	simm.s32 @!p0 $0x1082;
	s9 =	sld [smem:$0x3FA9]  }
0x2f: {  	lr =	sadd.s32 s0, s3;
	s0 =	sld [smem:$0x3FA0]  }
0x30: {  	s3 =	sld [smem:$0x3FA3]  }
0x31: {  	[smem:$0x3FAC] =	sst s10  }
0x32: {  	s10 =	sld [smem:$0x3FAA];
	_ =	sdelay $0x3  }
0x33: {  	p0 =	seq.s32 s10, $0x1;
	s10 =	sld [smem:$0x3FAC];
	_ =	sdelay $0x3  }
0x34: {  	[smem:$0x3FAC] =	sst s10  }
0x35: {  	s10 =	sld [smem:$0x3FAB];
	_ =	sdelay $0x3  }
0x36: {  	p1 =	seq.s32 s10, $0x1;
	s10 =	sld [smem:$0x3FAC];
	_ =	sdelay $0x3  }
0x37: {  	[smem:$0x3FAC] =	sst s10  }
0x38: {  	s10 =	sld [smem:$0x3FAD]  }
0x39: {  	_ = 	snop;
	(pc) =	sbr.ind lr, $3  }
0x3a: {  	_ = 	snop  }
0x3b: {  	_ = 	snop  }
0x3c: {  	p2 =	seq.s32 s10, $0x1;
	s10 =	sld [smem:$0x3FAC]  }
0x3d: {  	_ =	shalt  }
0x3e: {  	_ =	shalt  }
0x3f: {  	_ =	shalt  }
0x40: {  	_ =	shalt  }
0x41: {  	_ =	shalt  }
0x42: {  	_ =	shalt  }
0x43: {  	_ =	shalt  }
0x44: {  	_ =	shalt  }
0x45: {  	_ =	shalt  }
0x46: {  	_ =	shalt  }
0x47: {  	_ =	shalt  }
0x48: {  	_ =	shalt  }
0x49: {  	_ =	shalt  }
0x4a: {  	_ =	shalt  }
0x4b: {  	_ =	shalt  }
0x4c: {  	_ =	shalt  }
0x4d: {  	_ =	shalt  }
0x4e: {  	_ =	shalt  }
0x4f: {  	_ =	shalt  }
0x50: {  	_ =	shalt  }
0x51: {  	_ =	shalt  }
0x52: {  	_ =	shalt  }
0x53: {  	_ =	shalt  }
0x54: {  	_ =	shalt  }
0x55: {  	_ =	shalt  }
0x56: {  	_ =	shalt  }
0x57: {  	_ =	shalt  }
0x58: {  	_ =	shalt  }
0x59: {  	_ =	shalt  }
0x5a: {  	_ =	shalt  }
0x5b: {  	_ =	shalt  }
0x5c: {  	_ =	shalt  }
0x5d: {  	_ =	shalt  }
0x5e: {  	_ =	shalt  }
0x5f: {  	_ =	shalt  }
0x60: {  	_ =	shalt  }
0x61: {  	_ =	shalt  }
0x62: {  	_ =	shalt  }
0x63: {  	_ =	shalt  }
0x64: {  	_ =	shalt  }
0x65: {  	_ =	shalt  }
0x66: {  	_ =	shalt  }
0x67: {  	_ =	shalt  }
0x68: {  	_ =	shalt  }
0x69: {  	_ =	shalt  }
0x6a: {  	_ =	shalt  }
0x6b: {  	_ =	shalt  }
0x6c: {  	_ =	shalt  }
0x6d: {  	_ =	shalt  }
0x6e: {  	_ =	shalt  }
0x6f: {  	_ =	shalt  }
0x70: {  	_ =	shalt  }
0x71: {  	_ =	shalt  }
0x72: {  	_ =	shalt  }
0x73: {  	_ =	shalt  }
0x74: {  	_ =	shalt  }
0x75: {  	_ =	shalt  }
0x76: {  	_ =	shalt  }
0x77: {  	_ =	shalt  }
0x78: {  	_ =	shalt  }
0x79: {  	_ =	shalt  }
0x7a: {  	_ =	shalt  }
0x7b: {  	_ =	shalt  }
0x7c: {  	_ =	shalt  }
0x7d: {  	_ =	shalt  }
0x7e: {  	_ =	shalt  }
0x7f: {  	_ =	shalt  }
0x80: {  	_ =	shalt  }
0x81: {  	_ =	shalt  }
0x82: {  	_ =	shalt  }
0x83: {  	_ =	shalt  }
0x84: {  	_ =	shalt  }
0x85: {  	_ =	shalt  }
0x86: {  	_ =	shalt  }
0x87: {  	_ =	shalt  }
.Lfunc_end0:
.L_simem_size_0:
called_computation.4_lowered:
.L_overlay_start_0:
0x88: {  	s2 =	sld [smem:$0x3FD9]  }
0x89: {  	s3 =	sld [smem:$0x3FFE];
	_ =	sdelay $0x1  }
0x8a: {  	s1 =	srdreg.scid  }
0x8b: {  	s0 =	sand.u32 $0x1, s1  }
0x8c: {  	s17 =	sshll.u32 s0, $0xA;
	s2 =	sadd.s32 s3, s2  }
0x8d: {  	s2 =	sadd.s32 s2, s17  }
0x8e: {  	[smem:$0x3FB8] =	sst s2  }
0x8f: {  	_ = 	snop  }
0x90: {  	s18 =	sld [smem:$0x3FC8]  }
0x91: {  	s4 =	sld [smem:$0x3FC3]  }
0x92: {  	s5 =	sld [smem:$0x3FC0];
	(tm) =	ssettm $0x1  }
0x93: {  	s19 =	sld [smem:$0x3FFB];
	_ =	sdelay $0x3  }
0x94: {  	_ =	strace s19  }
0x95: {  	s2 =	sld [smem:$0x3FFC];
	_ =	sdelay $0x3  }
0x96: {  	_ =	strace s2  }
0x97: {  	s2 =	sld [smem:$0x3FFD];
	_ =	sdelay $0x3  }
0x98: {  	_ =	strace s2  }
0x99: {  	_ =	strace $0x8FFFFFFF  }
0x9a: {  	s20 =	sld [smem:$0x3FDB];
	_ =	sdelay $0x1  }
0x9b: {  	s6 =	simm.s32 $_scs_section_size  }
0x9c: {  	s7 =	simm.s32 $_size__tile_overlayer_lowered;
	s8 =	simm.s32 $_tile_overlayer_lowered  }
0x9d: {  	s9 =	simm.s32 $0x1BFF;
	s21 =	sshll.u32 s8, $0x1;
	s6 =	sadd.s32 s6, s20  }
0x9e: {  	s22 =	simm.s32 $0x0;
	s7 =	sshll.u32 s7, $0x1;
	s8 =	sadd.s32 s21, s6  }
0x9f: {  	[timem:s22], [sflag:s9] =	dma.local [hbm:s8], s7  }
0xa0: {  	_ =	swait.ge [sflag:s9], s7  }
0xa1: {  	s7 =	ssub.s32 $0x0, s7;
	[sflag:s9] =	ssyncset.done $0x0  }
0xa2: {  	[sflag:s9] =	ssyncadd.s32 s7;
	_ =	sdelay $0x1  }
0xa3: {  	s23 =	simm.s32 $0x1B8B  }
0xa4: {  	_ =	swait.ge [sflag:s23], $0x1  }
0xa5: {  	[sflag:s23] =	ssyncset.done $0x0  }
0xa6: {  	[sflag:s23] =	ssyncadd.s32 $0xFFFFFFFF  }
0xa7: {  	s7 =	sld [smem:$0x0]  }
0xa8: {  	s8 =	sand.u32 $0xFFFFFFFE, s1  }
0xa9: {  	p0 =	sne.s32 s1, s8  }
0xaa: {  	s8 =	sshll.u32 @p0 s8, $0xE  }
0xab: {  	s8 =	sadd.s32 @p0 $0x11B8D, s8;
	s9 =	sshll.u32 @p0 s7, $0x11  }
0xac: {  	s8 =	sor.u32 @p0 s9, s8  }
0xad: {  	[sflag:s8] =	ssyncadd.remote.s32 @p0 $0x1;
	_ =	sdelay $0x1  }
0xae: {  	s8 =	simm.s32 @p0 $0x1B8D  }
0xaf: {  	_ =	swait.eq @p0 [sflag:s8], $0x1  }
0xb0: {  	[sflag:s8] =	ssyncadd.s32 @p0 $0xFFFFFFFF  }
0xb1: {  	s9 =	sshll.u32 @!p0 s1, $0xE  }
0xb2: {  	s9 =	sor.u32 @!p0 $0x4000, s9;
	s8 =	simm.s32 @!p0 $0x1B8D  }
0xb3: {  	s7 =	sshll.u32 @!p0 s7, $0x11;
	s9 =	sadd.s32 @!p0 $0x11B8D, s9;
	_ =	swait.eq @!p0 [sflag:s8], $0x1  }
0xb4: {  	s7 =	sor.u32 @!p0 s7, s9;
	[sflag:s8] =	ssyncadd.s32 @!p0 $0xFFFFFFFF  }
0xb5: {  	s25 =	simm.s32 $0x1B8E;
	s24 =	sld [smem:$0x3FFE];
	[sflag:s7] =	ssyncadd.remote.s32 @!p0 $0x1  }
0xb6: {  	s26 =	simm.s32 $execute0_lowered;
	[smem:$0x3FD2] =	sst s25  }
0xb7: {  	s8 =	sshll.u32 s26, $0x1;
	_ =	strace $0x80000052;
	[dreg:$0x1] =	wrdreg $0xFFFFFFFF  }
0xb8: {  	s28 =	simm.s32 $_size_execute0_lowered;
	s6 =	sadd.s32 s6, s8;
	[dreg:$0x0] =	wrdreg $0x0  }
0xb9: {  	s8 =	sshll.u32 s28, $0x1;
	[dreg:$0x2] =	wrdreg s6  }
0xba: {  	[dreg:$0x3] =	wrdreg s8  }
0xbb: {  	[dreg:$0x4] =	wrdreg $0xC0  }
0xbc: {  	_ =	task [dreg:s22], $0x5FFFF  }
0xbd: {  	[dreg:$0x1] =	wrdreg $0xFFFFFFFF  }
0xbe: {  	[dreg:$0x0] =	wrdreg $0x60  }
0xbf: {  	[dreg:$0x2] =	wrdreg s24  }
0xc0: {  	[dreg:$0x3] =	wrdreg s18  }
0xc1: {  	[dreg:$0x4] =	wrdreg s4  }
0xc2: {  	[dreg:$0x5] =	wrdreg s5  }
0xc3: {  	[dreg:$0x6] =	wrdreg $0xD  }
0xc4: {  	_ =	task.clear_ibuf [dreg:s22], $0x7FFFF;
	_ =	strace $0x90000052  }
0xc5: {  	s29 =	simm.s32 $0xD;
	_ =	strace $0x80000054  }
0xc6: {  	_ =	swait.ge [sflag:s29], $0x1  }
0xc7: {  	[sflag:s29] =	ssyncadd.s32 $0xFFFFFFFF  }
0xc8: {  	_ =	strace $0x90000054  }
0xc9: {  	_ =	sfence  }
0xca: {  	s30 =	sld [smem:$0x0];
	_ =	sdelay $0x2  }
0xcb: {  	s31 =	sshll.u32 s1, $0xD;
	s1 =	sshrl.u32 s1, $0x2  }
0xcc: {  	s4 =	sand.u32 $0x4000, s31;
	s1 =	sadd.s32 s1, s30  }
0xcd: {  	s0 =	sor.u32 s4, s0;
	s1 =	sshll.u32 s1, $0x11  }
0xce: {  	s0 =	sor.u32 s1, s0  }
0xcf: {  	s0 =	sadd.s32 $0x8F2B, s0  }
0xd0: {  	[sflag:s0] =	ssyncadd.remote.s32 $0x1  }
0xd1: {  	_ =	sfence.sel $0xFFFF  }
0xd2: {  	[dreg:$0x0] =	wrdreg $0xFFFFFFFF;
	(pc) =	sbr.abs _section_cstart, $3  }
0xd3: {  	[dreg:$0x1] =	wrdreg $0xFFFFFFFF  }
0xd4: {  	_ =	task.clear_ibuf [dreg:s22], $0x2FFFF;
	_ =	strace $0x9FFFFFFF  }
0xd5: {  	(tm) =	ssettm $0x7FFFFFFF  }
tec
execute0_lowered:
.L_overlay_start_1:
0x0: {  	(tag) =	ssettag $0x1  }
0x1: {  	s2 =	rddreg [dreg:$0x0]  }
0x2: {  	s1 =	rddreg [dreg:$0x1]  }
0x3: {  	s0 =	rddreg [dreg:$0x2]  }
0x4: {  	s3 =	srdreg.scid;
	s13 =	stileid.u32  }
0x5: {  	s14 =	rddreg [dreg:$0x3];
	s19 =	simm.s32 $0x980;
	s21 =	simm.s32 $0x1180  }
0x6: {  	s22 =	simm.s32 $0x1980;
	s23 =	simm.s32 $0x2180;
	s24 =	simm.s32 $0x2980  }
0x7: {  	s25 =	simm.s32 $0x3180;
	s26 =	simm.s32 $0x3980;
	[dreg:$0x5] =	wrdreg s0  }
0x8: {  	s4 =	sand.u32 $0x1, s3;
	[dreg:$0x6] =	wrdreg s14;
	s3 =	simm.s32 $0x0  }
0x9: {  	s9 =	simm.s32 $0x3;
	s10 =	simm.s32 $0x180;
	[smem:$0x7FF] =	sst s3  }
0xa: {  	s12 =	simm.s32 $0x4980;
	_ =	strace $0x80000053;
	[dreg:$0xd] =	wrdreg s19  }
0xb: {  	s28 =	simm.s32 $0x40;
	s29 =	simm.s32 $0xC180;
	[dreg:$0xe] =	wrdreg s21  }
0xc: {  	s30 =	simm.s32 $0x1;
	s31 =	simm.s32 $0xE180;
	[dreg:$0xf] =	wrdreg s22  }
0xd: {  	s5 =	sshll.u32 s13, $0x7;
	s13 =	simm.s32 $0x5180;
	[dreg:$0x10] =	wrdreg s23  }
0xe: {  	s14 =	simm.s32 $0x5980;
	s6 =	sshll.u32 s4, $0x6;
	[dreg:$0x11] =	wrdreg s24  }
0xf: {  	s4 =	ssub.s32 $0x2, s4;
	s5 =	sor.u32 s6, s5;
	[dreg:$0x12] =	wrdreg s25  }
0x10: {  	s18 =	sshrl.u32 s4, $0x1;
	[dreg:$0x13] =	wrdreg s26;
	s19 =	simm.s32 $0x8180  }
0x11: {  	s21 =	simm.s32 $0x9180;
	s22 =	simm.s32 $0x9980;
	s23 =	simm.s32 $0xA180  }
0x12: {  	s24 =	simm.s32 $0xA980;
	s25 =	simm.s32 $0xB180;
	s6 =	sshrl.u32 s5, $0x3  }
0x13: {  	s26 =	simm.s32 $0xB980;
	s5 =	sshll.u32 s5, $0x4;
	s7 =	sadd.s32 s6, s2  }
0x14: {  	s20 =	ssub.s32 s4, s18;
	s4 =	sadd.s32 $0x100, s1;
	s8 =	sadd.s32 $0x129800, s7  }
0x15: {  	s6 =	smul.u32 $0x300, s6;
	s15 =	sadd.s32 $0x27800, s7;
	[dreg:$0x7] =	wrdreg s8  }
0x16: {  	s18 =	simm.s32 $0x7980;
	s7 =	sadd.s32 $0x27600, s7;
	[dreg:$0x8] =	wrdreg s15  }
0x17: {  	s6 =	sadd.s32 s6, s2;
	s2 =	sadd.s32 s5, s2;
	[dreg:$0x9] =	wrdreg s7  }
0x18: {  	s5 =	sadd.s32 $0x200, s1;
	s7 =	simm.s32 $0x80;
	s16 =	sadd.s32 $0x169A00, s6  }
0x19: {  	s8 =	simm.s32 $0x100;
	s17 =	sadd.s32 $0x199A00, s2;
	[dreg:$0xa] =	wrdreg s16  }
0x1a: {  	v2 =	vlaneseq.u32;
	s15 =	simm.s32 $0x6180;
	s2 =	sadd.s32 $0x1A1A00, s2;
	[dreg:$0xb] =	wrdreg s17  }
0x1b: {  	vm0 =	vmmov $0xffff;
	v1 =	vshrl.u32 v2, $0x3;
	s6 =	smax.u32 s20, $0x1;
	s20 =	simm.s32 $0x8980;
	[dreg:$0xc] =	wrdreg s2  }
0x1c: {  	v0 =	vand.u32 $0x7, v2;
	v2 =	vor.u32 $0x8, v2;
	v1 =	vmul.u32 $0x8, v1;
	s16 =	simm.s32 $0x6980;
	s17 =	simm.s32 $0x7180;
	s2 =	simm.s32 $0x2  }
.LBB2_1:
0x1d: {  	s0 =	rddreg [dreg:$0x7]  }
0x1e: {  	[tilespmem:s3], [sflag:$0x3] =	stream.linear.gather [hbm4b:s0+s3], $0x40, $0x38;
	[tilespmem:$0x10180] =	vst v63  }
0x1f: {  	s11 =	rddreg [dreg:$0x8]  }
0x20: {  	[tilespmem:s7], [sflag:$0x3] =	stream.linear.gather [hbm4b:s11+s3], $0x40, $0x38;
	[tilespmem:$0x10180] =	vst v63  }
0x21: {  	s0 =	rddreg [dreg:$0x9]  }
0x22: {  	[tilespmem:s8], [sflag:$0x3] =	stream.linear.gather [hbm4b:s0+s3], $0x40, $0x38;
	[tilespmem:$0x10180] =	vst v63  }
0x23: {  	_ =	swait.ge [sflag:s9], $0x40  }
0x24: {  	[sflag:s9] =	ssyncset.done $0x0  }
0x25: {  	[sflag:s9] =	ssyncadd.s32 $0xFFFFFFC0  }
0x26: {  	_ =	swait.ge [sflag:s9], $0x40  }
0x27: {  	[sflag:s9] =	ssyncset.done $0x0  }
0x28: {  	[sflag:s9] =	ssyncadd.s32 $0xFFFFFFC0  }
0x29: {  	_ =	swait.ge [sflag:s9], $0x40  }
0x2a: {  	[sflag:s9] =	ssyncset.done $0x0  }
0x2b: {  	[sflag:s9] =	ssyncadd.s32 $0xFFFFFFC0  }
0x2c: {  	v3 =	vld [tilespmem:$0x0];
	_ =	sdelay $0x4  }
0x2d: {  	v4 =	vshrl.u32 v3, $0x3  }
0x2e: {  	v4 =	vmul.u32 $0x30, v4  }
0x2f: {  	v3 =	vand.u32 $0x7, v3  }
0x30: {  	v3 =	vor.u32 v3, v4  }
0x31: {  	v4 =	vperm.xlane v3, v0;
	_ =	sdelay $0x1  }
0x32: {  	v4 =	vadd.s32 v1, v4;
	_ =	sdelay $0x3  }
0x33: {  	v3 =	vperm.xlane v3, v2  }
0x34: {  	[tilespmem:s10], [sflag:$0x1] =	stream.indirect_vreg.gather [hbm4b:s1+s3], $0x80, v4, vm0, $0xb8;
	[tilespmem:$0x10180] =	vst v63  }
0x35: {  	s0 =	rddreg [dreg:$0xd];
	v3 =	vadd.s32 v1, v3  }
0x36: {  	[tilespmem:s0], [sflag:$0x1] =	stream.indirect_vreg.gather [hbm4b:s4+s3], $0x80, v4, vm0, $0xb8;
	[tilespmem:$0x10180] =	vst v63  }
0x37: {  	s11 =	rddreg [dreg:$0xe]  }
0x38: {  	[tilespmem:s11], [sflag:$0x1] =	stream.indirect_vreg.gather [hbm4b:s5+s3], $0x80, v4, vm0, $0xb8;
	[tilespmem:$0x10180] =	vst v63  }
0x39: {  	s0 =	rddreg [dreg:$0xf]  }
0x3a: {  	[tilespmem:s0], [sflag:$0x1] =	stream.indirect_vreg.gather [hbm4b:s1+s3], $0x80, v3, vm0, $0xb8;
	[tilespmem:$0x10180] =	vst v63  }
0x3b: {  	s11 =	rddreg [dreg:$0x10]  }
0x3c: {  	[tilespmem:s11], [sflag:$0x1] =	stream.indirect_vreg.gather [hbm4b:s4+s3], $0x80, v3, vm0, $0xb8;
	[tilespmem:$0x10180] =	vst v63  }
0x3d: {  	s0 =	rddreg [dreg:$0x11]  }
0x3e: {  	[tilespmem:s0], [sflag:$0x1] =	stream.indirect_vreg.gather [hbm4b:s5+s3], $0x80, v3, vm0, $0xb8;
	[tilespmem:$0x10180] =	vst v63  }
0x3f: {  	v3 =	vld [tilespmem:$0x10];
	_ =	sdelay $0x4  }
0x40: {  	v61 =	vshrl.u32 v3, $0x3  }
0x41: {  	v4 =	vmul.u32 $0x30, v61  }
0x42: {  	v3 =	vand.u32 $0x7, v3  }
0x43: {  	v3 =	vor.u32 v3, v4  }
0x44: {  	v4 =	vperm.xlane v3, v0;
	_ =	sdelay $0x1  }
0x45: {  	v4 =	vadd.s32 v1, v4;
	_ =	sdelay $0x3  }
0x46: {  	s0 =	rddreg [dreg:$0x12];
	v3 =	vperm.xlane v3, v2  }
0x47: {  	[tilespmem:s0], [sflag:$0x1] =	stream.indirect_vreg.gather [hbm4b:s1+s3], $0x80, v4, vm0, $0xb8;
	[tilespmem:$0x10180] =	vst v63  }
0x48: {  	s11 =	rddreg [dreg:$0x13];
	v3 =	vadd.s32 v1, v3  }
0x49: {  	[tilespmem:s11], [sflag:$0x1] =	stream.indirect_vreg.gather [hbm4b:s4+s3], $0x80, v4, vm0, $0xb8;
	[tilespmem:$0x10180] =	vst v63  }
0x4a: {  	s11 =	simm.s32 $0x4180  }
0x4b: {  	[tilespmem:s11], [sflag:$0x1] =	stream.indirect_vreg.gather [hbm4b:s5+s3], $0x80, v4, vm0, $0xb8;
	[tilespmem:$0x10180] =	vst v63  }
0x4c: {  	_ = 	snop  }
0x4d: {  	[tilespmem:s12], [sflag:$0x1] =	stream.indirect_vreg.gather [hbm4b:s1+s3], $0x80, v3, vm0, $0xb8;
	[tilespmem:$0x10180] =	vst v63  }
0x4e: {  	_ = 	snop  }
0x4f: {  	[tilespmem:s13], [sflag:$0x1] =	stream.indirect_vreg.gather [hbm4b:s4+s3], $0x80, v3, vm0, $0xb8;
	[tilespmem:$0x10180] =	vst v63  }
0x50: {  	_ = 	snop  }
0x51: {  	[tilespmem:s14], [sflag:$0x1] =	stream.indirect_vreg.gather [hbm4b:s5+s3], $0x80, v3, vm0, $0xb8;
	[tilespmem:$0x10180] =	vst v63  }
0x52: {  	v3 =	vld [tilespmem:$0x20];
	_ =	sdelay $0x4  }
0x53: {  	v62 =	vshrl.u32 v3, $0x3  }
0x54: {  	v4 =	vmul.u32 $0x30, v62  }
0x55: {  	v3 =	vand.u32 $0x7, v3  }
0x56: {  	v3 =	vor.u32 v3, v4  }
0x57: {  	v4 =	vperm.xlane v3, v0;
	_ =	sdelay $0x1  }
0x58: {  	v4 =	vadd.s32 v1, v4;
	_ =	sdelay $0x3  }
0x59: {  	v3 =	vperm.xlane v3, v2  }
0x5a: {  	[tilespmem:s15], [sflag:$0x1] =	stream.indirect_vreg.gather [hbm4b:s1+s3], $0x80, v4, vm0, $0xb8;
	[tilespmem:$0x10180] =	vst v63  }
0x5b: {  	v3 =	vadd.s32 v1, v3  }
0x5c: {  	[tilespmem:s16], [sflag:$0x1] =	stream.indirect_vreg.gather [hbm4b:s4+s3], $0x80, v4, vm0, $0xb8;
	[tilespmem:$0x10180] =	vst v63  }
0x5d: {  	_ = 	snop  }
0x5e: {  	[tilespmem:s17], [sflag:$0x1] =	stream.indirect_vreg.gather [hbm4b:s5+s3], $0x80, v4, vm0, $0xb8;
	[tilespmem:$0x10180] =	vst v63  }
0x5f: {  	_ = 	snop  }
0x60: {  	[tilespmem:s18], [sflag:$0x1] =	stream.indirect_vreg.gather [hbm4b:s1+s3], $0x80, v3, vm0, $0xb8;
	[tilespmem:$0x10180] =	vst v63  }
0x61: {  	_ = 	snop  }
0x62: {  	[tilespmem:s19], [sflag:$0x1] =	stream.indirect_vreg.gather [hbm4b:s4+s3], $0x80, v3, vm0, $0xb8;
	[tilespmem:$0x10180] =	vst v63  }
0x63: {  	_ = 	snop  }
0x64: {  	[tilespmem:s20], [sflag:$0x1] =	stream.indirect_vreg.gather [hbm4b:s5+s3], $0x80, v3, vm0, $0xb8;
	[tilespmem:$0x10180] =	vst v63  }
0x65: {  	v3 =	vld [tilespmem:$0x30];
	_ =	sdelay $0x4  }
0x66: {  	v63 =	vshrl.u32 v3, $0x3  }
0x67: {  	v4 =	vmul.u32 $0x30, v63  }
0x68: {  	v3 =	vand.u32 $0x7, v3  }
0x69: {  	v3 =	vor.u32 v3, v4  }
0x6a: {  	v4 =	vperm.xlane v3, v0;
	_ =	sdelay $0x1  }
0x6b: {  	v4 =	vadd.s32 v1, v4;
	_ =	sdelay $0x3  }
0x6c: {  	v3 =	vperm.xlane v3, v2  }
0x6d: {  	[tilespmem:s21], [sflag:$0x1] =	stream.indirect_vreg.gather [hbm4b:s1+s3], $0x80, v4, vm0, $0xb8;
	[tilespmem:$0x10180] =	vst v63  }
0x6e: {  	v3 =	vadd.s32 v1, v3  }
0x6f: {  	[tilespmem:s22], [sflag:$0x1] =	stream.indirect_vreg.gather [hbm4b:s4+s3], $0x80, v4, vm0, $0xb8;
	[tilespmem:$0x10180] =	vst v63  }
0x70: {  	_ = 	snop  }
0x71: {  	[tilespmem:s23], [sflag:$0x1] =	stream.indirect_vreg.gather [hbm4b:s5+s3], $0x80, v4, vm0, $0xb8;
	[tilespmem:$0x10180] =	vst v63  }
0x72: {  	_ = 	snop  }
0x73: {  	[tilespmem:s24], [sflag:$0x1] =	stream.indirect_vreg.gather [hbm4b:s1+s3], $0x80, v3, vm0, $0xb8;
	[tilespmem:$0x10180] =	vst v63  }
0x74: {  	_ = 	snop  }
0x75: {  	[tilespmem:s25], [sflag:$0x1] =	stream.indirect_vreg.gather [hbm4b:s4+s3], $0x80, v3, vm0, $0xb8;
	[tilespmem:$0x10180] =	vst v63  }
0x76: {  	_ = 	snop  }
0x77: {  	[tilespmem:s26], [sflag:$0x1] =	stream.indirect_vreg.gather [hbm4b:s5+s3], $0x80, v3, vm0, $0xb8;
	[tilespmem:$0x10180] =	vst v63  }
0x78: {  	s11 =	rddreg [dreg:$0x5]  }
0x79: {  	[tilespmem:s29], [sflag:$0x2] =	stream.indirect.gather [hbm4b:s11+s28], $0x80, s7, s28, $0xb8;
	[tilespmem:$0x10180] =	vst v63  }
0x7a: {  	_ =	swait.ge [sflag:s30], $0xC000  }
0x7b: {  	[sflag:s30] =	ssyncset.done $0x0  }
0x7c: {  	s11 =	rddreg [dreg:$0xa];
	[sflag:s30] =	ssyncadd.s32 $0xFFFF4000  }
0x7d: {  	[hbm4b:s11+s3] =	stream.linear.scatter [tilespmem:s10], [sflag:$0x3], $0xC000, $0x38;
	[tilespmem:$0x10180] =	vst v63  }
0x7e: {  	_ =	swait.ge [sflag:s9], $0xC000  }
0x7f: {  	[sflag:s9] =	ssyncset.done $0x0  }
0x80: {  	s11 =	rddreg [dreg:$0x6];
	[sflag:s9] =	ssyncadd.s32 $0xFFFF4000  }
0x81: {  	[tilespmem:s31], [sflag:$0x1] =	stream.indirect.gather [hbm4b:s11+s28], $0x80, s8, s28, $0xb8;
	[tilespmem:$0x10180] =	vst v63  }
0x82: {  	_ =	swait.ge [sflag:s2], $0x2000  }
0x83: {  	[sflag:s2] =	ssyncset.done $0x0  }
0x84: {  	s11 =	rddreg [dreg:$0xb];
	[sflag:s2] =	ssyncadd.s32 $0xFFFFE000  }
0x85: {  	[hbm4b:s11+s3] =	stream.linear.scatter [tilespmem:s29], [sflag:$0x3], $0x2000, $0x38;
	[tilespmem:$0x10180] =	vst v63  }
0x86: {  	_ =	swait.ge [sflag:s30], $0x2000  }
0x87: {  	[sflag:s30] =	ssyncset.done $0x0  }
0x88: {  	s11 =	rddreg [dreg:$0xc];
	[sflag:s30] =	ssyncadd.s32 $0xFFFFE000  }
0x89: {  	[hbm4b:s11+s3] =	stream.linear.scatter [tilespmem:s31], [sflag:$0x3], $0x2000, $0x38;
	[tilespmem:$0x10180] =	vst v63  }
0x8a: {  	p0 =	sne.s32 s6, $0x1;
	_ =	swait.ge [sflag:s9], $0x2000  }
.Ltmp0:
0x8b: {  	[sflag:s9] =	ssyncset.done $0x0;
	(pc) =	sbr.rel @p0 .LBB2_1-.Ltmp0, $4  }
0x8c: {  	[sflag:s9] =	ssyncadd.s32 $0xFFFFE000  }
0x8d: {  	_ =	swait.ge [sflag:s9], $0x2000  }
0x8e: {  	[sflag:s9] =	ssyncset.done $0x0  }
0x8f: {  	s6 =	sadd.s32 $0xFFFFFFFF, s6;
	[sflag:s9] =	ssyncadd.s32 $0xFFFFE000  }
0x90: {  	_ =	sfence.sel $0x180000  }
0x91: {  	[bflag:$0x0] =	sbarrier.arrive $0xFFFF  }
0x92: {  	_ =	strace $0x90000053  }
0x93: {  	s0 =	stileid.u32;
	[bflag:$0x2] =	sbarrier.arrive $0xFFFF  }
0x94: {  	p0 =	sne.s32 s0, $0x0;
	s0 =	rddreg [dreg:$0x4]  }
0x95: {  	s0 =	sadd.s32 @!p0 $0x100000, s0  }
0x96: {  	[sflag:s0] =	ssyncadd.tile.s32 @!p0 $0x1;
	_ =	shalt  }
.Lfunc_end2:
_tile_overlayer_lowered:
.L_overlay_start_2:
0x97: {  	(tag) =	ssettag $0x2  }
0x98: {  	s0 =	rddreg [dreg:$0x0];
	s2 =	stileid.u32  }
0x99: {  	s1 =	rddreg [dreg:$0x1];
	p0 =	sne.s32 s2, $0x0  }
0x9a: {  	s3 =	rddreg [dreg:$0x2];
	[bflag:$0x3] =	sbarrier.arrive $0xFFFF;
	s2 =	simm.s32 @!p0 $0x1C04  }
0x9b: {  	[timem:s3], [sflag:s2] =	dma.local @!p0 [hbm:s0], s1  }
0x9c: {  	s0 =	simm.s32 @!p0 $0x4  }
0x9d: {  	_ =	swait.ge @!p0 [sflag:s0], s1  }
0x9e: {  	s1 =	ssub.s32 @!p0 $0x0, s1;
	[sflag:s0] =	ssyncset.done @!p0 $0x0  }
0x9f: {  	[sflag:s0] =	ssyncadd.s32 @!p0 s1  }
0xa0: {  	[bflag:$0x3] =	sbarrier.arrive $0xFFFF  }
0xa1: {  	_ =	shalt  }

</sc_bundles>
